<compile_context>
chip_gen: v7x
topology: tpu7x:2x2x1
jax: 0.10.2.dev20260603
libtpu: 0.0.44.dev20260713+nightly
codegen_flags: <defaults>
</compile_context>

<pallas_src>
import functools

import jax
import jax.numpy as jnp
import numpy as np
from jax import lax
from jax.experimental import pallas as pl
from jax.experimental.pallas import tpu as pltpu
from jax.experimental.pallas import tpu_sc as plsc

N, V, K = 1024, 100000, 100
CW = 128
NC, NS, L = 2, 16, 16
NW = NC * NS
RPW = N // NW
GROUPS = RPW // 8
CHUNK = 3200
NFULL = 31
V_SC = 99968
TAIL = V_SC - NFULL * CHUNK
TAIL_SEGS = 0
TAIL_XVEC = 48
VX = V - V_SC
SEGV = 100
UNROLL = 10
CAP = 4096
TRIGGER = 2048
MIDBITS = 16
INT_MIN = np.int32(-2147483648)
NEG_INF = np.float32(-np.inf)


def _iota16():
    return lax.iota(jnp.int32, L)


def _splat_f(x):
    return jnp.full((L,), x, jnp.float32)


def _splat_i(x):
    return jnp.full((L,), x, jnp.int32)


def _scalar(v):
    return jnp.max(v)


def _keymap(v):
    b = plsc.bitcast(v, jnp.int32)
    return jnp.where(b >= 0, b, jnp.bitwise_xor(jnp.bitwise_not(b), INT_MIN))


def _inv_keymap_splat(t):
    ts = _splat_i(t)
    bits = jnp.where(ts >= 0, ts, jnp.bitwise_not(jnp.bitwise_xor(ts, INT_MIN)))
    return plsc.bitcast(bits, jnp.float32)


def _count_ge(keybuf, nv4, cand):
    cs = _splat_i(cand)

    @plsc.parallel_loop(0, nv4 * 4, unroll=4, carry=_splat_i(0))
    def acc(j, acc):
        kv = keybuf[pl.ds(j * L, L)]
        return acc + plsc.all_reduce_population_count(kv >= cs)

    return _scalar(acc)


def _find_kth_key(candbuf, keybuf, pos_s, nbits):
    nv4 = (pos_s + (4 * L - 1)) // (4 * L)
    io = _iota16()

    @plsc.parallel_loop(0, nv4 * 4, unroll=4, carry=jnp.int32(0))
    def _fill(j, c):
        v = candbuf[pl.ds(j * L, L)]
        k = _keymap(v)
        valid = (j * L + io) < pos_s
        keybuf[pl.ds(j * L, L)] = jnp.where(valid, k, INT_MIN)
        return c

    c0 = _count_ge(keybuf, nv4, jnp.int32(0))
    t = jnp.where(c0 >= K, jnp.int32(0), INT_MIN)

    def probe(i, t):
        bit = jnp.int32(30) - i
        cand = jnp.bitwise_or(t, lax.shift_left(jnp.int32(1), bit))
        c = _count_ge(keybuf, nv4, cand)
        return jnp.where(c >= K, cand, t)

    return lax.fori_loop(0, nbits, probe, t)


def _compact_gt(src_ref, dst_ref, pos_s, thr_f):
    io = _iota16()
    nv2 = (pos_s + (2 * L - 1)) // (2 * L)

    @plsc.parallel_loop(0, nv2 * 2, unroll=2, carry=_splat_i(0))
    def pos(j, pos):
        v = src_ref[pl.ds(j * L, L)]
        m = (v > thr_f) & ((j * L + io) < pos_s)
        pref = plsc.cumsum(m.astype(jnp.int32))
        idx = pos + pref - 1
        plsc.store_scatter(dst_ref, [idx], v, mask=m)
        return pos + plsc.all_reduce_population_count(m)

    return _scalar(pos)


def _sc_body(input_hbm, target_hbm, cand_hbm, zt_hbm,
             databuf, databuf2, tailbuf, candbuf, keybuf, outstage, tgtstage,
             ztstage, semA, semB):
    wid = lax.axis_index("s") * NC + lax.axis_index("c")
    base = wid * RPW
    io = _iota16()

    pltpu.sync_copy(target_hbm.at[pl.ds(base, RPW)], tgtstage)

    def do_reselect(rbase, pos_s, nbits):
        area = candbuf.at[pl.ds(rbase, CAP)]
        t = _find_kth_key(area, keybuf, pos_s, nbits)
        thr_f = _inv_keymap_splat(t)
        c = _compact_gt(area, area, pos_s, thr_f)
        for m in range(7):
            idx = c + m * L + io
            plsc.store_scatter(area, [idx], thr_f, mask=idx < K)
        return thr_f, _splat_i(jnp.maximum(c, K))

    def process_chunk(buf, nseg, xvec, ccol, clen, g, carry):

        def row_body(r, carry):
            thr8, pos8, zt0, zt1 = carry
            thr_f = _splat_f(jnp.max(jnp.where(io == r, thr8, NEG_INF)))
            pos = _splat_i(jnp.max(jnp.where(io == r, pos8, 0)))
            rbase = r * CAP

            def scan_block(lo, hi, unroll, thr_f, pos):
                @plsc.parallel_loop(lo, hi, unroll=unroll, carry=pos)
                def pos(i, pos):
                    v = buf[r, pl.ds(i * L, L)]
                    m = v > thr_f
                    pref = plsc.cumsum(m.astype(jnp.int32))
                    idx = rbase + (pos + pref - 1)
                    plsc.store_scatter(candbuf, [idx], v, mask=m)
                    return pos + plsc.all_reduce_population_count(m)

                pos_s = _scalar(pos)
                return lax.cond(pos_s > TRIGGER,
                                lambda: do_reselect(rbase, pos_s, MIDBITS),
                                lambda: (thr_f, pos))

            def seg_body(s, carry2):
                thr_f, pos = carry2
                return scan_block(s * SEGV, (s + 1) * SEGV, UNROLL,
                                  thr_f, pos)

            thr_f, pos = lax.fori_loop(0, nseg, seg_body, (thr_f, pos))
            if xvec:
                thr_f, pos = scan_block(nseg * SEGV, nseg * SEGV + xvec, 8,
                                        thr_f, pos)

            rl = g * 8 + r
            tg = tgtstage[pl.ds((rl // L) * L, L)]
            t_r = jnp.sum(jnp.where(io == (rl % L), tg, 0))
            o = t_r - ccol
            hit = (o >= 0) & (o < clen)
            oc = jnp.clip(o, 0, clen - 1)
            al = (oc // L) * L
            v16 = buf[r, pl.ds(al, L)]
            val = jnp.sum(jnp.where(io == (oc - al), v16, jnp.float32(0.0)))
            upd = hit.astype(jnp.float32) * val * \
                jnp.where(io == (rl % L), 1.0, 0.0)
            zt0 = zt0 + jnp.where(rl < L, upd, 0.0)
            zt1 = zt1 + jnp.where(rl >= L, upd, 0.0)

            thr8 = jnp.where(io == r, thr_f, thr8)
            pos8 = jnp.where(io == r, pos, pos8)
            return thr8, pos8, zt0, zt1

        return lax.fori_loop(0, 8, row_body, carry)

    def group_body(g, zt_carry):
        zt0, zt1 = zt_carry
        grow = base + g * 8
        nseg = CHUNK // (SEGV * L)

        def issue(c, buf, sem):
            pltpu.make_async_copy(
                input_hbm.at[pl.ds(grow, 8), pl.ds(c * CHUNK, CHUNK)],
                buf, sem).start()

        def wait(c, buf, sem):
            pltpu.make_async_copy(
                input_hbm.at[pl.ds(grow, 8), pl.ds(c * CHUNK, CHUNK)],
                buf, sem).wait()

        issue(0, databuf, semA)
        carry = (_splat_f(NEG_INF), _splat_i(0), zt0, zt1)

        def pair_body(i, ch_carry):
            cA = 2 * i
            wait(cA, databuf, semA)
            issue(cA + 1, databuf2, semB)
            ch_carry = process_chunk(databuf, nseg, 0, cA * CHUNK, CHUNK,
                                     g, ch_carry)
            wait(cA + 1, databuf2, semB)
            issue(cA + 2, databuf, semA)
            return process_chunk(databuf2, nseg, 0, (cA + 1) * CHUNK, CHUNK,
                                 g, ch_carry)

        carry = lax.fori_loop(0, NFULL // 2, pair_body, carry)

        wait(NFULL - 1, databuf, semA)
        pltpu.make_async_copy(
            input_hbm.at[pl.ds(grow, 8), pl.ds(NFULL * CHUNK, TAIL)],
            tailbuf, semB).start()
        carry = process_chunk(databuf, nseg, 0, (NFULL - 1) * CHUNK, CHUNK,
                              g, carry)
        pltpu.make_async_copy(
            input_hbm.at[pl.ds(grow, 8), pl.ds(NFULL * CHUNK, TAIL)],
            tailbuf, semB).wait()
        thr8, pos8, zt0, zt1 = process_chunk(
            tailbuf, TAIL_SEGS, TAIL_XVEC, NFULL * CHUNK, TAIL, g, carry)

        def fin_body(r, c):
            pos_s = jnp.max(jnp.where(io == r, pos8, 0))
            area = candbuf.at[pl.ds(r * CAP, CAP)]
            t100 = _find_kth_key(area, keybuf, pos_s, 31)
            tf = _inv_keymap_splat(t100)
            orow = outstage.at[r]
            for m in range(CW // L):
                orow[pl.ds(m * L, L)] = jnp.where(m * L + io < K, tf, NEG_INF)
            _compact_gt(area, orow, pos_s, tf)
            return c

        lax.fori_loop(0, 8, fin_body, 0)
        pltpu.sync_copy(outstage, cand_hbm.at[pl.ds(grow, 8), :])
        return zt0, zt1

    zt0, zt1 = lax.fori_loop(0, GROUPS, group_body,
                             (_splat_f(0.0), _splat_f(0.0)))
    ztstage[pl.ds(0, L)] = zt0
    ztstage[pl.ds(L, L)] = zt1
    pltpu.sync_copy(ztstage, zt_hbm.at[pl.ds(base, RPW)])


@functools.partial(jax.jit, static_argnums=())
def _sc_topk(input, target):
    mesh = plsc.VectorSubcoreMesh(core_axis_name="c", subcore_axis_name="s",
                                  num_cores=NC, num_subcores=NS)
    f = pl.kernel(
        _sc_body,
        out_type=(
            jax.ShapeDtypeStruct((N, CW), jnp.float32),
            jax.ShapeDtypeStruct((N,), jnp.float32),
        ),
        mesh=mesh,
        scratch_types=[
            pltpu.VMEM((8, CHUNK), jnp.float32),
            pltpu.VMEM((8, CHUNK), jnp.float32),
            pltpu.VMEM((8, TAIL), jnp.float32),
            pltpu.VMEM((8 * CAP,), jnp.float32),
            pltpu.VMEM((CAP,), jnp.int32),
            pltpu.VMEM((8, CW), jnp.float32),
            pltpu.VMEM((RPW,), jnp.int32),
            pltpu.VMEM((RPW,), jnp.float32),
            pltpu.SemaphoreType.DMA,
            pltpu.SemaphoreType.DMA,
        ],
        compiler_params=pltpu.CompilerParams(needs_layout_passes=False),
    )
    return f(input, target)


def _tail_body(cand_ref, extra_ref, zt_ref, tgt_ref, out_ref):
    v = cand_ref[...]
    lanes = lax.broadcasted_iota(jnp.int32, v.shape, 1)

    def rolled(x, s):
        left = jnp.concatenate([x[:, s:], x[:, :s]], axis=1)
        right = jnp.concatenate([x[:, -s:], x[:, :-s]], axis=1)
        return jnp.where((lanes & s) == 0, left, right)

    def bitonic(x, descending):
        k = 2
        while k <= CW:
            j = k // 2
            while j >= 1:
                p = rolled(x, j)
                take_max = ((lanes & k) == 0) == ((lanes & j) == 0)
                if not descending:
                    take_max = ~take_max
                x = jnp.where(take_max, jnp.maximum(x, p), jnp.minimum(x, p))
                j //= 2
            k *= 2
        return x

    ex = jnp.concatenate(
        [extra_ref[...], jnp.full((v.shape[0], CW - VX), NEG_INF, v.dtype)],
        axis=1)
    tl = tgt_ref[...] - V_SC
    ztfix = jnp.sum(jnp.where(lanes == tl, ex, 0.0), axis=1)

    va = bitonic(v, True)
    vb = bitonic(ex, False)
    vm = jnp.maximum(va, vb)
    j = CW // 2
    while j >= 1:
        p = rolled(vm, j)
        take_max = (lanes & j) == 0
        vm = jnp.where(take_max, jnp.maximum(vm, p), jnp.minimum(vm, p))
        j //= 2
    v = vm

    X = v * 0.5
    valid = lanes < K
    Xs = jnp.where(valid, X, 0.0)
    cum1 = Xs
    cum2 = Xs * Xs
    s = 1
    while s < CW:
        def shr(x, sh):
            return jnp.concatenate(
                [jnp.zeros((x.shape[0], sh), x.dtype), x[:, :-sh]], axis=1)
        cum1 = cum1 + shr(cum1, s)
        cum2 = cum2 + shr(cum2, s)
        s *= 2

    rho = (lanes + 1).astype(jnp.float32)
    mean = cum1 / rho
    meansq = cum2 / rho
    ss = rho * (meansq - mean * mean)
    delta = (1.0 - ss) / rho
    tau = mean - jnp.sqrt(jnp.clip(delta, 0.0, None))
    support_mask = (tau <= X) & valid
    support = jnp.sum(support_mask.astype(jnp.int32), axis=1, keepdims=True)
    tau_star = jnp.sum(jnp.where(lanes == support - 1, tau, 0.0), axis=1,
                       keepdims=True)
    p = jnp.where(valid, jnp.square(jnp.clip(X - tau_star, 0.0, None)), 0.0)
    p15 = p * jnp.sqrt(p)
    omega = (1.0 - jnp.sum(p15, axis=1)) / 0.75
    dot = jnp.sum(p * jnp.where(valid, v, 0.0), axis=1)
    loss = omega + dot - zt_ref[:, 0] - ztfix
    out_ref[...] = (jnp.sum(loss) / float(N)).reshape(1, 1)


def _tail(cand, extra, zt, target):
    out = pl.pallas_call(
        _tail_body,
        grid=(1,),
        in_specs=[
            pl.BlockSpec((N, CW), lambda i: (0, 0)),
            pl.BlockSpec((N, VX), lambda i: (0, 0)),
            pl.BlockSpec((N, 1), lambda i: (0, 0)),
            pl.BlockSpec((N, 1), lambda i: (0, 0)),
        ],
        out_specs=pl.BlockSpec((1, 1), lambda i: (0, 0)),
        out_shape=jax.ShapeDtypeStruct((1, 1), jnp.float32),
    )(cand, extra, zt.reshape(N, 1), target.reshape(N, 1))
    return out[0, 0]


def kernel(input, target):
    cand, zt = _sc_topk(input, target)
    extra = lax.slice(input, (0, V_SC), (N, V))
    return _tail(cand, extra, zt, target)

# --- scband reference (transcript-rebuilt; emitter-appended) ---
"""Pipeline reference for scband-tsallis15-top-kloss-55293408968813 (READ-ONLY COPY).

The authoritative reference and input builder live on the scoring server;
editing this copy changes nothing except your own understanding.
"""

import jax, jax.numpy as jnp
import numpy as np

N, V, K = 1024, 100000, 100


def entmax15_topk(z, k):
    # top-k approximation of entmax-1.5 (Tsallis alpha=1.5) via exact sort algorithm on top-k slice
    topv, topi = jax.lax.top_k(z, k)          # [n, k], sorted descending
    X = topv / 2.0
    rho = jnp.arange(1, k + 1, dtype=z.dtype) # [k]
    mean = jnp.cumsum(X, axis=1) / rho
    meansq = jnp.cumsum(X * X, axis=1) / rho
    ss = rho * (meansq - mean * mean)
    delta = (1.0 - ss) / rho
    delta_nz = jnp.clip(delta, 0.0, None)
    tau = mean - jnp.sqrt(delta_nz)
    support = jnp.sum((tau <= X).astype(jnp.int32), axis=1)
    tau_star = jnp.take_along_axis(tau, (support - 1)[:, None], axis=1)
    p_top = jnp.clip(X - tau_star, 0.0, None) ** 2
    rows = jnp.arange(z.shape[0])[:, None]
    p = jnp.zeros_like(z).at[rows, topi].set(p_top)
    return p


def _omega_tsallis15(p):
    # (1 - sum p^{1.5}) / 0.75, grad-safe at p == 0
    safe = jnp.where(p > 0, p, 1.0)
    p15 = jnp.where(p > 0, p * jnp.sqrt(safe), 0.0)
    return (1.0 - jnp.sum(p15, axis=1)) / 0.75


def setup_inputs(seed: int = 0) -> dict:
    key = jax.random.key(seed)
    k1, k2 = jax.random.split(key)
    inp = jax.random.normal(k1, (N, V), dtype=jnp.float32)
    target = jax.random.randint(k2, (N,), 0, V, dtype=jnp.int32)
    return {"input": inp, "target": target}


def reference(input, target):
    n = input.shape[0]
    p_star = entmax15_topk(input, K)
    loss = _omega_tsallis15(p_star)
    # scatter_add_(1, target.unsqueeze(1), -1)
    p_mod = p_star.at[jnp.arange(n), target].add(-1.0)
    loss = loss + jnp.sum(p_mod * input, axis=1)
    # ignore_index = -100 < 0 -> no masking; reduction = elementwise_mean
    return jnp.sum(loss) / float(n)

if __name__ == "__main__":
    import jax
    _d = setup_inputs()
    print(jax.jit(kernel)(*tuple(_d.values())))

</pallas_src>

<mosaic_0001>
#map = affine_map<(d0, d1) -> (0, 0)>
#map1 = affine_map<(d0, d1) -> (0)>
module attributes {stable_mosaic.version = 14 : i64} {
  func.func @_sc_body(%arg0: i32, %arg1: i32, %arg2: memref<1024x100000xf32, #tpu.memory_space<hbm>>, %arg3: memref<1024xi32, #tpu.memory_space<hbm>>, %arg4: memref<1024x128xf32, #tpu.memory_space<hbm>>, %arg5: memref<1024xf32, #tpu.memory_space<hbm>>, %arg6: memref<8x3200xf32, #tpu.memory_space<vmem>>, %arg7: memref<8x3200xf32, #tpu.memory_space<vmem>>, %arg8: memref<8x768xf32, #tpu.memory_space<vmem>>, %arg9: memref<32768xf32, #tpu.memory_space<vmem>>, %arg10: memref<4096xi32, #tpu.memory_space<vmem>>, %arg11: memref<8x128xf32, #tpu.memory_space<vmem>>, %arg12: memref<32xi32, #tpu.memory_space<vmem>>, %arg13: memref<32xf32, #tpu.memory_space<vmem>>, %arg14: memref<!tpu.dma_semaphore, #tpu.memory_space<semaphore_mem>>, %arg15: memref<!tpu.dma_semaphore, #tpu.memory_space<semaphore_mem>>) attributes {dimension_semantics = [#tpu.dimension_semantics<core_parallel>, #tpu.dimension_semantics<subcore_parallel>], iteration_bounds = array<i64: 2, 16>, scalar_prefetch = 0 : i64, scratch_operands = 10 : i64, tpu.core_type = #tpu.core_type<sc_vector_subcore>, window_params = [{transform_indices = #map}, {transform_indices = #map1}, {transform_indices = #map}, {transform_indices = #map1}]} {
    %mul3A = arith.constant 2 : i32
    %mul3A_0 = arith.muli %arg1, %mul3A : i32
    %add3A = arith.addi %mul3A_0, %arg0 : i32
    %mul3A_1 = arith.constant 32 : i32
    %mul3A_2 = arith.muli %add3A, %mul3A_1 : i32
    %iota3A = tpu.iota {dimensions = array<i32: 0>} : vector<16xi32>
    "tpu.region"() ({
      %run_scoped3A = tpu.sem_alloc : memref<!tpu.dma_semaphore, #tpu.memory_space<semaphore_mem>>
      %dma_start3A = tpu.memref_slice %arg3[%mul3A_2] : memref<1024xi32, #tpu.memory_space<hbm>> -> memref<32xi32, #tpu.memory_space<hbm>>
      %dma_start3A_14 = tpu.memref_slice %arg3[%mul3A_2] : memref<1024xi32, #tpu.memory_space<hbm>> -> memref<32xi32, #tpu.memory_space<hbm>>
      tpu.enqueue_dma source(%dma_start3A_14 : memref<32xi32, #tpu.memory_space<hbm>>) target(%arg12 : memref<32xi32, #tpu.memory_space<vmem>>) target_semaphore(%run_scoped3A : memref<!tpu.dma_semaphore, #tpu.memory_space<semaphore_mem>>)
      %dma_wait3A = tpu.memref_slice %arg3[%mul3A_2] : memref<1024xi32, #tpu.memory_space<hbm>> -> memref<32xi32, #tpu.memory_space<hbm>>
      %dma_wait3A_15 = tpu.memref_slice %arg3[%mul3A_2] : memref<1024xi32, #tpu.memory_space<hbm>> -> memref<32xi32, #tpu.memory_space<hbm>>
      tpu.wait_dma2 semaphore(%run_scoped3A : memref<!tpu.dma_semaphore, #tpu.memory_space<semaphore_mem>>) src(%dma_wait3A_15 : memref<32xi32, #tpu.memory_space<hbm>>) dst(%arg12 : memref<32xi32, #tpu.memory_space<vmem>>)
      tpu.yield
    }) : () -> ()
    %broadcast_in_dim3A = arith.constant 0.000000e+00 : f32
    %broadcast_in_dim3A_3 = vector.broadcast %broadcast_in_dim3A : f32 to vector<16xf32>
    %broadcast_in_dim3A_4 = arith.constant 0.000000e+00 : f32
    %broadcast_in_dim3A_5 = vector.broadcast %broadcast_in_dim3A_4 : f32 to vector<16xf32>
    %scan3A = arith.constant 0 : i32
    %scan3A_6 = arith.constant 4 : i32
    %scan3A_7 = arith.addi %scan3A, %scan3A_6 : i32
    %scan3A_8 = arith.constant 1 : i32
    %scan3A_9:2 = scf.for %scan3A_14 = %scan3A to %scan3A_7 step %scan3A_8 iter_args(%scan3A_15 = %broadcast_in_dim3A_3, %scan3A_16 = %broadcast_in_dim3A_5) -> (vector<16xf32>, vector<16xf32>)  : i32 {
      %mul3A_17 = arith.constant 8 : i32
      %mul3A_18 = arith.muli %scan3A_14, %mul3A_17 : i32
      %add3A_19 = arith.addi %mul3A_2, %mul3A_18 : i32
      %dma_start3A = arith.constant 0 : i32
      %dma_start3A_20 = tpu.memref_slice %arg2[%add3A_19, %dma_start3A] : memref<1024x100000xf32, #tpu.memory_space<hbm>> -> memref<8x3200xf32, #tpu.memory_space<hbm>>
      %dma_start3A_21 = arith.constant 0 : i32
      %dma_start3A_22 = tpu.memref_slice %arg2[%add3A_19, %dma_start3A_21] : memref<1024x100000xf32, #tpu.memory_space<hbm>> -> memref<8x3200xf32, #tpu.memory_space<hbm>>
      tpu.enqueue_dma source(%dma_start3A_22 : memref<8x3200xf32, #tpu.memory_space<hbm>>) target(%arg6 : memref<8x3200xf32, #tpu.memory_space<vmem>>) target_semaphore(%arg14 : memref<!tpu.dma_semaphore, #tpu.memory_space<semaphore_mem>>)
      %broadcast_in_dim3A_23 = arith.constant 0xFF800000 : f32
      %broadcast_in_dim3A_24 = vector.broadcast %broadcast_in_dim3A_23 : f32 to vector<16xf32>
      %broadcast_in_dim3A_25 = arith.constant 0 : i32
      %broadcast_in_dim3A_26 = vector.broadcast %broadcast_in_dim3A_25 : i32 to vector<16xi32>
      %scan3A_27 = arith.constant 0 : i32
      %scan3A_28 = arith.constant 15 : i32
      %scan3A_29 = arith.addi %scan3A_27, %scan3A_28 : i32
      %scan3A_30 = arith.constant 1 : i32
      %scan3A_31:4 = scf.for %scan3A_62 = %scan3A_27 to %scan3A_29 step %scan3A_30 iter_args(%scan3A_63 = %broadcast_in_dim3A_24, %scan3A_64 = %broadcast_in_dim3A_26, %scan3A_65 = %scan3A_15, %scan3A_66 = %scan3A_16) -> (vector<16xf32>, vector<16xi32>, vector<16xf32>, vector<16xf32>)  : i32 {
        %mul3A_67 = arith.constant 2 : i32
        %mul3A_68 = arith.muli %mul3A_67, %scan3A_62 : i32
        %mul3A_69 = arith.constant 3200 : i32
        %mul3A_70 = arith.muli %mul3A_68, %mul3A_69 : i32
        %dma_wait3A_71 = tpu.memref_slice %arg2[%add3A_19, %mul3A_70] : memref<1024x100000xf32, #tpu.memory_space<hbm>> -> memref<8x3200xf32, #tpu.memory_space<hbm>>
        %dma_wait3A_72 = tpu.memref_slice %arg2[%add3A_19, %mul3A_70] : memref<1024x100000xf32, #tpu.memory_space<hbm>> -> memref<8x3200xf32, #tpu.memory_space<hbm>>
        tpu.wait_dma2 semaphore(%arg14 : memref<!tpu.dma_semaphore, #tpu.memory_space<semaphore_mem>>) src(%dma_wait3A_72 : memref<8x3200xf32, #tpu.memory_space<hbm>>) dst(%arg6 : memref<8x3200xf32, #tpu.memory_space<vmem>>)
        %add3A_73 = arith.constant 1 : i32
        %add3A_74 = arith.addi %mul3A_68, %add3A_73 : i32
        %mul3A_75 = arith.constant 3200 : i32
        %mul3A_76 = arith.muli %add3A_74, %mul3A_75 : i32
        %dma_start3A_77 = tpu.memref_slice %arg2[%add3A_19, %mul3A_76] : memref<1024x100000xf32, #tpu.memory_space<hbm>> -> memref<8x3200xf32, #tpu.memory_space<hbm>>
        %dma_start3A_78 = tpu.memref_slice %arg2[%add3A_19, %mul3A_76] : memref<1024x100000xf32, #tpu.memory_space<hbm>> -> memref<8x3200xf32, #tpu.memory_space<hbm>>
        tpu.enqueue_dma source(%dma_start3A_78 : memref<8x3200xf32, #tpu.memory_space<hbm>>) target(%arg7 : memref<8x3200xf32, #tpu.memory_space<vmem>>) target_semaphore(%arg15 : memref<!tpu.dma_semaphore, #tpu.memory_space<semaphore_mem>>)
        %mul3A_79 = arith.constant 3200 : i32
        %mul3A_80 = arith.muli %mul3A_68, %mul3A_79 : i32
        %scan3A_81 = arith.constant 0 : i32
        %scan3A_82 = arith.constant 8 : i32
        %scan3A_83 = arith.addi %scan3A_81, %scan3A_82 : i32
        %scan3A_84 = arith.constant 1 : i32
        %scan3A_85:4 = scf.for %scan3A_109 = %scan3A_81 to %scan3A_83 step %scan3A_84 iter_args(%scan3A_110 = %scan3A_63, %scan3A_111 = %scan3A_64, %scan3A_112 = %scan3A_65, %scan3A_113 = %scan3A_66) -> (vector<16xf32>, vector<16xi32>, vector<16xf32>, vector<16xf32>)  : i32 {
          %eq3A = vector.broadcast %scan3A_109 : i32 to vector<16xi32>
          %eq3A_114 = arith.cmpi eq, %iota3A, %eq3A : vector<16xi32>
          %jit3A = arith.constant 0xFF800000 : f32
          %broadcast_in_dim3A_115 = vector.broadcast %jit3A : f32 to vector<16xf32>
          %select_n3A = arith.select %eq3A_114, %scan3A_110, %broadcast_in_dim3A_115 : vector<16xi1>, vector<16xf32>
          %reduce_max3A = arith.constant true
          %reduce_max3A_116 = vector.broadcast %reduce_max3A : i1 to vector<16xi1>
          %reduce_max3A_117 = tpu.scan <max>, %select_n3A masked %reduce_max3A_116 : vector<16xf32>, vector<16xi1> -> vector<16xf32>
          %reduce_max3A_118 = vector.extract %reduce_max3A_117[15] : f32 from vector<16xf32>
          %broadcast_in_dim3A_119 = vector.broadcast %reduce_max3A_118 : f32 to vector<16xf32>
          %eq3A_120 = vector.broadcast %scan3A_109 : i32 to vector<16xi32>
          %eq3A_121 = arith.cmpi eq, %iota3A, %eq3A_120 : vector<16xi32>
          %jit3A_122 = arith.constant 0 : i32
          %broadcast_in_dim3A_123 = vector.broadcast %jit3A_122 : i32 to vector<16xi32>
          %select_n3A_124 = arith.select %eq3A_121, %scan3A_111, %broadcast_in_dim3A_123 : vector<16xi1>, vector<16xi32>
          %reduce_max3A_125 = arith.constant true
          %reduce_max3A_126 = vector.broadcast %reduce_max3A_125 : i1 to vector<16xi1>
          %reduce_max3A_127 = arith.constant -2147483648 : i32
          %reduce_max3A_128 = vector.broadcast %reduce_max3A_127 : i32 to vector<16xi32>
          %reduce_max3A_129 = arith.xori %select_n3A_124, %reduce_max3A_128 : vector<16xi32>
          %reduce_max3A_130 = tpu.scan <max>, %reduce_max3A_129 masked %reduce_max3A_126 : vector<16xi32>, vector<16xi1> -> vector<16xi32>
          %reduce_max3A_131 = arith.xori %reduce_max3A_130, %reduce_max3A_128 : vector<16xi32>
          %reduce_max3A_132 = vector.extract %reduce_max3A_131[15] : i32 from vector<16xi32>
          %broadcast_in_dim3A_133 = vector.broadcast %reduce_max3A_132 : i32 to vector<16xi32>
          %mul3A_134 = arith.constant 4096 : i32
          %mul3A_135 = arith.muli %scan3A_109, %mul3A_134 : i32
          %scan3A_136 = arith.constant 0 : i32
          %scan3A_137 = arith.constant 2 : i32
          %scan3A_138 = arith.addi %scan3A_136, %scan3A_137 : i32
          %scan3A_139 = arith.constant 1 : i32
          %scan3A_140:2 = scf.for %scan3A_280 = %scan3A_136 to %scan3A_138 step %scan3A_139 iter_args(%scan3A_281 = %broadcast_in_dim3A_119, %scan3A_282 = %broadcast_in_dim3A_133) -> (vector<16xf32>, vector<16xi32>)  : i32 {
            %mul3A_283 = arith.constant 100 : i32
            %mul3A_284 = arith.muli %scan3A_280, %mul3A_283 : i32
            %add3A_285 = arith.constant 1 : i32
            %add3A_286 = arith.addi %scan3A_280, %add3A_285 : i32
            %mul3A_287 = arith.constant 100 : i32
            %mul3A_288 = arith.muli %add3A_286, %mul3A_287 : i32
            %parallel_loop3A = arith.constant 1 : i32
            %parallel_loop3A_289 = scf.for %parallel_loop3A_302 = %mul3A_284 to %mul3A_288 step %parallel_loop3A iter_args(%parallel_loop3A_303 = %scan3A_282) -> (vector<16xi32>)  : i32 {
              %parallel_loop3A_304 = arith.constant 16 : i32
              %parallel_loop3A_305 = arith.muli %parallel_loop3A_302, %parallel_loop3A_304 : i32
              %parallel_loop3A_306 = arith.index_cast %scan3A_109 : i32 to index
              %parallel_loop3A_307 = arith.index_cast %parallel_loop3A_305 : i32 to index
              %parallel_loop3A_308 = tpu.vector_load %arg6[%parallel_loop3A_306, %parallel_loop3A_307] {strides = array<i32>} : memref<8x3200xf32, #tpu.memory_space<vmem>>, vector<16xf32>,
              %parallel_loop3A_309 = arith.cmpf ogt, %parallel_loop3A_308, %scan3A_281 : vector<16xf32>
              %parallel_loop3A_310 = arith.extui %parallel_loop3A_309 : vector<16xi1> to vector<16xi32>
              %parallel_loop3A_311 = arith.constant true
              %parallel_loop3A_312 = vector.broadcast %parallel_loop3A_311 : i1 to vector<16xi1>
              %parallel_loop3A_313 = tpu.scan <sum>, %parallel_loop3A_310 masked %parallel_loop3A_312 : vector<16xi32>, vector<16xi1> -> vector<16xi32>
              %parallel_loop3A_314 = arith.addi %parallel_loop3A_303, %parallel_loop3A_313 : vector<16xi32>
              %parallel_loop3A_315 = arith.constant 1 : i32
              %parallel_loop3A_316 = vector.broadcast %parallel_loop3A_315 : i32 to vector<16xi32>
              %parallel_loop3A_317 = arith.subi %parallel_loop3A_314, %parallel_loop3A_316 : vector<16xi32>
              %parallel_loop3A_318 = vector.broadcast %mul3A_135 : i32 to vector<16xi32>
              %parallel_loop3A_319 = arith.addi %parallel_loop3A_318, %parallel_loop3A_317 : vector<16xi32>
              tpu.vector_store_idx %arg9[%parallel_loop3A_319], %parallel_loop3A_308 masked %parallel_loop3A_309 : memref<32768xf32, #tpu.memory_space<vmem>>[vector<16xi32>], vector<16xf32>, vector<16xi1>
              %parallel_loop3A_320 = tpu.all_reduce %parallel_loop3A_309 {dim = 0 : i64, kind = #tpu.reduction_kind<sum>} : vector<16xi1> -> vector<16xi32>
              %parallel_loop3A_321 = arith.addi %parallel_loop3A_303, %parallel_loop3A_320 : vector<16xi32>
              scf.yield %parallel_loop3A_321 : vector<16xi32>
            } {sc.loop_unroll_factor = 10 : i64, sc.parallel_access}
            %reduce_max3A_290 = arith.constant true
            %reduce_max3A_291 = vector.broadcast %reduce_max3A_290 : i1 to vector<16xi1>
            %reduce_max3A_292 = arith.constant -2147483648 : i32
            %reduce_max3A_293 = vector.broadcast %reduce_max3A_292 : i32 to vector<16xi32>
            %reduce_max3A_294 = arith.xori %parallel_loop3A_289, %reduce_max3A_293 : vector<16xi32>
            %reduce_max3A_295 = tpu.scan <max>, %reduce_max3A_294 masked %reduce_max3A_291 : vector<16xi32>, vector<16xi1> -> vector<16xi32>
            %reduce_max3A_296 = arith.xori %reduce_max3A_295, %reduce_max3A_293 : vector<16xi32>
            %reduce_max3A_297 = vector.extract %reduce_max3A_296[15] : i32 from vector<16xi32>
            %gt3A = arith.constant 2048 : i32
            %gt3A_298 = arith.cmpi sgt, %reduce_max3A_297, %gt3A : i32
            %convert_element_type3A_299 = arith.extui %gt3A_298 : i1 to i32
            %cond3A = arith.constant 0 : i32
            %cond3A_300 = arith.cmpi ne, %convert_element_type3A_299, %cond3A : i32
            %cond3A_301:2 = scf.if %cond3A_300 -> (vector<16xf32>, vector<16xi32>) {
              %add3A_302 = arith.constant 63 : i32
              %add3A_303 = arith.addi %reduce_max3A_297, %add3A_302 : i32
              %jit3A_304 = arith.constant 64 : i32
              %div3A_305 = arith.divsi %add3A_303, %jit3A_304 : i32
              %sign3A_306 = arith.constant 0 : i32
              %sign3A_307 = arith.cmpi sgt, %add3A_303, %sign3A_306 : i32
              %sign3A_308 = arith.extui %sign3A_307 : i1 to i32
              %sign3A_309 = arith.constant 0 : i32
              %sign3A_310 = arith.cmpi slt, %add3A_303, %sign3A_309 : i32
              %sign3A_311 = arith.extui %sign3A_310 : i1 to i32
              %sign3A_312 = arith.subi %sign3A_308, %sign3A_311 : i32
              %sign3A_313 = arith.constant 0 : i32
              %sign3A_314 = arith.cmpi sgt, %jit3A_304, %sign3A_313 : i32
              %sign3A_315 = arith.extui %sign3A_314 : i1 to i32
              %sign3A_316 = arith.constant 0 : i32
              %sign3A_317 = arith.cmpi slt, %jit3A_304, %sign3A_316 : i32
              %sign3A_318 = arith.extui %sign3A_317 : i1 to i32
              %sign3A_319 = arith.subi %sign3A_315, %sign3A_318 : i32
              %ne3A_320 = arith.cmpi ne, %sign3A_312, %sign3A_319 : i32
              %rem3A_321 = arith.remsi %add3A_303, %jit3A_304 : i32
              %ne3A_322 = arith.constant 0 : i32
              %ne3A_323 = arith.cmpi ne, %rem3A_321, %ne3A_322 : i32
              %and3A_324 = arith.andi %ne3A_320, %ne3A_323 : i1
              %sub3A_325 = arith.constant 1 : i32
              %sub3A_326 = arith.subi %div3A_305, %sub3A_325 : i32
              %select_n3A_327 = arith.select %and3A_324, %sub3A_326, %div3A_305 : i32
              %iota3A_328 = tpu.iota {dimensions = array<i32: 0>} : vector<16xi32>
              %mul3A_329 = arith.constant 4 : i32
              %mul3A_330 = arith.muli %select_n3A_327, %mul3A_329 : i32
              %parallel_loop3A_331 = arith.constant 0 : i32
              %parallel_loop3A_332 = arith.constant 1 : i32
              %parallel_loop3A_333 = arith.constant 0 : i32
              %parallel_loop3A_334 = scf.for %parallel_loop3A_471 = %parallel_loop3A_331 to %mul3A_330 step %parallel_loop3A_332 iter_args(%parallel_loop3A_472 = %parallel_loop3A_333) -> (i32)  : i32 {
                %parallel_loop3A_473 = arith.constant 16 : i32
                %parallel_loop3A_474 = arith.muli %parallel_loop3A_471, %parallel_loop3A_473 : i32
                %parallel_loop3A_475 = tpu.memref_slice %arg9[%mul3A_135] : memref<32768xf32, #tpu.memory_space<vmem>> -> memref<4096xf32, #tpu.memory_space<vmem>>
                %parallel_loop3A_476 = arith.index_cast %parallel_loop3A_474 : i32 to index
                %parallel_loop3A_477 = tpu.vector_load %parallel_loop3A_475[%parallel_loop3A_476] {strides = array<i32>} : memref<4096xf32, #tpu.memory_space<vmem>>, vector<16xf32>,
                %parallel_loop3A_478 = vector.bitcast %parallel_loop3A_477 : vector<16xf32> to vector<16xi32>
                %parallel_loop3A_479 = arith.constant 0 : i32
                %parallel_loop3A_480 = vector.broadcast %parallel_loop3A_479 : i32 to vector<16xi32>
                %parallel_loop3A_481 = arith.cmpi sge, %parallel_loop3A_478, %parallel_loop3A_480 : vector<16xi32>
                %parallel_loop3A_482 = arith.constant dense<-1> : vector<16xi32>
                %parallel_loop3A_483 = arith.xori %parallel_loop3A_478, %parallel_loop3A_482 : vector<16xi32>
                %parallel_loop3A_484 = arith.constant -2147483648 : i32
                %parallel_loop3A_485 = vector.broadcast %parallel_loop3A_484 : i32 to vector<16xi32>
                %parallel_loop3A_486 = arith.xori %parallel_loop3A_483, %parallel_loop3A_485 : vector<16xi32>
                %parallel_loop3A_487 = arith.select %parallel_loop3A_481, %parallel_loop3A_478, %parallel_loop3A_486 : vector<16xi1>, vector<16xi32>
                %parallel_loop3A_488 = arith.constant 16 : i32
                %parallel_loop3A_489 = arith.muli %parallel_loop3A_471, %parallel_loop3A_488 : i32
                %parallel_loop3A_490 = vector.broadcast %parallel_loop3A_489 : i32 to vector<16xi32>
                %parallel_loop3A_491 = arith.addi %parallel_loop3A_490, %iota3A_328 : vector<16xi32>
                %parallel_loop3A_492 = vector.broadcast %reduce_max3A_297 : i32 to vector<16xi32>
                %parallel_loop3A_493 = arith.cmpi slt, %parallel_loop3A_491, %parallel_loop3A_492 : vector<16xi32>
                %parallel_loop3A_494 = arith.constant -2147483648 : i32
                %parallel_loop3A_495 = vector.broadcast %parallel_loop3A_494 : i32 to vector<16xi32>
                %parallel_loop3A_496 = arith.select %parallel_loop3A_493, %parallel_loop3A_487, %parallel_loop3A_495 : vector<16xi1>, vector<16xi32>
                %parallel_loop3A_497 = arith.constant 16 : i32
                %parallel_loop3A_498 = arith.muli %parallel_loop3A_471, %parallel_loop3A_497 : i32
                %parallel_loop3A_499 = arith.index_cast %parallel_loop3A_498 : i32 to index
                %parallel_loop3A_500 = tpu.vector_load %arg10[%parallel_loop3A_499] {strides = array<i32>} : memref<4096xi32, #tpu.memory_space<vmem>>, vector<16xi32>,
                tpu.vector_store %arg10[%parallel_loop3A_499], %parallel_loop3A_496 {strides = array<i32>} : memref<4096xi32, #tpu.memory_space<vmem>>, vector<16xi32>,
                scf.yield %parallel_loop3A_472 : i32
              } {sc.loop_unroll_factor = 4 : i64, sc.parallel_access}
              %broadcast_in_dim3A_335 = arith.constant 0 : i32
              %broadcast_in_dim3A_336 = vector.broadcast %broadcast_in_dim3A_335 : i32 to vector<16xi32>
              %mul3A_337 = arith.constant 4 : i32
              %mul3A_338 = arith.muli %select_n3A_327, %mul3A_337 : i32
              %broadcast_in_dim3A_339 = arith.constant 0 : i32
              %broadcast_in_dim3A_340 = vector.broadcast %broadcast_in_dim3A_339 : i32 to vector<16xi32>
              %parallel_loop3A_341 = arith.constant 0 : i32
              %parallel_loop3A_342 = arith.constant 1 : i32
              %parallel_loop3A_343 = scf.for %parallel_loop3A_471 = %parallel_loop3A_341 to %mul3A_338 step %parallel_loop3A_342 iter_args(%parallel_loop3A_472 = %broadcast_in_dim3A_340) -> (vector<16xi32>)  : i32 {
                %parallel_loop3A_473 = arith.constant 16 : i32
                %parallel_loop3A_474 = arith.muli %parallel_loop3A_471, %parallel_loop3A_473 : i32
                %parallel_loop3A_475 = arith.index_cast %parallel_loop3A_474 : i32 to index
                %parallel_loop3A_476 = tpu.vector_load %arg10[%parallel_loop3A_475] {strides = array<i32>} : memref<4096xi32, #tpu.memory_space<vmem>>, vector<16xi32>,
                %parallel_loop3A_477 = arith.cmpi sge, %parallel_loop3A_476, %broadcast_in_dim3A_336 : vector<16xi32>
                %parallel_loop3A_478 = tpu.all_reduce %parallel_loop3A_477 {dim = 0 : i64, kind = #tpu.reduction_kind<sum>} : vector<16xi1> -> vector<16xi32>
                %parallel_loop3A_479 = arith.addi %parallel_loop3A_472, %parallel_loop3A_478 : vector<16xi32>
                scf.yield %parallel_loop3A_479 : vector<16xi32>
              } {sc.loop_unroll_factor = 4 : i64, sc.parallel_access}
              %reduce_max3A_344 = arith.constant true
              %reduce_max3A_345 = vector.broadcast %reduce_max3A_344 : i1 to vector<16xi1>
              %reduce_max3A_346 = arith.constant -2147483648 : i32
              %reduce_max3A_347 = vector.broadcast %reduce_max3A_346 : i32 to vector<16xi32>
              %reduce_max3A_348 = arith.xori %parallel_loop3A_343, %reduce_max3A_347 : vector<16xi32>
              %reduce_max3A_349 = tpu.scan <max>, %reduce_max3A_348 masked %reduce_max3A_345 : vector<16xi32>, vector<16xi1> -> vector<16xi32>
              %reduce_max3A_350 = arith.xori %reduce_max3A_349, %reduce_max3A_347 : vector<16xi32>
              %reduce_max3A_351 = vector.extract %reduce_max3A_350[15] : i32 from vector<16xi32>
              %ge3A_352 = arith.constant 100 : i32
              %ge3A_353 = arith.cmpi sge, %reduce_max3A_351, %ge3A_352 : i32
              %jit3A_354 = arith.constant 0 : i32
              %jit3A_355 = arith.constant -2147483648 : i32
              %select_n3A_356 = arith.select %ge3A_353, %jit3A_354, %jit3A_355 : i32
              %scan3A_357 = arith.constant 0 : i32
              %scan3A_358 = arith.constant 16 : i32
              %scan3A_359 = arith.addi %scan3A_357, %scan3A_358 : i32
              %scan3A_360 = arith.constant 1 : i32
              %scan3A_361 = scf.for %scan3A_471 = %scan3A_357 to %scan3A_359 step %scan3A_360 iter_args(%scan3A_472 = %select_n3A_356) -> (i32)  : i32 {
                %sub3A_473 = arith.constant 30 : i32
                %sub3A_474 = arith.subi %sub3A_473, %scan3A_471 : i32
                %shift_left3A = arith.constant 1 : i32
                %shift_left3A_475 = arith.shli %shift_left3A, %sub3A_474 : i32
                %or3A = arith.ori %scan3A_472, %shift_left3A_475 : i32
                %broadcast_in_dim3A_476 = vector.broadcast %or3A : i32 to vector<16xi32>
                %mul3A_477 = arith.constant 4 : i32
                %mul3A_478 = arith.muli %select_n3A_327, %mul3A_477 : i32
                %broadcast_in_dim3A_479 = arith.constant 0 : i32
                %broadcast_in_dim3A_480 = vector.broadcast %broadcast_in_dim3A_479 : i32 to vector<16xi32>
                %parallel_loop3A_481 = arith.constant 0 : i32
                %parallel_loop3A_482 = arith.constant 1 : i32
                %parallel_loop3A_483 = scf.for %parallel_loop3A_495 = %parallel_loop3A_481 to %mul3A_478 step %parallel_loop3A_482 iter_args(%parallel_loop3A_496 = %broadcast_in_dim3A_480) -> (vector<16xi32>)  : i32 {
                  %parallel_loop3A_497 = arith.constant 16 : i32
                  %parallel_loop3A_498 = arith.muli %parallel_loop3A_495, %parallel_loop3A_497 : i32
                  %parallel_loop3A_499 = arith.index_cast %parallel_loop3A_498 : i32 to index
                  %parallel_loop3A_500 = tpu.vector_load %arg10[%parallel_loop3A_499] {strides = array<i32>} : memref<4096xi32, #tpu.memory_space<vmem>>, vector<16xi32>,
                  %parallel_loop3A_501 = arith.cmpi sge, %parallel_loop3A_500, %broadcast_in_dim3A_476 : vector<16xi32>
                  %parallel_loop3A_502 = tpu.all_reduce %parallel_loop3A_501 {dim = 0 : i64, kind = #tpu.reduction_kind<sum>} : vector<16xi1> -> vector<16xi32>
                  %parallel_loop3A_503 = arith.addi %parallel_loop3A_496, %parallel_loop3A_502 : vector<16xi32>
                  scf.yield %parallel_loop3A_503 : vector<16xi32>
                } {sc.loop_unroll_factor = 4 : i64, sc.parallel_access}
                %reduce_max3A_484 = arith.constant true
                %reduce_max3A_485 = vector.broadcast %reduce_max3A_484 : i1 to vector<16xi1>
                %reduce_max3A_486 = arith.constant -2147483648 : i32
                %reduce_max3A_487 = vector.broadcast %reduce_max3A_486 : i32 to vector<16xi32>
                %reduce_max3A_488 = arith.xori %parallel_loop3A_483, %reduce_max3A_487 : vector<16xi32>
                %reduce_max3A_489 = tpu.scan <max>, %reduce_max3A_488 masked %reduce_max3A_485 : vector<16xi32>, vector<16xi1> -> vector<16xi32>
                %reduce_max3A_490 = arith.xori %reduce_max3A_489, %reduce_max3A_487 : vector<16xi32>
                %reduce_max3A_491 = vector.extract %reduce_max3A_490[15] : i32 from vector<16xi32>
                %ge3A_492 = arith.constant 100 : i32
                %ge3A_493 = arith.cmpi sge, %reduce_max3A_491, %ge3A_492 : i32
                %select_n3A_494 = arith.select %ge3A_493, %or3A, %scan3A_472 : i32
                scf.yield %select_n3A_494 : i32
              }
              %scan3A_362 = arith.constant 16 : i32
              %broadcast_in_dim3A_363 = vector.broadcast %scan3A_361 : i32 to vector<16xi32>
              %ge3A_364 = arith.constant 0 : i32
              %ge3A_365 = vector.broadcast %ge3A_364 : i32 to vector<16xi32>
              %ge3A_366 = arith.cmpi sge, %broadcast_in_dim3A_363, %ge3A_365 : vector<16xi32>
              %xor3A = arith.constant -2147483648 : i32
              %xor3A_367 = vector.broadcast %xor3A : i32 to vector<16xi32>
              %xor3A_368 = arith.xori %broadcast_in_dim3A_363, %xor3A_367 : vector<16xi32>
              %not3A = arith.constant dense<-1> : vector<16xi32>
              %not3A_369 = arith.xori %xor3A_368, %not3A : vector<16xi32>
              %select_n3A_370 = arith.select %ge3A_366, %broadcast_in_dim3A_363, %not3A_369 : vector<16xi1>, vector<16xi32>
              %bitcast3A = vector.bitcast %select_n3A_370 : vector<16xi32> to vector<16xf32>
              %iota3A_371 = tpu.iota {dimensions = array<i32: 0>} : vector<16xi32>
              %add3A_372 = arith.constant 31 : i32
              %add3A_373 = arith.addi %reduce_max3A_297, %add3A_372 : i32
              %jit3A_374 = arith.constant 32 : i32
              %div3A_375 = arith.divsi %add3A_373, %jit3A_374 : i32
              %sign3A_376 = arith.constant 0 : i32
              %sign3A_377 = arith.cmpi sgt, %add3A_373, %sign3A_376 : i32
              %sign3A_378 = arith.extui %sign3A_377 : i1 to i32
              %sign3A_379 = arith.constant 0 : i32
              %sign3A_380 = arith.cmpi slt, %add3A_373, %sign3A_379 : i32
              %sign3A_381 = arith.extui %sign3A_380 : i1 to i32
              %sign3A_382 = arith.subi %sign3A_378, %sign3A_381 : i32
              %sign3A_383 = arith.constant 0 : i32
              %sign3A_384 = arith.cmpi sgt, %jit3A_374, %sign3A_383 : i32
              %sign3A_385 = arith.extui %sign3A_384 : i1 to i32
              %sign3A_386 = arith.constant 0 : i32
              %sign3A_387 = arith.cmpi slt, %jit3A_374, %sign3A_386 : i32
              %sign3A_388 = arith.extui %sign3A_387 : i1 to i32
              %sign3A_389 = arith.subi %sign3A_385, %sign3A_388 : i32
              %ne3A_390 = arith.cmpi ne, %sign3A_382, %sign3A_389 : i32
              %rem3A_391 = arith.remsi %add3A_373, %jit3A_374 : i32
              %ne3A_392 = arith.constant 0 : i32
              %ne3A_393 = arith.cmpi ne, %rem3A_391, %ne3A_392 : i32
              %and3A_394 = arith.andi %ne3A_390, %ne3A_393 : i1
              %sub3A_395 = arith.constant 1 : i32
              %sub3A_396 = arith.subi %div3A_375, %sub3A_395 : i32
              %select_n3A_397 = arith.select %and3A_394, %sub3A_396, %div3A_375 : i32
              %mul3A_398 = arith.constant 2 : i32
              %mul3A_399 = arith.muli %select_n3A_397, %mul3A_398 : i32
              %broadcast_in_dim3A_400 = arith.constant 0 : i32
              %broadcast_in_dim3A_401 = vector.broadcast %broadcast_in_dim3A_400 : i32 to vector<16xi32>
              %parallel_loop3A_402 = arith.constant 0 : i32
              %parallel_loop3A_403 = arith.constant 1 : i32
              %parallel_loop3A_404 = scf.for %parallel_loop3A_471 = %parallel_loop3A_402 to %mul3A_399 step %parallel_loop3A_403 iter_args(%parallel_loop3A_472 = %broadcast_in_dim3A_401) -> (vector<16xi32>)  : i32 {
                %parallel_loop3A_473 = arith.constant 16 : i32
                %parallel_loop3A_474 = arith.muli %parallel_loop3A_471, %parallel_loop3A_473 : i32
                %parallel_loop3A_475 = tpu.memref_slice %arg9[%mul3A_135] : memref<32768xf32, #tpu.memory_space<vmem>> -> memref<4096xf32, #tpu.memory_space<vmem>>
                %parallel_loop3A_476 = arith.index_cast %parallel_loop3A_474 : i32 to index
                %parallel_loop3A_477 = tpu.vector_load %parallel_loop3A_475[%parallel_loop3A_476] {strides = array<i32>} : memref<4096xf32, #tpu.memory_space<vmem>>, vector<16xf32>,
                %parallel_loop3A_478 = arith.cmpf ogt, %parallel_loop3A_477, %bitcast3A : vector<16xf32>
                %parallel_loop3A_479 = arith.constant 16 : i32
                %parallel_loop3A_480 = arith.muli %parallel_loop3A_471, %parallel_loop3A_479 : i32
                %parallel_loop3A_481 = vector.broadcast %parallel_loop3A_480 : i32 to vector<16xi32>
                %parallel_loop3A_482 = arith.addi %parallel_loop3A_481, %iota3A_371 : vector<16xi32>
                %parallel_loop3A_483 = vector.broadcast %reduce_max3A_297 : i32 to vector<16xi32>
                %parallel_loop3A_484 = arith.cmpi slt, %parallel_loop3A_482, %parallel_loop3A_483 : vector<16xi32>
                %parallel_loop3A_485 = arith.andi %parallel_loop3A_478, %parallel_loop3A_484 : vector<16xi1>
                %parallel_loop3A_486 = arith.extui %parallel_loop3A_485 : vector<16xi1> to vector<16xi32>
                %parallel_loop3A_487 = arith.constant true
                %parallel_loop3A_488 = vector.broadcast %parallel_loop3A_487 : i1 to vector<16xi1>
                %parallel_loop3A_489 = tpu.scan <sum>, %parallel_loop3A_486 masked %parallel_loop3A_488 : vector<16xi32>, vector<16xi1> -> vector<16xi32>
                %parallel_loop3A_490 = arith.addi %parallel_loop3A_472, %parallel_loop3A_489 : vector<16xi32>
                %parallel_loop3A_491 = arith.constant 1 : i32
                %parallel_loop3A_492 = vector.broadcast %parallel_loop3A_491 : i32 to vector<16xi32>
                %parallel_loop3A_493 = arith.subi %parallel_loop3A_490, %parallel_loop3A_492 : vector<16xi32>
                %parallel_loop3A_494 = tpu.memref_slice %arg9[%mul3A_135] : memref<32768xf32, #tpu.memory_space<vmem>> -> memref<4096xf32, #tpu.memory_space<vmem>>
                tpu.vector_store_idx %parallel_loop3A_494[%parallel_loop3A_493], %parallel_loop3A_477 masked %parallel_loop3A_485 : memref<4096xf32, #tpu.memory_space<vmem>>[vector<16xi32>], vector<16xf32>, vector<16xi1>
                %parallel_loop3A_495 = tpu.all_reduce %parallel_loop3A_485 {dim = 0 : i64, kind = #tpu.reduction_kind<sum>} : vector<16xi1> -> vector<16xi32>
                %parallel_loop3A_496 = arith.addi %parallel_loop3A_472, %parallel_loop3A_495 : vector<16xi32>
                scf.yield %parallel_loop3A_496 : vector<16xi32>
              } {sc.loop_unroll_factor = 2 : i64, sc.parallel_access}
              %reduce_max3A_405 = arith.constant true
              %reduce_max3A_406 = vector.broadcast %reduce_max3A_405 : i1 to vector<16xi1>
              %reduce_max3A_407 = arith.constant -2147483648 : i32
              %reduce_max3A_408 = vector.broadcast %reduce_max3A_407 : i32 to vector<16xi32>
              %reduce_max3A_409 = arith.xori %parallel_loop3A_404, %reduce_max3A_408 : vector<16xi32>
              %reduce_max3A_410 = tpu.scan <max>, %reduce_max3A_409 masked %reduce_max3A_406 : vector<16xi32>, vector<16xi1> -> vector<16xi32>
              %reduce_max3A_411 = arith.xori %reduce_max3A_410, %reduce_max3A_408 : vector<16xi32>
              %reduce_max3A_412 = vector.extract %reduce_max3A_411[15] : i32 from vector<16xi32>
              %add3A_413 = arith.constant 0 : i32
              %add3A_414 = arith.addi %reduce_max3A_412, %add3A_413 : i32
              %add3A_415 = vector.broadcast %add3A_414 : i32 to vector<16xi32>
              %add3A_416 = arith.addi %add3A_415, %iota3A : vector<16xi32>
              %lt3A_417 = arith.constant 100 : i32
              %lt3A_418 = vector.broadcast %lt3A_417 : i32 to vector<16xi32>
              %lt3A_419 = arith.cmpi slt, %add3A_416, %lt3A_418 : vector<16xi32>
              %scatter3A = tpu.memref_slice %arg9[%mul3A_135] : memref<32768xf32, #tpu.memory_space<vmem>> -> memref<4096xf32, #tpu.memory_space<vmem>>
              tpu.vector_store_idx %scatter3A[%add3A_416], %bitcast3A masked %lt3A_419 : memref<4096xf32, #tpu.memory_space<vmem>>[vector<16xi32>], vector<16xf32>, vector<16xi1>
              %add3A_420 = arith.constant 16 : i32
              %add3A_421 = arith.addi %reduce_max3A_412, %add3A_420 : i32
              %add3A_422 = vector.broadcast %add3A_421 : i32 to vector<16xi32>
              %add3A_423 = arith.addi %add3A_422, %iota3A : vector<16xi32>
              %lt3A_424 = arith.constant 100 : i32
              %lt3A_425 = vector.broadcast %lt3A_424 : i32 to vector<16xi32>
              %lt3A_426 = arith.cmpi slt, %add3A_423, %lt3A_425 : vector<16xi32>
              %scatter3A_427 = tpu.memref_slice %arg9[%mul3A_135] : memref<32768xf32, #tpu.memory_space<vmem>> -> memref<4096xf32, #tpu.memory_space<vmem>>
              tpu.vector_store_idx %scatter3A_427[%add3A_423], %bitcast3A masked %lt3A_426 : memref<4096xf32, #tpu.memory_space<vmem>>[vector<16xi32>], vector<16xf32>, vector<16xi1>
              %add3A_428 = arith.constant 32 : i32
              %add3A_429 = arith.addi %reduce_max3A_412, %add3A_428 : i32
              %add3A_430 = vector.broadcast %add3A_429 : i32 to vector<16xi32>
              %add3A_431 = arith.addi %add3A_430, %iota3A : vector<16xi32>
              %lt3A_432 = arith.constant 100 : i32
              %lt3A_433 = vector.broadcast %lt3A_432 : i32 to vector<16xi32>
              %lt3A_434 = arith.cmpi slt, %add3A_431, %lt3A_433 : vector<16xi32>
              %scatter3A_435 = tpu.memref_slice %arg9[%mul3A_135] : memref<32768xf32, #tpu.memory_space<vmem>> -> memref<4096xf32, #tpu.memory_space<vmem>>
              tpu.vector_store_idx %scatter3A_435[%add3A_431], %bitcast3A masked %lt3A_434 : memref<4096xf32, #tpu.memory_space<vmem>>[vector<16xi32>], vector<16xf32>, vector<16xi1>
              %add3A_436 = arith.constant 48 : i32
              %add3A_437 = arith.addi %reduce_max3A_412, %add3A_436 : i32
              %add3A_438 = vector.broadcast %add3A_437 : i32 to vector<16xi32>
              %add3A_439 = arith.addi %add3A_438, %iota3A : vector<16xi32>
              %lt3A_440 = arith.constant 100 : i32
              %lt3A_441 = vector.broadcast %lt3A_440 : i32 to vector<16xi32>
              %lt3A_442 = arith.cmpi slt, %add3A_439, %lt3A_441 : vector<16xi32>
              %scatter3A_443 = tpu.memref_slice %arg9[%mul3A_135] : memref<32768xf32, #tpu.memory_space<vmem>> -> memref<4096xf32, #tpu.memory_space<vmem>>
              tpu.vector_store_idx %scatter3A_443[%add3A_439], %bitcast3A masked %lt3A_442 : memref<4096xf32, #tpu.memory_space<vmem>>[vector<16xi32>], vector<16xf32>, vector<16xi1>
              %add3A_444 = arith.constant 64 : i32
              %add3A_445 = arith.addi %reduce_max3A_412, %add3A_444 : i32
              %add3A_446 = vector.broadcast %add3A_445 : i32 to vector<16xi32>
              %add3A_447 = arith.addi %add3A_446, %iota3A : vector<16xi32>
              %lt3A_448 = arith.constant 100 : i32
              %lt3A_449 = vector.broadcast %lt3A_448 : i32 to vector<16xi32>
              %lt3A_450 = arith.cmpi slt, %add3A_447, %lt3A_449 : vector<16xi32>
              %scatter3A_451 = tpu.memref_slice %arg9[%mul3A_135] : memref<32768xf32, #tpu.memory_space<vmem>> -> memref<4096xf32, #tpu.memory_space<vmem>>
              tpu.vector_store_idx %scatter3A_451[%add3A_447], %bitcast3A masked %lt3A_450 : memref<4096xf32, #tpu.memory_space<vmem>>[vector<16xi32>], vector<16xf32>, vector<16xi1>
              %add3A_452 = arith.constant 80 : i32
              %add3A_453 = arith.addi %reduce_max3A_412, %add3A_452 : i32
              %add3A_454 = vector.broadcast %add3A_453 : i32 to vector<16xi32>
              %add3A_455 = arith.addi %add3A_454, %iota3A : vector<16xi32>
              %lt3A_456 = arith.constant 100 : i32
              %lt3A_457 = vector.broadcast %lt3A_456 : i32 to vector<16xi32>
              %lt3A_458 = arith.cmpi slt, %add3A_455, %lt3A_457 : vector<16xi32>
              %scatter3A_459 = tpu.memref_slice %arg9[%mul3A_135] : memref<32768xf32, #tpu.memory_space<vmem>> -> memref<4096xf32, #tpu.memory_space<vmem>>
              tpu.vector_store_idx %scatter3A_459[%add3A_455], %bitcast3A masked %lt3A_458 : memref<4096xf32, #tpu.memory_space<vmem>>[vector<16xi32>], vector<16xf32>, vector<16xi1>
              %add3A_460 = arith.constant 96 : i32
              %add3A_461 = arith.addi %reduce_max3A_412, %add3A_460 : i32
              %add3A_462 = vector.broadcast %add3A_461 : i32 to vector<16xi32>
              %add3A_463 = arith.addi %add3A_462, %iota3A : vector<16xi32>
              %lt3A_464 = arith.constant 100 : i32
              %lt3A_465 = vector.broadcast %lt3A_464 : i32 to vector<16xi32>
              %lt3A_466 = arith.cmpi slt, %add3A_463, %lt3A_465 : vector<16xi32>
              %scatter3A_467 = tpu.memref_slice %arg9[%mul3A_135] : memref<32768xf32, #tpu.memory_space<vmem>> -> memref<4096xf32, #tpu.memory_space<vmem>>
              tpu.vector_store_idx %scatter3A_467[%add3A_463], %bitcast3A masked %lt3A_466 : memref<4096xf32, #tpu.memory_space<vmem>>[vector<16xi32>], vector<16xf32>, vector<16xi1>
              %max3A_468 = arith.constant 100 : i32
              %max3A_469 = arith.maxsi %reduce_max3A_412, %max3A_468 : i32
              %broadcast_in_dim3A_470 = vector.broadcast %max3A_469 : i32 to vector<16xi32>
              scf.yield %bitcast3A, %broadcast_in_dim3A_470 : vector<16xf32>, vector<16xi32>
            } else {
              scf.yield %scan3A_281, %parallel_loop3A_289 : vector<16xf32>, vector<16xi32>
            }
            scf.yield %cond3A_301#0, %cond3A_301#1 : vector<16xf32>, vector<16xi32>
          }
          %scan3A_141 = arith.constant 2 : i32
          %mul3A_142 = arith.constant 8 : i32
          %mul3A_143 = arith.muli %scan3A_14, %mul3A_142 : i32
          %add3A_144 = arith.addi %mul3A_143, %scan3A_109 : i32
          %jit3A_145 = arith.constant 16 : i32
          %div3A = arith.divsi %add3A_144, %jit3A_145 : i32
          %sign3A = arith.constant 0 : i32
          %sign3A_146 = arith.cmpi sgt, %add3A_144, %sign3A : i32
          %sign3A_147 = arith.extui %sign3A_146 : i1 to i32
          %sign3A_148 = arith.constant 0 : i32
          %sign3A_149 = arith.cmpi slt, %add3A_144, %sign3A_148 : i32
          %sign3A_150 = arith.extui %sign3A_149 : i1 to i32
          %sign3A_151 = arith.subi %sign3A_147, %sign3A_150 : i32
          %sign3A_152 = arith.constant 0 : i32
          %sign3A_153 = arith.cmpi sgt, %jit3A_145, %sign3A_152 : i32
          %sign3A_154 = arith.extui %sign3A_153 : i1 to i32
          %sign3A_155 = arith.constant 0 : i32
          %sign3A_156 = arith.cmpi slt, %jit3A_145, %sign3A_155 : i32
          %sign3A_157 = arith.extui %sign3A_156 : i1 to i32
          %sign3A_158 = arith.subi %sign3A_154, %sign3A_157 : i32
          %ne3A = arith.cmpi ne, %sign3A_151, %sign3A_158 : i32
          %rem3A = arith.remsi %add3A_144, %jit3A_145 : i32
          %ne3A_159 = arith.constant 0 : i32
          %ne3A_160 = arith.cmpi ne, %rem3A, %ne3A_159 : i32
          %and3A = arith.andi %ne3A, %ne3A_160 : i1
          %sub3A = arith.constant 1 : i32
          %sub3A_161 = arith.subi %div3A, %sub3A : i32
          %select_n3A_162 = arith.select %and3A, %sub3A_161, %div3A : i32
          %mul3A_163 = arith.constant 16 : i32
          %mul3A_164 = arith.muli %select_n3A_162, %mul3A_163 : i32
          %get3A = arith.index_cast %mul3A_164 : i32 to index
          %get3A_165 = tpu.vector_load %arg12[%get3A] {strides = array<i32>} : memref<32xi32, #tpu.memory_space<vmem>>, vector<16xi32>,
          %jit3A_166 = arith.constant 16 : i32
          %eq3A_167 = arith.constant 0 : i32
          %eq3A_168 = arith.cmpi eq, %jit3A_166, %eq3A_167 : i32
          %jit3A_169 = arith.constant 1 : i32
          %select_n3A_170 = arith.select %eq3A_168, %jit3A_169, %jit3A_166 : i32
          %rem3A_171 = arith.remsi %add3A_144, %select_n3A_170 : i32
          %ne3A_172 = arith.constant 0 : i32
          %ne3A_173 = arith.cmpi ne, %rem3A_171, %ne3A_172 : i32
          %lt3A = arith.constant 0 : i32
          %lt3A_174 = arith.cmpi slt, %rem3A_171, %lt3A : i32
          %lt3A_175 = arith.constant 0 : i32
          %lt3A_176 = arith.cmpi slt, %select_n3A_170, %lt3A_175 : i32
          %ne3A_177 = arith.xori %lt3A_174, %lt3A_176 : i1
          %and3A_178 = arith.andi %ne3A_177, %ne3A_173 : i1
          %add3A_179 = arith.addi %rem3A_171, %select_n3A_170 : i32
          %select_n3A_180 = arith.select %and3A_178, %add3A_179, %rem3A_171 : i32
          %eq3A_181 = vector.broadcast %select_n3A_180 : i32 to vector<16xi32>
          %eq3A_182 = arith.cmpi eq, %iota3A, %eq3A_181 : vector<16xi32>
          %jit3A_183 = arith.constant 0 : i32
          %broadcast_in_dim3A_184 = vector.broadcast %jit3A_183 : i32 to vector<16xi32>
          %select_n3A_185 = arith.select %eq3A_182, %get3A_165, %broadcast_in_dim3A_184 : vector<16xi1>, vector<16xi32>
          %reduce_sum3A = arith.constant true
          %reduce_sum3A_186 = vector.broadcast %reduce_sum3A : i1 to vector<16xi1>
          %reduce_sum3A_187 = tpu.scan <sum>, %select_n3A_185 masked %reduce_sum3A_186 : vector<16xi32>, vector<16xi1> -> vector<16xi32>
          %reduce_sum3A_188 = vector.extract %reduce_sum3A_187[15] : i32 from vector<16xi32>
          %sub3A_189 = arith.subi %reduce_sum3A_188, %mul3A_80 : i32
          %ge3A = arith.constant 0 : i32
          %ge3A_190 = arith.cmpi sge, %sub3A_189, %ge3A : i32
          %lt3A_191 = arith.constant 3200 : i32
          %lt3A_192 = arith.cmpi slt, %sub3A_189, %lt3A_191 : i32
          %and3A_193 = arith.andi %ge3A_190, %lt3A_192 : i1
          %jit3A_194 = arith.constant 0 : i32
          %jit3A_195 = arith.constant 3199 : i32
          %max3A = arith.maxsi %jit3A_194, %sub3A_189 : i32
          %min3A = arith.minsi %jit3A_195, %max3A : i32
          %jit3A_196 = arith.constant 16 : i32
          %div3A_197 = arith.divsi %min3A, %jit3A_196 : i32
          %sign3A_198 = arith.constant 0 : i32
          %sign3A_199 = arith.cmpi sgt, %min3A, %sign3A_198 : i32
          %sign3A_200 = arith.extui %sign3A_199 : i1 to i32
          %sign3A_201 = arith.constant 0 : i32
          %sign3A_202 = arith.cmpi slt, %min3A, %sign3A_201 : i32
          %sign3A_203 = arith.extui %sign3A_202 : i1 to i32
          %sign3A_204 = arith.subi %sign3A_200, %sign3A_203 : i32
          %sign3A_205 = arith.constant 0 : i32
          %sign3A_206 = arith.cmpi sgt, %jit3A_196, %sign3A_205 : i32
          %sign3A_207 = arith.extui %sign3A_206 : i1 to i32
          %sign3A_208 = arith.constant 0 : i32
          %sign3A_209 = arith.cmpi slt, %jit3A_196, %sign3A_208 : i32
          %sign3A_210 = arith.extui %sign3A_209 : i1 to i32
          %sign3A_211 = arith.subi %sign3A_207, %sign3A_210 : i32
          %ne3A_212 = arith.cmpi ne, %sign3A_204, %sign3A_211 : i32
          %rem3A_213 = arith.remsi %min3A, %jit3A_196 : i32
          %ne3A_214 = arith.constant 0 : i32
          %ne3A_215 = arith.cmpi ne, %rem3A_213, %ne3A_214 : i32
          %and3A_216 = arith.andi %ne3A_212, %ne3A_215 : i1
          %sub3A_217 = arith.constant 1 : i32
          %sub3A_218 = arith.subi %div3A_197, %sub3A_217 : i32
          %select_n3A_219 = arith.select %and3A_216, %sub3A_218, %div3A_197 : i32
          %mul3A_220 = arith.constant 16 : i32
          %mul3A_221 = arith.muli %select_n3A_219, %mul3A_220 : i32
          %get3A_222 = arith.index_cast %scan3A_109 : i32 to index
          %get3A_223 = arith.index_cast %mul3A_221 : i32 to index
          %get3A_224 = tpu.vector_load %arg6[%get3A_222, %get3A_223] {strides = array<i32>} : memref<8x3200xf32, #tpu.memory_space<vmem>>, vector<16xf32>,
          %sub3A_225 = arith.subi %min3A, %mul3A_221 : i32
          %eq3A_226 = vector.broadcast %sub3A_225 : i32 to vector<16xi32>
          %eq3A_227 = arith.cmpi eq, %iota3A, %eq3A_226 : vector<16xi32>
          %jit3A_228 = arith.constant 0.000000e+00 : f32
          %broadcast_in_dim3A_229 = vector.broadcast %jit3A_228 : f32 to vector<16xf32>
          %select_n3A_230 = arith.select %eq3A_227, %get3A_224, %broadcast_in_dim3A_229 : vector<16xi1>, vector<16xf32>
          %reduce_sum3A_231 = arith.constant true
          %reduce_sum3A_232 = vector.broadcast %reduce_sum3A_231 : i1 to vector<16xi1>
          %reduce_sum3A_233 = tpu.scan <sum>, %select_n3A_230 masked %reduce_sum3A_232 : vector<16xf32>, vector<16xi1> -> vector<16xf32>
          %reduce_sum3A_234 = vector.extract %reduce_sum3A_233[15] : f32 from vector<16xf32>
          %convert_element_type3A = arith.extui %and3A_193 : i1 to i32
          %convert_element_type3A_235 = arith.sitofp %convert_element_type3A : i32 to f32
          %mul3A_236 = arith.mulf %convert_element_type3A_235, %reduce_sum3A_234 : f32
          %jit3A_237 = arith.constant 16 : i32
          %eq3A_238 = arith.constant 0 : i32
          %eq3A_239 = arith.cmpi eq, %jit3A_237, %eq3A_238 : i32
          %jit3A_240 = arith.constant 1 : i32
          %select_n3A_241 = arith.select %eq3A_239, %jit3A_240, %jit3A_237 : i32
          %rem3A_242 = arith.remsi %add3A_144, %select_n3A_241 : i32
          %ne3A_243 = arith.constant 0 : i32
          %ne3A_244 = arith.cmpi ne, %rem3A_242, %ne3A_243 : i32
          %lt3A_245 = arith.constant 0 : i32
          %lt3A_246 = arith.cmpi slt, %rem3A_242, %lt3A_245 : i32
          %lt3A_247 = arith.constant 0 : i32
          %lt3A_248 = arith.cmpi slt, %select_n3A_241, %lt3A_247 : i32
          %ne3A_249 = arith.xori %lt3A_246, %lt3A_248 : i1
          %and3A_250 = arith.andi %ne3A_249, %ne3A_244 : i1
          %add3A_251 = arith.addi %rem3A_242, %select_n3A_241 : i32
          %select_n3A_252 = arith.select %and3A_250, %add3A_251, %rem3A_242 : i32
          %eq3A_253 = vector.broadcast %select_n3A_252 : i32 to vector<16xi32>
          %eq3A_254 = arith.cmpi eq, %iota3A, %eq3A_253 : vector<16xi32>
          %jit3A_255 = arith.constant 1.000000e+00 : f32
          %jit3A_256 = arith.constant 0.000000e+00 : f32
          %broadcast_in_dim3A_257 = vector.broadcast %jit3A_255 : f32 to vector<16xf32>
          %broadcast_in_dim3A_258 = vector.broadcast %jit3A_256 : f32 to vector<16xf32>
          %select_n3A_259 = arith.select %eq3A_254, %broadcast_in_dim3A_257, %broadcast_in_dim3A_258 : vector<16xi1>, vector<16xf32>
          %mul3A_260 = vector.broadcast %mul3A_236 : f32 to vector<16xf32>
          %mul3A_261 = arith.mulf %mul3A_260, %select_n3A_259 : vector<16xf32>
          %lt3A_262 = arith.constant 16 : i32
          %lt3A_263 = arith.cmpi slt, %add3A_144, %lt3A_262 : i32
          %jit3A_264 = arith.constant 0.000000e+00 : f32
          %broadcast_in_dim3A_265 = vector.broadcast %jit3A_264 : f32 to vector<16xf32>
          %select_n3A_266 = arith.select %lt3A_263, %mul3A_261, %broadcast_in_dim3A_265 : vector<16xf32>
          %add3A_267 = arith.addf %scan3A_112, %select_n3A_266 : vector<16xf32>
          %ge3A_268 = arith.constant 16 : i32
          %ge3A_269 = arith.cmpi sge, %add3A_144, %ge3A_268 : i32
          %jit3A_270 = arith.constant 0.000000e+00 : f32
          %broadcast_in_dim3A_271 = vector.broadcast %jit3A_270 : f32 to vector<16xf32>
          %select_n3A_272 = arith.select %ge3A_269, %mul3A_261, %broadcast_in_dim3A_271 : vector<16xf32>
          %add3A_273 = arith.addf %scan3A_113, %select_n3A_272 : vector<16xf32>
          %eq3A_274 = vector.broadcast %scan3A_109 : i32 to vector<16xi32>
          %eq3A_275 = arith.cmpi eq, %iota3A, %eq3A_274 : vector<16xi32>
          %select_n3A_276 = arith.select %eq3A_275, %scan3A_140#0, %scan3A_110 : vector<16xi1>, vector<16xf32>
          %eq3A_277 = vector.broadcast %scan3A_109 : i32 to vector<16xi32>
          %eq3A_278 = arith.cmpi eq, %iota3A, %eq3A_277 : vector<16xi32>
          %select_n3A_279 = arith.select %eq3A_278, %scan3A_140#1, %scan3A_111 : vector<16xi1>, vector<16xi32>
          scf.yield %select_n3A_276, %select_n3A_279, %add3A_267, %add3A_273 : vector<16xf32>, vector<16xi32>, vector<16xf32>, vector<16xf32>
        }
        %scan3A_86 = arith.constant 8 : i32
        %add3A_87 = arith.constant 1 : i32
        %add3A_88 = arith.addi %mul3A_68, %add3A_87 : i32
        %mul3A_89 = arith.constant 3200 : i32
        %mul3A_90 = arith.muli %add3A_88, %mul3A_89 : i32
        %dma_wait3A_91 = tpu.memref_slice %arg2[%add3A_19, %mul3A_90] : memref<1024x100000xf32, #tpu.memory_space<hbm>> -> memref<8x3200xf32, #tpu.memory_space<hbm>>
        %dma_wait3A_92 = tpu.memref_slice %arg2[%add3A_19, %mul3A_90] : memref<1024x100000xf32, #tpu.memory_space<hbm>> -> memref<8x3200xf32, #tpu.memory_space<hbm>>
        tpu.wait_dma2 semaphore(%arg15 : memref<!tpu.dma_semaphore, #tpu.memory_space<semaphore_mem>>) src(%dma_wait3A_92 : memref<8x3200xf32, #tpu.memory_space<hbm>>) dst(%arg7 : memref<8x3200xf32, #tpu.memory_space<vmem>>)
        %add3A_93 = arith.constant 2 : i32
        %add3A_94 = arith.addi %mul3A_68, %add3A_93 : i32
        %mul3A_95 = arith.constant 3200 : i32
        %mul3A_96 = arith.muli %add3A_94, %mul3A_95 : i32
        %dma_start3A_97 = tpu.memref_slice %arg2[%add3A_19, %mul3A_96] : memref<1024x100000xf32, #tpu.memory_space<hbm>> -> memref<8x3200xf32, #tpu.memory_space<hbm>>
        %dma_start3A_98 = tpu.memref_slice %arg2[%add3A_19, %mul3A_96] : memref<1024x100000xf32, #tpu.memory_space<hbm>> -> memref<8x3200xf32, #tpu.memory_space<hbm>>
        tpu.enqueue_dma source(%dma_start3A_98 : memref<8x3200xf32, #tpu.memory_space<hbm>>) target(%arg6 : memref<8x3200xf32, #tpu.memory_space<vmem>>) target_semaphore(%arg14 : memref<!tpu.dma_semaphore, #tpu.memory_space<semaphore_mem>>)
        %add3A_99 = arith.constant 1 : i32
        %add3A_100 = arith.addi %mul3A_68, %add3A_99 : i32
        %mul3A_101 = arith.constant 3200 : i32
        %mul3A_102 = arith.muli %add3A_100, %mul3A_101 : i32
        %scan3A_103 = arith.constant 0 : i32
        %scan3A_104 = arith.constant 8 : i32
        %scan3A_105 = arith.addi %scan3A_103, %scan3A_104 : i32
        %scan3A_106 = arith.constant 1 : i32
        %scan3A_107:4 = scf.for %scan3A_109 = %scan3A_103 to %scan3A_105 step %scan3A_106 iter_args(%scan3A_110 = %scan3A_85#0, %scan3A_111 = %scan3A_85#1, %scan3A_112 = %scan3A_85#2, %scan3A_113 = %scan3A_85#3) -> (vector<16xf32>, vector<16xi32>, vector<16xf32>, vector<16xf32>)  : i32 {
          %eq3A = vector.broadcast %scan3A_109 : i32 to vector<16xi32>
          %eq3A_114 = arith.cmpi eq, %iota3A, %eq3A : vector<16xi32>
          %jit3A = arith.constant 0xFF800000 : f32
          %broadcast_in_dim3A_115 = vector.broadcast %jit3A : f32 to vector<16xf32>
          %select_n3A = arith.select %eq3A_114, %scan3A_110, %broadcast_in_dim3A_115 : vector<16xi1>, vector<16xf32>
          %reduce_max3A = arith.constant true
          %reduce_max3A_116 = vector.broadcast %reduce_max3A : i1 to vector<16xi1>
          %reduce_max3A_117 = tpu.scan <max>, %select_n3A masked %reduce_max3A_116 : vector<16xf32>, vector<16xi1> -> vector<16xf32>
          %reduce_max3A_118 = vector.extract %reduce_max3A_117[15] : f32 from vector<16xf32>
          %broadcast_in_dim3A_119 = vector.broadcast %reduce_max3A_118 : f32 to vector<16xf32>
          %eq3A_120 = vector.broadcast %scan3A_109 : i32 to vector<16xi32>
          %eq3A_121 = arith.cmpi eq, %iota3A, %eq3A_120 : vector<16xi32>
          %jit3A_122 = arith.constant 0 : i32
          %broadcast_in_dim3A_123 = vector.broadcast %jit3A_122 : i32 to vector<16xi32>
          %select_n3A_124 = arith.select %eq3A_121, %scan3A_111, %broadcast_in_dim3A_123 : vector<16xi1>, vector<16xi32>
          %reduce_max3A_125 = arith.constant true
          %reduce_max3A_126 = vector.broadcast %reduce_max3A_125 : i1 to vector<16xi1>
          %reduce_max3A_127 = arith.constant -2147483648 : i32
          %reduce_max3A_128 = vector.broadcast %reduce_max3A_127 : i32 to vector<16xi32>
          %reduce_max3A_129 = arith.xori %select_n3A_124, %reduce_max3A_128 : vector<16xi32>
          %reduce_max3A_130 = tpu.scan <max>, %reduce_max3A_129 masked %reduce_max3A_126 : vector<16xi32>, vector<16xi1> -> vector<16xi32>
          %reduce_max3A_131 = arith.xori %reduce_max3A_130, %reduce_max3A_128 : vector<16xi32>
          %reduce_max3A_132 = vector.extract %reduce_max3A_131[15] : i32 from vector<16xi32>
          %broadcast_in_dim3A_133 = vector.broadcast %reduce_max3A_132 : i32 to vector<16xi32>
          %mul3A_134 = arith.constant 4096 : i32
          %mul3A_135 = arith.muli %scan3A_109, %mul3A_134 : i32
          %scan3A_136 = arith.constant 0 : i32
          %scan3A_137 = arith.constant 2 : i32
          %scan3A_138 = arith.addi %scan3A_136, %scan3A_137 : i32
          %scan3A_139 = arith.constant 1 : i32
          %scan3A_140:2 = scf.for %scan3A_280 = %scan3A_136 to %scan3A_138 step %scan3A_139 iter_args(%scan3A_281 = %broadcast_in_dim3A_119, %scan3A_282 = %broadcast_in_dim3A_133) -> (vector<16xf32>, vector<16xi32>)  : i32 {
            %mul3A_283 = arith.constant 100 : i32
            %mul3A_284 = arith.muli %scan3A_280, %mul3A_283 : i32
            %add3A_285 = arith.constant 1 : i32
            %add3A_286 = arith.addi %scan3A_280, %add3A_285 : i32
            %mul3A_287 = arith.constant 100 : i32
            %mul3A_288 = arith.muli %add3A_286, %mul3A_287 : i32
            %parallel_loop3A = arith.constant 1 : i32
            %parallel_loop3A_289 = scf.for %parallel_loop3A_302 = %mul3A_284 to %mul3A_288 step %parallel_loop3A iter_args(%parallel_loop3A_303 = %scan3A_282) -> (vector<16xi32>)  : i32 {
              %parallel_loop3A_304 = arith.constant 16 : i32
              %parallel_loop3A_305 = arith.muli %parallel_loop3A_302, %parallel_loop3A_304 : i32
              %parallel_loop3A_306 = arith.index_cast %scan3A_109 : i32 to index
              %parallel_loop3A_307 = arith.index_cast %parallel_loop3A_305 : i32 to index
              %parallel_loop3A_308 = tpu.vector_load %arg7[%parallel_loop3A_306, %parallel_loop3A_307] {strides = array<i32>} : memref<8x3200xf32, #tpu.memory_space<vmem>>, vector<16xf32>,
              %parallel_loop3A_309 = arith.cmpf ogt, %parallel_loop3A_308, %scan3A_281 : vector<16xf32>
              %parallel_loop3A_310 = arith.extui %parallel_loop3A_309 : vector<16xi1> to vector<16xi32>
              %parallel_loop3A_311 = arith.constant true
              %parallel_loop3A_312 = vector.broadcast %parallel_loop3A_311 : i1 to vector<16xi1>
              %parallel_loop3A_313 = tpu.scan <sum>, %parallel_loop3A_310 masked %parallel_loop3A_312 : vector<16xi32>, vector<16xi1> -> vector<16xi32>
              %parallel_loop3A_314 = arith.addi %parallel_loop3A_303, %parallel_loop3A_313 : vector<16xi32>
              %parallel_loop3A_315 = arith.constant 1 : i32
              %parallel_loop3A_316 = vector.broadcast %parallel_loop3A_315 : i32 to vector<16xi32>
              %parallel_loop3A_317 = arith.subi %parallel_loop3A_314, %parallel_loop3A_316 : vector<16xi32>
              %parallel_loop3A_318 = vector.broadcast %mul3A_135 : i32 to vector<16xi32>
              %parallel_loop3A_319 = arith.addi %parallel_loop3A_318, %parallel_loop3A_317 : vector<16xi32>
              tpu.vector_store_idx %arg9[%parallel_loop3A_319], %parallel_loop3A_308 masked %parallel_loop3A_309 : memref<32768xf32, #tpu.memory_space<vmem>>[vector<16xi32>], vector<16xf32>, vector<16xi1>
              %parallel_loop3A_320 = tpu.all_reduce %parallel_loop3A_309 {dim = 0 : i64, kind = #tpu.reduction_kind<sum>} : vector<16xi1> -> vector<16xi32>
              %parallel_loop3A_321 = arith.addi %parallel_loop3A_303, %parallel_loop3A_320 : vector<16xi32>
              scf.yield %parallel_loop3A_321 : vector<16xi32>
            } {sc.loop_unroll_factor = 10 : i64, sc.parallel_access}
            %reduce_max3A_290 = arith.constant true
            %reduce_max3A_291 = vector.broadcast %reduce_max3A_290 : i1 to vector<16xi1>
            %reduce_max3A_292 = arith.constant -2147483648 : i32
            %reduce_max3A_293 = vector.broadcast %reduce_max3A_292 : i32 to vector<16xi32>
            %reduce_max3A_294 = arith.xori %parallel_loop3A_289, %reduce_max3A_293 : vector<16xi32>
            %reduce_max3A_295 = tpu.scan <max>, %reduce_max3A_294 masked %reduce_max3A_291 : vector<16xi32>, vector<16xi1> -> vector<16xi32>
            %reduce_max3A_296 = arith.xori %reduce_max3A_295, %reduce_max3A_293 : vector<16xi32>
            %reduce_max3A_297 = vector.extract %reduce_max3A_296[15] : i32 from vector<16xi32>
            %gt3A = arith.constant 2048 : i32
            %gt3A_298 = arith.cmpi sgt, %reduce_max3A_297, %gt3A : i32
            %convert_element_type3A_299 = arith.extui %gt3A_298 : i1 to i32
            %cond3A = arith.constant 0 : i32
            %cond3A_300 = arith.cmpi ne, %convert_element_type3A_299, %cond3A : i32
            %cond3A_301:2 = scf.if %cond3A_300 -> (vector<16xf32>, vector<16xi32>) {
              %add3A_302 = arith.constant 63 : i32
              %add3A_303 = arith.addi %reduce_max3A_297, %add3A_302 : i32
              %jit3A_304 = arith.constant 64 : i32
              %div3A_305 = arith.divsi %add3A_303, %jit3A_304 : i32
              %sign3A_306 = arith.constant 0 : i32
              %sign3A_307 = arith.cmpi sgt, %add3A_303, %sign3A_306 : i32
              %sign3A_308 = arith.extui %sign3A_307 : i1 to i32
              %sign3A_309 = arith.constant 0 : i32
              %sign3A_310 = arith.cmpi slt, %add3A_303, %sign3A_309 : i32
              %sign3A_311 = arith.extui %sign3A_310 : i1 to i32
              %sign3A_312 = arith.subi %sign3A_308, %sign3A_311 : i32
              %sign3A_313 = arith.constant 0 : i32
              %sign3A_314 = arith.cmpi sgt, %jit3A_304, %sign3A_313 : i32
              %sign3A_315 = arith.extui %sign3A_314 : i1 to i32
              %sign3A_316 = arith.constant 0 : i32
              %sign3A_317 = arith.cmpi slt, %jit3A_304, %sign3A_316 : i32
              %sign3A_318 = arith.extui %sign3A_317 : i1 to i32
              %sign3A_319 = arith.subi %sign3A_315, %sign3A_318 : i32
              %ne3A_320 = arith.cmpi ne, %sign3A_312, %sign3A_319 : i32
              %rem3A_321 = arith.remsi %add3A_303, %jit3A_304 : i32
              %ne3A_322 = arith.constant 0 : i32
              %ne3A_323 = arith.cmpi ne, %rem3A_321, %ne3A_322 : i32
              %and3A_324 = arith.andi %ne3A_320, %ne3A_323 : i1
              %sub3A_325 = arith.constant 1 : i32
              %sub3A_326 = arith.subi %div3A_305, %sub3A_325 : i32
              %select_n3A_327 = arith.select %and3A_324, %sub3A_326, %div3A_305 : i32
              %iota3A_328 = tpu.iota {dimensions = array<i32: 0>} : vector<16xi32>
              %mul3A_329 = arith.constant 4 : i32
              %mul3A_330 = arith.muli %select_n3A_327, %mul3A_329 : i32
              %parallel_loop3A_331 = arith.constant 0 : i32
              %parallel_loop3A_332 = arith.constant 1 : i32
              %parallel_loop3A_333 = arith.constant 0 : i32
              %parallel_loop3A_334 = scf.for %parallel_loop3A_471 = %parallel_loop3A_331 to %mul3A_330 step %parallel_loop3A_332 iter_args(%parallel_loop3A_472 = %parallel_loop3A_333) -> (i32)  : i32 {
                %parallel_loop3A_473 = arith.constant 16 : i32
                %parallel_loop3A_474 = arith.muli %parallel_loop3A_471, %parallel_loop3A_473 : i32
                %parallel_loop3A_475 = tpu.memref_slice %arg9[%mul3A_135] : memref<32768xf32, #tpu.memory_space<vmem>> -> memref<4096xf32, #tpu.memory_space<vmem>>
                %parallel_loop3A_476 = arith.index_cast %parallel_loop3A_474 : i32 to index
                %parallel_loop3A_477 = tpu.vector_load %parallel_loop3A_475[%parallel_loop3A_476] {strides = array<i32>} : memref<4096xf32, #tpu.memory_space<vmem>>, vector<16xf32>,
                %parallel_loop3A_478 = vector.bitcast %parallel_loop3A_477 : vector<16xf32> to vector<16xi32>
                %parallel_loop3A_479 = arith.constant 0 : i32
                %parallel_loop3A_480 = vector.broadcast %parallel_loop3A_479 : i32 to vector<16xi32>
                %parallel_loop3A_481 = arith.cmpi sge, %parallel_loop3A_478, %parallel_loop3A_480 : vector<16xi32>
                %parallel_loop3A_482 = arith.constant dense<-1> : vector<16xi32>
                %parallel_loop3A_483 = arith.xori %parallel_loop3A_478, %parallel_loop3A_482 : vector<16xi32>
                %parallel_loop3A_484 = arith.constant -2147483648 : i32
                %parallel_loop3A_485 = vector.broadcast %parallel_loop3A_484 : i32 to vector<16xi32>
                %parallel_loop3A_486 = arith.xori %parallel_loop3A_483, %parallel_loop3A_485 : vector<16xi32>
                %parallel_loop3A_487 = arith.select %parallel_loop3A_481, %parallel_loop3A_478, %parallel_loop3A_486 : vector<16xi1>, vector<16xi32>
                %parallel_loop3A_488 = arith.constant 16 : i32
                %parallel_loop3A_489 = arith.muli %parallel_loop3A_471, %parallel_loop3A_488 : i32
                %parallel_loop3A_490 = vector.broadcast %parallel_loop3A_489 : i32 to vector<16xi32>
                %parallel_loop3A_491 = arith.addi %parallel_loop3A_490, %iota3A_328 : vector<16xi32>
                %parallel_loop3A_492 = vector.broadcast %reduce_max3A_297 : i32 to vector<16xi32>
                %parallel_loop3A_493 = arith.cmpi slt, %parallel_loop3A_491, %parallel_loop3A_492 : vector<16xi32>
                %parallel_loop3A_494 = arith.constant -2147483648 : i32
                %parallel_loop3A_495 = vector.broadcast %parallel_loop3A_494 : i32 to vector<16xi32>
                %parallel_loop3A_496 = arith.select %parallel_loop3A_493, %parallel_loop3A_487, %parallel_loop3A_495 : vector<16xi1>, vector<16xi32>
                %parallel_loop3A_497 = arith.constant 16 : i32
                %parallel_loop3A_498 = arith.muli %parallel_loop3A_471, %parallel_loop3A_497 : i32
                %parallel_loop3A_499 = arith.index_cast %parallel_loop3A_498 : i32 to index
                %parallel_loop3A_500 = tpu.vector_load %arg10[%parallel_loop3A_499] {strides = array<i32>} : memref<4096xi32, #tpu.memory_space<vmem>>, vector<16xi32>,
                tpu.vector_store %arg10[%parallel_loop3A_499], %parallel_loop3A_496 {strides = array<i32>} : memref<4096xi32, #tpu.memory_space<vmem>>, vector<16xi32>,
                scf.yield %parallel_loop3A_472 : i32
              } {sc.loop_unroll_factor = 4 : i64, sc.parallel_access}
              %broadcast_in_dim3A_335 = arith.constant 0 : i32
              %broadcast_in_dim3A_336 = vector.broadcast %broadcast_in_dim3A_335 : i32 to vector<16xi32>
              %mul3A_337 = arith.constant 4 : i32
              %mul3A_338 = arith.muli %select_n3A_327, %mul3A_337 : i32
              %broadcast_in_dim3A_339 = arith.constant 0 : i32
              %broadcast_in_dim3A_340 = vector.broadcast %broadcast_in_dim3A_339 : i32 to vector<16xi32>
              %parallel_loop3A_341 = arith.constant 0 : i32
              %parallel_loop3A_342 = arith.constant 1 : i32
              %parallel_loop3A_343 = scf.for %parallel_loop3A_471 = %parallel_loop3A_341 to %mul3A_338 step %parallel_loop3A_342 iter_args(%parallel_loop3A_472 = %broadcast_in_dim3A_340) -> (vector<16xi32>)  : i32 {
                %parallel_loop3A_473 = arith.constant 16 : i32
                %parallel_loop3A_474 = arith.muli %parallel_loop3A_471, %parallel_loop3A_473 : i32
                %parallel_loop3A_475 = arith.index_cast %parallel_loop3A_474 : i32 to index
                %parallel_loop3A_476 = tpu.vector_load %arg10[%parallel_loop3A_475] {strides = array<i32>} : memref<4096xi32, #tpu.memory_space<vmem>>, vector<16xi32>,
                %parallel_loop3A_477 = arith.cmpi sge, %parallel_loop3A_476, %broadcast_in_dim3A_336 : vector<16xi32>
                %parallel_loop3A_478 = tpu.all_reduce %parallel_loop3A_477 {dim = 0 : i64, kind = #tpu.reduction_kind<sum>} : vector<16xi1> -> vector<16xi32>
                %parallel_loop3A_479 = arith.addi %parallel_loop3A_472, %parallel_loop3A_478 : vector<16xi32>
                scf.yield %parallel_loop3A_479 : vector<16xi32>
              } {sc.loop_unroll_factor = 4 : i64, sc.parallel_access}
              %reduce_max3A_344 = arith.constant true
              %reduce_max3A_345 = vector.broadcast %reduce_max3A_344 : i1 to vector<16xi1>
              %reduce_max3A_346 = arith.constant -2147483648 : i32
              %reduce_max3A_347 = vector.broadcast %reduce_max3A_346 : i32 to vector<16xi32>
              %reduce_max3A_348 = arith.xori %parallel_loop3A_343, %reduce_max3A_347 : vector<16xi32>
              %reduce_max3A_349 = tpu.scan <max>, %reduce_max3A_348 masked %reduce_max3A_345 : vector<16xi32>, vector<16xi1> -> vector<16xi32>
              %reduce_max3A_350 = arith.xori %reduce_max3A_349, %reduce_max3A_347 : vector<16xi32>
              %reduce_max3A_351 = vector.extract %reduce_max3A_350[15] : i32 from vector<16xi32>
              %ge3A_352 = arith.constant 100 : i32
              %ge3A_353 = arith.cmpi sge, %reduce_max3A_351, %ge3A_352 : i32
              %jit3A_354 = arith.constant 0 : i32
              %jit3A_355 = arith.constant -2147483648 : i32
              %select_n3A_356 = arith.select %ge3A_353, %jit3A_354, %jit3A_355 : i32
              %scan3A_357 = arith.constant 0 : i32
              %scan3A_358 = arith.constant 16 : i32
              %scan3A_359 = arith.addi %scan3A_357, %scan3A_358 : i32
              %scan3A_360 = arith.constant 1 : i32
              %scan3A_361 = scf.for %scan3A_471 = %scan3A_357 to %scan3A_359 step %scan3A_360 iter_args(%scan3A_472 = %select_n3A_356) -> (i32)  : i32 {
                %sub3A_473 = arith.constant 30 : i32
                %sub3A_474 = arith.subi %sub3A_473, %scan3A_471 : i32
                %shift_left3A = arith.constant 1 : i32
                %shift_left3A_475 = arith.shli %shift_left3A, %sub3A_474 : i32
                %or3A = arith.ori %scan3A_472, %shift_left3A_475 : i32
                %broadcast_in_dim3A_476 = vector.broadcast %or3A : i32 to vector<16xi32>
                %mul3A_477 = arith.constant 4 : i32
                %mul3A_478 = arith.muli %select_n3A_327, %mul3A_477 : i32
                %broadcast_in_dim3A_479 = arith.constant 0 : i32
                %broadcast_in_dim3A_480 = vector.broadcast %broadcast_in_dim3A_479 : i32 to vector<16xi32>
                %parallel_loop3A_481 = arith.constant 0 : i32
                %parallel_loop3A_482 = arith.constant 1 : i32
                %parallel_loop3A_483 = scf.for %parallel_loop3A_495 = %parallel_loop3A_481 to %mul3A_478 step %parallel_loop3A_482 iter_args(%parallel_loop3A_496 = %broadcast_in_dim3A_480) -> (vector<16xi32>)  : i32 {
                  %parallel_loop3A_497 = arith.constant 16 : i32
                  %parallel_loop3A_498 = arith.muli %parallel_loop3A_495, %parallel_loop3A_497 : i32
                  %parallel_loop3A_499 = arith.index_cast %parallel_loop3A_498 : i32 to index
                  %parallel_loop3A_500 = tpu.vector_load %arg10[%parallel_loop3A_499] {strides = array<i32>} : memref<4096xi32, #tpu.memory_space<vmem>>, vector<16xi32>,
                  %parallel_loop3A_501 = arith.cmpi sge, %parallel_loop3A_500, %broadcast_in_dim3A_476 : vector<16xi32>
                  %parallel_loop3A_502 = tpu.all_reduce %parallel_loop3A_501 {dim = 0 : i64, kind = #tpu.reduction_kind<sum>} : vector<16xi1> -> vector<16xi32>
                  %parallel_loop3A_503 = arith.addi %parallel_loop3A_496, %parallel_loop3A_502 : vector<16xi32>
                  scf.yield %parallel_loop3A_503 : vector<16xi32>
                } {sc.loop_unroll_factor = 4 : i64, sc.parallel_access}
                %reduce_max3A_484 = arith.constant true
                %reduce_max3A_485 = vector.broadcast %reduce_max3A_484 : i1 to vector<16xi1>
                %reduce_max3A_486 = arith.constant -2147483648 : i32
                %reduce_max3A_487 = vector.broadcast %reduce_max3A_486 : i32 to vector<16xi32>
                %reduce_max3A_488 = arith.xori %parallel_loop3A_483, %reduce_max3A_487 : vector<16xi32>
                %reduce_max3A_489 = tpu.scan <max>, %reduce_max3A_488 masked %reduce_max3A_485 : vector<16xi32>, vector<16xi1> -> vector<16xi32>
                %reduce_max3A_490 = arith.xori %reduce_max3A_489, %reduce_max3A_487 : vector<16xi32>
                %reduce_max3A_491 = vector.extract %reduce_max3A_490[15] : i32 from vector<16xi32>
                %ge3A_492 = arith.constant 100 : i32
                %ge3A_493 = arith.cmpi sge, %reduce_max3A_491, %ge3A_492 : i32
                %select_n3A_494 = arith.select %ge3A_493, %or3A, %scan3A_472 : i32
                scf.yield %select_n3A_494 : i32
              }
              %scan3A_362 = arith.constant 16 : i32
              %broadcast_in_dim3A_363 = vector.broadcast %scan3A_361 : i32 to vector<16xi32>
              %ge3A_364 = arith.constant 0 : i32
              %ge3A_365 = vector.broadcast %ge3A_364 : i32 to vector<16xi32>
              %ge3A_366 = arith.cmpi sge, %broadcast_in_dim3A_363, %ge3A_365 : vector<16xi32>
              %xor3A = arith.constant -2147483648 : i32
              %xor3A_367 = vector.broadcast %xor3A : i32 to vector<16xi32>
              %xor3A_368 = arith.xori %broadcast_in_dim3A_363, %xor3A_367 : vector<16xi32>
              %not3A = arith.constant dense<-1> : vector<16xi32>
              %not3A_369 = arith.xori %xor3A_368, %not3A : vector<16xi32>
              %select_n3A_370 = arith.select %ge3A_366, %broadcast_in_dim3A_363, %not3A_369 : vector<16xi1>, vector<16xi32>
              %bitcast3A = vector.bitcast %select_n3A_370 : vector<16xi32> to vector<16xf32>
              %iota3A_371 = tpu.iota {dimensions = array<i32: 0>} : vector<16xi32>
              %add3A_372 = arith.constant 31 : i32
              %add3A_373 = arith.addi %reduce_max3A_297, %add3A_372 : i32
              %jit3A_374 = arith.constant 32 : i32
              %div3A_375 = arith.divsi %add3A_373, %jit3A_374 : i32
              %sign3A_376 = arith.constant 0 : i32
              %sign3A_377 = arith.cmpi sgt, %add3A_373, %sign3A_376 : i32
              %sign3A_378 = arith.extui %sign3A_377 : i1 to i32
              %sign3A_379 = arith.constant 0 : i32
              %sign3A_380 = arith.cmpi slt, %add3A_373, %sign3A_379 : i32
              %sign3A_381 = arith.extui %sign3A_380 : i1 to i32
              %sign3A_382 = arith.subi %sign3A_378, %sign3A_381 : i32
              %sign3A_383 = arith.constant 0 : i32
              %sign3A_384 = arith.cmpi sgt, %jit3A_374, %sign3A_383 : i32
              %sign3A_385 = arith.extui %sign3A_384 : i1 to i32
              %sign3A_386 = arith.constant 0 : i32
              %sign3A_387 = arith.cmpi slt, %jit3A_374, %sign3A_386 : i32
              %sign3A_388 = arith.extui %sign3A_387 : i1 to i32
              %sign3A_389 = arith.subi %sign3A_385, %sign3A_388 : i32
              %ne3A_390 = arith.cmpi ne, %sign3A_382, %sign3A_389 : i32
              %rem3A_391 = arith.remsi %add3A_373, %jit3A_374 : i32
              %ne3A_392 = arith.constant 0 : i32
              %ne3A_393 = arith.cmpi ne, %rem3A_391, %ne3A_392 : i32
              %and3A_394 = arith.andi %ne3A_390, %ne3A_393 : i1
              %sub3A_395 = arith.constant 1 : i32
              %sub3A_396 = arith.subi %div3A_375, %sub3A_395 : i32
              %select_n3A_397 = arith.select %and3A_394, %sub3A_396, %div3A_375 : i32
              %mul3A_398 = arith.constant 2 : i32
              %mul3A_399 = arith.muli %select_n3A_397, %mul3A_398 : i32
              %broadcast_in_dim3A_400 = arith.constant 0 : i32
              %broadcast_in_dim3A_401 = vector.broadcast %broadcast_in_dim3A_400 : i32 to vector<16xi32>
              %parallel_loop3A_402 = arith.constant 0 : i32
              %parallel_loop3A_403 = arith.constant 1 : i32
              %parallel_loop3A_404 = scf.for %parallel_loop3A_471 = %parallel_loop3A_402 to %mul3A_399 step %parallel_loop3A_403 iter_args(%parallel_loop3A_472 = %broadcast_in_dim3A_401) -> (vector<16xi32>)  : i32 {
                %parallel_loop3A_473 = arith.constant 16 : i32
                %parallel_loop3A_474 = arith.muli %parallel_loop3A_471, %parallel_loop3A_473 : i32
                %parallel_loop3A_475 = tpu.memref_slice %arg9[%mul3A_135] : memref<32768xf32, #tpu.memory_space<vmem>> -> memref<4096xf32, #tpu.memory_space<vmem>>
                %parallel_loop3A_476 = arith.index_cast %parallel_loop3A_474 : i32 to index
                %parallel_loop3A_477 = tpu.vector_load %parallel_loop3A_475[%parallel_loop3A_476] {strides = array<i32>} : memref<4096xf32, #tpu.memory_space<vmem>>, vector<16xf32>,
                %parallel_loop3A_478 = arith.cmpf ogt, %parallel_loop3A_477, %bitcast3A : vector<16xf32>
                %parallel_loop3A_479 = arith.constant 16 : i32
                %parallel_loop3A_480 = arith.muli %parallel_loop3A_471, %parallel_loop3A_479 : i32
                %parallel_loop3A_481 = vector.broadcast %parallel_loop3A_480 : i32 to vector<16xi32>
                %parallel_loop3A_482 = arith.addi %parallel_loop3A_481, %iota3A_371 : vector<16xi32>
                %parallel_loop3A_483 = vector.broadcast %reduce_max3A_297 : i32 to vector<16xi32>
                %parallel_loop3A_484 = arith.cmpi slt, %parallel_loop3A_482, %parallel_loop3A_483 : vector<16xi32>
                %parallel_loop3A_485 = arith.andi %parallel_loop3A_478, %parallel_loop3A_484 : vector<16xi1>
                %parallel_loop3A_486 = arith.extui %parallel_loop3A_485 : vector<16xi1> to vector<16xi32>
                %parallel_loop3A_487 = arith.constant true
                %parallel_loop3A_488 = vector.broadcast %parallel_loop3A_487 : i1 to vector<16xi1>
                %parallel_loop3A_489 = tpu.scan <sum>, %parallel_loop3A_486 masked %parallel_loop3A_488 : vector<16xi32>, vector<16xi1> -> vector<16xi32>
                %parallel_loop3A_490 = arith.addi %parallel_loop3A_472, %parallel_loop3A_489 : vector<16xi32>
                %parallel_loop3A_491 = arith.constant 1 : i32
                %parallel_loop3A_492 = vector.broadcast %parallel_loop3A_491 : i32 to vector<16xi32>
                %parallel_loop3A_493 = arith.subi %parallel_loop3A_490, %parallel_loop3A_492 : vector<16xi32>
                %parallel_loop3A_494 = tpu.memref_slice %arg9[%mul3A_135] : memref<32768xf32, #tpu.memory_space<vmem>> -> memref<4096xf32, #tpu.memory_space<vmem>>
                tpu.vector_store_idx %parallel_loop3A_494[%parallel_loop3A_493], %parallel_loop3A_477 masked %parallel_loop3A_485 : memref<4096xf32, #tpu.memory_space<vmem>>[vector<16xi32>], vector<16xf32>, vector<16xi1>
                %parallel_loop3A_495 = tpu.all_reduce %parallel_loop3A_485 {dim = 0 : i64, kind = #tpu.reduction_kind<sum>} : vector<16xi1> -> vector<16xi32>
                %parallel_loop3A_496 = arith.addi %parallel_loop3A_472, %parallel_loop3A_495 : vector<16xi32>
                scf.yield %parallel_loop3A_496 : vector<16xi32>
              } {sc.loop_unroll_factor = 2 : i64, sc.parallel_access}
              %reduce_max3A_405 = arith.constant true
              %reduce_max3A_406 = vector.broadcast %reduce_max3A_405 : i1 to vector<16xi1>
              %reduce_max3A_407 = arith.constant -2147483648 : i32
              %reduce_max3A_408 = vector.broadcast %reduce_max3A_407 : i32 to vector<16xi32>
              %reduce_max3A_409 = arith.xori %parallel_loop3A_404, %reduce_max3A_408 : vector<16xi32>
              %reduce_max3A_410 = tpu.scan <max>, %reduce_max3A_409 masked %reduce_max3A_406 : vector<16xi32>, vector<16xi1> -> vector<16xi32>
              %reduce_max3A_411 = arith.xori %reduce_max3A_410, %reduce_max3A_408 : vector<16xi32>
              %reduce_max3A_412 = vector.extract %reduce_max3A_411[15] : i32 from vector<16xi32>
              %add3A_413 = arith.constant 0 : i32
              %add3A_414 = arith.addi %reduce_max3A_412, %add3A_413 : i32
              %add3A_415 = vector.broadcast %add3A_414 : i32 to vector<16xi32>
              %add3A_416 = arith.addi %add3A_415, %iota3A : vector<16xi32>
              %lt3A_417 = arith.constant 100 : i32
              %lt3A_418 = vector.broadcast %lt3A_417 : i32 to vector<16xi32>
              %lt3A_419 = arith.cmpi slt, %add3A_416, %lt3A_418 : vector<16xi32>
              %scatter3A = tpu.memref_slice %arg9[%mul3A_135] : memref<32768xf32, #tpu.memory_space<vmem>> -> memref<4096xf32, #tpu.memory_space<vmem>>
              tpu.vector_store_idx %scatter3A[%add3A_416], %bitcast3A masked %lt3A_419 : memref<4096xf32, #tpu.memory_space<vmem>>[vector<16xi32>], vector<16xf32>, vector<16xi1>
              %add3A_420 = arith.constant 16 : i32
              %add3A_421 = arith.addi %reduce_max3A_412, %add3A_420 : i32
              %add3A_422 = vector.broadcast %add3A_421 : i32 to vector<16xi32>
              %add3A_423 = arith.addi %add3A_422, %iota3A : vector<16xi32>
              %lt3A_424 = arith.constant 100 : i32
              %lt3A_425 = vector.broadcast %lt3A_424 : i32 to vector<16xi32>
              %lt3A_426 = arith.cmpi slt, %add3A_423, %lt3A_425 : vector<16xi32>
              %scatter3A_427 = tpu.memref_slice %arg9[%mul3A_135] : memref<32768xf32, #tpu.memory_space<vmem>> -> memref<4096xf32, #tpu.memory_space<vmem>>
              tpu.vector_store_idx %scatter3A_427[%add3A_423], %bitcast3A masked %lt3A_426 : memref<4096xf32, #tpu.memory_space<vmem>>[vector<16xi32>], vector<16xf32>, vector<16xi1>
              %add3A_428 = arith.constant 32 : i32
              %add3A_429 = arith.addi %reduce_max3A_412, %add3A_428 : i32
              %add3A_430 = vector.broadcast %add3A_429 : i32 to vector<16xi32>
              %add3A_431 = arith.addi %add3A_430, %iota3A : vector<16xi32>
              %lt3A_432 = arith.constant 100 : i32
              %lt3A_433 = vector.broadcast %lt3A_432 : i32 to vector<16xi32>
              %lt3A_434 = arith.cmpi slt, %add3A_431, %lt3A_433 : vector<16xi32>
              %scatter3A_435 = tpu.memref_slice %arg9[%mul3A_135] : memref<32768xf32, #tpu.memory_space<vmem>> -> memref<4096xf32, #tpu.memory_space<vmem>>
              tpu.vector_store_idx %scatter3A_435[%add3A_431], %bitcast3A masked %lt3A_434 : memref<4096xf32, #tpu.memory_space<vmem>>[vector<16xi32>], vector<16xf32>, vector<16xi1>
              %add3A_436 = arith.constant 48 : i32
              %add3A_437 = arith.addi %reduce_max3A_412, %add3A_436 : i32
              %add3A_438 = vector.broadcast %add3A_437 : i32 to vector<16xi32>
              %add3A_439 = arith.addi %add3A_438, %iota3A : vector<16xi32>
              %lt3A_440 = arith.constant 100 : i32
              %lt3A_441 = vector.broadcast %lt3A_440 : i32 to vector<16xi32>
              %lt3A_442 = arith.cmpi slt, %add3A_439, %lt3A_441 : vector<16xi32>
              %scatter3A_443 = tpu.memref_slice %arg9[%mul3A_135] : memref<32768xf32, #tpu.memory_space<vmem>> -> memref<4096xf32, #tpu.memory_space<vmem>>
              tpu.vector_store_idx %scatter3A_443[%add3A_439], %bitcast3A masked %lt3A_442 : memref<4096xf32, #tpu.memory_space<vmem>>[vector<16xi32>], vector<16xf32>, vector<16xi1>
              %add3A_444 = arith.constant 64 : i32
              %add3A_445 = arith.addi %reduce_max3A_412, %add3A_444 : i32
              %add3A_446 = vector.broadcast %add3A_445 : i32 to vector<16xi32>
              %add3A_447 = arith.addi %add3A_446, %iota3A : vector<16xi32>
              %lt3A_448 = arith.constant 100 : i32
              %lt3A_449 = vector.broadcast %lt3A_448 : i32 to vector<16xi32>
              %lt3A_450 = arith.cmpi slt, %add3A_447, %lt3A_449 : vector<16xi32>
              %scatter3A_451 = tpu.memref_slice %arg9[%mul3A_135] : memref<32768xf32, #tpu.memory_space<vmem>> -> memref<4096xf32, #tpu.memory_space<vmem>>
              tpu.vector_store_idx %scatter3A_451[%add3A_447], %bitcast3A masked %lt3A_450 : memref<4096xf32, #tpu.memory_space<vmem>>[vector<16xi32>], vector<16xf32>, vector<16xi1>
              %add3A_452 = arith.constant 80 : i32
              %add3A_453 = arith.addi %reduce_max3A_412, %add3A_452 : i32
              %add3A_454 = vector.broadcast %add3A_453 : i32 to vector<16xi32>
              %add3A_455 = arith.addi %add3A_454, %iota3A : vector<16xi32>
              %lt3A_456 = arith.constant 100 : i32
              %lt3A_457 = vector.broadcast %lt3A_456 : i32 to vector<16xi32>
              %lt3A_458 = arith.cmpi slt, %add3A_455, %lt3A_457 : vector<16xi32>
              %scatter3A_459 = tpu.memref_slice %arg9[%mul3A_135] : memref<32768xf32, #tpu.memory_space<vmem>> -> memref<4096xf32, #tpu.memory_space<vmem>>
              tpu.vector_store_idx %scatter3A_459[%add3A_455], %bitcast3A masked %lt3A_458 : memref<4096xf32, #tpu.memory_space<vmem>>[vector<16xi32>], vector<16xf32>, vector<16xi1>
              %add3A_460 = arith.constant 96 : i32
              %add3A_461 = arith.addi %reduce_max3A_412, %add3A_460 : i32
              %add3A_462 = vector.broadcast %add3A_461 : i32 to vector<16xi32>
              %add3A_463 = arith.addi %add3A_462, %iota3A : vector<16xi32>
              %lt3A_464 = arith.constant 100 : i32
              %lt3A_465 = vector.broadcast %lt3A_464 : i32 to vector<16xi32>
              %lt3A_466 = arith.cmpi slt, %add3A_463, %lt3A_465 : vector<16xi32>
              %scatter3A_467 = tpu.memref_slice %arg9[%mul3A_135] : memref<32768xf32, #tpu.memory_space<vmem>> -> memref<4096xf32, #tpu.memory_space<vmem>>
              tpu.vector_store_idx %scatter3A_467[%add3A_463], %bitcast3A masked %lt3A_466 : memref<4096xf32, #tpu.memory_space<vmem>>[vector<16xi32>], vector<16xf32>, vector<16xi1>
              %max3A_468 = arith.constant 100 : i32
              %max3A_469 = arith.maxsi %reduce_max3A_412, %max3A_468 : i32
              %broadcast_in_dim3A_470 = vector.broadcast %max3A_469 : i32 to vector<16xi32>
              scf.yield %bitcast3A, %broadcast_in_dim3A_470 : vector<16xf32>, vector<16xi32>
            } else {
              scf.yield %scan3A_281, %parallel_loop3A_289 : vector<16xf32>, vector<16xi32>
            }
            scf.yield %cond3A_301#0, %cond3A_301#1 : vector<16xf32>, vector<16xi32>
          }
          %scan3A_141 = arith.constant 2 : i32
          %mul3A_142 = arith.constant 8 : i32
          %mul3A_143 = arith.muli %scan3A_14, %mul3A_142 : i32
          %add3A_144 = arith.addi %mul3A_143, %scan3A_109 : i32
          %jit3A_145 = arith.constant 16 : i32
          %div3A = arith.divsi %add3A_144, %jit3A_145 : i32
          %sign3A = arith.constant 0 : i32
          %sign3A_146 = arith.cmpi sgt, %add3A_144, %sign3A : i32
          %sign3A_147 = arith.extui %sign3A_146 : i1 to i32
          %sign3A_148 = arith.constant 0 : i32
          %sign3A_149 = arith.cmpi slt, %add3A_144, %sign3A_148 : i32
          %sign3A_150 = arith.extui %sign3A_149 : i1 to i32
          %sign3A_151 = arith.subi %sign3A_147, %sign3A_150 : i32
          %sign3A_152 = arith.constant 0 : i32
          %sign3A_153 = arith.cmpi sgt, %jit3A_145, %sign3A_152 : i32
          %sign3A_154 = arith.extui %sign3A_153 : i1 to i32
          %sign3A_155 = arith.constant 0 : i32
          %sign3A_156 = arith.cmpi slt, %jit3A_145, %sign3A_155 : i32
          %sign3A_157 = arith.extui %sign3A_156 : i1 to i32
          %sign3A_158 = arith.subi %sign3A_154, %sign3A_157 : i32
          %ne3A = arith.cmpi ne, %sign3A_151, %sign3A_158 : i32
          %rem3A = arith.remsi %add3A_144, %jit3A_145 : i32
          %ne3A_159 = arith.constant 0 : i32
          %ne3A_160 = arith.cmpi ne, %rem3A, %ne3A_159 : i32
          %and3A = arith.andi %ne3A, %ne3A_160 : i1
          %sub3A = arith.constant 1 : i32
          %sub3A_161 = arith.subi %div3A, %sub3A : i32
          %select_n3A_162 = arith.select %and3A, %sub3A_161, %div3A : i32
          %mul3A_163 = arith.constant 16 : i32
          %mul3A_164 = arith.muli %select_n3A_162, %mul3A_163 : i32
          %get3A = arith.index_cast %mul3A_164 : i32 to index
          %get3A_165 = tpu.vector_load %arg12[%get3A] {strides = array<i32>} : memref<32xi32, #tpu.memory_space<vmem>>, vector<16xi32>,
          %jit3A_166 = arith.constant 16 : i32
          %eq3A_167 = arith.constant 0 : i32
          %eq3A_168 = arith.cmpi eq, %jit3A_166, %eq3A_167 : i32
          %jit3A_169 = arith.constant 1 : i32
          %select_n3A_170 = arith.select %eq3A_168, %jit3A_169, %jit3A_166 : i32
          %rem3A_171 = arith.remsi %add3A_144, %select_n3A_170 : i32
          %ne3A_172 = arith.constant 0 : i32
          %ne3A_173 = arith.cmpi ne, %rem3A_171, %ne3A_172 : i32
          %lt3A = arith.constant 0 : i32
          %lt3A_174 = arith.cmpi slt, %rem3A_171, %lt3A : i32
          %lt3A_175 = arith.constant 0 : i32
          %lt3A_176 = arith.cmpi slt, %select_n3A_170, %lt3A_175 : i32
          %ne3A_177 = arith.xori %lt3A_174, %lt3A_176 : i1
          %and3A_178 = arith.andi %ne3A_177, %ne3A_173 : i1
          %add3A_179 = arith.addi %rem3A_171, %select_n3A_170 : i32
          %select_n3A_180 = arith.select %and3A_178, %add3A_179, %rem3A_171 : i32
          %eq3A_181 = vector.broadcast %select_n3A_180 : i32 to vector<16xi32>
          %eq3A_182 = arith.cmpi eq, %iota3A, %eq3A_181 : vector<16xi32>
          %jit3A_183 = arith.constant 0 : i32
          %broadcast_in_dim3A_184 = vector.broadcast %jit3A_183 : i32 to vector<16xi32>
          %select_n3A_185 = arith.select %eq3A_182, %get3A_165, %broadcast_in_dim3A_184 : vector<16xi1>, vector<16xi32>
          %reduce_sum3A = arith.constant true
          %reduce_sum3A_186 = vector.broadcast %reduce_sum3A : i1 to vector<16xi1>
          %reduce_sum3A_187 = tpu.scan <sum>, %select_n3A_185 masked %reduce_sum3A_186 : vector<16xi32>, vector<16xi1> -> vector<16xi32>
          %reduce_sum3A_188 = vector.extract %reduce_sum3A_187[15] : i32 from vector<16xi32>
          %sub3A_189 = arith.subi %reduce_sum3A_188, %mul3A_102 : i32
          %ge3A = arith.constant 0 : i32
          %ge3A_190 = arith.cmpi sge, %sub3A_189, %ge3A : i32
          %lt3A_191 = arith.constant 3200 : i32
          %lt3A_192 = arith.cmpi slt, %sub3A_189, %lt3A_191 : i32
          %and3A_193 = arith.andi %ge3A_190, %lt3A_192 : i1
          %jit3A_194 = arith.constant 0 : i32
          %jit3A_195 = arith.constant 3199 : i32
          %max3A = arith.maxsi %jit3A_194, %sub3A_189 : i32
          %min3A = arith.minsi %jit3A_195, %max3A : i32
          %jit3A_196 = arith.constant 16 : i32
          %div3A_197 = arith.divsi %min3A, %jit3A_196 : i32
          %sign3A_198 = arith.constant 0 : i32
          %sign3A_199 = arith.cmpi sgt, %min3A, %sign3A_198 : i32
          %sign3A_200 = arith.extui %sign3A_199 : i1 to i32
          %sign3A_201 = arith.constant 0 : i32
          %sign3A_202 = arith.cmpi slt, %min3A, %sign3A_201 : i32
          %sign3A_203 = arith.extui %sign3A_202 : i1 to i32
          %sign3A_204 = arith.subi %sign3A_200, %sign3A_203 : i32
          %sign3A_205 = arith.constant 0 : i32
          %sign3A_206 = arith.cmpi sgt, %jit3A_196, %sign3A_205 : i32
          %sign3A_207 = arith.extui %sign3A_206 : i1 to i32
          %sign3A_208 = arith.constant 0 : i32
          %sign3A_209 = arith.cmpi slt, %jit3A_196, %sign3A_208 : i32
          %sign3A_210 = arith.extui %sign3A_209 : i1 to i32
          %sign3A_211 = arith.subi %sign3A_207, %sign3A_210 : i32
          %ne3A_212 = arith.cmpi ne, %sign3A_204, %sign3A_211 : i32
          %rem3A_213 = arith.remsi %min3A, %jit3A_196 : i32
          %ne3A_214 = arith.constant 0 : i32
          %ne3A_215 = arith.cmpi ne, %rem3A_213, %ne3A_214 : i32
          %and3A_216 = arith.andi %ne3A_212, %ne3A_215 : i1
          %sub3A_217 = arith.constant 1 : i32
          %sub3A_218 = arith.subi %div3A_197, %sub3A_217 : i32
          %select_n3A_219 = arith.select %and3A_216, %sub3A_218, %div3A_197 : i32
          %mul3A_220 = arith.constant 16 : i32
          %mul3A_221 = arith.muli %select_n3A_219, %mul3A_220 : i32
          %get3A_222 = arith.index_cast %scan3A_109 : i32 to index
          %get3A_223 = arith.index_cast %mul3A_221 : i32 to index
          %get3A_224 = tpu.vector_load %arg7[%get3A_222, %get3A_223] {strides = array<i32>} : memref<8x3200xf32, #tpu.memory_space<vmem>>, vector<16xf32>,
          %sub3A_225 = arith.subi %min3A, %mul3A_221 : i32
          %eq3A_226 = vector.broadcast %sub3A_225 : i32 to vector<16xi32>
          %eq3A_227 = arith.cmpi eq, %iota3A, %eq3A_226 : vector<16xi32>
          %jit3A_228 = arith.constant 0.000000e+00 : f32
          %broadcast_in_dim3A_229 = vector.broadcast %jit3A_228 : f32 to vector<16xf32>
          %select_n3A_230 = arith.select %eq3A_227, %get3A_224, %broadcast_in_dim3A_229 : vector<16xi1>, vector<16xf32>
          %reduce_sum3A_231 = arith.constant true
          %reduce_sum3A_232 = vector.broadcast %reduce_sum3A_231 : i1 to vector<16xi1>
          %reduce_sum3A_233 = tpu.scan <sum>, %select_n3A_230 masked %reduce_sum3A_232 : vector<16xf32>, vector<16xi1> -> vector<16xf32>
          %reduce_sum3A_234 = vector.extract %reduce_sum3A_233[15] : f32 from vector<16xf32>
          %convert_element_type3A = arith.extui %and3A_193 : i1 to i32
          %convert_element_type3A_235 = arith.sitofp %convert_element_type3A : i32 to f32
          %mul3A_236 = arith.mulf %convert_element_type3A_235, %reduce_sum3A_234 : f32
          %jit3A_237 = arith.constant 16 : i32
          %eq3A_238 = arith.constant 0 : i32
          %eq3A_239 = arith.cmpi eq, %jit3A_237, %eq3A_238 : i32
          %jit3A_240 = arith.constant 1 : i32
          %select_n3A_241 = arith.select %eq3A_239, %jit3A_240, %jit3A_237 : i32
          %rem3A_242 = arith.remsi %add3A_144, %select_n3A_241 : i32
          %ne3A_243 = arith.constant 0 : i32
          %ne3A_244 = arith.cmpi ne, %rem3A_242, %ne3A_243 : i32
          %lt3A_245 = arith.constant 0 : i32
          %lt3A_246 = arith.cmpi slt, %rem3A_242, %lt3A_245 : i32
          %lt3A_247 = arith.constant 0 : i32
          %lt3A_248 = arith.cmpi slt, %select_n3A_241, %lt3A_247 : i32
          %ne3A_249 = arith.xori %lt3A_246, %lt3A_248 : i1
          %and3A_250 = arith.andi %ne3A_249, %ne3A_244 : i1
          %add3A_251 = arith.addi %rem3A_242, %select_n3A_241 : i32
          %select_n3A_252 = arith.select %and3A_250, %add3A_251, %rem3A_242 : i32
          %eq3A_253 = vector.broadcast %select_n3A_252 : i32 to vector<16xi32>
          %eq3A_254 = arith.cmpi eq, %iota3A, %eq3A_253 : vector<16xi32>
          %jit3A_255 = arith.constant 1.000000e+00 : f32
          %jit3A_256 = arith.constant 0.000000e+00 : f32
          %broadcast_in_dim3A_257 = vector.broadcast %jit3A_255 : f32 to vector<16xf32>
          %broadcast_in_dim3A_258 = vector.broadcast %jit3A_256 : f32 to vector<16xf32>
          %select_n3A_259 = arith.select %eq3A_254, %broadcast_in_dim3A_257, %broadcast_in_dim3A_258 : vector<16xi1>, vector<16xf32>
          %mul3A_260 = vector.broadcast %mul3A_236 : f32 to vector<16xf32>
          %mul3A_261 = arith.mulf %mul3A_260, %select_n3A_259 : vector<16xf32>
          %lt3A_262 = arith.constant 16 : i32
          %lt3A_263 = arith.cmpi slt, %add3A_144, %lt3A_262 : i32
          %jit3A_264 = arith.constant 0.000000e+00 : f32
          %broadcast_in_dim3A_265 = vector.broadcast %jit3A_264 : f32 to vector<16xf32>
          %select_n3A_266 = arith.select %lt3A_263, %mul3A_261, %broadcast_in_dim3A_265 : vector<16xf32>
          %add3A_267 = arith.addf %scan3A_112, %select_n3A_266 : vector<16xf32>
          %ge3A_268 = arith.constant 16 : i32
          %ge3A_269 = arith.cmpi sge, %add3A_144, %ge3A_268 : i32
          %jit3A_270 = arith.constant 0.000000e+00 : f32
          %broadcast_in_dim3A_271 = vector.broadcast %jit3A_270 : f32 to vector<16xf32>
          %select_n3A_272 = arith.select %ge3A_269, %mul3A_261, %broadcast_in_dim3A_271 : vector<16xf32>
          %add3A_273 = arith.addf %scan3A_113, %select_n3A_272 : vector<16xf32>
          %eq3A_274 = vector.broadcast %scan3A_109 : i32 to vector<16xi32>
          %eq3A_275 = arith.cmpi eq, %iota3A, %eq3A_274 : vector<16xi32>
          %select_n3A_276 = arith.select %eq3A_275, %scan3A_140#0, %scan3A_110 : vector<16xi1>, vector<16xf32>
          %eq3A_277 = vector.broadcast %scan3A_109 : i32 to vector<16xi32>
          %eq3A_278 = arith.cmpi eq, %iota3A, %eq3A_277 : vector<16xi32>
          %select_n3A_279 = arith.select %eq3A_278, %scan3A_140#1, %scan3A_111 : vector<16xi1>, vector<16xi32>
          scf.yield %select_n3A_276, %select_n3A_279, %add3A_267, %add3A_273 : vector<16xf32>, vector<16xi32>, vector<16xf32>, vector<16xf32>
        }
        %scan3A_108 = arith.constant 8 : i32
        scf.yield %scan3A_107#0, %scan3A_107#1, %scan3A_107#2, %scan3A_107#3 : vector<16xf32>, vector<16xi32>, vector<16xf32>, vector<16xf32>
      }
      %scan3A_32 = arith.constant 15 : i32
      %dma_wait3A = arith.constant 96000 : i32
      %dma_wait3A_33 = tpu.memref_slice %arg2[%add3A_19, %dma_wait3A] : memref<1024x100000xf32, #tpu.memory_space<hbm>> -> memref<8x3200xf32, #tpu.memory_space<hbm>>
      %dma_wait3A_34 = arith.constant 96000 : i32
      %dma_wait3A_35 = tpu.memref_slice %arg2[%add3A_19, %dma_wait3A_34] : memref<1024x100000xf32, #tpu.memory_space<hbm>> -> memref<8x3200xf32, #tpu.memory_space<hbm>>
      tpu.wait_dma2 semaphore(%arg14 : memref<!tpu.dma_semaphore, #tpu.memory_space<semaphore_mem>>) src(%dma_wait3A_35 : memref<8x3200xf32, #tpu.memory_space<hbm>>) dst(%arg6 : memref<8x3200xf32, #tpu.memory_space<vmem>>)
      %dma_start3A_36 = arith.constant 99200 : i32
      %dma_start3A_37 = tpu.memref_slice %arg2[%add3A_19, %dma_start3A_36] : memref<1024x100000xf32, #tpu.memory_space<hbm>> -> memref<8x768xf32, #tpu.memory_space<hbm>>
      %dma_start3A_38 = arith.constant 99200 : i32
      %dma_start3A_39 = tpu.memref_slice %arg2[%add3A_19, %dma_start3A_38] : memref<1024x100000xf32, #tpu.memory_space<hbm>> -> memref<8x768xf32, #tpu.memory_space<hbm>>
      tpu.enqueue_dma source(%dma_start3A_39 : memref<8x768xf32, #tpu.memory_space<hbm>>) target(%arg8 : memref<8x768xf32, #tpu.memory_space<vmem>>) target_semaphore(%arg15 : memref<!tpu.dma_semaphore, #tpu.memory_space<semaphore_mem>>)
      %scan3A_40 = arith.constant 0 : i32
      %scan3A_41 = arith.constant 8 : i32
      %scan3A_42 = arith.addi %scan3A_40, %scan3A_41 : i32
      %scan3A_43 = arith.constant 1 : i32
      %scan3A_44:4 = scf.for %scan3A_62 = %scan3A_40 to %scan3A_42 step %scan3A_43 iter_args(%scan3A_63 = %scan3A_31#0, %scan3A_64 = %scan3A_31#1, %scan3A_65 = %scan3A_31#2, %scan3A_66 = %scan3A_31#3) -> (vector<16xf32>, vector<16xi32>, vector<16xf32>, vector<16xf32>)  : i32 {
        %eq3A = vector.broadcast %scan3A_62 : i32 to vector<16xi32>
        %eq3A_67 = arith.cmpi eq, %iota3A, %eq3A : vector<16xi32>
        %jit3A = arith.constant 0xFF800000 : f32
        %broadcast_in_dim3A_68 = vector.broadcast %jit3A : f32 to vector<16xf32>
        %select_n3A = arith.select %eq3A_67, %scan3A_63, %broadcast_in_dim3A_68 : vector<16xi1>, vector<16xf32>
        %reduce_max3A = arith.constant true
        %reduce_max3A_69 = vector.broadcast %reduce_max3A : i1 to vector<16xi1>
        %reduce_max3A_70 = tpu.scan <max>, %select_n3A masked %reduce_max3A_69 : vector<16xf32>, vector<16xi1> -> vector<16xf32>
        %reduce_max3A_71 = vector.extract %reduce_max3A_70[15] : f32 from vector<16xf32>
        %broadcast_in_dim3A_72 = vector.broadcast %reduce_max3A_71 : f32 to vector<16xf32>
        %eq3A_73 = vector.broadcast %scan3A_62 : i32 to vector<16xi32>
        %eq3A_74 = arith.cmpi eq, %iota3A, %eq3A_73 : vector<16xi32>
        %jit3A_75 = arith.constant 0 : i32
        %broadcast_in_dim3A_76 = vector.broadcast %jit3A_75 : i32 to vector<16xi32>
        %select_n3A_77 = arith.select %eq3A_74, %scan3A_64, %broadcast_in_dim3A_76 : vector<16xi1>, vector<16xi32>
        %reduce_max3A_78 = arith.constant true
        %reduce_max3A_79 = vector.broadcast %reduce_max3A_78 : i1 to vector<16xi1>
        %reduce_max3A_80 = arith.constant -2147483648 : i32
        %reduce_max3A_81 = vector.broadcast %reduce_max3A_80 : i32 to vector<16xi32>
        %reduce_max3A_82 = arith.xori %select_n3A_77, %reduce_max3A_81 : vector<16xi32>
        %reduce_max3A_83 = tpu.scan <max>, %reduce_max3A_82 masked %reduce_max3A_79 : vector<16xi32>, vector<16xi1> -> vector<16xi32>
        %reduce_max3A_84 = arith.xori %reduce_max3A_83, %reduce_max3A_81 : vector<16xi32>
        %reduce_max3A_85 = vector.extract %reduce_max3A_84[15] : i32 from vector<16xi32>
        %broadcast_in_dim3A_86 = vector.broadcast %reduce_max3A_85 : i32 to vector<16xi32>
        %mul3A_87 = arith.constant 4096 : i32
        %mul3A_88 = arith.muli %scan3A_62, %mul3A_87 : i32
        %scan3A_89 = arith.constant 0 : i32
        %scan3A_90 = arith.constant 2 : i32
        %scan3A_91 = arith.addi %scan3A_89, %scan3A_90 : i32
        %scan3A_92 = arith.constant 1 : i32
        %scan3A_93:2 = scf.for %scan3A_234 = %scan3A_89 to %scan3A_91 step %scan3A_92 iter_args(%scan3A_235 = %broadcast_in_dim3A_72, %scan3A_236 = %broadcast_in_dim3A_86) -> (vector<16xf32>, vector<16xi32>)  : i32 {
          %mul3A_237 = arith.constant 100 : i32
          %mul3A_238 = arith.muli %scan3A_234, %mul3A_237 : i32
          %add3A_239 = arith.constant 1 : i32
          %add3A_240 = arith.addi %scan3A_234, %add3A_239 : i32
          %mul3A_241 = arith.constant 100 : i32
          %mul3A_242 = arith.muli %add3A_240, %mul3A_241 : i32
          %parallel_loop3A = arith.constant 1 : i32
          %parallel_loop3A_243 = scf.for %parallel_loop3A_256 = %mul3A_238 to %mul3A_242 step %parallel_loop3A iter_args(%parallel_loop3A_257 = %scan3A_236) -> (vector<16xi32>)  : i32 {
            %parallel_loop3A_258 = arith.constant 16 : i32
            %parallel_loop3A_259 = arith.muli %parallel_loop3A_256, %parallel_loop3A_258 : i32
            %parallel_loop3A_260 = arith.index_cast %scan3A_62 : i32 to index
            %parallel_loop3A_261 = arith.index_cast %parallel_loop3A_259 : i32 to index
            %parallel_loop3A_262 = tpu.vector_load %arg6[%parallel_loop3A_260, %parallel_loop3A_261] {strides = array<i32>} : memref<8x3200xf32, #tpu.memory_space<vmem>>, vector<16xf32>,
            %parallel_loop3A_263 = arith.cmpf ogt, %parallel_loop3A_262, %scan3A_235 : vector<16xf32>
            %parallel_loop3A_264 = arith.extui %parallel_loop3A_263 : vector<16xi1> to vector<16xi32>
            %parallel_loop3A_265 = arith.constant true
            %parallel_loop3A_266 = vector.broadcast %parallel_loop3A_265 : i1 to vector<16xi1>
            %parallel_loop3A_267 = tpu.scan <sum>, %parallel_loop3A_264 masked %parallel_loop3A_266 : vector<16xi32>, vector<16xi1> -> vector<16xi32>
            %parallel_loop3A_268 = arith.addi %parallel_loop3A_257, %parallel_loop3A_267 : vector<16xi32>
            %parallel_loop3A_269 = arith.constant 1 : i32
            %parallel_loop3A_270 = vector.broadcast %parallel_loop3A_269 : i32 to vector<16xi32>
            %parallel_loop3A_271 = arith.subi %parallel_loop3A_268, %parallel_loop3A_270 : vector<16xi32>
            %parallel_loop3A_272 = vector.broadcast %mul3A_88 : i32 to vector<16xi32>
            %parallel_loop3A_273 = arith.addi %parallel_loop3A_272, %parallel_loop3A_271 : vector<16xi32>
            tpu.vector_store_idx %arg9[%parallel_loop3A_273], %parallel_loop3A_262 masked %parallel_loop3A_263 : memref<32768xf32, #tpu.memory_space<vmem>>[vector<16xi32>], vector<16xf32>, vector<16xi1>
            %parallel_loop3A_274 = tpu.all_reduce %parallel_loop3A_263 {dim = 0 : i64, kind = #tpu.reduction_kind<sum>} : vector<16xi1> -> vector<16xi32>
            %parallel_loop3A_275 = arith.addi %parallel_loop3A_257, %parallel_loop3A_274 : vector<16xi32>
            scf.yield %parallel_loop3A_275 : vector<16xi32>
          } {sc.loop_unroll_factor = 10 : i64, sc.parallel_access}
          %reduce_max3A_244 = arith.constant true
          %reduce_max3A_245 = vector.broadcast %reduce_max3A_244 : i1 to vector<16xi1>
          %reduce_max3A_246 = arith.constant -2147483648 : i32
          %reduce_max3A_247 = vector.broadcast %reduce_max3A_246 : i32 to vector<16xi32>
          %reduce_max3A_248 = arith.xori %parallel_loop3A_243, %reduce_max3A_247 : vector<16xi32>
          %reduce_max3A_249 = tpu.scan <max>, %reduce_max3A_248 masked %reduce_max3A_245 : vector<16xi32>, vector<16xi1> -> vector<16xi32>
          %reduce_max3A_250 = arith.xori %reduce_max3A_249, %reduce_max3A_247 : vector<16xi32>
          %reduce_max3A_251 = vector.extract %reduce_max3A_250[15] : i32 from vector<16xi32>
          %gt3A = arith.constant 2048 : i32
          %gt3A_252 = arith.cmpi sgt, %reduce_max3A_251, %gt3A : i32
          %convert_element_type3A_253 = arith.extui %gt3A_252 : i1 to i32
          %cond3A = arith.constant 0 : i32
          %cond3A_254 = arith.cmpi ne, %convert_element_type3A_253, %cond3A : i32
          %cond3A_255:2 = scf.if %cond3A_254 -> (vector<16xf32>, vector<16xi32>) {
            %add3A_256 = arith.constant 63 : i32
            %add3A_257 = arith.addi %reduce_max3A_251, %add3A_256 : i32
            %jit3A_258 = arith.constant 64 : i32
            %div3A_259 = arith.divsi %add3A_257, %jit3A_258 : i32
            %sign3A_260 = arith.constant 0 : i32
            %sign3A_261 = arith.cmpi sgt, %add3A_257, %sign3A_260 : i32
            %sign3A_262 = arith.extui %sign3A_261 : i1 to i32
            %sign3A_263 = arith.constant 0 : i32
            %sign3A_264 = arith.cmpi slt, %add3A_257, %sign3A_263 : i32
            %sign3A_265 = arith.extui %sign3A_264 : i1 to i32
            %sign3A_266 = arith.subi %sign3A_262, %sign3A_265 : i32
            %sign3A_267 = arith.constant 0 : i32
            %sign3A_268 = arith.cmpi sgt, %jit3A_258, %sign3A_267 : i32
            %sign3A_269 = arith.extui %sign3A_268 : i1 to i32
            %sign3A_270 = arith.constant 0 : i32
            %sign3A_271 = arith.cmpi slt, %jit3A_258, %sign3A_270 : i32
            %sign3A_272 = arith.extui %sign3A_271 : i1 to i32
            %sign3A_273 = arith.subi %sign3A_269, %sign3A_272 : i32
            %ne3A_274 = arith.cmpi ne, %sign3A_266, %sign3A_273 : i32
            %rem3A_275 = arith.remsi %add3A_257, %jit3A_258 : i32
            %ne3A_276 = arith.constant 0 : i32
            %ne3A_277 = arith.cmpi ne, %rem3A_275, %ne3A_276 : i32
            %and3A_278 = arith.andi %ne3A_274, %ne3A_277 : i1
            %sub3A_279 = arith.constant 1 : i32
            %sub3A_280 = arith.subi %div3A_259, %sub3A_279 : i32
            %select_n3A_281 = arith.select %and3A_278, %sub3A_280, %div3A_259 : i32
            %iota3A_282 = tpu.iota {dimensions = array<i32: 0>} : vector<16xi32>
            %mul3A_283 = arith.constant 4 : i32
            %mul3A_284 = arith.muli %select_n3A_281, %mul3A_283 : i32
            %parallel_loop3A_285 = arith.constant 0 : i32
            %parallel_loop3A_286 = arith.constant 1 : i32
            %parallel_loop3A_287 = arith.constant 0 : i32
            %parallel_loop3A_288 = scf.for %parallel_loop3A_425 = %parallel_loop3A_285 to %mul3A_284 step %parallel_loop3A_286 iter_args(%parallel_loop3A_426 = %parallel_loop3A_287) -> (i32)  : i32 {
              %parallel_loop3A_427 = arith.constant 16 : i32
              %parallel_loop3A_428 = arith.muli %parallel_loop3A_425, %parallel_loop3A_427 : i32
              %parallel_loop3A_429 = tpu.memref_slice %arg9[%mul3A_88] : memref<32768xf32, #tpu.memory_space<vmem>> -> memref<4096xf32, #tpu.memory_space<vmem>>
              %parallel_loop3A_430 = arith.index_cast %parallel_loop3A_428 : i32 to index
              %parallel_loop3A_431 = tpu.vector_load %parallel_loop3A_429[%parallel_loop3A_430] {strides = array<i32>} : memref<4096xf32, #tpu.memory_space<vmem>>, vector<16xf32>,
              %parallel_loop3A_432 = vector.bitcast %parallel_loop3A_431 : vector<16xf32> to vector<16xi32>
              %parallel_loop3A_433 = arith.constant 0 : i32
              %parallel_loop3A_434 = vector.broadcast %parallel_loop3A_433 : i32 to vector<16xi32>
              %parallel_loop3A_435 = arith.cmpi sge, %parallel_loop3A_432, %parallel_loop3A_434 : vector<16xi32>
              %parallel_loop3A_436 = arith.constant dense<-1> : vector<16xi32>
              %parallel_loop3A_437 = arith.xori %parallel_loop3A_432, %parallel_loop3A_436 : vector<16xi32>
              %parallel_loop3A_438 = arith.constant -2147483648 : i32
              %parallel_loop3A_439 = vector.broadcast %parallel_loop3A_438 : i32 to vector<16xi32>
              %parallel_loop3A_440 = arith.xori %parallel_loop3A_437, %parallel_loop3A_439 : vector<16xi32>
              %parallel_loop3A_441 = arith.select %parallel_loop3A_435, %parallel_loop3A_432, %parallel_loop3A_440 : vector<16xi1>, vector<16xi32>
              %parallel_loop3A_442 = arith.constant 16 : i32
              %parallel_loop3A_443 = arith.muli %parallel_loop3A_425, %parallel_loop3A_442 : i32
              %parallel_loop3A_444 = vector.broadcast %parallel_loop3A_443 : i32 to vector<16xi32>
              %parallel_loop3A_445 = arith.addi %parallel_loop3A_444, %iota3A_282 : vector<16xi32>
              %parallel_loop3A_446 = vector.broadcast %reduce_max3A_251 : i32 to vector<16xi32>
              %parallel_loop3A_447 = arith.cmpi slt, %parallel_loop3A_445, %parallel_loop3A_446 : vector<16xi32>
              %parallel_loop3A_448 = arith.constant -2147483648 : i32
              %parallel_loop3A_449 = vector.broadcast %parallel_loop3A_448 : i32 to vector<16xi32>
              %parallel_loop3A_450 = arith.select %parallel_loop3A_447, %parallel_loop3A_441, %parallel_loop3A_449 : vector<16xi1>, vector<16xi32>
              %parallel_loop3A_451 = arith.constant 16 : i32
              %parallel_loop3A_452 = arith.muli %parallel_loop3A_425, %parallel_loop3A_451 : i32
              %parallel_loop3A_453 = arith.index_cast %parallel_loop3A_452 : i32 to index
              %parallel_loop3A_454 = tpu.vector_load %arg10[%parallel_loop3A_453] {strides = array<i32>} : memref<4096xi32, #tpu.memory_space<vmem>>, vector<16xi32>,
              tpu.vector_store %arg10[%parallel_loop3A_453], %parallel_loop3A_450 {strides = array<i32>} : memref<4096xi32, #tpu.memory_space<vmem>>, vector<16xi32>,
              scf.yield %parallel_loop3A_426 : i32
            } {sc.loop_unroll_factor = 4 : i64, sc.parallel_access}
            %broadcast_in_dim3A_289 = arith.constant 0 : i32
            %broadcast_in_dim3A_290 = vector.broadcast %broadcast_in_dim3A_289 : i32 to vector<16xi32>
            %mul3A_291 = arith.constant 4 : i32
            %mul3A_292 = arith.muli %select_n3A_281, %mul3A_291 : i32
            %broadcast_in_dim3A_293 = arith.constant 0 : i32
            %broadcast_in_dim3A_294 = vector.broadcast %broadcast_in_dim3A_293 : i32 to vector<16xi32>
            %parallel_loop3A_295 = arith.constant 0 : i32
            %parallel_loop3A_296 = arith.constant 1 : i32
            %parallel_loop3A_297 = scf.for %parallel_loop3A_425 = %parallel_loop3A_295 to %mul3A_292 step %parallel_loop3A_296 iter_args(%parallel_loop3A_426 = %broadcast_in_dim3A_294) -> (vector<16xi32>)  : i32 {
              %parallel_loop3A_427 = arith.constant 16 : i32
              %parallel_loop3A_428 = arith.muli %parallel_loop3A_425, %parallel_loop3A_427 : i32
              %parallel_loop3A_429 = arith.index_cast %parallel_loop3A_428 : i32 to index
              %parallel_loop3A_430 = tpu.vector_load %arg10[%parallel_loop3A_429] {strides = array<i32>} : memref<4096xi32, #tpu.memory_space<vmem>>, vector<16xi32>,
              %parallel_loop3A_431 = arith.cmpi sge, %parallel_loop3A_430, %broadcast_in_dim3A_290 : vector<16xi32>
              %parallel_loop3A_432 = tpu.all_reduce %parallel_loop3A_431 {dim = 0 : i64, kind = #tpu.reduction_kind<sum>} : vector<16xi1> -> vector<16xi32>
              %parallel_loop3A_433 = arith.addi %parallel_loop3A_426, %parallel_loop3A_432 : vector<16xi32>
              scf.yield %parallel_loop3A_433 : vector<16xi32>
            } {sc.loop_unroll_factor = 4 : i64, sc.parallel_access}
            %reduce_max3A_298 = arith.constant true
            %reduce_max3A_299 = vector.broadcast %reduce_max3A_298 : i1 to vector<16xi1>
            %reduce_max3A_300 = arith.constant -2147483648 : i32
            %reduce_max3A_301 = vector.broadcast %reduce_max3A_300 : i32 to vector<16xi32>
            %reduce_max3A_302 = arith.xori %parallel_loop3A_297, %reduce_max3A_301 : vector<16xi32>
            %reduce_max3A_303 = tpu.scan <max>, %reduce_max3A_302 masked %reduce_max3A_299 : vector<16xi32>, vector<16xi1> -> vector<16xi32>
            %reduce_max3A_304 = arith.xori %reduce_max3A_303, %reduce_max3A_301 : vector<16xi32>
            %reduce_max3A_305 = vector.extract %reduce_max3A_304[15] : i32 from vector<16xi32>
            %ge3A_306 = arith.constant 100 : i32
            %ge3A_307 = arith.cmpi sge, %reduce_max3A_305, %ge3A_306 : i32
            %jit3A_308 = arith.constant 0 : i32
            %jit3A_309 = arith.constant -2147483648 : i32
            %select_n3A_310 = arith.select %ge3A_307, %jit3A_308, %jit3A_309 : i32
            %scan3A_311 = arith.constant 0 : i32
            %scan3A_312 = arith.constant 16 : i32
            %scan3A_313 = arith.addi %scan3A_311, %scan3A_312 : i32
            %scan3A_314 = arith.constant 1 : i32
            %scan3A_315 = scf.for %scan3A_425 = %scan3A_311 to %scan3A_313 step %scan3A_314 iter_args(%scan3A_426 = %select_n3A_310) -> (i32)  : i32 {
              %sub3A_427 = arith.constant 30 : i32
              %sub3A_428 = arith.subi %sub3A_427, %scan3A_425 : i32
              %shift_left3A = arith.constant 1 : i32
              %shift_left3A_429 = arith.shli %shift_left3A, %sub3A_428 : i32
              %or3A = arith.ori %scan3A_426, %shift_left3A_429 : i32
              %broadcast_in_dim3A_430 = vector.broadcast %or3A : i32 to vector<16xi32>
              %mul3A_431 = arith.constant 4 : i32
              %mul3A_432 = arith.muli %select_n3A_281, %mul3A_431 : i32
              %broadcast_in_dim3A_433 = arith.constant 0 : i32
              %broadcast_in_dim3A_434 = vector.broadcast %broadcast_in_dim3A_433 : i32 to vector<16xi32>
              %parallel_loop3A_435 = arith.constant 0 : i32
              %parallel_loop3A_436 = arith.constant 1 : i32
              %parallel_loop3A_437 = scf.for %parallel_loop3A_449 = %parallel_loop3A_435 to %mul3A_432 step %parallel_loop3A_436 iter_args(%parallel_loop3A_450 = %broadcast_in_dim3A_434) -> (vector<16xi32>)  : i32 {
                %parallel_loop3A_451 = arith.constant 16 : i32
                %parallel_loop3A_452 = arith.muli %parallel_loop3A_449, %parallel_loop3A_451 : i32
                %parallel_loop3A_453 = arith.index_cast %parallel_loop3A_452 : i32 to index
                %parallel_loop3A_454 = tpu.vector_load %arg10[%parallel_loop3A_453] {strides = array<i32>} : memref<4096xi32, #tpu.memory_space<vmem>>, vector<16xi32>,
                %parallel_loop3A_455 = arith.cmpi sge, %parallel_loop3A_454, %broadcast_in_dim3A_430 : vector<16xi32>
                %parallel_loop3A_456 = tpu.all_reduce %parallel_loop3A_455 {dim = 0 : i64, kind = #tpu.reduction_kind<sum>} : vector<16xi1> -> vector<16xi32>
                %parallel_loop3A_457 = arith.addi %parallel_loop3A_450, %parallel_loop3A_456 : vector<16xi32>
                scf.yield %parallel_loop3A_457 : vector<16xi32>
              } {sc.loop_unroll_factor = 4 : i64, sc.parallel_access}
              %reduce_max3A_438 = arith.constant true
              %reduce_max3A_439 = vector.broadcast %reduce_max3A_438 : i1 to vector<16xi1>
              %reduce_max3A_440 = arith.constant -2147483648 : i32
              %reduce_max3A_441 = vector.broadcast %reduce_max3A_440 : i32 to vector<16xi32>
              %reduce_max3A_442 = arith.xori %parallel_loop3A_437, %reduce_max3A_441 : vector<16xi32>
              %reduce_max3A_443 = tpu.scan <max>, %reduce_max3A_442 masked %reduce_max3A_439 : vector<16xi32>, vector<16xi1> -> vector<16xi32>
              %reduce_max3A_444 = arith.xori %reduce_max3A_443, %reduce_max3A_441 : vector<16xi32>
              %reduce_max3A_445 = vector.extract %reduce_max3A_444[15] : i32 from vector<16xi32>
              %ge3A_446 = arith.constant 100 : i32
              %ge3A_447 = arith.cmpi sge, %reduce_max3A_445, %ge3A_446 : i32
              %select_n3A_448 = arith.select %ge3A_447, %or3A, %scan3A_426 : i32
              scf.yield %select_n3A_448 : i32
            }
            %scan3A_316 = arith.constant 16 : i32
            %broadcast_in_dim3A_317 = vector.broadcast %scan3A_315 : i32 to vector<16xi32>
            %ge3A_318 = arith.constant 0 : i32
            %ge3A_319 = vector.broadcast %ge3A_318 : i32 to vector<16xi32>
            %ge3A_320 = arith.cmpi sge, %broadcast_in_dim3A_317, %ge3A_319 : vector<16xi32>
            %xor3A = arith.constant -2147483648 : i32
            %xor3A_321 = vector.broadcast %xor3A : i32 to vector<16xi32>
            %xor3A_322 = arith.xori %broadcast_in_dim3A_317, %xor3A_321 : vector<16xi32>
            %not3A = arith.constant dense<-1> : vector<16xi32>
            %not3A_323 = arith.xori %xor3A_322, %not3A : vector<16xi32>
            %select_n3A_324 = arith.select %ge3A_320, %broadcast_in_dim3A_317, %not3A_323 : vector<16xi1>, vector<16xi32>
            %bitcast3A = vector.bitcast %select_n3A_324 : vector<16xi32> to vector<16xf32>
            %iota3A_325 = tpu.iota {dimensions = array<i32: 0>} : vector<16xi32>
            %add3A_326 = arith.constant 31 : i32
            %add3A_327 = arith.addi %reduce_max3A_251, %add3A_326 : i32
            %jit3A_328 = arith.constant 32 : i32
            %div3A_329 = arith.divsi %add3A_327, %jit3A_328 : i32
            %sign3A_330 = arith.constant 0 : i32
            %sign3A_331 = arith.cmpi sgt, %add3A_327, %sign3A_330 : i32
            %sign3A_332 = arith.extui %sign3A_331 : i1 to i32
            %sign3A_333 = arith.constant 0 : i32
            %sign3A_334 = arith.cmpi slt, %add3A_327, %sign3A_333 : i32
            %sign3A_335 = arith.extui %sign3A_334 : i1 to i32
            %sign3A_336 = arith.subi %sign3A_332, %sign3A_335 : i32
            %sign3A_337 = arith.constant 0 : i32
            %sign3A_338 = arith.cmpi sgt, %jit3A_328, %sign3A_337 : i32
            %sign3A_339 = arith.extui %sign3A_338 : i1 to i32
            %sign3A_340 = arith.constant 0 : i32
            %sign3A_341 = arith.cmpi slt, %jit3A_328, %sign3A_340 : i32
            %sign3A_342 = arith.extui %sign3A_341 : i1 to i32
            %sign3A_343 = arith.subi %sign3A_339, %sign3A_342 : i32
            %ne3A_344 = arith.cmpi ne, %sign3A_336, %sign3A_343 : i32
            %rem3A_345 = arith.remsi %add3A_327, %jit3A_328 : i32
            %ne3A_346 = arith.constant 0 : i32
            %ne3A_347 = arith.cmpi ne, %rem3A_345, %ne3A_346 : i32
            %and3A_348 = arith.andi %ne3A_344, %ne3A_347 : i1
            %sub3A_349 = arith.constant 1 : i32
            %sub3A_350 = arith.subi %div3A_329, %sub3A_349 : i32
            %select_n3A_351 = arith.select %and3A_348, %sub3A_350, %div3A_329 : i32
            %mul3A_352 = arith.constant 2 : i32
            %mul3A_353 = arith.muli %select_n3A_351, %mul3A_352 : i32
            %broadcast_in_dim3A_354 = arith.constant 0 : i32
            %broadcast_in_dim3A_355 = vector.broadcast %broadcast_in_dim3A_354 : i32 to vector<16xi32>
            %parallel_loop3A_356 = arith.constant 0 : i32
            %parallel_loop3A_357 = arith.constant 1 : i32
            %parallel_loop3A_358 = scf.for %parallel_loop3A_425 = %parallel_loop3A_356 to %mul3A_353 step %parallel_loop3A_357 iter_args(%parallel_loop3A_426 = %broadcast_in_dim3A_355) -> (vector<16xi32>)  : i32 {
              %parallel_loop3A_427 = arith.constant 16 : i32
              %parallel_loop3A_428 = arith.muli %parallel_loop3A_425, %parallel_loop3A_427 : i32
              %parallel_loop3A_429 = tpu.memref_slice %arg9[%mul3A_88] : memref<32768xf32, #tpu.memory_space<vmem>> -> memref<4096xf32, #tpu.memory_space<vmem>>
              %parallel_loop3A_430 = arith.index_cast %parallel_loop3A_428 : i32 to index
              %parallel_loop3A_431 = tpu.vector_load %parallel_loop3A_429[%parallel_loop3A_430] {strides = array<i32>} : memref<4096xf32, #tpu.memory_space<vmem>>, vector<16xf32>,
              %parallel_loop3A_432 = arith.cmpf ogt, %parallel_loop3A_431, %bitcast3A : vector<16xf32>
              %parallel_loop3A_433 = arith.constant 16 : i32
              %parallel_loop3A_434 = arith.muli %parallel_loop3A_425, %parallel_loop3A_433 : i32
              %parallel_loop3A_435 = vector.broadcast %parallel_loop3A_434 : i32 to vector<16xi32>
              %parallel_loop3A_436 = arith.addi %parallel_loop3A_435, %iota3A_325 : vector<16xi32>
              %parallel_loop3A_437 = vector.broadcast %reduce_max3A_251 : i32 to vector<16xi32>
              %parallel_loop3A_438 = arith.cmpi slt, %parallel_loop3A_436, %parallel_loop3A_437 : vector<16xi32>
              %parallel_loop3A_439 = arith.andi %parallel_loop3A_432, %parallel_loop3A_438 : vector<16xi1>
              %parallel_loop3A_440 = arith.extui %parallel_loop3A_439 : vector<16xi1> to vector<16xi32>
              %parallel_loop3A_441 = arith.constant true
              %parallel_loop3A_442 = vector.broadcast %parallel_loop3A_441 : i1 to vector<16xi1>
              %parallel_loop3A_443 = tpu.scan <sum>, %parallel_loop3A_440 masked %parallel_loop3A_442 : vector<16xi32>, vector<16xi1> -> vector<16xi32>
              %parallel_loop3A_444 = arith.addi %parallel_loop3A_426, %parallel_loop3A_443 : vector<16xi32>
              %parallel_loop3A_445 = arith.constant 1 : i32
              %parallel_loop3A_446 = vector.broadcast %parallel_loop3A_445 : i32 to vector<16xi32>
              %parallel_loop3A_447 = arith.subi %parallel_loop3A_444, %parallel_loop3A_446 : vector<16xi32>
              %parallel_loop3A_448 = tpu.memref_slice %arg9[%mul3A_88] : memref<32768xf32, #tpu.memory_space<vmem>> -> memref<4096xf32, #tpu.memory_space<vmem>>
              tpu.vector_store_idx %parallel_loop3A_448[%parallel_loop3A_447], %parallel_loop3A_431 masked %parallel_loop3A_439 : memref<4096xf32, #tpu.memory_space<vmem>>[vector<16xi32>], vector<16xf32>, vector<16xi1>
              %parallel_loop3A_449 = tpu.all_reduce %parallel_loop3A_439 {dim = 0 : i64, kind = #tpu.reduction_kind<sum>} : vector<16xi1> -> vector<16xi32>
              %parallel_loop3A_450 = arith.addi %parallel_loop3A_426, %parallel_loop3A_449 : vector<16xi32>
              scf.yield %parallel_loop3A_450 : vector<16xi32>
            } {sc.loop_unroll_factor = 2 : i64, sc.parallel_access}
            %reduce_max3A_359 = arith.constant true
            %reduce_max3A_360 = vector.broadcast %reduce_max3A_359 : i1 to vector<16xi1>
            %reduce_max3A_361 = arith.constant -2147483648 : i32
            %reduce_max3A_362 = vector.broadcast %reduce_max3A_361 : i32 to vector<16xi32>
            %reduce_max3A_363 = arith.xori %parallel_loop3A_358, %reduce_max3A_362 : vector<16xi32>
            %reduce_max3A_364 = tpu.scan <max>, %reduce_max3A_363 masked %reduce_max3A_360 : vector<16xi32>, vector<16xi1> -> vector<16xi32>
            %reduce_max3A_365 = arith.xori %reduce_max3A_364, %reduce_max3A_362 : vector<16xi32>
            %reduce_max3A_366 = vector.extract %reduce_max3A_365[15] : i32 from vector<16xi32>
            %add3A_367 = arith.constant 0 : i32
            %add3A_368 = arith.addi %reduce_max3A_366, %add3A_367 : i32
            %add3A_369 = vector.broadcast %add3A_368 : i32 to vector<16xi32>
            %add3A_370 = arith.addi %add3A_369, %iota3A : vector<16xi32>
            %lt3A_371 = arith.constant 100 : i32
            %lt3A_372 = vector.broadcast %lt3A_371 : i32 to vector<16xi32>
            %lt3A_373 = arith.cmpi slt, %add3A_370, %lt3A_372 : vector<16xi32>
            %scatter3A = tpu.memref_slice %arg9[%mul3A_88] : memref<32768xf32, #tpu.memory_space<vmem>> -> memref<4096xf32, #tpu.memory_space<vmem>>
            tpu.vector_store_idx %scatter3A[%add3A_370], %bitcast3A masked %lt3A_373 : memref<4096xf32, #tpu.memory_space<vmem>>[vector<16xi32>], vector<16xf32>, vector<16xi1>
            %add3A_374 = arith.constant 16 : i32
            %add3A_375 = arith.addi %reduce_max3A_366, %add3A_374 : i32
            %add3A_376 = vector.broadcast %add3A_375 : i32 to vector<16xi32>
            %add3A_377 = arith.addi %add3A_376, %iota3A : vector<16xi32>
            %lt3A_378 = arith.constant 100 : i32
            %lt3A_379 = vector.broadcast %lt3A_378 : i32 to vector<16xi32>
            %lt3A_380 = arith.cmpi slt, %add3A_377, %lt3A_379 : vector<16xi32>
            %scatter3A_381 = tpu.memref_slice %arg9[%mul3A_88] : memref<32768xf32, #tpu.memory_space<vmem>> -> memref<4096xf32, #tpu.memory_space<vmem>>
            tpu.vector_store_idx %scatter3A_381[%add3A_377], %bitcast3A masked %lt3A_380 : memref<4096xf32, #tpu.memory_space<vmem>>[vector<16xi32>], vector<16xf32>, vector<16xi1>
            %add3A_382 = arith.constant 32 : i32
            %add3A_383 = arith.addi %reduce_max3A_366, %add3A_382 : i32
            %add3A_384 = vector.broadcast %add3A_383 : i32 to vector<16xi32>
            %add3A_385 = arith.addi %add3A_384, %iota3A : vector<16xi32>
            %lt3A_386 = arith.constant 100 : i32
            %lt3A_387 = vector.broadcast %lt3A_386 : i32 to vector<16xi32>
            %lt3A_388 = arith.cmpi slt, %add3A_385, %lt3A_387 : vector<16xi32>
            %scatter3A_389 = tpu.memref_slice %arg9[%mul3A_88] : memref<32768xf32, #tpu.memory_space<vmem>> -> memref<4096xf32, #tpu.memory_space<vmem>>
            tpu.vector_store_idx %scatter3A_389[%add3A_385], %bitcast3A masked %lt3A_388 : memref<4096xf32, #tpu.memory_space<vmem>>[vector<16xi32>], vector<16xf32>, vector<16xi1>
            %add3A_390 = arith.constant 48 : i32
            %add3A_391 = arith.addi %reduce_max3A_366, %add3A_390 : i32
            %add3A_392 = vector.broadcast %add3A_391 : i32 to vector<16xi32>
            %add3A_393 = arith.addi %add3A_392, %iota3A : vector<16xi32>
            %lt3A_394 = arith.constant 100 : i32
            %lt3A_395 = vector.broadcast %lt3A_394 : i32 to vector<16xi32>
            %lt3A_396 = arith.cmpi slt, %add3A_393, %lt3A_395 : vector<16xi32>
            %scatter3A_397 = tpu.memref_slice %arg9[%mul3A_88] : memref<32768xf32, #tpu.memory_space<vmem>> -> memref<4096xf32, #tpu.memory_space<vmem>>
            tpu.vector_store_idx %scatter3A_397[%add3A_393], %bitcast3A masked %lt3A_396 : memref<4096xf32, #tpu.memory_space<vmem>>[vector<16xi32>], vector<16xf32>, vector<16xi1>
            %add3A_398 = arith.constant 64 : i32
            %add3A_399 = arith.addi %reduce_max3A_366, %add3A_398 : i32
            %add3A_400 = vector.broadcast %add3A_399 : i32 to vector<16xi32>
            %add3A_401 = arith.addi %add3A_400, %iota3A : vector<16xi32>
            %lt3A_402 = arith.constant 100 : i32
            %lt3A_403 = vector.broadcast %lt3A_402 : i32 to vector<16xi32>
            %lt3A_404 = arith.cmpi slt, %add3A_401, %lt3A_403 : vector<16xi32>
            %scatter3A_405 = tpu.memref_slice %arg9[%mul3A_88] : memref<32768xf32, #tpu.memory_space<vmem>> -> memref<4096xf32, #tpu.memory_space<vmem>>
            tpu.vector_store_idx %scatter3A_405[%add3A_401], %bitcast3A masked %lt3A_404 : memref<4096xf32, #tpu.memory_space<vmem>>[vector<16xi32>], vector<16xf32>, vector<16xi1>
            %add3A_406 = arith.constant 80 : i32
            %add3A_407 = arith.addi %reduce_max3A_366, %add3A_406 : i32
            %add3A_408 = vector.broadcast %add3A_407 : i32 to vector<16xi32>
            %add3A_409 = arith.addi %add3A_408, %iota3A : vector<16xi32>
            %lt3A_410 = arith.constant 100 : i32
            %lt3A_411 = vector.broadcast %lt3A_410 : i32 to vector<16xi32>
            %lt3A_412 = arith.cmpi slt, %add3A_409, %lt3A_411 : vector<16xi32>
            %scatter3A_413 = tpu.memref_slice %arg9[%mul3A_88] : memref<32768xf32, #tpu.memory_space<vmem>> -> memref<4096xf32, #tpu.memory_space<vmem>>
            tpu.vector_store_idx %scatter3A_413[%add3A_409], %bitcast3A masked %lt3A_412 : memref<4096xf32, #tpu.memory_space<vmem>>[vector<16xi32>], vector<16xf32>, vector<16xi1>
            %add3A_414 = arith.constant 96 : i32
            %add3A_415 = arith.addi %reduce_max3A_366, %add3A_414 : i32
            %add3A_416 = vector.broadcast %add3A_415 : i32 to vector<16xi32>
            %add3A_417 = arith.addi %add3A_416, %iota3A : vector<16xi32>
            %lt3A_418 = arith.constant 100 : i32
            %lt3A_419 = vector.broadcast %lt3A_418 : i32 to vector<16xi32>
            %lt3A_420 = arith.cmpi slt, %add3A_417, %lt3A_419 : vector<16xi32>
            %scatter3A_421 = tpu.memref_slice %arg9[%mul3A_88] : memref<32768xf32, #tpu.memory_space<vmem>> -> memref<4096xf32, #tpu.memory_space<vmem>>
            tpu.vector_store_idx %scatter3A_421[%add3A_417], %bitcast3A masked %lt3A_420 : memref<4096xf32, #tpu.memory_space<vmem>>[vector<16xi32>], vector<16xf32>, vector<16xi1>
            %max3A_422 = arith.constant 100 : i32
            %max3A_423 = arith.maxsi %reduce_max3A_366, %max3A_422 : i32
            %broadcast_in_dim3A_424 = vector.broadcast %max3A_423 : i32 to vector<16xi32>
            scf.yield %bitcast3A, %broadcast_in_dim3A_424 : vector<16xf32>, vector<16xi32>
          } else {
            scf.yield %scan3A_235, %parallel_loop3A_243 : vector<16xf32>, vector<16xi32>
          }
          scf.yield %cond3A_255#0, %cond3A_255#1 : vector<16xf32>, vector<16xi32>
        }
        %scan3A_94 = arith.constant 2 : i32
        %mul3A_95 = arith.constant 8 : i32
        %mul3A_96 = arith.muli %scan3A_14, %mul3A_95 : i32
        %add3A_97 = arith.addi %mul3A_96, %scan3A_62 : i32
        %jit3A_98 = arith.constant 16 : i32
        %div3A = arith.divsi %add3A_97, %jit3A_98 : i32
        %sign3A = arith.constant 0 : i32
        %sign3A_99 = arith.cmpi sgt, %add3A_97, %sign3A : i32
        %sign3A_100 = arith.extui %sign3A_99 : i1 to i32
        %sign3A_101 = arith.constant 0 : i32
        %sign3A_102 = arith.cmpi slt, %add3A_97, %sign3A_101 : i32
        %sign3A_103 = arith.extui %sign3A_102 : i1 to i32
        %sign3A_104 = arith.subi %sign3A_100, %sign3A_103 : i32
        %sign3A_105 = arith.constant 0 : i32
        %sign3A_106 = arith.cmpi sgt, %jit3A_98, %sign3A_105 : i32
        %sign3A_107 = arith.extui %sign3A_106 : i1 to i32
        %sign3A_108 = arith.constant 0 : i32
        %sign3A_109 = arith.cmpi slt, %jit3A_98, %sign3A_108 : i32
        %sign3A_110 = arith.extui %sign3A_109 : i1 to i32
        %sign3A_111 = arith.subi %sign3A_107, %sign3A_110 : i32
        %ne3A = arith.cmpi ne, %sign3A_104, %sign3A_111 : i32
        %rem3A = arith.remsi %add3A_97, %jit3A_98 : i32
        %ne3A_112 = arith.constant 0 : i32
        %ne3A_113 = arith.cmpi ne, %rem3A, %ne3A_112 : i32
        %and3A = arith.andi %ne3A, %ne3A_113 : i1
        %sub3A = arith.constant 1 : i32
        %sub3A_114 = arith.subi %div3A, %sub3A : i32
        %select_n3A_115 = arith.select %and3A, %sub3A_114, %div3A : i32
        %mul3A_116 = arith.constant 16 : i32
        %mul3A_117 = arith.muli %select_n3A_115, %mul3A_116 : i32
        %get3A = arith.index_cast %mul3A_117 : i32 to index
        %get3A_118 = tpu.vector_load %arg12[%get3A] {strides = array<i32>} : memref<32xi32, #tpu.memory_space<vmem>>, vector<16xi32>,
        %jit3A_119 = arith.constant 16 : i32
        %eq3A_120 = arith.constant 0 : i32
        %eq3A_121 = arith.cmpi eq, %jit3A_119, %eq3A_120 : i32
        %jit3A_122 = arith.constant 1 : i32
        %select_n3A_123 = arith.select %eq3A_121, %jit3A_122, %jit3A_119 : i32
        %rem3A_124 = arith.remsi %add3A_97, %select_n3A_123 : i32
        %ne3A_125 = arith.constant 0 : i32
        %ne3A_126 = arith.cmpi ne, %rem3A_124, %ne3A_125 : i32
        %lt3A = arith.constant 0 : i32
        %lt3A_127 = arith.cmpi slt, %rem3A_124, %lt3A : i32
        %lt3A_128 = arith.constant 0 : i32
        %lt3A_129 = arith.cmpi slt, %select_n3A_123, %lt3A_128 : i32
        %ne3A_130 = arith.xori %lt3A_127, %lt3A_129 : i1
        %and3A_131 = arith.andi %ne3A_130, %ne3A_126 : i1
        %add3A_132 = arith.addi %rem3A_124, %select_n3A_123 : i32
        %select_n3A_133 = arith.select %and3A_131, %add3A_132, %rem3A_124 : i32
        %eq3A_134 = vector.broadcast %select_n3A_133 : i32 to vector<16xi32>
        %eq3A_135 = arith.cmpi eq, %iota3A, %eq3A_134 : vector<16xi32>
        %jit3A_136 = arith.constant 0 : i32
        %broadcast_in_dim3A_137 = vector.broadcast %jit3A_136 : i32 to vector<16xi32>
        %select_n3A_138 = arith.select %eq3A_135, %get3A_118, %broadcast_in_dim3A_137 : vector<16xi1>, vector<16xi32>
        %reduce_sum3A = arith.constant true
        %reduce_sum3A_139 = vector.broadcast %reduce_sum3A : i1 to vector<16xi1>
        %reduce_sum3A_140 = tpu.scan <sum>, %select_n3A_138 masked %reduce_sum3A_139 : vector<16xi32>, vector<16xi1> -> vector<16xi32>
        %reduce_sum3A_141 = vector.extract %reduce_sum3A_140[15] : i32 from vector<16xi32>
        %sub3A_142 = arith.constant 96000 : i32
        %sub3A_143 = arith.subi %reduce_sum3A_141, %sub3A_142 : i32
        %ge3A = arith.constant 0 : i32
        %ge3A_144 = arith.cmpi sge, %sub3A_143, %ge3A : i32
        %lt3A_145 = arith.constant 3200 : i32
        %lt3A_146 = arith.cmpi slt, %sub3A_143, %lt3A_145 : i32
        %and3A_147 = arith.andi %ge3A_144, %lt3A_146 : i1
        %jit3A_148 = arith.constant 0 : i32
        %jit3A_149 = arith.constant 3199 : i32
        %max3A = arith.maxsi %jit3A_148, %sub3A_143 : i32
        %min3A = arith.minsi %jit3A_149, %max3A : i32
        %jit3A_150 = arith.constant 16 : i32
        %div3A_151 = arith.divsi %min3A, %jit3A_150 : i32
        %sign3A_152 = arith.constant 0 : i32
        %sign3A_153 = arith.cmpi sgt, %min3A, %sign3A_152 : i32
        %sign3A_154 = arith.extui %sign3A_153 : i1 to i32
        %sign3A_155 = arith.constant 0 : i32
        %sign3A_156 = arith.cmpi slt, %min3A, %sign3A_155 : i32
        %sign3A_157 = arith.extui %sign3A_156 : i1 to i32
        %sign3A_158 = arith.subi %sign3A_154, %sign3A_157 : i32
        %sign3A_159 = arith.constant 0 : i32
        %sign3A_160 = arith.cmpi sgt, %jit3A_150, %sign3A_159 : i32
        %sign3A_161 = arith.extui %sign3A_160 : i1 to i32
        %sign3A_162 = arith.constant 0 : i32
        %sign3A_163 = arith.cmpi slt, %jit3A_150, %sign3A_162 : i32
        %sign3A_164 = arith.extui %sign3A_163 : i1 to i32
        %sign3A_165 = arith.subi %sign3A_161, %sign3A_164 : i32
        %ne3A_166 = arith.cmpi ne, %sign3A_158, %sign3A_165 : i32
        %rem3A_167 = arith.remsi %min3A, %jit3A_150 : i32
        %ne3A_168 = arith.constant 0 : i32
        %ne3A_169 = arith.cmpi ne, %rem3A_167, %ne3A_168 : i32
        %and3A_170 = arith.andi %ne3A_166, %ne3A_169 : i1
        %sub3A_171 = arith.constant 1 : i32
        %sub3A_172 = arith.subi %div3A_151, %sub3A_171 : i32
        %select_n3A_173 = arith.select %and3A_170, %sub3A_172, %div3A_151 : i32
        %mul3A_174 = arith.constant 16 : i32
        %mul3A_175 = arith.muli %select_n3A_173, %mul3A_174 : i32
        %get3A_176 = arith.index_cast %scan3A_62 : i32 to index
        %get3A_177 = arith.index_cast %mul3A_175 : i32 to index
        %get3A_178 = tpu.vector_load %arg6[%get3A_176, %get3A_177] {strides = array<i32>} : memref<8x3200xf32, #tpu.memory_space<vmem>>, vector<16xf32>,
        %sub3A_179 = arith.subi %min3A, %mul3A_175 : i32
        %eq3A_180 = vector.broadcast %sub3A_179 : i32 to vector<16xi32>
        %eq3A_181 = arith.cmpi eq, %iota3A, %eq3A_180 : vector<16xi32>
        %jit3A_182 = arith.constant 0.000000e+00 : f32
        %broadcast_in_dim3A_183 = vector.broadcast %jit3A_182 : f32 to vector<16xf32>
        %select_n3A_184 = arith.select %eq3A_181, %get3A_178, %broadcast_in_dim3A_183 : vector<16xi1>, vector<16xf32>
        %reduce_sum3A_185 = arith.constant true
        %reduce_sum3A_186 = vector.broadcast %reduce_sum3A_185 : i1 to vector<16xi1>
        %reduce_sum3A_187 = tpu.scan <sum>, %select_n3A_184 masked %reduce_sum3A_186 : vector<16xf32>, vector<16xi1> -> vector<16xf32>
        %reduce_sum3A_188 = vector.extract %reduce_sum3A_187[15] : f32 from vector<16xf32>
        %convert_element_type3A = arith.extui %and3A_147 : i1 to i32
        %convert_element_type3A_189 = arith.sitofp %convert_element_type3A : i32 to f32
        %mul3A_190 = arith.mulf %convert_element_type3A_189, %reduce_sum3A_188 : f32
        %jit3A_191 = arith.constant 16 : i32
        %eq3A_192 = arith.constant 0 : i32
        %eq3A_193 = arith.cmpi eq, %jit3A_191, %eq3A_192 : i32
        %jit3A_194 = arith.constant 1 : i32
        %select_n3A_195 = arith.select %eq3A_193, %jit3A_194, %jit3A_191 : i32
        %rem3A_196 = arith.remsi %add3A_97, %select_n3A_195 : i32
        %ne3A_197 = arith.constant 0 : i32
        %ne3A_198 = arith.cmpi ne, %rem3A_196, %ne3A_197 : i32
        %lt3A_199 = arith.constant 0 : i32
        %lt3A_200 = arith.cmpi slt, %rem3A_196, %lt3A_199 : i32
        %lt3A_201 = arith.constant 0 : i32
        %lt3A_202 = arith.cmpi slt, %select_n3A_195, %lt3A_201 : i32
        %ne3A_203 = arith.xori %lt3A_200, %lt3A_202 : i1
        %and3A_204 = arith.andi %ne3A_203, %ne3A_198 : i1
        %add3A_205 = arith.addi %rem3A_196, %select_n3A_195 : i32
        %select_n3A_206 = arith.select %and3A_204, %add3A_205, %rem3A_196 : i32
        %eq3A_207 = vector.broadcast %select_n3A_206 : i32 to vector<16xi32>
        %eq3A_208 = arith.cmpi eq, %iota3A, %eq3A_207 : vector<16xi32>
        %jit3A_209 = arith.constant 1.000000e+00 : f32
        %jit3A_210 = arith.constant 0.000000e+00 : f32
        %broadcast_in_dim3A_211 = vector.broadcast %jit3A_209 : f32 to vector<16xf32>
        %broadcast_in_dim3A_212 = vector.broadcast %jit3A_210 : f32 to vector<16xf32>
        %select_n3A_213 = arith.select %eq3A_208, %broadcast_in_dim3A_211, %broadcast_in_dim3A_212 : vector<16xi1>, vector<16xf32>
        %mul3A_214 = vector.broadcast %mul3A_190 : f32 to vector<16xf32>
        %mul3A_215 = arith.mulf %mul3A_214, %select_n3A_213 : vector<16xf32>
        %lt3A_216 = arith.constant 16 : i32
        %lt3A_217 = arith.cmpi slt, %add3A_97, %lt3A_216 : i32
        %jit3A_218 = arith.constant 0.000000e+00 : f32
        %broadcast_in_dim3A_219 = vector.broadcast %jit3A_218 : f32 to vector<16xf32>
        %select_n3A_220 = arith.select %lt3A_217, %mul3A_215, %broadcast_in_dim3A_219 : vector<16xf32>
        %add3A_221 = arith.addf %scan3A_65, %select_n3A_220 : vector<16xf32>
        %ge3A_222 = arith.constant 16 : i32
        %ge3A_223 = arith.cmpi sge, %add3A_97, %ge3A_222 : i32
        %jit3A_224 = arith.constant 0.000000e+00 : f32
        %broadcast_in_dim3A_225 = vector.broadcast %jit3A_224 : f32 to vector<16xf32>
        %select_n3A_226 = arith.select %ge3A_223, %mul3A_215, %broadcast_in_dim3A_225 : vector<16xf32>
        %add3A_227 = arith.addf %scan3A_66, %select_n3A_226 : vector<16xf32>
        %eq3A_228 = vector.broadcast %scan3A_62 : i32 to vector<16xi32>
        %eq3A_229 = arith.cmpi eq, %iota3A, %eq3A_228 : vector<16xi32>
        %select_n3A_230 = arith.select %eq3A_229, %scan3A_93#0, %scan3A_63 : vector<16xi1>, vector<16xf32>
        %eq3A_231 = vector.broadcast %scan3A_62 : i32 to vector<16xi32>
        %eq3A_232 = arith.cmpi eq, %iota3A, %eq3A_231 : vector<16xi32>
        %select_n3A_233 = arith.select %eq3A_232, %scan3A_93#1, %scan3A_64 : vector<16xi1>, vector<16xi32>
        scf.yield %select_n3A_230, %select_n3A_233, %add3A_221, %add3A_227 : vector<16xf32>, vector<16xi32>, vector<16xf32>, vector<16xf32>
      }
      %scan3A_45 = arith.constant 8 : i32
      %dma_wait3A_46 = arith.constant 99200 : i32
      %dma_wait3A_47 = tpu.memref_slice %arg2[%add3A_19, %dma_wait3A_46] : memref<1024x100000xf32, #tpu.memory_space<hbm>> -> memref<8x768xf32, #tpu.memory_space<hbm>>
      %dma_wait3A_48 = arith.constant 99200 : i32
      %dma_wait3A_49 = tpu.memref_slice %arg2[%add3A_19, %dma_wait3A_48] : memref<1024x100000xf32, #tpu.memory_space<hbm>> -> memref<8x768xf32, #tpu.memory_space<hbm>>
      tpu.wait_dma2 semaphore(%arg15 : memref<!tpu.dma_semaphore, #tpu.memory_space<semaphore_mem>>) src(%dma_wait3A_49 : memref<8x768xf32, #tpu.memory_space<hbm>>) dst(%arg8 : memref<8x768xf32, #tpu.memory_space<vmem>>)
      %scan3A_50 = arith.constant 0 : i32
      %scan3A_51 = arith.constant 8 : i32
      %scan3A_52 = arith.addi %scan3A_50, %scan3A_51 : i32
      %scan3A_53 = arith.constant 1 : i32
      %scan3A_54:4 = scf.for %scan3A_62 = %scan3A_50 to %scan3A_52 step %scan3A_53 iter_args(%scan3A_63 = %scan3A_44#0, %scan3A_64 = %scan3A_44#1, %scan3A_65 = %scan3A_44#2, %scan3A_66 = %scan3A_44#3) -> (vector<16xf32>, vector<16xi32>, vector<16xf32>, vector<16xf32>)  : i32 {
        %eq3A = vector.broadcast %scan3A_62 : i32 to vector<16xi32>
        %eq3A_67 = arith.cmpi eq, %iota3A, %eq3A : vector<16xi32>
        %jit3A = arith.constant 0xFF800000 : f32
        %broadcast_in_dim3A_68 = vector.broadcast %jit3A : f32 to vector<16xf32>
        %select_n3A = arith.select %eq3A_67, %scan3A_63, %broadcast_in_dim3A_68 : vector<16xi1>, vector<16xf32>
        %reduce_max3A = arith.constant true
        %reduce_max3A_69 = vector.broadcast %reduce_max3A : i1 to vector<16xi1>
        %reduce_max3A_70 = tpu.scan <max>, %select_n3A masked %reduce_max3A_69 : vector<16xf32>, vector<16xi1> -> vector<16xf32>
        %reduce_max3A_71 = vector.extract %reduce_max3A_70[15] : f32 from vector<16xf32>
        %broadcast_in_dim3A_72 = vector.broadcast %reduce_max3A_71 : f32 to vector<16xf32>
        %eq3A_73 = vector.broadcast %scan3A_62 : i32 to vector<16xi32>
        %eq3A_74 = arith.cmpi eq, %iota3A, %eq3A_73 : vector<16xi32>
        %jit3A_75 = arith.constant 0 : i32
        %broadcast_in_dim3A_76 = vector.broadcast %jit3A_75 : i32 to vector<16xi32>
        %select_n3A_77 = arith.select %eq3A_74, %scan3A_64, %broadcast_in_dim3A_76 : vector<16xi1>, vector<16xi32>
        %reduce_max3A_78 = arith.constant true
        %reduce_max3A_79 = vector.broadcast %reduce_max3A_78 : i1 to vector<16xi1>
        %reduce_max3A_80 = arith.constant -2147483648 : i32
        %reduce_max3A_81 = vector.broadcast %reduce_max3A_80 : i32 to vector<16xi32>
        %reduce_max3A_82 = arith.xori %select_n3A_77, %reduce_max3A_81 : vector<16xi32>
        %reduce_max3A_83 = tpu.scan <max>, %reduce_max3A_82 masked %reduce_max3A_79 : vector<16xi32>, vector<16xi1> -> vector<16xi32>
        %reduce_max3A_84 = arith.xori %reduce_max3A_83, %reduce_max3A_81 : vector<16xi32>
        %reduce_max3A_85 = vector.extract %reduce_max3A_84[15] : i32 from vector<16xi32>
        %broadcast_in_dim3A_86 = vector.broadcast %reduce_max3A_85 : i32 to vector<16xi32>
        %mul3A_87 = arith.constant 4096 : i32
        %mul3A_88 = arith.muli %scan3A_62, %mul3A_87 : i32
        %scan3A_89 = arith.constant 0 : i32
        %scan3A_90 = arith.constant 0 : i32
        %scan3A_91 = arith.addi %scan3A_89, %scan3A_90 : i32
        %scan3A_92 = arith.constant 0 : i32
        %parallel_loop3A = arith.constant 0 : i32
        %parallel_loop3A_93 = arith.constant 48 : i32
        %parallel_loop3A_94 = arith.constant 1 : i32
        %parallel_loop3A_95 = scf.for %parallel_loop3A_247 = %parallel_loop3A to %parallel_loop3A_93 step %parallel_loop3A_94 iter_args(%parallel_loop3A_248 = %broadcast_in_dim3A_86) -> (vector<16xi32>)  : i32 {
          %parallel_loop3A_249 = arith.constant 16 : i32
          %parallel_loop3A_250 = arith.muli %parallel_loop3A_247, %parallel_loop3A_249 : i32
          %parallel_loop3A_251 = arith.index_cast %scan3A_62 : i32 to index
          %parallel_loop3A_252 = arith.index_cast %parallel_loop3A_250 : i32 to index
          %parallel_loop3A_253 = tpu.vector_load %arg8[%parallel_loop3A_251, %parallel_loop3A_252] {strides = array<i32>} : memref<8x768xf32, #tpu.memory_space<vmem>>, vector<16xf32>,
          %parallel_loop3A_254 = arith.cmpf ogt, %parallel_loop3A_253, %broadcast_in_dim3A_72 : vector<16xf32>
          %parallel_loop3A_255 = arith.extui %parallel_loop3A_254 : vector<16xi1> to vector<16xi32>
          %parallel_loop3A_256 = arith.constant true
          %parallel_loop3A_257 = vector.broadcast %parallel_loop3A_256 : i1 to vector<16xi1>
          %parallel_loop3A_258 = tpu.scan <sum>, %parallel_loop3A_255 masked %parallel_loop3A_257 : vector<16xi32>, vector<16xi1> -> vector<16xi32>
          %parallel_loop3A_259 = arith.addi %parallel_loop3A_248, %parallel_loop3A_258 : vector<16xi32>
          %parallel_loop3A_260 = arith.constant 1 : i32
          %parallel_loop3A_261 = vector.broadcast %parallel_loop3A_260 : i32 to vector<16xi32>
          %parallel_loop3A_262 = arith.subi %parallel_loop3A_259, %parallel_loop3A_261 : vector<16xi32>
          %parallel_loop3A_263 = vector.broadcast %mul3A_88 : i32 to vector<16xi32>
          %parallel_loop3A_264 = arith.addi %parallel_loop3A_263, %parallel_loop3A_262 : vector<16xi32>
          tpu.vector_store_idx %arg9[%parallel_loop3A_264], %parallel_loop3A_253 masked %parallel_loop3A_254 : memref<32768xf32, #tpu.memory_space<vmem>>[vector<16xi32>], vector<16xf32>, vector<16xi1>
          %parallel_loop3A_265 = tpu.all_reduce %parallel_loop3A_254 {dim = 0 : i64, kind = #tpu.reduction_kind<sum>} : vector<16xi1> -> vector<16xi32>
          %parallel_loop3A_266 = arith.addi %parallel_loop3A_248, %parallel_loop3A_265 : vector<16xi32>
          scf.yield %parallel_loop3A_266 : vector<16xi32>
        } {sc.loop_unroll_factor = 8 : i64, sc.parallel_access}
        %reduce_max3A_96 = arith.constant true
        %reduce_max3A_97 = vector.broadcast %reduce_max3A_96 : i1 to vector<16xi1>
        %reduce_max3A_98 = arith.constant -2147483648 : i32
        %reduce_max3A_99 = vector.broadcast %reduce_max3A_98 : i32 to vector<16xi32>
        %reduce_max3A_100 = arith.xori %parallel_loop3A_95, %reduce_max3A_99 : vector<16xi32>
        %reduce_max3A_101 = tpu.scan <max>, %reduce_max3A_100 masked %reduce_max3A_97 : vector<16xi32>, vector<16xi1> -> vector<16xi32>
        %reduce_max3A_102 = arith.xori %reduce_max3A_101, %reduce_max3A_99 : vector<16xi32>
        %reduce_max3A_103 = vector.extract %reduce_max3A_102[15] : i32 from vector<16xi32>
        %gt3A = arith.constant 2048 : i32
        %gt3A_104 = arith.cmpi sgt, %reduce_max3A_103, %gt3A : i32
        %convert_element_type3A = arith.extui %gt3A_104 : i1 to i32
        %cond3A = arith.constant 0 : i32
        %cond3A_105 = arith.cmpi ne, %convert_element_type3A, %cond3A : i32
        %cond3A_106:2 = scf.if %cond3A_105 -> (vector<16xf32>, vector<16xi32>) {
          %add3A_247 = arith.constant 63 : i32
          %add3A_248 = arith.addi %reduce_max3A_103, %add3A_247 : i32
          %jit3A_249 = arith.constant 64 : i32
          %div3A_250 = arith.divsi %add3A_248, %jit3A_249 : i32
          %sign3A_251 = arith.constant 0 : i32
          %sign3A_252 = arith.cmpi sgt, %add3A_248, %sign3A_251 : i32
          %sign3A_253 = arith.extui %sign3A_252 : i1 to i32
          %sign3A_254 = arith.constant 0 : i32
          %sign3A_255 = arith.cmpi slt, %add3A_248, %sign3A_254 : i32
          %sign3A_256 = arith.extui %sign3A_255 : i1 to i32
          %sign3A_257 = arith.subi %sign3A_253, %sign3A_256 : i32
          %sign3A_258 = arith.constant 0 : i32
          %sign3A_259 = arith.cmpi sgt, %jit3A_249, %sign3A_258 : i32
          %sign3A_260 = arith.extui %sign3A_259 : i1 to i32
          %sign3A_261 = arith.constant 0 : i32
          %sign3A_262 = arith.cmpi slt, %jit3A_249, %sign3A_261 : i32
          %sign3A_263 = arith.extui %sign3A_262 : i1 to i32
          %sign3A_264 = arith.subi %sign3A_260, %sign3A_263 : i32
          %ne3A_265 = arith.cmpi ne, %sign3A_257, %sign3A_264 : i32
          %rem3A_266 = arith.remsi %add3A_248, %jit3A_249 : i32
          %ne3A_267 = arith.constant 0 : i32
          %ne3A_268 = arith.cmpi ne, %rem3A_266, %ne3A_267 : i32
          %and3A_269 = arith.andi %ne3A_265, %ne3A_268 : i1
          %sub3A_270 = arith.constant 1 : i32
          %sub3A_271 = arith.subi %div3A_250, %sub3A_270 : i32
          %select_n3A_272 = arith.select %and3A_269, %sub3A_271, %div3A_250 : i32
          %iota3A_273 = tpu.iota {dimensions = array<i32: 0>} : vector<16xi32>
          %mul3A_274 = arith.constant 4 : i32
          %mul3A_275 = arith.muli %select_n3A_272, %mul3A_274 : i32
          %parallel_loop3A_276 = arith.constant 0 : i32
          %parallel_loop3A_277 = arith.constant 1 : i32
          %parallel_loop3A_278 = arith.constant 0 : i32
          %parallel_loop3A_279 = scf.for %parallel_loop3A_416 = %parallel_loop3A_276 to %mul3A_275 step %parallel_loop3A_277 iter_args(%parallel_loop3A_417 = %parallel_loop3A_278) -> (i32)  : i32 {
            %parallel_loop3A_418 = arith.constant 16 : i32
            %parallel_loop3A_419 = arith.muli %parallel_loop3A_416, %parallel_loop3A_418 : i32
            %parallel_loop3A_420 = tpu.memref_slice %arg9[%mul3A_88] : memref<32768xf32, #tpu.memory_space<vmem>> -> memref<4096xf32, #tpu.memory_space<vmem>>
            %parallel_loop3A_421 = arith.index_cast %parallel_loop3A_419 : i32 to index
            %parallel_loop3A_422 = tpu.vector_load %parallel_loop3A_420[%parallel_loop3A_421] {strides = array<i32>} : memref<4096xf32, #tpu.memory_space<vmem>>, vector<16xf32>,
            %parallel_loop3A_423 = vector.bitcast %parallel_loop3A_422 : vector<16xf32> to vector<16xi32>
            %parallel_loop3A_424 = arith.constant 0 : i32
            %parallel_loop3A_425 = vector.broadcast %parallel_loop3A_424 : i32 to vector<16xi32>
            %parallel_loop3A_426 = arith.cmpi sge, %parallel_loop3A_423, %parallel_loop3A_425 : vector<16xi32>
            %parallel_loop3A_427 = arith.constant dense<-1> : vector<16xi32>
            %parallel_loop3A_428 = arith.xori %parallel_loop3A_423, %parallel_loop3A_427 : vector<16xi32>
            %parallel_loop3A_429 = arith.constant -2147483648 : i32
            %parallel_loop3A_430 = vector.broadcast %parallel_loop3A_429 : i32 to vector<16xi32>
            %parallel_loop3A_431 = arith.xori %parallel_loop3A_428, %parallel_loop3A_430 : vector<16xi32>
            %parallel_loop3A_432 = arith.select %parallel_loop3A_426, %parallel_loop3A_423, %parallel_loop3A_431 : vector<16xi1>, vector<16xi32>
            %parallel_loop3A_433 = arith.constant 16 : i32
            %parallel_loop3A_434 = arith.muli %parallel_loop3A_416, %parallel_loop3A_433 : i32
            %parallel_loop3A_435 = vector.broadcast %parallel_loop3A_434 : i32 to vector<16xi32>
            %parallel_loop3A_436 = arith.addi %parallel_loop3A_435, %iota3A_273 : vector<16xi32>
            %parallel_loop3A_437 = vector.broadcast %reduce_max3A_103 : i32 to vector<16xi32>
            %parallel_loop3A_438 = arith.cmpi slt, %parallel_loop3A_436, %parallel_loop3A_437 : vector<16xi32>
            %parallel_loop3A_439 = arith.constant -2147483648 : i32
            %parallel_loop3A_440 = vector.broadcast %parallel_loop3A_439 : i32 to vector<16xi32>
            %parallel_loop3A_441 = arith.select %parallel_loop3A_438, %parallel_loop3A_432, %parallel_loop3A_440 : vector<16xi1>, vector<16xi32>
            %parallel_loop3A_442 = arith.constant 16 : i32
            %parallel_loop3A_443 = arith.muli %parallel_loop3A_416, %parallel_loop3A_442 : i32
            %parallel_loop3A_444 = arith.index_cast %parallel_loop3A_443 : i32 to index
            %parallel_loop3A_445 = tpu.vector_load %arg10[%parallel_loop3A_444] {strides = array<i32>} : memref<4096xi32, #tpu.memory_space<vmem>>, vector<16xi32>,
            tpu.vector_store %arg10[%parallel_loop3A_444], %parallel_loop3A_441 {strides = array<i32>} : memref<4096xi32, #tpu.memory_space<vmem>>, vector<16xi32>,
            scf.yield %parallel_loop3A_417 : i32
          } {sc.loop_unroll_factor = 4 : i64, sc.parallel_access}
          %broadcast_in_dim3A_280 = arith.constant 0 : i32
          %broadcast_in_dim3A_281 = vector.broadcast %broadcast_in_dim3A_280 : i32 to vector<16xi32>
          %mul3A_282 = arith.constant 4 : i32
          %mul3A_283 = arith.muli %select_n3A_272, %mul3A_282 : i32
          %broadcast_in_dim3A_284 = arith.constant 0 : i32
          %broadcast_in_dim3A_285 = vector.broadcast %broadcast_in_dim3A_284 : i32 to vector<16xi32>
          %parallel_loop3A_286 = arith.constant 0 : i32
          %parallel_loop3A_287 = arith.constant 1 : i32
          %parallel_loop3A_288 = scf.for %parallel_loop3A_416 = %parallel_loop3A_286 to %mul3A_283 step %parallel_loop3A_287 iter_args(%parallel_loop3A_417 = %broadcast_in_dim3A_285) -> (vector<16xi32>)  : i32 {
            %parallel_loop3A_418 = arith.constant 16 : i32
            %parallel_loop3A_419 = arith.muli %parallel_loop3A_416, %parallel_loop3A_418 : i32
            %parallel_loop3A_420 = arith.index_cast %parallel_loop3A_419 : i32 to index
            %parallel_loop3A_421 = tpu.vector_load %arg10[%parallel_loop3A_420] {strides = array<i32>} : memref<4096xi32, #tpu.memory_space<vmem>>, vector<16xi32>,
            %parallel_loop3A_422 = arith.cmpi sge, %parallel_loop3A_421, %broadcast_in_dim3A_281 : vector<16xi32>
            %parallel_loop3A_423 = tpu.all_reduce %parallel_loop3A_422 {dim = 0 : i64, kind = #tpu.reduction_kind<sum>} : vector<16xi1> -> vector<16xi32>
            %parallel_loop3A_424 = arith.addi %parallel_loop3A_417, %parallel_loop3A_423 : vector<16xi32>
            scf.yield %parallel_loop3A_424 : vector<16xi32>
          } {sc.loop_unroll_factor = 4 : i64, sc.parallel_access}
          %reduce_max3A_289 = arith.constant true
          %reduce_max3A_290 = vector.broadcast %reduce_max3A_289 : i1 to vector<16xi1>
          %reduce_max3A_291 = arith.constant -2147483648 : i32
          %reduce_max3A_292 = vector.broadcast %reduce_max3A_291 : i32 to vector<16xi32>
          %reduce_max3A_293 = arith.xori %parallel_loop3A_288, %reduce_max3A_292 : vector<16xi32>
          %reduce_max3A_294 = tpu.scan <max>, %reduce_max3A_293 masked %reduce_max3A_290 : vector<16xi32>, vector<16xi1> -> vector<16xi32>
          %reduce_max3A_295 = arith.xori %reduce_max3A_294, %reduce_max3A_292 : vector<16xi32>
          %reduce_max3A_296 = vector.extract %reduce_max3A_295[15] : i32 from vector<16xi32>
          %ge3A_297 = arith.constant 100 : i32
          %ge3A_298 = arith.cmpi sge, %reduce_max3A_296, %ge3A_297 : i32
          %jit3A_299 = arith.constant 0 : i32
          %jit3A_300 = arith.constant -2147483648 : i32
          %select_n3A_301 = arith.select %ge3A_298, %jit3A_299, %jit3A_300 : i32
          %scan3A_302 = arith.constant 0 : i32
          %scan3A_303 = arith.constant 16 : i32
          %scan3A_304 = arith.addi %scan3A_302, %scan3A_303 : i32
          %scan3A_305 = arith.constant 1 : i32
          %scan3A_306 = scf.for %scan3A_416 = %scan3A_302 to %scan3A_304 step %scan3A_305 iter_args(%scan3A_417 = %select_n3A_301) -> (i32)  : i32 {
            %sub3A_418 = arith.constant 30 : i32
            %sub3A_419 = arith.subi %sub3A_418, %scan3A_416 : i32
            %shift_left3A = arith.constant 1 : i32
            %shift_left3A_420 = arith.shli %shift_left3A, %sub3A_419 : i32
            %or3A = arith.ori %scan3A_417, %shift_left3A_420 : i32
            %broadcast_in_dim3A_421 = vector.broadcast %or3A : i32 to vector<16xi32>
            %mul3A_422 = arith.constant 4 : i32
            %mul3A_423 = arith.muli %select_n3A_272, %mul3A_422 : i32
            %broadcast_in_dim3A_424 = arith.constant 0 : i32
            %broadcast_in_dim3A_425 = vector.broadcast %broadcast_in_dim3A_424 : i32 to vector<16xi32>
            %parallel_loop3A_426 = arith.constant 0 : i32
            %parallel_loop3A_427 = arith.constant 1 : i32
            %parallel_loop3A_428 = scf.for %parallel_loop3A_440 = %parallel_loop3A_426 to %mul3A_423 step %parallel_loop3A_427 iter_args(%parallel_loop3A_441 = %broadcast_in_dim3A_425) -> (vector<16xi32>)  : i32 {
              %parallel_loop3A_442 = arith.constant 16 : i32
              %parallel_loop3A_443 = arith.muli %parallel_loop3A_440, %parallel_loop3A_442 : i32
              %parallel_loop3A_444 = arith.index_cast %parallel_loop3A_443 : i32 to index
              %parallel_loop3A_445 = tpu.vector_load %arg10[%parallel_loop3A_444] {strides = array<i32>} : memref<4096xi32, #tpu.memory_space<vmem>>, vector<16xi32>,
              %parallel_loop3A_446 = arith.cmpi sge, %parallel_loop3A_445, %broadcast_in_dim3A_421 : vector<16xi32>
              %parallel_loop3A_447 = tpu.all_reduce %parallel_loop3A_446 {dim = 0 : i64, kind = #tpu.reduction_kind<sum>} : vector<16xi1> -> vector<16xi32>
              %parallel_loop3A_448 = arith.addi %parallel_loop3A_441, %parallel_loop3A_447 : vector<16xi32>
              scf.yield %parallel_loop3A_448 : vector<16xi32>
            } {sc.loop_unroll_factor = 4 : i64, sc.parallel_access}
            %reduce_max3A_429 = arith.constant true
            %reduce_max3A_430 = vector.broadcast %reduce_max3A_429 : i1 to vector<16xi1>
            %reduce_max3A_431 = arith.constant -2147483648 : i32
            %reduce_max3A_432 = vector.broadcast %reduce_max3A_431 : i32 to vector<16xi32>
            %reduce_max3A_433 = arith.xori %parallel_loop3A_428, %reduce_max3A_432 : vector<16xi32>
            %reduce_max3A_434 = tpu.scan <max>, %reduce_max3A_433 masked %reduce_max3A_430 : vector<16xi32>, vector<16xi1> -> vector<16xi32>
            %reduce_max3A_435 = arith.xori %reduce_max3A_434, %reduce_max3A_432 : vector<16xi32>
            %reduce_max3A_436 = vector.extract %reduce_max3A_435[15] : i32 from vector<16xi32>
            %ge3A_437 = arith.constant 100 : i32
            %ge3A_438 = arith.cmpi sge, %reduce_max3A_436, %ge3A_437 : i32
            %select_n3A_439 = arith.select %ge3A_438, %or3A, %scan3A_417 : i32
            scf.yield %select_n3A_439 : i32
          }
          %scan3A_307 = arith.constant 16 : i32
          %broadcast_in_dim3A_308 = vector.broadcast %scan3A_306 : i32 to vector<16xi32>
          %ge3A_309 = arith.constant 0 : i32
          %ge3A_310 = vector.broadcast %ge3A_309 : i32 to vector<16xi32>
          %ge3A_311 = arith.cmpi sge, %broadcast_in_dim3A_308, %ge3A_310 : vector<16xi32>
          %xor3A = arith.constant -2147483648 : i32
          %xor3A_312 = vector.broadcast %xor3A : i32 to vector<16xi32>
          %xor3A_313 = arith.xori %broadcast_in_dim3A_308, %xor3A_312 : vector<16xi32>
          %not3A = arith.constant dense<-1> : vector<16xi32>
          %not3A_314 = arith.xori %xor3A_313, %not3A : vector<16xi32>
          %select_n3A_315 = arith.select %ge3A_311, %broadcast_in_dim3A_308, %not3A_314 : vector<16xi1>, vector<16xi32>
          %bitcast3A = vector.bitcast %select_n3A_315 : vector<16xi32> to vector<16xf32>
          %iota3A_316 = tpu.iota {dimensions = array<i32: 0>} : vector<16xi32>
          %add3A_317 = arith.constant 31 : i32
          %add3A_318 = arith.addi %reduce_max3A_103, %add3A_317 : i32
          %jit3A_319 = arith.constant 32 : i32
          %div3A_320 = arith.divsi %add3A_318, %jit3A_319 : i32
          %sign3A_321 = arith.constant 0 : i32
          %sign3A_322 = arith.cmpi sgt, %add3A_318, %sign3A_321 : i32
          %sign3A_323 = arith.extui %sign3A_322 : i1 to i32
          %sign3A_324 = arith.constant 0 : i32
          %sign3A_325 = arith.cmpi slt, %add3A_318, %sign3A_324 : i32
          %sign3A_326 = arith.extui %sign3A_325 : i1 to i32
          %sign3A_327 = arith.subi %sign3A_323, %sign3A_326 : i32
          %sign3A_328 = arith.constant 0 : i32
          %sign3A_329 = arith.cmpi sgt, %jit3A_319, %sign3A_328 : i32
          %sign3A_330 = arith.extui %sign3A_329 : i1 to i32
          %sign3A_331 = arith.constant 0 : i32
          %sign3A_332 = arith.cmpi slt, %jit3A_319, %sign3A_331 : i32
          %sign3A_333 = arith.extui %sign3A_332 : i1 to i32
          %sign3A_334 = arith.subi %sign3A_330, %sign3A_333 : i32
          %ne3A_335 = arith.cmpi ne, %sign3A_327, %sign3A_334 : i32
          %rem3A_336 = arith.remsi %add3A_318, %jit3A_319 : i32
          %ne3A_337 = arith.constant 0 : i32
          %ne3A_338 = arith.cmpi ne, %rem3A_336, %ne3A_337 : i32
          %and3A_339 = arith.andi %ne3A_335, %ne3A_338 : i1
          %sub3A_340 = arith.constant 1 : i32
          %sub3A_341 = arith.subi %div3A_320, %sub3A_340 : i32
          %select_n3A_342 = arith.select %and3A_339, %sub3A_341, %div3A_320 : i32
          %mul3A_343 = arith.constant 2 : i32
          %mul3A_344 = arith.muli %select_n3A_342, %mul3A_343 : i32
          %broadcast_in_dim3A_345 = arith.constant 0 : i32
          %broadcast_in_dim3A_346 = vector.broadcast %broadcast_in_dim3A_345 : i32 to vector<16xi32>
          %parallel_loop3A_347 = arith.constant 0 : i32
          %parallel_loop3A_348 = arith.constant 1 : i32
          %parallel_loop3A_349 = scf.for %parallel_loop3A_416 = %parallel_loop3A_347 to %mul3A_344 step %parallel_loop3A_348 iter_args(%parallel_loop3A_417 = %broadcast_in_dim3A_346) -> (vector<16xi32>)  : i32 {
            %parallel_loop3A_418 = arith.constant 16 : i32
            %parallel_loop3A_419 = arith.muli %parallel_loop3A_416, %parallel_loop3A_418 : i32
            %parallel_loop3A_420 = tpu.memref_slice %arg9[%mul3A_88] : memref<32768xf32, #tpu.memory_space<vmem>> -> memref<4096xf32, #tpu.memory_space<vmem>>
            %parallel_loop3A_421 = arith.index_cast %parallel_loop3A_419 : i32 to index
            %parallel_loop3A_422 = tpu.vector_load %parallel_loop3A_420[%parallel_loop3A_421] {strides = array<i32>} : memref<4096xf32, #tpu.memory_space<vmem>>, vector<16xf32>,
            %parallel_loop3A_423 = arith.cmpf ogt, %parallel_loop3A_422, %bitcast3A : vector<16xf32>
            %parallel_loop3A_424 = arith.constant 16 : i32
            %parallel_loop3A_425 = arith.muli %parallel_loop3A_416, %parallel_loop3A_424 : i32
            %parallel_loop3A_426 = vector.broadcast %parallel_loop3A_425 : i32 to vector<16xi32>
            %parallel_loop3A_427 = arith.addi %parallel_loop3A_426, %iota3A_316 : vector<16xi32>
            %parallel_loop3A_428 = vector.broadcast %reduce_max3A_103 : i32 to vector<16xi32>
            %parallel_loop3A_429 = arith.cmpi slt, %parallel_loop3A_427, %parallel_loop3A_428 : vector<16xi32>
            %parallel_loop3A_430 = arith.andi %parallel_loop3A_423, %parallel_loop3A_429 : vector<16xi1>
            %parallel_loop3A_431 = arith.extui %parallel_loop3A_430 : vector<16xi1> to vector<16xi32>
            %parallel_loop3A_432 = arith.constant true
            %parallel_loop3A_433 = vector.broadcast %parallel_loop3A_432 : i1 to vector<16xi1>
            %parallel_loop3A_434 = tpu.scan <sum>, %parallel_loop3A_431 masked %parallel_loop3A_433 : vector<16xi32>, vector<16xi1> -> vector<16xi32>
            %parallel_loop3A_435 = arith.addi %parallel_loop3A_417, %parallel_loop3A_434 : vector<16xi32>
            %parallel_loop3A_436 = arith.constant 1 : i32
            %parallel_loop3A_437 = vector.broadcast %parallel_loop3A_436 : i32 to vector<16xi32>
            %parallel_loop3A_438 = arith.subi %parallel_loop3A_435, %parallel_loop3A_437 : vector<16xi32>
            %parallel_loop3A_439 = tpu.memref_slice %arg9[%mul3A_88] : memref<32768xf32, #tpu.memory_space<vmem>> -> memref<4096xf32, #tpu.memory_space<vmem>>
            tpu.vector_store_idx %parallel_loop3A_439[%parallel_loop3A_438], %parallel_loop3A_422 masked %parallel_loop3A_430 : memref<4096xf32, #tpu.memory_space<vmem>>[vector<16xi32>], vector<16xf32>, vector<16xi1>
            %parallel_loop3A_440 = tpu.all_reduce %parallel_loop3A_430 {dim = 0 : i64, kind = #tpu.reduction_kind<sum>} : vector<16xi1> -> vector<16xi32>
            %parallel_loop3A_441 = arith.addi %parallel_loop3A_417, %parallel_loop3A_440 : vector<16xi32>
            scf.yield %parallel_loop3A_441 : vector<16xi32>
          } {sc.loop_unroll_factor = 2 : i64, sc.parallel_access}
          %reduce_max3A_350 = arith.constant true
          %reduce_max3A_351 = vector.broadcast %reduce_max3A_350 : i1 to vector<16xi1>
          %reduce_max3A_352 = arith.constant -2147483648 : i32
          %reduce_max3A_353 = vector.broadcast %reduce_max3A_352 : i32 to vector<16xi32>
          %reduce_max3A_354 = arith.xori %parallel_loop3A_349, %reduce_max3A_353 : vector<16xi32>
          %reduce_max3A_355 = tpu.scan <max>, %reduce_max3A_354 masked %reduce_max3A_351 : vector<16xi32>, vector<16xi1> -> vector<16xi32>
          %reduce_max3A_356 = arith.xori %reduce_max3A_355, %reduce_max3A_353 : vector<16xi32>
          %reduce_max3A_357 = vector.extract %reduce_max3A_356[15] : i32 from vector<16xi32>
          %add3A_358 = arith.constant 0 : i32
          %add3A_359 = arith.addi %reduce_max3A_357, %add3A_358 : i32
          %add3A_360 = vector.broadcast %add3A_359 : i32 to vector<16xi32>
          %add3A_361 = arith.addi %add3A_360, %iota3A : vector<16xi32>
          %lt3A_362 = arith.constant 100 : i32
          %lt3A_363 = vector.broadcast %lt3A_362 : i32 to vector<16xi32>
          %lt3A_364 = arith.cmpi slt, %add3A_361, %lt3A_363 : vector<16xi32>
          %scatter3A = tpu.memref_slice %arg9[%mul3A_88] : memref<32768xf32, #tpu.memory_space<vmem>> -> memref<4096xf32, #tpu.memory_space<vmem>>
          tpu.vector_store_idx %scatter3A[%add3A_361], %bitcast3A masked %lt3A_364 : memref<4096xf32, #tpu.memory_space<vmem>>[vector<16xi32>], vector<16xf32>, vector<16xi1>
          %add3A_365 = arith.constant 16 : i32
          %add3A_366 = arith.addi %reduce_max3A_357, %add3A_365 : i32
          %add3A_367 = vector.broadcast %add3A_366 : i32 to vector<16xi32>
          %add3A_368 = arith.addi %add3A_367, %iota3A : vector<16xi32>
          %lt3A_369 = arith.constant 100 : i32
          %lt3A_370 = vector.broadcast %lt3A_369 : i32 to vector<16xi32>
          %lt3A_371 = arith.cmpi slt, %add3A_368, %lt3A_370 : vector<16xi32>
          %scatter3A_372 = tpu.memref_slice %arg9[%mul3A_88] : memref<32768xf32, #tpu.memory_space<vmem>> -> memref<4096xf32, #tpu.memory_space<vmem>>
          tpu.vector_store_idx %scatter3A_372[%add3A_368], %bitcast3A masked %lt3A_371 : memref<4096xf32, #tpu.memory_space<vmem>>[vector<16xi32>], vector<16xf32>, vector<16xi1>
          %add3A_373 = arith.constant 32 : i32
          %add3A_374 = arith.addi %reduce_max3A_357, %add3A_373 : i32
          %add3A_375 = vector.broadcast %add3A_374 : i32 to vector<16xi32>
          %add3A_376 = arith.addi %add3A_375, %iota3A : vector<16xi32>
          %lt3A_377 = arith.constant 100 : i32
          %lt3A_378 = vector.broadcast %lt3A_377 : i32 to vector<16xi32>
          %lt3A_379 = arith.cmpi slt, %add3A_376, %lt3A_378 : vector<16xi32>
          %scatter3A_380 = tpu.memref_slice %arg9[%mul3A_88] : memref<32768xf32, #tpu.memory_space<vmem>> -> memref<4096xf32, #tpu.memory_space<vmem>>
          tpu.vector_store_idx %scatter3A_380[%add3A_376], %bitcast3A masked %lt3A_379 : memref<4096xf32, #tpu.memory_space<vmem>>[vector<16xi32>], vector<16xf32>, vector<16xi1>
          %add3A_381 = arith.constant 48 : i32
          %add3A_382 = arith.addi %reduce_max3A_357, %add3A_381 : i32
          %add3A_383 = vector.broadcast %add3A_382 : i32 to vector<16xi32>
          %add3A_384 = arith.addi %add3A_383, %iota3A : vector<16xi32>
          %lt3A_385 = arith.constant 100 : i32
          %lt3A_386 = vector.broadcast %lt3A_385 : i32 to vector<16xi32>
          %lt3A_387 = arith.cmpi slt, %add3A_384, %lt3A_386 : vector<16xi32>
          %scatter3A_388 = tpu.memref_slice %arg9[%mul3A_88] : memref<32768xf32, #tpu.memory_space<vmem>> -> memref<4096xf32, #tpu.memory_space<vmem>>
          tpu.vector_store_idx %scatter3A_388[%add3A_384], %bitcast3A masked %lt3A_387 : memref<4096xf32, #tpu.memory_space<vmem>>[vector<16xi32>], vector<16xf32>, vector<16xi1>
          %add3A_389 = arith.constant 64 : i32
          %add3A_390 = arith.addi %reduce_max3A_357, %add3A_389 : i32
          %add3A_391 = vector.broadcast %add3A_390 : i32 to vector<16xi32>
          %add3A_392 = arith.addi %add3A_391, %iota3A : vector<16xi32>
          %lt3A_393 = arith.constant 100 : i32
          %lt3A_394 = vector.broadcast %lt3A_393 : i32 to vector<16xi32>
          %lt3A_395 = arith.cmpi slt, %add3A_392, %lt3A_394 : vector<16xi32>
          %scatter3A_396 = tpu.memref_slice %arg9[%mul3A_88] : memref<32768xf32, #tpu.memory_space<vmem>> -> memref<4096xf32, #tpu.memory_space<vmem>>
          tpu.vector_store_idx %scatter3A_396[%add3A_392], %bitcast3A masked %lt3A_395 : memref<4096xf32, #tpu.memory_space<vmem>>[vector<16xi32>], vector<16xf32>, vector<16xi1>
          %add3A_397 = arith.constant 80 : i32
          %add3A_398 = arith.addi %reduce_max3A_357, %add3A_397 : i32
          %add3A_399 = vector.broadcast %add3A_398 : i32 to vector<16xi32>
          %add3A_400 = arith.addi %add3A_399, %iota3A : vector<16xi32>
          %lt3A_401 = arith.constant 100 : i32
          %lt3A_402 = vector.broadcast %lt3A_401 : i32 to vector<16xi32>
          %lt3A_403 = arith.cmpi slt, %add3A_400, %lt3A_402 : vector<16xi32>
          %scatter3A_404 = tpu.memref_slice %arg9[%mul3A_88] : memref<32768xf32, #tpu.memory_space<vmem>> -> memref<4096xf32, #tpu.memory_space<vmem>>
          tpu.vector_store_idx %scatter3A_404[%add3A_400], %bitcast3A masked %lt3A_403 : memref<4096xf32, #tpu.memory_space<vmem>>[vector<16xi32>], vector<16xf32>, vector<16xi1>
          %add3A_405 = arith.constant 96 : i32
          %add3A_406 = arith.addi %reduce_max3A_357, %add3A_405 : i32
          %add3A_407 = vector.broadcast %add3A_406 : i32 to vector<16xi32>
          %add3A_408 = arith.addi %add3A_407, %iota3A : vector<16xi32>
          %lt3A_409 = arith.constant 100 : i32
          %lt3A_410 = vector.broadcast %lt3A_409 : i32 to vector<16xi32>
          %lt3A_411 = arith.cmpi slt, %add3A_408, %lt3A_410 : vector<16xi32>
          %scatter3A_412 = tpu.memref_slice %arg9[%mul3A_88] : memref<32768xf32, #tpu.memory_space<vmem>> -> memref<4096xf32, #tpu.memory_space<vmem>>
          tpu.vector_store_idx %scatter3A_412[%add3A_408], %bitcast3A masked %lt3A_411 : memref<4096xf32, #tpu.memory_space<vmem>>[vector<16xi32>], vector<16xf32>, vector<16xi1>
          %max3A_413 = arith.constant 100 : i32
          %max3A_414 = arith.maxsi %reduce_max3A_357, %max3A_413 : i32
          %broadcast_in_dim3A_415 = vector.broadcast %max3A_414 : i32 to vector<16xi32>
          scf.yield %bitcast3A, %broadcast_in_dim3A_415 : vector<16xf32>, vector<16xi32>
        } else {
          scf.yield %broadcast_in_dim3A_72, %parallel_loop3A_95 : vector<16xf32>, vector<16xi32>
        }
        %mul3A_107 = arith.constant 8 : i32
        %mul3A_108 = arith.muli %scan3A_14, %mul3A_107 : i32
        %add3A_109 = arith.addi %mul3A_108, %scan3A_62 : i32
        %jit3A_110 = arith.constant 16 : i32
        %div3A = arith.divsi %add3A_109, %jit3A_110 : i32
        %sign3A = arith.constant 0 : i32
        %sign3A_111 = arith.cmpi sgt, %add3A_109, %sign3A : i32
        %sign3A_112 = arith.extui %sign3A_111 : i1 to i32
        %sign3A_113 = arith.constant 0 : i32
        %sign3A_114 = arith.cmpi slt, %add3A_109, %sign3A_113 : i32
        %sign3A_115 = arith.extui %sign3A_114 : i1 to i32
        %sign3A_116 = arith.subi %sign3A_112, %sign3A_115 : i32
        %sign3A_117 = arith.constant 0 : i32
        %sign3A_118 = arith.cmpi sgt, %jit3A_110, %sign3A_117 : i32
        %sign3A_119 = arith.extui %sign3A_118 : i1 to i32
        %sign3A_120 = arith.constant 0 : i32
        %sign3A_121 = arith.cmpi slt, %jit3A_110, %sign3A_120 : i32
        %sign3A_122 = arith.extui %sign3A_121 : i1 to i32
        %sign3A_123 = arith.subi %sign3A_119, %sign3A_122 : i32
        %ne3A = arith.cmpi ne, %sign3A_116, %sign3A_123 : i32
        %rem3A = arith.remsi %add3A_109, %jit3A_110 : i32
        %ne3A_124 = arith.constant 0 : i32
        %ne3A_125 = arith.cmpi ne, %rem3A, %ne3A_124 : i32
        %and3A = arith.andi %ne3A, %ne3A_125 : i1
        %sub3A = arith.constant 1 : i32
        %sub3A_126 = arith.subi %div3A, %sub3A : i32
        %select_n3A_127 = arith.select %and3A, %sub3A_126, %div3A : i32
        %mul3A_128 = arith.constant 16 : i32
        %mul3A_129 = arith.muli %select_n3A_127, %mul3A_128 : i32
        %get3A = arith.index_cast %mul3A_129 : i32 to index
        %get3A_130 = tpu.vector_load %arg12[%get3A] {strides = array<i32>} : memref<32xi32, #tpu.memory_space<vmem>>, vector<16xi32>,
        %jit3A_131 = arith.constant 16 : i32
        %eq3A_132 = arith.constant 0 : i32
        %eq3A_133 = arith.cmpi eq, %jit3A_131, %eq3A_132 : i32
        %jit3A_134 = arith.constant 1 : i32
        %select_n3A_135 = arith.select %eq3A_133, %jit3A_134, %jit3A_131 : i32
        %rem3A_136 = arith.remsi %add3A_109, %select_n3A_135 : i32
        %ne3A_137 = arith.constant 0 : i32
        %ne3A_138 = arith.cmpi ne, %rem3A_136, %ne3A_137 : i32
        %lt3A = arith.constant 0 : i32
        %lt3A_139 = arith.cmpi slt, %rem3A_136, %lt3A : i32
        %lt3A_140 = arith.constant 0 : i32
        %lt3A_141 = arith.cmpi slt, %select_n3A_135, %lt3A_140 : i32
        %ne3A_142 = arith.xori %lt3A_139, %lt3A_141 : i1
        %and3A_143 = arith.andi %ne3A_142, %ne3A_138 : i1
        %add3A_144 = arith.addi %rem3A_136, %select_n3A_135 : i32
        %select_n3A_145 = arith.select %and3A_143, %add3A_144, %rem3A_136 : i32
        %eq3A_146 = vector.broadcast %select_n3A_145 : i32 to vector<16xi32>
        %eq3A_147 = arith.cmpi eq, %iota3A, %eq3A_146 : vector<16xi32>
        %jit3A_148 = arith.constant 0 : i32
        %broadcast_in_dim3A_149 = vector.broadcast %jit3A_148 : i32 to vector<16xi32>
        %select_n3A_150 = arith.select %eq3A_147, %get3A_130, %broadcast_in_dim3A_149 : vector<16xi1>, vector<16xi32>
        %reduce_sum3A = arith.constant true
        %reduce_sum3A_151 = vector.broadcast %reduce_sum3A : i1 to vector<16xi1>
        %reduce_sum3A_152 = tpu.scan <sum>, %select_n3A_150 masked %reduce_sum3A_151 : vector<16xi32>, vector<16xi1> -> vector<16xi32>
        %reduce_sum3A_153 = vector.extract %reduce_sum3A_152[15] : i32 from vector<16xi32>
        %sub3A_154 = arith.constant 99200 : i32
        %sub3A_155 = arith.subi %reduce_sum3A_153, %sub3A_154 : i32
        %ge3A = arith.constant 0 : i32
        %ge3A_156 = arith.cmpi sge, %sub3A_155, %ge3A : i32
        %lt3A_157 = arith.constant 768 : i32
        %lt3A_158 = arith.cmpi slt, %sub3A_155, %lt3A_157 : i32
        %and3A_159 = arith.andi %ge3A_156, %lt3A_158 : i1
        %jit3A_160 = arith.constant 0 : i32
        %jit3A_161 = arith.constant 767 : i32
        %max3A = arith.maxsi %jit3A_160, %sub3A_155 : i32
        %min3A = arith.minsi %jit3A_161, %max3A : i32
        %jit3A_162 = arith.constant 16 : i32
        %div3A_163 = arith.divsi %min3A, %jit3A_162 : i32
        %sign3A_164 = arith.constant 0 : i32
        %sign3A_165 = arith.cmpi sgt, %min3A, %sign3A_164 : i32
        %sign3A_166 = arith.extui %sign3A_165 : i1 to i32
        %sign3A_167 = arith.constant 0 : i32
        %sign3A_168 = arith.cmpi slt, %min3A, %sign3A_167 : i32
        %sign3A_169 = arith.extui %sign3A_168 : i1 to i32
        %sign3A_170 = arith.subi %sign3A_166, %sign3A_169 : i32
        %sign3A_171 = arith.constant 0 : i32
        %sign3A_172 = arith.cmpi sgt, %jit3A_162, %sign3A_171 : i32
        %sign3A_173 = arith.extui %sign3A_172 : i1 to i32
        %sign3A_174 = arith.constant 0 : i32
        %sign3A_175 = arith.cmpi slt, %jit3A_162, %sign3A_174 : i32
        %sign3A_176 = arith.extui %sign3A_175 : i1 to i32
        %sign3A_177 = arith.subi %sign3A_173, %sign3A_176 : i32
        %ne3A_178 = arith.cmpi ne, %sign3A_170, %sign3A_177 : i32
        %rem3A_179 = arith.remsi %min3A, %jit3A_162 : i32
        %ne3A_180 = arith.constant 0 : i32
        %ne3A_181 = arith.cmpi ne, %rem3A_179, %ne3A_180 : i32
        %and3A_182 = arith.andi %ne3A_178, %ne3A_181 : i1
        %sub3A_183 = arith.constant 1 : i32
        %sub3A_184 = arith.subi %div3A_163, %sub3A_183 : i32
        %select_n3A_185 = arith.select %and3A_182, %sub3A_184, %div3A_163 : i32
        %mul3A_186 = arith.constant 16 : i32
        %mul3A_187 = arith.muli %select_n3A_185, %mul3A_186 : i32
        %get3A_188 = arith.index_cast %scan3A_62 : i32 to index
        %get3A_189 = arith.index_cast %mul3A_187 : i32 to index
        %get3A_190 = tpu.vector_load %arg8[%get3A_188, %get3A_189] {strides = array<i32>} : memref<8x768xf32, #tpu.memory_space<vmem>>, vector<16xf32>,
        %sub3A_191 = arith.subi %min3A, %mul3A_187 : i32
        %eq3A_192 = vector.broadcast %sub3A_191 : i32 to vector<16xi32>
        %eq3A_193 = arith.cmpi eq, %iota3A, %eq3A_192 : vector<16xi32>
        %jit3A_194 = arith.constant 0.000000e+00 : f32
        %broadcast_in_dim3A_195 = vector.broadcast %jit3A_194 : f32 to vector<16xf32>
        %select_n3A_196 = arith.select %eq3A_193, %get3A_190, %broadcast_in_dim3A_195 : vector<16xi1>, vector<16xf32>
        %reduce_sum3A_197 = arith.constant true
        %reduce_sum3A_198 = vector.broadcast %reduce_sum3A_197 : i1 to vector<16xi1>
        %reduce_sum3A_199 = tpu.scan <sum>, %select_n3A_196 masked %reduce_sum3A_198 : vector<16xf32>, vector<16xi1> -> vector<16xf32>
        %reduce_sum3A_200 = vector.extract %reduce_sum3A_199[15] : f32 from vector<16xf32>
        %convert_element_type3A_201 = arith.extui %and3A_159 : i1 to i32
        %convert_element_type3A_202 = arith.sitofp %convert_element_type3A_201 : i32 to f32
        %mul3A_203 = arith.mulf %convert_element_type3A_202, %reduce_sum3A_200 : f32
        %jit3A_204 = arith.constant 16 : i32
        %eq3A_205 = arith.constant 0 : i32
        %eq3A_206 = arith.cmpi eq, %jit3A_204, %eq3A_205 : i32
        %jit3A_207 = arith.constant 1 : i32
        %select_n3A_208 = arith.select %eq3A_206, %jit3A_207, %jit3A_204 : i32
        %rem3A_209 = arith.remsi %add3A_109, %select_n3A_208 : i32
        %ne3A_210 = arith.constant 0 : i32
        %ne3A_211 = arith.cmpi ne, %rem3A_209, %ne3A_210 : i32
        %lt3A_212 = arith.constant 0 : i32
        %lt3A_213 = arith.cmpi slt, %rem3A_209, %lt3A_212 : i32
        %lt3A_214 = arith.constant 0 : i32
        %lt3A_215 = arith.cmpi slt, %select_n3A_208, %lt3A_214 : i32
        %ne3A_216 = arith.xori %lt3A_213, %lt3A_215 : i1
        %and3A_217 = arith.andi %ne3A_216, %ne3A_211 : i1
        %add3A_218 = arith.addi %rem3A_209, %select_n3A_208 : i32
        %select_n3A_219 = arith.select %and3A_217, %add3A_218, %rem3A_209 : i32
        %eq3A_220 = vector.broadcast %select_n3A_219 : i32 to vector<16xi32>
        %eq3A_221 = arith.cmpi eq, %iota3A, %eq3A_220 : vector<16xi32>
        %jit3A_222 = arith.constant 1.000000e+00 : f32
        %jit3A_223 = arith.constant 0.000000e+00 : f32
        %broadcast_in_dim3A_224 = vector.broadcast %jit3A_222 : f32 to vector<16xf32>
        %broadcast_in_dim3A_225 = vector.broadcast %jit3A_223 : f32 to vector<16xf32>
        %select_n3A_226 = arith.select %eq3A_221, %broadcast_in_dim3A_224, %broadcast_in_dim3A_225 : vector<16xi1>, vector<16xf32>
        %mul3A_227 = vector.broadcast %mul3A_203 : f32 to vector<16xf32>
        %mul3A_228 = arith.mulf %mul3A_227, %select_n3A_226 : vector<16xf32>
        %lt3A_229 = arith.constant 16 : i32
        %lt3A_230 = arith.cmpi slt, %add3A_109, %lt3A_229 : i32
        %jit3A_231 = arith.constant 0.000000e+00 : f32
        %broadcast_in_dim3A_232 = vector.broadcast %jit3A_231 : f32 to vector<16xf32>
        %select_n3A_233 = arith.select %lt3A_230, %mul3A_228, %broadcast_in_dim3A_232 : vector<16xf32>
        %add3A_234 = arith.addf %scan3A_65, %select_n3A_233 : vector<16xf32>
        %ge3A_235 = arith.constant 16 : i32
        %ge3A_236 = arith.cmpi sge, %add3A_109, %ge3A_235 : i32
        %jit3A_237 = arith.constant 0.000000e+00 : f32
        %broadcast_in_dim3A_238 = vector.broadcast %jit3A_237 : f32 to vector<16xf32>
        %select_n3A_239 = arith.select %ge3A_236, %mul3A_228, %broadcast_in_dim3A_238 : vector<16xf32>
        %add3A_240 = arith.addf %scan3A_66, %select_n3A_239 : vector<16xf32>
        %eq3A_241 = vector.broadcast %scan3A_62 : i32 to vector<16xi32>
        %eq3A_242 = arith.cmpi eq, %iota3A, %eq3A_241 : vector<16xi32>
        %select_n3A_243 = arith.select %eq3A_242, %cond3A_106#0, %scan3A_63 : vector<16xi1>, vector<16xf32>
        %eq3A_244 = vector.broadcast %scan3A_62 : i32 to vector<16xi32>
        %eq3A_245 = arith.cmpi eq, %iota3A, %eq3A_244 : vector<16xi32>
        %select_n3A_246 = arith.select %eq3A_245, %cond3A_106#1, %scan3A_64 : vector<16xi1>, vector<16xi32>
        scf.yield %select_n3A_243, %select_n3A_246, %add3A_234, %add3A_240 : vector<16xf32>, vector<16xi32>, vector<16xf32>, vector<16xf32>
      }
      %scan3A_55 = arith.constant 8 : i32
      %scan3A_56 = arith.constant 0 : i32
      %scan3A_57 = arith.constant 0 : i32
      %scan3A_58 = arith.constant 8 : i32
      %scan3A_59 = arith.addi %scan3A_57, %scan3A_58 : i32
      %scan3A_60 = arith.constant 1 : i32
      scf.for %scan3A_62 = %scan3A_57 to %scan3A_59 step %scan3A_60  : i32 {
        %eq3A = vector.broadcast %scan3A_62 : i32 to vector<16xi32>
        %eq3A_63 = arith.cmpi eq, %iota3A, %eq3A : vector<16xi32>
        %jit3A = arith.constant 0 : i32
        %broadcast_in_dim3A_64 = vector.broadcast %jit3A : i32 to vector<16xi32>
        %select_n3A = arith.select %eq3A_63, %scan3A_54#1, %broadcast_in_dim3A_64 : vector<16xi1>, vector<16xi32>
        %reduce_max3A = arith.constant true
        %reduce_max3A_65 = vector.broadcast %reduce_max3A : i1 to vector<16xi1>
        %reduce_max3A_66 = arith.constant -2147483648 : i32
        %reduce_max3A_67 = vector.broadcast %reduce_max3A_66 : i32 to vector<16xi32>
        %reduce_max3A_68 = arith.xori %select_n3A, %reduce_max3A_67 : vector<16xi32>
        %reduce_max3A_69 = tpu.scan <max>, %reduce_max3A_68 masked %reduce_max3A_65 : vector<16xi32>, vector<16xi1> -> vector<16xi32>
        %reduce_max3A_70 = arith.xori %reduce_max3A_69, %reduce_max3A_67 : vector<16xi32>
        %reduce_max3A_71 = vector.extract %reduce_max3A_70[15] : i32 from vector<16xi32>
        %mul3A_72 = arith.constant 4096 : i32
        %mul3A_73 = arith.muli %scan3A_62, %mul3A_72 : i32
        %add3A_74 = arith.constant 63 : i32
        %add3A_75 = arith.addi %reduce_max3A_71, %add3A_74 : i32
        %jit3A_76 = arith.constant 64 : i32
        %div3A = arith.divsi %add3A_75, %jit3A_76 : i32
        %sign3A = arith.constant 0 : i32
        %sign3A_77 = arith.cmpi sgt, %add3A_75, %sign3A : i32
        %sign3A_78 = arith.extui %sign3A_77 : i1 to i32
        %sign3A_79 = arith.constant 0 : i32
        %sign3A_80 = arith.cmpi slt, %add3A_75, %sign3A_79 : i32
        %sign3A_81 = arith.extui %sign3A_80 : i1 to i32
        %sign3A_82 = arith.subi %sign3A_78, %sign3A_81 : i32
        %sign3A_83 = arith.constant 0 : i32
        %sign3A_84 = arith.cmpi sgt, %jit3A_76, %sign3A_83 : i32
        %sign3A_85 = arith.extui %sign3A_84 : i1 to i32
        %sign3A_86 = arith.constant 0 : i32
        %sign3A_87 = arith.cmpi slt, %jit3A_76, %sign3A_86 : i32
        %sign3A_88 = arith.extui %sign3A_87 : i1 to i32
        %sign3A_89 = arith.subi %sign3A_85, %sign3A_88 : i32
        %ne3A = arith.cmpi ne, %sign3A_82, %sign3A_89 : i32
        %rem3A = arith.remsi %add3A_75, %jit3A_76 : i32
        %ne3A_90 = arith.constant 0 : i32
        %ne3A_91 = arith.cmpi ne, %rem3A, %ne3A_90 : i32
        %and3A = arith.andi %ne3A, %ne3A_91 : i1
        %sub3A = arith.constant 1 : i32
        %sub3A_92 = arith.subi %div3A, %sub3A : i32
        %select_n3A_93 = arith.select %and3A, %sub3A_92, %div3A : i32
        %iota3A_94 = tpu.iota {dimensions = array<i32: 0>} : vector<16xi32>
        %mul3A_95 = arith.constant 4 : i32
        %mul3A_96 = arith.muli %select_n3A_93, %mul3A_95 : i32
        %parallel_loop3A = arith.constant 0 : i32
        %parallel_loop3A_97 = arith.constant 1 : i32
        %parallel_loop3A_98 = arith.constant 0 : i32
        %parallel_loop3A_99 = scf.for %parallel_loop3A_288 = %parallel_loop3A to %mul3A_96 step %parallel_loop3A_97 iter_args(%parallel_loop3A_289 = %parallel_loop3A_98) -> (i32)  : i32 {
          %parallel_loop3A_290 = arith.constant 16 : i32
          %parallel_loop3A_291 = arith.muli %parallel_loop3A_288, %parallel_loop3A_290 : i32
          %parallel_loop3A_292 = tpu.memref_slice %arg9[%mul3A_73] : memref<32768xf32, #tpu.memory_space<vmem>> -> memref<4096xf32, #tpu.memory_space<vmem>>
          %parallel_loop3A_293 = arith.index_cast %parallel_loop3A_291 : i32 to index
          %parallel_loop3A_294 = tpu.vector_load %parallel_loop3A_292[%parallel_loop3A_293] {strides = array<i32>} : memref<4096xf32, #tpu.memory_space<vmem>>, vector<16xf32>,
          %parallel_loop3A_295 = vector.bitcast %parallel_loop3A_294 : vector<16xf32> to vector<16xi32>
          %parallel_loop3A_296 = arith.constant 0 : i32
          %parallel_loop3A_297 = vector.broadcast %parallel_loop3A_296 : i32 to vector<16xi32>
          %parallel_loop3A_298 = arith.cmpi sge, %parallel_loop3A_295, %parallel_loop3A_297 : vector<16xi32>
          %parallel_loop3A_299 = arith.constant dense<-1> : vector<16xi32>
          %parallel_loop3A_300 = arith.xori %parallel_loop3A_295, %parallel_loop3A_299 : vector<16xi32>
          %parallel_loop3A_301 = arith.constant -2147483648 : i32
          %parallel_loop3A_302 = vector.broadcast %parallel_loop3A_301 : i32 to vector<16xi32>
          %parallel_loop3A_303 = arith.xori %parallel_loop3A_300, %parallel_loop3A_302 : vector<16xi32>
          %parallel_loop3A_304 = arith.select %parallel_loop3A_298, %parallel_loop3A_295, %parallel_loop3A_303 : vector<16xi1>, vector<16xi32>
          %parallel_loop3A_305 = arith.constant 16 : i32
          %parallel_loop3A_306 = arith.muli %parallel_loop3A_288, %parallel_loop3A_305 : i32
          %parallel_loop3A_307 = vector.broadcast %parallel_loop3A_306 : i32 to vector<16xi32>
          %parallel_loop3A_308 = arith.addi %parallel_loop3A_307, %iota3A_94 : vector<16xi32>
          %parallel_loop3A_309 = vector.broadcast %reduce_max3A_71 : i32 to vector<16xi32>
          %parallel_loop3A_310 = arith.cmpi slt, %parallel_loop3A_308, %parallel_loop3A_309 : vector<16xi32>
          %parallel_loop3A_311 = arith.constant -2147483648 : i32
          %parallel_loop3A_312 = vector.broadcast %parallel_loop3A_311 : i32 to vector<16xi32>
          %parallel_loop3A_313 = arith.select %parallel_loop3A_310, %parallel_loop3A_304, %parallel_loop3A_312 : vector<16xi1>, vector<16xi32>
          %parallel_loop3A_314 = arith.constant 16 : i32
          %parallel_loop3A_315 = arith.muli %parallel_loop3A_288, %parallel_loop3A_314 : i32
          %parallel_loop3A_316 = arith.index_cast %parallel_loop3A_315 : i32 to index
          %parallel_loop3A_317 = tpu.vector_load %arg10[%parallel_loop3A_316] {strides = array<i32>} : memref<4096xi32, #tpu.memory_space<vmem>>, vector<16xi32>,
          tpu.vector_store %arg10[%parallel_loop3A_316], %parallel_loop3A_313 {strides = array<i32>} : memref<4096xi32, #tpu.memory_space<vmem>>, vector<16xi32>,
          scf.yield %parallel_loop3A_289 : i32
        } {sc.loop_unroll_factor = 4 : i64, sc.parallel_access}
        %broadcast_in_dim3A_100 = arith.constant 0 : i32
        %broadcast_in_dim3A_101 = vector.broadcast %broadcast_in_dim3A_100 : i32 to vector<16xi32>
        %mul3A_102 = arith.constant 4 : i32
        %mul3A_103 = arith.muli %select_n3A_93, %mul3A_102 : i32
        %broadcast_in_dim3A_104 = arith.constant 0 : i32
        %broadcast_in_dim3A_105 = vector.broadcast %broadcast_in_dim3A_104 : i32 to vector<16xi32>
        %parallel_loop3A_106 = arith.constant 0 : i32
        %parallel_loop3A_107 = arith.constant 1 : i32
        %parallel_loop3A_108 = scf.for %parallel_loop3A_288 = %parallel_loop3A_106 to %mul3A_103 step %parallel_loop3A_107 iter_args(%parallel_loop3A_289 = %broadcast_in_dim3A_105) -> (vector<16xi32>)  : i32 {
          %parallel_loop3A_290 = arith.constant 16 : i32
          %parallel_loop3A_291 = arith.muli %parallel_loop3A_288, %parallel_loop3A_290 : i32
          %parallel_loop3A_292 = arith.index_cast %parallel_loop3A_291 : i32 to index
          %parallel_loop3A_293 = tpu.vector_load %arg10[%parallel_loop3A_292] {strides = array<i32>} : memref<4096xi32, #tpu.memory_space<vmem>>, vector<16xi32>,
          %parallel_loop3A_294 = arith.cmpi sge, %parallel_loop3A_293, %broadcast_in_dim3A_101 : vector<16xi32>
          %parallel_loop3A_295 = tpu.all_reduce %parallel_loop3A_294 {dim = 0 : i64, kind = #tpu.reduction_kind<sum>} : vector<16xi1> -> vector<16xi32>
          %parallel_loop3A_296 = arith.addi %parallel_loop3A_289, %parallel_loop3A_295 : vector<16xi32>
          scf.yield %parallel_loop3A_296 : vector<16xi32>
        } {sc.loop_unroll_factor = 4 : i64, sc.parallel_access}
        %reduce_max3A_109 = arith.constant true
        %reduce_max3A_110 = vector.broadcast %reduce_max3A_109 : i1 to vector<16xi1>
        %reduce_max3A_111 = arith.constant -2147483648 : i32
        %reduce_max3A_112 = vector.broadcast %reduce_max3A_111 : i32 to vector<16xi32>
        %reduce_max3A_113 = arith.xori %parallel_loop3A_108, %reduce_max3A_112 : vector<16xi32>
        %reduce_max3A_114 = tpu.scan <max>, %reduce_max3A_113 masked %reduce_max3A_110 : vector<16xi32>, vector<16xi1> -> vector<16xi32>
        %reduce_max3A_115 = arith.xori %reduce_max3A_114, %reduce_max3A_112 : vector<16xi32>
        %reduce_max3A_116 = vector.extract %reduce_max3A_115[15] : i32 from vector<16xi32>
        %ge3A = arith.constant 100 : i32
        %ge3A_117 = arith.cmpi sge, %reduce_max3A_116, %ge3A : i32
        %jit3A_118 = arith.constant 0 : i32
        %jit3A_119 = arith.constant -2147483648 : i32
        %select_n3A_120 = arith.select %ge3A_117, %jit3A_118, %jit3A_119 : i32
        %scan3A_121 = arith.constant 0 : i32
        %scan3A_122 = arith.constant 31 : i32
        %scan3A_123 = arith.addi %scan3A_121, %scan3A_122 : i32
        %scan3A_124 = arith.constant 1 : i32
        %scan3A_125 = scf.for %scan3A_288 = %scan3A_121 to %scan3A_123 step %scan3A_124 iter_args(%scan3A_289 = %select_n3A_120) -> (i32)  : i32 {
          %sub3A_290 = arith.constant 30 : i32
          %sub3A_291 = arith.subi %sub3A_290, %scan3A_288 : i32
          %shift_left3A = arith.constant 1 : i32
          %shift_left3A_292 = arith.shli %shift_left3A, %sub3A_291 : i32
          %or3A = arith.ori %scan3A_289, %shift_left3A_292 : i32
          %broadcast_in_dim3A_293 = vector.broadcast %or3A : i32 to vector<16xi32>
          %mul3A_294 = arith.constant 4 : i32
          %mul3A_295 = arith.muli %select_n3A_93, %mul3A_294 : i32
          %broadcast_in_dim3A_296 = arith.constant 0 : i32
          %broadcast_in_dim3A_297 = vector.broadcast %broadcast_in_dim3A_296 : i32 to vector<16xi32>
          %parallel_loop3A_298 = arith.constant 0 : i32
          %parallel_loop3A_299 = arith.constant 1 : i32
          %parallel_loop3A_300 = scf.for %parallel_loop3A_312 = %parallel_loop3A_298 to %mul3A_295 step %parallel_loop3A_299 iter_args(%parallel_loop3A_313 = %broadcast_in_dim3A_297) -> (vector<16xi32>)  : i32 {
            %parallel_loop3A_314 = arith.constant 16 : i32
            %parallel_loop3A_315 = arith.muli %parallel_loop3A_312, %parallel_loop3A_314 : i32
            %parallel_loop3A_316 = arith.index_cast %parallel_loop3A_315 : i32 to index
            %parallel_loop3A_317 = tpu.vector_load %arg10[%parallel_loop3A_316] {strides = array<i32>} : memref<4096xi32, #tpu.memory_space<vmem>>, vector<16xi32>,
            %parallel_loop3A_318 = arith.cmpi sge, %parallel_loop3A_317, %broadcast_in_dim3A_293 : vector<16xi32>
            %parallel_loop3A_319 = tpu.all_reduce %parallel_loop3A_318 {dim = 0 : i64, kind = #tpu.reduction_kind<sum>} : vector<16xi1> -> vector<16xi32>
            %parallel_loop3A_320 = arith.addi %parallel_loop3A_313, %parallel_loop3A_319 : vector<16xi32>
            scf.yield %parallel_loop3A_320 : vector<16xi32>
          } {sc.loop_unroll_factor = 4 : i64, sc.parallel_access}
          %reduce_max3A_301 = arith.constant true
          %reduce_max3A_302 = vector.broadcast %reduce_max3A_301 : i1 to vector<16xi1>
          %reduce_max3A_303 = arith.constant -2147483648 : i32
          %reduce_max3A_304 = vector.broadcast %reduce_max3A_303 : i32 to vector<16xi32>
          %reduce_max3A_305 = arith.xori %parallel_loop3A_300, %reduce_max3A_304 : vector<16xi32>
          %reduce_max3A_306 = tpu.scan <max>, %reduce_max3A_305 masked %reduce_max3A_302 : vector<16xi32>, vector<16xi1> -> vector<16xi32>
          %reduce_max3A_307 = arith.xori %reduce_max3A_306, %reduce_max3A_304 : vector<16xi32>
          %reduce_max3A_308 = vector.extract %reduce_max3A_307[15] : i32 from vector<16xi32>
          %ge3A_309 = arith.constant 100 : i32
          %ge3A_310 = arith.cmpi sge, %reduce_max3A_308, %ge3A_309 : i32
          %select_n3A_311 = arith.select %ge3A_310, %or3A, %scan3A_289 : i32
          scf.yield %select_n3A_311 : i32
        }
        %scan3A_126 = arith.constant 31 : i32
        %broadcast_in_dim3A_127 = vector.broadcast %scan3A_125 : i32 to vector<16xi32>
        %ge3A_128 = arith.constant 0 : i32
        %ge3A_129 = vector.broadcast %ge3A_128 : i32 to vector<16xi32>
        %ge3A_130 = arith.cmpi sge, %broadcast_in_dim3A_127, %ge3A_129 : vector<16xi32>
        %xor3A = arith.constant -2147483648 : i32
        %xor3A_131 = vector.broadcast %xor3A : i32 to vector<16xi32>
        %xor3A_132 = arith.xori %broadcast_in_dim3A_127, %xor3A_131 : vector<16xi32>
        %not3A = arith.constant dense<-1> : vector<16xi32>
        %not3A_133 = arith.xori %xor3A_132, %not3A : vector<16xi32>
        %select_n3A_134 = arith.select %ge3A_130, %broadcast_in_dim3A_127, %not3A_133 : vector<16xi1>, vector<16xi32>
        %bitcast3A = vector.bitcast %select_n3A_134 : vector<16xi32> to vector<16xf32>
        %add3A_135 = arith.constant 0 : i32
        %add3A_136 = vector.broadcast %add3A_135 : i32 to vector<16xi32>
        %add3A_137 = arith.addi %add3A_136, %iota3A : vector<16xi32>
        %lt3A = arith.constant 100 : i32
        %lt3A_138 = vector.broadcast %lt3A : i32 to vector<16xi32>
        %lt3A_139 = arith.cmpi slt, %add3A_137, %lt3A_138 : vector<16xi32>
        %jit3A_140 = arith.constant 0xFF800000 : f32
        %broadcast_in_dim3A_141 = vector.broadcast %jit3A_140 : f32 to vector<16xf32>
        %select_n3A_142 = arith.select %lt3A_139, %bitcast3A, %broadcast_in_dim3A_141 : vector<16xi1>, vector<16xf32>
        %swap3A_143 = arith.constant 0 : i32
        %swap3A_144 = tpu.memref_slice %arg11[%scan3A_62, %swap3A_143] : memref<8x128xf32, #tpu.memory_space<vmem>> -> memref<1x128xf32, #tpu.memory_space<vmem>>
        %swap3A_145 = tpu.memref_squeeze %swap3A_144 : memref<1x128xf32, #tpu.memory_space<vmem>> -> memref<128xf32, #tpu.memory_space<vmem>>
        %swap3A_146 = arith.constant 0 : index
        %swap3A_147 = tpu.vector_load %swap3A_145[%swap3A_146] {strides = array<i32>} : memref<128xf32, #tpu.memory_space<vmem>>, vector<16xf32>,
        tpu.vector_store %swap3A_145[%swap3A_146], %select_n3A_142 {strides = array<i32>} : memref<128xf32, #tpu.memory_space<vmem>>, vector<16xf32>,
        %add3A_148 = arith.constant 16 : i32
        %add3A_149 = vector.broadcast %add3A_148 : i32 to vector<16xi32>
        %add3A_150 = arith.addi %add3A_149, %iota3A : vector<16xi32>
        %lt3A_151 = arith.constant 100 : i32
        %lt3A_152 = vector.broadcast %lt3A_151 : i32 to vector<16xi32>
        %lt3A_153 = arith.cmpi slt, %add3A_150, %lt3A_152 : vector<16xi32>
        %jit3A_154 = arith.constant 0xFF800000 : f32
        %broadcast_in_dim3A_155 = vector.broadcast %jit3A_154 : f32 to vector<16xf32>
        %select_n3A_156 = arith.select %lt3A_153, %bitcast3A, %broadcast_in_dim3A_155 : vector<16xi1>, vector<16xf32>
        %swap3A_157 = arith.constant 0 : i32
        %swap3A_158 = tpu.memref_slice %arg11[%scan3A_62, %swap3A_157] : memref<8x128xf32, #tpu.memory_space<vmem>> -> memref<1x128xf32, #tpu.memory_space<vmem>>
        %swap3A_159 = tpu.memref_squeeze %swap3A_158 : memref<1x128xf32, #tpu.memory_space<vmem>> -> memref<128xf32, #tpu.memory_space<vmem>>
        %swap3A_160 = arith.constant 16 : index
        %swap3A_161 = tpu.vector_load %swap3A_159[%swap3A_160] {strides = array<i32>} : memref<128xf32, #tpu.memory_space<vmem>>, vector<16xf32>,
        tpu.vector_store %swap3A_159[%swap3A_160], %select_n3A_156 {strides = array<i32>} : memref<128xf32, #tpu.memory_space<vmem>>, vector<16xf32>,
        %add3A_162 = arith.constant 32 : i32
        %add3A_163 = vector.broadcast %add3A_162 : i32 to vector<16xi32>
        %add3A_164 = arith.addi %add3A_163, %iota3A : vector<16xi32>
        %lt3A_165 = arith.constant 100 : i32
        %lt3A_166 = vector.broadcast %lt3A_165 : i32 to vector<16xi32>
        %lt3A_167 = arith.cmpi slt, %add3A_164, %lt3A_166 : vector<16xi32>
        %jit3A_168 = arith.constant 0xFF800000 : f32
        %broadcast_in_dim3A_169 = vector.broadcast %jit3A_168 : f32 to vector<16xf32>
        %select_n3A_170 = arith.select %lt3A_167, %bitcast3A, %broadcast_in_dim3A_169 : vector<16xi1>, vector<16xf32>
        %swap3A_171 = arith.constant 0 : i32
        %swap3A_172 = tpu.memref_slice %arg11[%scan3A_62, %swap3A_171] : memref<8x128xf32, #tpu.memory_space<vmem>> -> memref<1x128xf32, #tpu.memory_space<vmem>>
        %swap3A_173 = tpu.memref_squeeze %swap3A_172 : memref<1x128xf32, #tpu.memory_space<vmem>> -> memref<128xf32, #tpu.memory_space<vmem>>
        %swap3A_174 = arith.constant 32 : index
        %swap3A_175 = tpu.vector_load %swap3A_173[%swap3A_174] {strides = array<i32>} : memref<128xf32, #tpu.memory_space<vmem>>, vector<16xf32>,
        tpu.vector_store %swap3A_173[%swap3A_174], %select_n3A_170 {strides = array<i32>} : memref<128xf32, #tpu.memory_space<vmem>>, vector<16xf32>,
        %add3A_176 = arith.constant 48 : i32
        %add3A_177 = vector.broadcast %add3A_176 : i32 to vector<16xi32>
        %add3A_178 = arith.addi %add3A_177, %iota3A : vector<16xi32>
        %lt3A_179 = arith.constant 100 : i32
        %lt3A_180 = vector.broadcast %lt3A_179 : i32 to vector<16xi32>
        %lt3A_181 = arith.cmpi slt, %add3A_178, %lt3A_180 : vector<16xi32>
        %jit3A_182 = arith.constant 0xFF800000 : f32
        %broadcast_in_dim3A_183 = vector.broadcast %jit3A_182 : f32 to vector<16xf32>
        %select_n3A_184 = arith.select %lt3A_181, %bitcast3A, %broadcast_in_dim3A_183 : vector<16xi1>, vector<16xf32>
        %swap3A_185 = arith.constant 0 : i32
        %swap3A_186 = tpu.memref_slice %arg11[%scan3A_62, %swap3A_185] : memref<8x128xf32, #tpu.memory_space<vmem>> -> memref<1x128xf32, #tpu.memory_space<vmem>>
        %swap3A_187 = tpu.memref_squeeze %swap3A_186 : memref<1x128xf32, #tpu.memory_space<vmem>> -> memref<128xf32, #tpu.memory_space<vmem>>
        %swap3A_188 = arith.constant 48 : index
        %swap3A_189 = tpu.vector_load %swap3A_187[%swap3A_188] {strides = array<i32>} : memref<128xf32, #tpu.memory_space<vmem>>, vector<16xf32>,
        tpu.vector_store %swap3A_187[%swap3A_188], %select_n3A_184 {strides = array<i32>} : memref<128xf32, #tpu.memory_space<vmem>>, vector<16xf32>,
        %add3A_190 = arith.constant 64 : i32
        %add3A_191 = vector.broadcast %add3A_190 : i32 to vector<16xi32>
        %add3A_192 = arith.addi %add3A_191, %iota3A : vector<16xi32>
        %lt3A_193 = arith.constant 100 : i32
        %lt3A_194 = vector.broadcast %lt3A_193 : i32 to vector<16xi32>
        %lt3A_195 = arith.cmpi slt, %add3A_192, %lt3A_194 : vector<16xi32>
        %jit3A_196 = arith.constant 0xFF800000 : f32
        %broadcast_in_dim3A_197 = vector.broadcast %jit3A_196 : f32 to vector<16xf32>
        %select_n3A_198 = arith.select %lt3A_195, %bitcast3A, %broadcast_in_dim3A_197 : vector<16xi1>, vector<16xf32>
        %swap3A_199 = arith.constant 0 : i32
        %swap3A_200 = tpu.memref_slice %arg11[%scan3A_62, %swap3A_199] : memref<8x128xf32, #tpu.memory_space<vmem>> -> memref<1x128xf32, #tpu.memory_space<vmem>>
        %swap3A_201 = tpu.memref_squeeze %swap3A_200 : memref<1x128xf32, #tpu.memory_space<vmem>> -> memref<128xf32, #tpu.memory_space<vmem>>
        %swap3A_202 = arith.constant 64 : index
        %swap3A_203 = tpu.vector_load %swap3A_201[%swap3A_202] {strides = array<i32>} : memref<128xf32, #tpu.memory_space<vmem>>, vector<16xf32>,
        tpu.vector_store %swap3A_201[%swap3A_202], %select_n3A_198 {strides = array<i32>} : memref<128xf32, #tpu.memory_space<vmem>>, vector<16xf32>,
        %add3A_204 = arith.constant 80 : i32
        %add3A_205 = vector.broadcast %add3A_204 : i32 to vector<16xi32>
        %add3A_206 = arith.addi %add3A_205, %iota3A : vector<16xi32>
        %lt3A_207 = arith.constant 100 : i32
        %lt3A_208 = vector.broadcast %lt3A_207 : i32 to vector<16xi32>
        %lt3A_209 = arith.cmpi slt, %add3A_206, %lt3A_208 : vector<16xi32>
        %jit3A_210 = arith.constant 0xFF800000 : f32
        %broadcast_in_dim3A_211 = vector.broadcast %jit3A_210 : f32 to vector<16xf32>
        %select_n3A_212 = arith.select %lt3A_209, %bitcast3A, %broadcast_in_dim3A_211 : vector<16xi1>, vector<16xf32>
        %swap3A_213 = arith.constant 0 : i32
        %swap3A_214 = tpu.memref_slice %arg11[%scan3A_62, %swap3A_213] : memref<8x128xf32, #tpu.memory_space<vmem>> -> memref<1x128xf32, #tpu.memory_space<vmem>>
        %swap3A_215 = tpu.memref_squeeze %swap3A_214 : memref<1x128xf32, #tpu.memory_space<vmem>> -> memref<128xf32, #tpu.memory_space<vmem>>
        %swap3A_216 = arith.constant 80 : index
        %swap3A_217 = tpu.vector_load %swap3A_215[%swap3A_216] {strides = array<i32>} : memref<128xf32, #tpu.memory_space<vmem>>, vector<16xf32>,
        tpu.vector_store %swap3A_215[%swap3A_216], %select_n3A_212 {strides = array<i32>} : memref<128xf32, #tpu.memory_space<vmem>>, vector<16xf32>,
        %add3A_218 = arith.constant 96 : i32
        %add3A_219 = vector.broadcast %add3A_218 : i32 to vector<16xi32>
        %add3A_220 = arith.addi %add3A_219, %iota3A : vector<16xi32>
        %lt3A_221 = arith.constant 100 : i32
        %lt3A_222 = vector.broadcast %lt3A_221 : i32 to vector<16xi32>
        %lt3A_223 = arith.cmpi slt, %add3A_220, %lt3A_222 : vector<16xi32>
        %jit3A_224 = arith.constant 0xFF800000 : f32
        %broadcast_in_dim3A_225 = vector.broadcast %jit3A_224 : f32 to vector<16xf32>
        %select_n3A_226 = arith.select %lt3A_223, %bitcast3A, %broadcast_in_dim3A_225 : vector<16xi1>, vector<16xf32>
        %swap3A_227 = arith.constant 0 : i32
        %swap3A_228 = tpu.memref_slice %arg11[%scan3A_62, %swap3A_227] : memref<8x128xf32, #tpu.memory_space<vmem>> -> memref<1x128xf32, #tpu.memory_space<vmem>>
        %swap3A_229 = tpu.memref_squeeze %swap3A_228 : memref<1x128xf32, #tpu.memory_space<vmem>> -> memref<128xf32, #tpu.memory_space<vmem>>
        %swap3A_230 = arith.constant 96 : index
        %swap3A_231 = tpu.vector_load %swap3A_229[%swap3A_230] {strides = array<i32>} : memref<128xf32, #tpu.memory_space<vmem>>, vector<16xf32>,
        tpu.vector_store %swap3A_229[%swap3A_230], %select_n3A_226 {strides = array<i32>} : memref<128xf32, #tpu.memory_space<vmem>>, vector<16xf32>,
        %add3A_232 = arith.constant 112 : i32
        %add3A_233 = vector.broadcast %add3A_232 : i32 to vector<16xi32>
        %add3A_234 = arith.addi %add3A_233, %iota3A : vector<16xi32>
        %lt3A_235 = arith.constant 100 : i32
        %lt3A_236 = vector.broadcast %lt3A_235 : i32 to vector<16xi32>
        %lt3A_237 = arith.cmpi slt, %add3A_234, %lt3A_236 : vector<16xi32>
        %jit3A_238 = arith.constant 0xFF800000 : f32
        %broadcast_in_dim3A_239 = vector.broadcast %jit3A_238 : f32 to vector<16xf32>
        %select_n3A_240 = arith.select %lt3A_237, %bitcast3A, %broadcast_in_dim3A_239 : vector<16xi1>, vector<16xf32>
        %swap3A_241 = arith.constant 0 : i32
        %swap3A_242 = tpu.memref_slice %arg11[%scan3A_62, %swap3A_241] : memref<8x128xf32, #tpu.memory_space<vmem>> -> memref<1x128xf32, #tpu.memory_space<vmem>>
        %swap3A_243 = tpu.memref_squeeze %swap3A_242 : memref<1x128xf32, #tpu.memory_space<vmem>> -> memref<128xf32, #tpu.memory_space<vmem>>
        %swap3A_244 = arith.constant 112 : index
        %swap3A_245 = tpu.vector_load %swap3A_243[%swap3A_244] {strides = array<i32>} : memref<128xf32, #tpu.memory_space<vmem>>, vector<16xf32>,
        tpu.vector_store %swap3A_243[%swap3A_244], %select_n3A_240 {strides = array<i32>} : memref<128xf32, #tpu.memory_space<vmem>>, vector<16xf32>,
        %iota3A_246 = tpu.iota {dimensions = array<i32: 0>} : vector<16xi32>
        %add3A_247 = arith.constant 31 : i32
        %add3A_248 = arith.addi %reduce_max3A_71, %add3A_247 : i32
        %jit3A_249 = arith.constant 32 : i32
        %div3A_250 = arith.divsi %add3A_248, %jit3A_249 : i32
        %sign3A_251 = arith.constant 0 : i32
        %sign3A_252 = arith.cmpi sgt, %add3A_248, %sign3A_251 : i32
        %sign3A_253 = arith.extui %sign3A_252 : i1 to i32
        %sign3A_254 = arith.constant 0 : i32
        %sign3A_255 = arith.cmpi slt, %add3A_248, %sign3A_254 : i32
        %sign3A_256 = arith.extui %sign3A_255 : i1 to i32
        %sign3A_257 = arith.subi %sign3A_253, %sign3A_256 : i32
        %sign3A_258 = arith.constant 0 : i32
        %sign3A_259 = arith.cmpi sgt, %jit3A_249, %sign3A_258 : i32
        %sign3A_260 = arith.extui %sign3A_259 : i1 to i32
        %sign3A_261 = arith.constant 0 : i32
        %sign3A_262 = arith.cmpi slt, %jit3A_249, %sign3A_261 : i32
        %sign3A_263 = arith.extui %sign3A_262 : i1 to i32
        %sign3A_264 = arith.subi %sign3A_260, %sign3A_263 : i32
        %ne3A_265 = arith.cmpi ne, %sign3A_257, %sign3A_264 : i32
        %rem3A_266 = arith.remsi %add3A_248, %jit3A_249 : i32
        %ne3A_267 = arith.constant 0 : i32
        %ne3A_268 = arith.cmpi ne, %rem3A_266, %ne3A_267 : i32
        %and3A_269 = arith.andi %ne3A_265, %ne3A_268 : i1
        %sub3A_270 = arith.constant 1 : i32
        %sub3A_271 = arith.subi %div3A_250, %sub3A_270 : i32
        %select_n3A_272 = arith.select %and3A_269, %sub3A_271, %div3A_250 : i32
        %mul3A_273 = arith.constant 2 : i32
        %mul3A_274 = arith.muli %select_n3A_272, %mul3A_273 : i32
        %broadcast_in_dim3A_275 = arith.constant 0 : i32
        %broadcast_in_dim3A_276 = vector.broadcast %broadcast_in_dim3A_275 : i32 to vector<16xi32>
        %parallel_loop3A_277 = arith.constant 0 : i32
        %parallel_loop3A_278 = arith.constant 1 : i32
        %parallel_loop3A_279 = scf.for %parallel_loop3A_288 = %parallel_loop3A_277 to %mul3A_274 step %parallel_loop3A_278 iter_args(%parallel_loop3A_289 = %broadcast_in_dim3A_276) -> (vector<16xi32>)  : i32 {
          %parallel_loop3A_290 = arith.constant 16 : i32
          %parallel_loop3A_291 = arith.muli %parallel_loop3A_288, %parallel_loop3A_290 : i32
          %parallel_loop3A_292 = tpu.memref_slice %arg9[%mul3A_73] : memref<32768xf32, #tpu.memory_space<vmem>> -> memref<4096xf32, #tpu.memory_space<vmem>>
          %parallel_loop3A_293 = arith.index_cast %parallel_loop3A_291 : i32 to index
          %parallel_loop3A_294 = tpu.vector_load %parallel_loop3A_292[%parallel_loop3A_293] {strides = array<i32>} : memref<4096xf32, #tpu.memory_space<vmem>>, vector<16xf32>,
          %parallel_loop3A_295 = arith.cmpf ogt, %parallel_loop3A_294, %bitcast3A : vector<16xf32>
          %parallel_loop3A_296 = arith.constant 16 : i32
          %parallel_loop3A_297 = arith.muli %parallel_loop3A_288, %parallel_loop3A_296 : i32
          %parallel_loop3A_298 = vector.broadcast %parallel_loop3A_297 : i32 to vector<16xi32>
          %parallel_loop3A_299 = arith.addi %parallel_loop3A_298, %iota3A_246 : vector<16xi32>
          %parallel_loop3A_300 = vector.broadcast %reduce_max3A_71 : i32 to vector<16xi32>
          %parallel_loop3A_301 = arith.cmpi slt, %parallel_loop3A_299, %parallel_loop3A_300 : vector<16xi32>
          %parallel_loop3A_302 = arith.andi %parallel_loop3A_295, %parallel_loop3A_301 : vector<16xi1>
          %parallel_loop3A_303 = arith.extui %parallel_loop3A_302 : vector<16xi1> to vector<16xi32>
          %parallel_loop3A_304 = arith.constant true
          %parallel_loop3A_305 = vector.broadcast %parallel_loop3A_304 : i1 to vector<16xi1>
          %parallel_loop3A_306 = tpu.scan <sum>, %parallel_loop3A_303 masked %parallel_loop3A_305 : vector<16xi32>, vector<16xi1> -> vector<16xi32>
          %parallel_loop3A_307 = arith.addi %parallel_loop3A_289, %parallel_loop3A_306 : vector<16xi32>
          %parallel_loop3A_308 = arith.constant 1 : i32
          %parallel_loop3A_309 = vector.broadcast %parallel_loop3A_308 : i32 to vector<16xi32>
          %parallel_loop3A_310 = arith.subi %parallel_loop3A_307, %parallel_loop3A_309 : vector<16xi32>
          %parallel_loop3A_311 = arith.constant 0 : i32
          %parallel_loop3A_312 = tpu.memref_slice %arg11[%scan3A_62, %parallel_loop3A_311] : memref<8x128xf32, #tpu.memory_space<vmem>> -> memref<1x128xf32, #tpu.memory_space<vmem>>
          %parallel_loop3A_313 = tpu.memref_squeeze %parallel_loop3A_312 : memref<1x128xf32, #tpu.memory_space<vmem>> -> memref<128xf32, #tpu.memory_space<vmem>>
          tpu.vector_store_idx %parallel_loop3A_313[%parallel_loop3A_310], %parallel_loop3A_294 masked %parallel_loop3A_302 : memref<128xf32, #tpu.memory_space<vmem>>[vector<16xi32>], vector<16xf32>, vector<16xi1>
          %parallel_loop3A_314 = tpu.all_reduce %parallel_loop3A_302 {dim = 0 : i64, kind = #tpu.reduction_kind<sum>} : vector<16xi1> -> vector<16xi32>
          %parallel_loop3A_315 = arith.addi %parallel_loop3A_289, %parallel_loop3A_314 : vector<16xi32>
          scf.yield %parallel_loop3A_315 : vector<16xi32>
        } {sc.loop_unroll_factor = 2 : i64, sc.parallel_access}
        %reduce_max3A_280 = arith.constant true
        %reduce_max3A_281 = vector.broadcast %reduce_max3A_280 : i1 to vector<16xi1>
        %reduce_max3A_282 = arith.constant -2147483648 : i32
        %reduce_max3A_283 = vector.broadcast %reduce_max3A_282 : i32 to vector<16xi32>
        %reduce_max3A_284 = arith.xori %parallel_loop3A_279, %reduce_max3A_283 : vector<16xi32>
        %reduce_max3A_285 = tpu.scan <max>, %reduce_max3A_284 masked %reduce_max3A_281 : vector<16xi32>, vector<16xi1> -> vector<16xi32>
        %reduce_max3A_286 = arith.xori %reduce_max3A_285, %reduce_max3A_283 : vector<16xi32>
        %reduce_max3A_287 = vector.extract %reduce_max3A_286[15] : i32 from vector<16xi32>
      }
      %scan3A_61 = arith.constant 8 : i32
      "tpu.region"() ({
        %run_scoped3A = tpu.sem_alloc : memref<!tpu.dma_semaphore, #tpu.memory_space<semaphore_mem>>
        %dma_start3A_62 = arith.constant 0 : i32
        %dma_start3A_63 = tpu.memref_slice %arg4[%add3A_19, %dma_start3A_62] : memref<1024x128xf32, #tpu.memory_space<hbm>> -> memref<8x128xf32, #tpu.memory_space<hbm>>
        %dma_start3A_64 = arith.constant 0 : i32
        %dma_start3A_65 = tpu.memref_slice %arg4[%add3A_19, %dma_start3A_64] : memref<1024x128xf32, #tpu.memory_space<hbm>> -> memref<8x128xf32, #tpu.memory_space<hbm>>
        tpu.enqueue_dma source(%arg11 : memref<8x128xf32, #tpu.memory_space<vmem>>) target(%dma_start3A_65 : memref<8x128xf32, #tpu.memory_space<hbm>>) target_semaphore(%run_scoped3A : memref<!tpu.dma_semaphore, #tpu.memory_space<semaphore_mem>>)
        %dma_wait3A_66 = arith.constant 0 : i32
        %dma_wait3A_67 = tpu.memref_slice %arg4[%add3A_19, %dma_wait3A_66] : memref<1024x128xf32, #tpu.memory_space<hbm>> -> memref<8x128xf32, #tpu.memory_space<hbm>>
        %dma_wait3A_68 = arith.constant 0 : i32
        %dma_wait3A_69 = tpu.memref_slice %arg4[%add3A_19, %dma_wait3A_68] : memref<1024x128xf32, #tpu.memory_space<hbm>> -> memref<8x128xf32, #tpu.memory_space<hbm>>
        tpu.wait_dma2 semaphore(%run_scoped3A : memref<!tpu.dma_semaphore, #tpu.memory_space<semaphore_mem>>) src(%arg11 : memref<8x128xf32, #tpu.memory_space<vmem>>) dst(%dma_wait3A_69 : memref<8x128xf32, #tpu.memory_space<hbm>>)
        tpu.yield
      }) : () -> ()
      scf.yield %scan3A_54#2, %scan3A_54#3 : vector<16xf32>, vector<16xf32>
    }
    %scan3A_10 = arith.constant 4 : i32
    %swap3A = arith.constant 0 : index
    %swap3A_11 = tpu.vector_load %arg13[%swap3A] {strides = array<i32>} : memref<32xf32, #tpu.memory_space<vmem>>, vector<16xf32>,
    tpu.vector_store %arg13[%swap3A], %scan3A_9#0 {strides = array<i32>} : memref<32xf32, #tpu.memory_space<vmem>>, vector<16xf32>,
    %swap3A_12 = arith.constant 16 : index
    %swap3A_13 = tpu.vector_load %arg13[%swap3A_12] {strides = array<i32>} : memref<32xf32, #tpu.memory_space<vmem>>, vector<16xf32>,
    tpu.vector_store %arg13[%swap3A_12], %scan3A_9#1 {strides = array<i32>} : memref<32xf32, #tpu.memory_space<vmem>>, vector<16xf32>,
    "tpu.region"() ({
      %run_scoped3A = tpu.sem_alloc : memref<!tpu.dma_semaphore, #tpu.memory_space<semaphore_mem>>
      %dma_start3A = tpu.memref_slice %arg5[%mul3A_2] : memref<1024xf32, #tpu.memory_space<hbm>> -> memref<32xf32, #tpu.memory_space<hbm>>
      %dma_start3A_14 = tpu.memref_slice %arg5[%mul3A_2] : memref<1024xf32, #tpu.memory_space<hbm>> -> memref<32xf32, #tpu.memory_space<hbm>>
      tpu.enqueue_dma source(%arg13 : memref<32xf32, #tpu.memory_space<vmem>>) target(%dma_start3A_14 : memref<32xf32, #tpu.memory_space<hbm>>) target_semaphore(%run_scoped3A : memref<!tpu.dma_semaphore, #tpu.memory_space<semaphore_mem>>)
      %dma_wait3A = tpu.memref_slice %arg5[%mul3A_2] : memref<1024xf32, #tpu.memory_space<hbm>> -> memref<32xf32, #tpu.memory_space<hbm>>
      %dma_wait3A_15 = tpu.memref_slice %arg5[%mul3A_2] : memref<1024xf32, #tpu.memory_space<hbm>> -> memref<32xf32, #tpu.memory_space<hbm>>
      tpu.wait_dma2 semaphore(%run_scoped3A : memref<!tpu.dma_semaphore, #tpu.memory_space<semaphore_mem>>) src(%arg13 : memref<32xf32, #tpu.memory_space<vmem>>) dst(%dma_wait3A_15 : memref<32xf32, #tpu.memory_space<hbm>>)
      tpu.yield
    }) : () -> ()
    return
  }
}

</mosaic_0001>

<sc_bundles>
// kernel: _sc_topk.3.cloned.1.call-start
scs
__scs_entry_jumppad:
0x0: {  	(pc) =	sbr.rel $0x88, $3  }
0x1: {  	(tag) =	ssettag $0x0;
	lr =	simm.s32 $0x1  }
0x2: {  	[smem:$0x3F9F] =	sst lr;
	_ =	strace $0xD0000000  }
0x3: {  	_ = 	snop  }
0x4: {  	_ = 	snop  }
0x5: {  	_ = 	snop  }
0x6: {  	_ = 	snop  }
0x7: {  	_ = 	snop  }
__scs_overlays_trampoline_lowered:
0x8: {  	[smem:$0x3FAE] =	sst s0  }
0x9: {  	[smem:$0x3FAF] =	sst s1  }
0xa: {  	[smem:$0x3FB0] =	sst s2  }
0xb: {  	[smem:$0x3FB1] =	sst s3  }
0xc: {  	[smem:$0x3FB2] =	sst s4  }
0xd: {  	[smem:$0x3FB3] =	sst s5  }
0xe: {  	[smem:$0x3FB4] =	sst s6  }
0xf: {  	[smem:$0x3FB5] =	sst s7  }
0x10: {  	[smem:$0x3FB6] =	sst s8  }
0x11: {  	[smem:$0x3FB7] =	sst s9;
	s0 =	simm.s32 @!p0 $0x0  }
0x12: {  	s1 =	sld [smem:$0x3F9D];
	s0 =	simm.s32 @p0 $0x1  }
0x13: {  	[smem:$0x3FB8] =	sst s0;
	s0 =	simm.s32 @!p1 $0x0  }
0x14: {  	s2 =	sld [smem:$0x3F9C];
	s0 =	simm.s32 @p1 $0x1  }
0x15: {  	[smem:$0x3FB9] =	sst s0;
	s0 =	simm.s32 @!p2 $0x0  }
0x16: {  	s3 =	sld [smem:$0x3FDB];
	s0 =	simm.s32 @p2 $0x1  }
0x17: {  	s4 =	simm.s32 $0x1BF5;
	[smem:$0x3FBB] =	sst s0  }
0x18: {  	s0 =	sld [smem:$0x3F9E];
	_ =	swait.ge [sflag:s4], $0x0  }
0x19: {  	s7 =	sld [smem:$0x3F9F]  }
0x1a: {  	s8 =	sadd.s32 $0xFFFFE003, lr  }
0x1b: {  	s9 =	sadd.s32 $0xFFFFFEF7, lr;
	s5 =	simm.s32 $0xFFFFFFFF;
	p2 =	slt.u32 s8, $0xFFFFF086  }
0x1c: {  	p1 =	slt.u32 s9, $0xF7A;
	s5 =	simm.s32 @!p2 $0x0  }
0x1d: {  	s5 =	simm.s32 @p1 $0x1;
	p0 =	seq.s32 s7, s2  }
0x1e: {  	s7 =	smul.u32 @!p0 $0xF7A, s2;
	p2 =	seq.s32 @!p0 s5, $0x0  }
0x1f: {  	s9 =	smul.u32 $0xF7A, s1;
	s8 =	simm.s32 @!p0 $0x1BF5;
	p2 =	por !p2, p0  }
0x20: {  	[sflag:s8] =	ssyncset.s32 @!p0 $0xFFFFF086;
	s6 =	sadd.s32 @!p0 s3, s7;
	s7 =	simm.s32 @!p0 $0x108  }
0x21: {  	s3 =	sadd.s32 s3, s9;
	s6 =	sadd.s32 @!p0 $0x88, s6;
	s7 =	simm.s32 @p2 $0x1082  }
0x22: {  	[simem:s7], [sflag:s8] =	dma.local @!p0 [hbm:s6], $0xF7A  }
0x23: {  	s9 =	sor.u32 $0xD0000000, s2;
	s6 =	simm.s32 $0x108;
	_ =	swait.ge @!p0 [sflag:s8], $0x0  }
0x24: {  	s3 =	sadd.s32 $0x88, s3;
	s6 =	simm.s32 @!p1 $0x1082;
	[sflag:s4] =	ssyncset.s32 $0xFFFFF086  }
0x25: {  	[simem:s6], [sflag:s4] =	dma.local [hbm:s3], $0xF7A  }
0x26: {  	[smem:$0x3F9F] =	sst s1;
	(tag) =	ssettag s2;
	_ =	strace s9  }
0x27: {  	s1 =	sld [smem:$0x3FAF]  }
0x28: {  	s2 =	sld [smem:$0x3FB0]  }
0x29: {  	s4 =	sld [smem:$0x3FB2]  }
0x2a: {  	p0 =	seq.s32 s5, $0x0;
	s5 =	sld [smem:$0x3FB3]  }
0x2b: {  	s6 =	sld [smem:$0x3FB4]  }
0x2c: {  	s7 =	sld [smem:$0x3FB5]  }
0x2d: {  	s3 =	simm.s32 $0x108;
	s8 =	sld [smem:$0x3FB6]  }
0x2e: {  	s3 =	simm.s32 @!p0 $0x1082;
	s9 =	sld [smem:$0x3FB7]  }
0x2f: {  	lr =	sadd.s32 s0, s3;
	s0 =	sld [smem:$0x3FAE]  }
0x30: {  	s3 =	sld [smem:$0x3FB1]  }
0x31: {  	[smem:$0x3FBA] =	sst s10  }
0x32: {  	s10 =	sld [smem:$0x3FB8];
	_ =	sdelay $0x3  }
0x33: {  	p0 =	seq.s32 s10, $0x1;
	s10 =	sld [smem:$0x3FBA];
	_ =	sdelay $0x3  }
0x34: {  	[smem:$0x3FBA] =	sst s10  }
0x35: {  	s10 =	sld [smem:$0x3FB9];
	_ =	sdelay $0x3  }
0x36: {  	p1 =	seq.s32 s10, $0x1;
	s10 =	sld [smem:$0x3FBA];
	_ =	sdelay $0x3  }
0x37: {  	[smem:$0x3FBA] =	sst s10  }
0x38: {  	s10 =	sld [smem:$0x3FBB]  }
0x39: {  	_ = 	snop;
	(pc) =	sbr.ind lr, $3  }
0x3a: {  	_ = 	snop  }
0x3b: {  	_ = 	snop  }
0x3c: {  	p2 =	seq.s32 s10, $0x1;
	s10 =	sld [smem:$0x3FBA]  }
0x3d: {  	_ =	shalt  }
0x3e: {  	_ =	shalt  }
0x3f: {  	_ =	shalt  }
0x40: {  	_ =	shalt  }
0x41: {  	_ =	shalt  }
0x42: {  	_ =	shalt  }
0x43: {  	_ =	shalt  }
0x44: {  	_ =	shalt  }
0x45: {  	_ =	shalt  }
0x46: {  	_ =	shalt  }
0x47: {  	_ =	shalt  }
0x48: {  	_ =	shalt  }
0x49: {  	_ =	shalt  }
0x4a: {  	_ =	shalt  }
0x4b: {  	_ =	shalt  }
0x4c: {  	_ =	shalt  }
0x4d: {  	_ =	shalt  }
0x4e: {  	_ =	shalt  }
0x4f: {  	_ =	shalt  }
0x50: {  	_ =	shalt  }
0x51: {  	_ =	shalt  }
0x52: {  	_ =	shalt  }
0x53: {  	_ =	shalt  }
0x54: {  	_ =	shalt  }
0x55: {  	_ =	shalt  }
0x56: {  	_ =	shalt  }
0x57: {  	_ =	shalt  }
0x58: {  	_ =	shalt  }
0x59: {  	_ =	shalt  }
0x5a: {  	_ =	shalt  }
0x5b: {  	_ =	shalt  }
0x5c: {  	_ =	shalt  }
0x5d: {  	_ =	shalt  }
0x5e: {  	_ =	shalt  }
0x5f: {  	_ =	shalt  }
0x60: {  	_ =	shalt  }
0x61: {  	_ =	shalt  }
0x62: {  	_ =	shalt  }
0x63: {  	_ =	shalt  }
0x64: {  	_ =	shalt  }
0x65: {  	_ =	shalt  }
0x66: {  	_ =	shalt  }
0x67: {  	_ =	shalt  }
0x68: {  	_ =	shalt  }
0x69: {  	_ =	shalt  }
0x6a: {  	_ =	shalt  }
0x6b: {  	_ =	shalt  }
0x6c: {  	_ =	shalt  }
0x6d: {  	_ =	shalt  }
0x6e: {  	_ =	shalt  }
0x6f: {  	_ =	shalt  }
0x70: {  	_ =	shalt  }
0x71: {  	_ =	shalt  }
0x72: {  	_ =	shalt  }
0x73: {  	_ =	shalt  }
0x74: {  	_ =	shalt  }
0x75: {  	_ =	shalt  }
0x76: {  	_ =	shalt  }
0x77: {  	_ =	shalt  }
0x78: {  	_ =	shalt  }
0x79: {  	_ =	shalt  }
0x7a: {  	_ =	shalt  }
0x7b: {  	_ =	shalt  }
0x7c: {  	_ =	shalt  }
0x7d: {  	_ =	shalt  }
0x7e: {  	_ =	shalt  }
0x7f: {  	_ =	shalt  }
0x80: {  	_ =	shalt  }
0x81: {  	_ =	shalt  }
0x82: {  	_ =	shalt  }
0x83: {  	_ =	shalt  }
0x84: {  	_ =	shalt  }
0x85: {  	_ =	shalt  }
0x86: {  	_ =	shalt  }
0x87: {  	_ =	shalt  }
.Lfunc_end0:
.L_simem_size_0:
called_computation_lowered:
.L_overlay_start_0:
0x88: {  	s2 =	sld [smem:$0x3FD9]  }
0x89: {  	s3 =	sld [smem:$0x3FFE];
	_ =	sdelay $0x1  }
0x8a: {  	s1 =	srdreg.scid  }
0x8b: {  	s0 =	sand.u32 $0x1, s1  }
0x8c: {  	s14 =	sshll.u32 s0, $0xA;
	s2 =	sadd.s32 s3, s2  }
0x8d: {  	s2 =	sadd.s32 s2, s14  }
0x8e: {  	[smem:$0x3FC6] =	sst s2  }
0x8f: {  	_ = 	snop  }
0x90: {  	s2 =	sld [smem:$0x3FD0];
	_ =	sdelay $0x2  }
0x91: {  	s4 =	simm.s32 $0xA;
	s5 =	simm.s32 $0x10;
	s15 =	sld [smem:$0x3FC8]  }
0x92: {  	[smem:s5], [sflag:s4] =	dma.local [hbm:s2], $0x1  }
0x93: {  	_ =	swait.eq [sflag:s4], $0x1  }
0x94: {  	[sflag:s4] =	ssyncset.done $0x0  }
0x95: {  	s16 =	sld [smem:$0x10];
	[sflag:s4] =	ssyncadd.s32 $0xFFFFFFFF  }
0x96: {  	s17 =	sld [smem:$0x11];
	(tm) =	ssettm $0x1  }
0x97: {  	s18 =	sld [smem:$0x3FFB];
	_ =	sdelay $0x3  }
0x98: {  	_ =	strace s18  }
0x99: {  	s5 =	sld [smem:$0x3FFC];
	_ =	sdelay $0x3  }
0x9a: {  	_ =	strace s5  }
0x9b: {  	s5 =	sld [smem:$0x3FFD];
	_ =	sdelay $0x3  }
0x9c: {  	_ =	strace s5  }
0x9d: {  	_ =	strace $0x8FFFFFFF  }
0x9e: {  	s19 =	sld [smem:$0x3FDB];
	_ =	sdelay $0x1  }
0x9f: {  	s6 =	simm.s32 $_scs_section_size  }
0xa0: {  	s7 =	simm.s32 $_size__tile_overlayer_lowered;
	s8 =	simm.s32 $_tile_overlayer_lowered  }
0xa1: {  	s22 =	simm.s32 $0x1BFF;
	s21 =	sshll.u32 s8, $0x1;
	s5 =	sadd.s32 s6, s19  }
0xa2: {  	s9 =	simm.s32 $0x0;
	s20 =	sshll.u32 s7, $0x1;
	s7 =	sadd.s32 s21, s5  }
0xa3: {  	[timem:s9], [sflag:s22] =	dma.local [hbm:s7], s20  }
0xa4: {  	_ =	swait.ge [sflag:s22], s20  }
0xa5: {  	s6 =	ssub.s32 $0x0, s20;
	[sflag:s22] =	ssyncset.done $0x0  }
0xa6: {  	[sflag:s22] =	ssyncadd.s32 s6;
	_ =	sdelay $0x1  }
0xa7: {  	s23 =	simm.s32 $0x1B8B  }
0xa8: {  	_ =	swait.ge [sflag:s23], $0x1  }
0xa9: {  	[sflag:s23] =	ssyncset.done $0x0  }
0xaa: {  	s25 =	simm.s32 $0x1B8E;
	s24 =	sld [smem:$0x3FFE];
	[sflag:s23] =	ssyncadd.s32 $0xFFFFFFFF  }
0xab: {  	s26 =	simm.s32 $execute0_lowered;
	[smem:$0x3FD2] =	sst s25  }
0xac: {  	s7 =	sshll.u32 s26, $0x1;
	_ =	strace $0x80000046;
	[dreg:$0x1] =	wrdreg $0xFFFFFFFF  }
0xad: {  	s28 =	simm.s32 $_size_execute0_lowered;
	s5 =	sadd.s32 s5, s7;
	[dreg:$0x0] =	wrdreg $0x0  }
0xae: {  	s7 =	sshll.u32 s28, $0x1;
	[dreg:$0x2] =	wrdreg s5  }
0xaf: {  	[dreg:$0x3] =	wrdreg s7  }
0xb0: {  	[dreg:$0x4] =	wrdreg $0xC0  }
0xb1: {  	_ =	task [dreg:s9], $0x5FFFF  }
0xb2: {  	[dreg:$0x1] =	wrdreg $0xFFFFFFFF  }
0xb3: {  	[dreg:$0x0] =	wrdreg $0x60  }
0xb4: {  	[dreg:$0x2] =	wrdreg s24  }
0xb5: {  	[dreg:$0x3] =	wrdreg s15  }
0xb6: {  	[dreg:$0x4] =	wrdreg s16  }
0xb7: {  	[dreg:$0x5] =	wrdreg s17  }
0xb8: {  	[dreg:$0x6] =	wrdreg $0x9  }
0xb9: {  	_ =	task.clear_ibuf [dreg:s9], $0x7FFFF;
	_ =	strace $0x90000046  }
0xba: {  	s29 =	simm.s32 $0x9;
	_ =	strace $0x80000048  }
0xbb: {  	_ =	swait.ge [sflag:s29], $0x1  }
0xbc: {  	[sflag:s29] =	ssyncadd.s32 $0xFFFFFFFF  }
0xbd: {  	_ =	strace $0x90000048  }
0xbe: {  	_ =	sfence  }
0xbf: {  	s30 =	sld [smem:$0x0];
	_ =	sdelay $0x2  }
0xc0: {  	s31 =	sshll.u32 s1, $0xD;
	s1 =	sshrl.u32 s1, $0x2  }
0xc1: {  	s3 =	sand.u32 $0x4000, s31;
	s1 =	sadd.s32 s1, s30  }
0xc2: {  	s0 =	sor.u32 s3, s0;
	s1 =	sshll.u32 s1, $0x11  }
0xc3: {  	s0 =	sor.u32 s1, s0  }
0xc4: {  	s0 =	sadd.s32 $0x8F2B, s0  }
0xc5: {  	[sflag:s0] =	ssyncadd.remote.s32 $0x1  }
0xc6: {  	_ =	sfence.sel $0xFFFF  }
0xc7: {  	[dreg:$0x0] =	wrdreg $0xFFFFFFFF;
	(pc) =	sbr.abs _section_cstart, $3  }
0xc8: {  	[dreg:$0x1] =	wrdreg $0xFFFFFFFF  }
0xc9: {  	_ =	task.clear_ibuf [dreg:s9], $0x2FFFF;
	_ =	strace $0x9FFFFFFF  }
0xca: {  	(tm) =	ssettm $0x7FFFFFFF  }
0xcb: {  	_ =	shalt  }
tec
execute0_lowered:
.L_overlay_start_1:
0x0: {  	(tag) =	ssettag $0x1  }
0x1: {  	s0 =	rddreg [dreg:$0x0]  }
0x2: {  	s1 =	rddreg [dreg:$0x1]  }
0x3: {  	s2 =	rddreg [dreg:$0x3];
	s3 =	srdreg.scid  }
0x4: {  	s6 =	simm.s32 $0x0;
	s4 =	stileid.u32;
	s13 =	simm.s32 $0xE000  }
0x5: {  	s14 =	simm.s32 $0x40000000;
	s3 =	sand.u32 $0x1, s3;
	[smem:$0x7FF] =	sst s6  }
0x6: {  	s4 =	sshll.u32 s4, $0x6;
	s0 =	sadd.s32 $0x600, s0;
	s5 =	sshll.u32 s3, $0x5  }
0x7: {  	_ =	strace $0x80000047;
	s3 =	ssub.s32 $0x2, s3;
	s4 =	sor.u32 s5, s4  }
.Ltmp0:
0x8: {  	[dreg:$0x8] =	wrdreg s4;
	s4 =	sshrl.u32 s4, $0x3;
	(pc) =	sbr.rel .LBB2_1-.Ltmp0, $4  }
0x9: {  	[dreg:$0x9] =	wrdreg s0;
	s30 =	sshrl.u32 s3, $0x1;
	s1 =	sadd.s32 s1, s4  }
0xa: {  	s0 =	ssub.s32 s3, s30;
	s31 =	sadd.s32 s2, s4;
	[dreg:$0xa] =	wrdreg s1  }
0xb: {  	v0 =	vlaneseq.u32;
	s15 =	simm.s32 $0x2;
	s0 =	smax.u32 s0, $0x1;
	[dreg:$0xb] =	wrdreg s31  }
0xc: {  	v1 =	vimm.s32 $0x0;
	v2 =	vimm.f32 $0.0e+00;
	v3 =	vimm.f32 $-Inf;
	s2 =	simm.s32 $0x3;
	[dreg:$0xc] =	wrdreg s0;
	s1 =	simm.s32 $0x0  }
.LBB2_207:
0xd: {  	[tilespmem:$0x17480] =	vst v5  }
0xe: {  	[tilespmem:$0x17490] =	vst v4;
	s0 =	rddreg [dreg:$0xb];
	s1 =	simm.s32 $0x17480  }
0xf: {  	[hbm4b:s0+s6] =	stream.linear.scatter [tilespmem:s1], [sflag:$0x3], $0x20, $0x38;
	[tilespmem:$0x17500] =	vst v63  }
0x10: {  	_ =	swait.ge [sflag:s2], $0x20  }
0x11: {  	s30 =	rddreg [dreg:$0xd]  }
0x12: {  	s31 =	rddreg [dreg:$0xc];
	s1 =	sadd.s32 $0x1, s30  }
0x13: {  	p0 =	sne.s32 s1, s31  }
.Ltmp1:
0x14: {  	_ = 	snop;
	(pc) =	sbr.rel @!p0 .LBB2_208-.Ltmp1, $3  }
0x15: {  	_ =	sdelay $0x1  }
0x16: {  	[sflag:s2] =	ssyncset.done $0x0  }
0x17: {  	[sflag:s2] =	ssyncadd.s32 $0xFFFFFFE0  }
.LBB2_1:
0x18: {  	[dreg:$0xd] =	wrdreg s1  }
.Ltmp2:
0x19: {  	s0 =	rddreg [dreg:$0xa];
	s31 =	simm.s32 $0x17400;
	(pc) =	sbr.rel .LBB2_2-.Ltmp2, $4  }
0x1a: {  	[tilespmem:s31], [sflag:$0x3] =	stream.linear.gather [hbm4b:s0+s6], $0x20, $0x38;
	[tilespmem:$0x17500] =	vst v63  }
0x1b: {  	_ =	swait.ge [sflag:s2], $0x20  }
0x1c: {  	[sflag:s2] =	ssyncset.done $0x0  }
0x1d: {  	v4 =	vimm.f32 $0.0e+00;
	v5 =	vimm.f32 $0.0e+00;
	s3 =	simm.s32 $0x0;
	[sflag:s2] =	ssyncadd.s32 $0xFFFFFFE0  }
.LBB2_206:
0x1e: {  	s0 =	rddreg [dreg:$0xf]  }
0x1f: {  	s1 =	rddreg [dreg:$0x2];
	s6 =	simm.s32 $0x0;
	s0 =	sshll.u32 s0, $0x4  }
0x20: {  	s31 =	simm.s32 $0x17000;
	s2 =	simm.s32 $0x3;
	s0 =	sadd.s32 s1, s0  }
0x21: {  	[hbm4b:s0+s6] =	stream.linear.scatter [tilespmem:s31], [sflag:$0x3], $0x400, $0x38;
	[tilespmem:$0x17500] =	vst v63  }
0x22: {  	_ =	swait.ge [sflag:s2], $0x400  }
0x23: {  	s3 =	rddreg [dreg:$0xe]  }
0x24: {  	s3 =	sadd.s32 $0x1, s3  }
0x25: {  	p0 =	sne.s32 s3, $0x4  }
.Ltmp3:
0x26: {  	_ = 	snop;
	(pc) =	sbr.rel @!p0 .LBB2_207-.Ltmp3, $3  }
0x27: {  	_ =	sdelay $0x1  }
0x28: {  	[sflag:s2] =	ssyncset.done $0x0  }
0x29: {  	[sflag:s2] =	ssyncadd.s32 $0xFFFFFC00  }
.LBB2_2:
0x2a: {  	s22 =	sshll.u32 s3, $0x3;
	s0 =	rddreg [dreg:$0x8]  }
0x2b: {  	s0 =	sor.u32 s0, s22  }
0x2c: {  	[dreg:$0xf] =	wrdreg s0;
	s0 =	sshrl.u32 s0, $0x3  }
0x2d: {  	s0 =	smul.u32 $0xC3800, s0  }
.Ltmp4:
0x2e: {  	s2 =	rddreg [dreg:$0x9];
	(pc) =	sbr.rel .LBB2_3-.Ltmp4, $4  }
0x2f: {  	s30 =	simm.s32 $0x0;
	[dreg:$0xe] =	wrdreg s3  }
0x30: {  	s31 =	sshll.u32 s3, $0x5;
	s29 =	simm.s32 $0x0;
	s1 =	sshrl.u32 s0, $0x3  }
0x31: {  	s26 =	sand.u32 $0x40, s31;
	s28 =	sadd.s32 $0xC800, s0;
	s24 =	sadd.s32 s2, s1  }
0x32: {  	v7 =	vimm.f32 $-Inf;
	v6 =	vimm.s32 $0x0;
	[tilespmem:s30], [sflag:$0x1] =	stream.linear.gather [hbm4b:s24+s30], $0x6400, $0x38;
	[tilespmem:$0x17500] =	vst v63  }
.LBB2_82:
0x33: {  	s29 =	sadd.s32 $0x1, s29  }
0x34: {  	p0 =	sne.s32 s29, $0xF  }
.Ltmp5:
0x35: {  	_ = 	snop;
	(pc) =	sbr.rel @!p0 .LBB2_83-.Ltmp5, $1  }
0x36: {  	_ =	sdelay $0x3  }
.LBB2_3:
0x37: {  	s0 =	smul.u32 $0x1900, s29;
	s1 =	simm.s32 $0x1  }
.Ltmp6:
0x38: {  	s25 =	simm.s32 $0x6400;
	_ =	swait.ge [sflag:s1], $0x6400;
	(pc) =	sbr.rel .LBB2_4-.Ltmp6, $4  }
0x39: {  	s2 =	simm.s32 $0x0;
	[sflag:s1] =	ssyncset.done $0x0;
	s30 =	sadd.s32 $0xC80, s0  }
0x3a: {  	s31 =	smul.u32 $0xFFFFE700, s29;
	[sflag:s1] =	ssyncadd.s32 $0xFFFF9C00;
	s0 =	sadd.s32 s30, s24  }
0x3b: {  	[tilespmem:s25], [sflag:$0x2] =	stream.linear.gather [hbm4b:s0+s2], $0x6400, $0x38;
	[tilespmem:$0x17500] =	vst v63  }
0x3c: {  	s9 =	simm.s32 $0x0;
	s0 =	simm.s32 $0xE020;
	s2 =	simm.s32 $0xE010  }
.LBB2_37:
0x3d: {  	s23 =	sshrl.u32 s26, $0x2  }
0x3e: {  	v8 =	vld [tilespmem:s23+$0x17400]  }
0x3f: {  	s1 =	sor.u32 s22, s9  }
0x40: {  	s3 =	sand.u32 $0xF, s1  }
0x41: {  	v9 =	vmov s3  }
0x42: {  	vm1 =	veq.s32 v9, v0  }
0x43: {  	v8 =	vnsel vm1, $0x0, v8  }
0x44: {  	(xrf0) =	vadd.scan.msk.s32 $0xffff, v8;
	_ =	sdelay $0x5  }
0x45: {  	v8, _, _ =	vpop (xrf0)  }
0x46: {  	(v2sf) =	vpush v8, $0xF;
	_ =	sdelay $0xe  }
0x47: {  	s21 =	spop (v2sf)  }
0x48: {  	s3 =	sadd.s32 s31, s21  }
0x49: {  	p1 =	sgt.s32 s3, $0x0  }
0x4a: {  	p0 =	slt.u32 s3, $0xC80;
	p2 =	slt.s32 s3, $0x1;
	s3 =	simm.s32 @!p1 $0x0  }
0x4b: {  	s3 =	smin.u32 s3, $0xC7F  }
0x4c: {  	s4 =	sand.u32 $0xF, s3  }
0x4d: {  	p4 =	sne.s32 s4, $0x0  }
0x4e: {  	p1 =	por !p2, !p4  }
0x4f: {  	s4 =	simm.s32 $0xFFFFFFFF;
	p1 =	por !p1, !p1  }
0x50: {  	s4 =	simm.s32 @!p1 $0x0  }
0x51: {  	s4 =	sshll.u32 s4, $0x4  }
0x52: {  	s4 =	sadd.s32 s3, s4  }
0x53: {  	s5 =	sshll.u32 s4, $0x3  }
0x54: {  	s6 =	sshrl.u32 s18, $0x2;
	s5 =	sand.u32 $0xFFFFFC00, s5  }
0x55: {  	s7 =	sand.u32 $0x70, s4;
	s5 =	sadd.s32 s6, s5  }
0x56: {  	s5 =	sadd.s32 s7, s5  }
0x57: {  	v8 =	vld [tilespmem:s5+$0x0]  }
0x58: {  	s4 =	sand.u32 $0xFFFFFFF0, s4  }
0x59: {  	s3 =	ssub.s32 s3, s4  }
0x5a: {  	v62 =	vmov s3  }
0x5b: {  	vm2 =	veq.s32 v62, v0  }
0x5c: {  	v8 =	vnsel vm2, $0x0, v8  }
0x5d: {  	(xrf2) =	vadd.scan.msk.f32 $0xffff, v8;
	_ =	sdelay $0x9  }
0x5e: {  	v8, _, _ =	vpop (xrf2)  }
0x5f: {  	(v2sf) =	vpush v8, $0xF;
	_ =	sdelay $0xd  }
0x60: {  	s3 =	simm.f32 $1.000000000e+00  }
0x61: {  	s9 =	sadd.s32 $0x1, s9;
	s3 =	simm.s32 @!p0 $0x0;
	s25 =	spop (v2sf)  }
0x62: {  	p0 =	sne.s32 s9, $0x8;
	s3 =	smul.f32 s3, s25  }
.Ltmp7:
0x63: {  	v8 =	vsel vm1, $0x3F800000, v2;
	(pc) =	sbr.rel @!p0 .LBB2_38-.Ltmp7, $4  }
0x64: {  	v8 =	vmul.f32 s3, v8  }
0x65: {  	p5 =	slt.u32 s1, $0x10;
	p6 =	sgt.u32 s1, $0xF  }
0x66: {  	v7 =	vsel vm0, v10, v7;
	v63 =	vpsel !p5, $0x0, v8;
	v8 =	vpsel !p6, $0x0, v8  }
0x67: {  	v6 =	vsel vm0, v17, v6;
	s0 =	sadd.s32 $0x1000, s0;
	s2 =	sadd.s32 $0x1000, s2;
	v5 =	vadd.f32 v63, v5;
	v4 =	vadd.f32 v8, v4  }
.LBB2_4:
0x68: {  	v8 =	vmov s9  }
0x69: {  	vm0 =	veq.s32 v8, v0  }
0x6a: {  	v9 =	vxor.u32 $0x80000000, v6;
	v8 =	vnsel vm0, $0xFF800000, v7  }
0x6b: {  	(xrf0) =	vmax.scan.msk.f32 $0xffff, v8;
	v8 =	vnsel vm0, $0x80000000, v9  }
0x6c: {  	(xrf0) =	vmax.scan.msk.u32 $0xffff, v8;
	_ =	sdelay $0x4  }
0x6d: {  	v8, _, _ =	vpop (xrf0)  }
0x6e: {  	v9, _, _ =	vpop (xrf0)  }
0x6f: {  	(v2sf) =	vpush v9, $0xF;
	_ =	sdelay $0xc  }
.Ltmp8:
0x70: {  	_ = 	snop;
	(pc) =	sbr.rel .LBB2_5-.Ltmp8, $4  }
0x71: {  	s1 =	sshll.u32 s9, $0xC  }
0x72: {  	v9 =	vmov s1;
	s3 =	spop (v2sf)  }
0x73: {  	s4 =	sshll.u32 s9, $0x7;
	s18 =	sshll.u32 s9, $0x9;
	v10 =	vbroadcast v8, $0xF;
	v8 =	vadd.s32 $0xFFFFFFFF, v9;
	s3 =	sxor.u32 $0x80000000, s3  }
0x74: {  	s6 =	simm.s32 $0x0;
	p1 =	por $0x1, $0x1;
	s23 =	sadd.s32 $0xE000, s1;
	v9 =	vmov s4;
	v8 =	vbroadcast v8, $0x0;
	v17 =	vmov s3  }
.LBB2_28:
0x75: {  	v11 =	vimm.s32 $0x80000000  }
.LBB2_35:
0x76: {  	(xrf0) =	vmax.scan.msk.u32 $0xffff, v11;
	_ =	sdelay $0x5  }
0x77: {  	v11, _, _ =	vpop (xrf0)  }
0x78: {  	(v2sf) =	vpush v11, $0xF;
	_ =	sdelay $0xe  }
0x79: {  	s1 =	spop (v2sf)  }
0x7a: {  	s3 =	sxor.u32 $0x80000000, s1  }
0x7b: {  	s4 =	sadd.s32 $0x80000010, s1;
	v11 =	vadd.s32 s3, v0  }
0x7c: {  	s19 =	sadd.s32 $0x80000020, s1;
	v12 =	vadd.s32 s4, v0;
	vm1 =	vlt.s32 v11, $0x64  }
0x7d: {  	s20 =	sadd.s32 $0x80000030, s1;
	v13 =	vadd.s32 s19, v0;
	vm2 =	vlt.s32 v12, $0x64  }
0x7e: {  	s21 =	sadd.s32 $0x80000040, s1;
	v14 =	vadd.s32 s20, v0;
	vm3 =	vlt.s32 v13, $0x64  }
0x7f: {  	s25 =	sadd.s32 $0x80000050, s1;
	v15 =	vadd.s32 s21, v0;
	vm4 =	vlt.s32 v14, $0x64  }
0x80: {  	s1 =	sadd.s32 $0x80000060, s1;
	v16 =	vadd.s32 s25, v0;
	vm5 =	vlt.s32 v15, $0x64  }
0x81: {  	v17 =	vadd.s32 s1, v0;
	vm6 =	vlt.s32 v16, $0x64  }
0x82: {  	[tilespmem:v11+s23+$0x0] =	vst.idx.msk vm1, v10;
	vm1 =	vlt.s32 v17, $0x64  }
0x83: {  	[tilespmem:v12+s23+$0x0] =	vst.idx.msk vm2, v10  }
0x84: {  	[tilespmem:v13+s23+$0x0] =	vst.idx.msk vm3, v10  }
0x85: {  	[tilespmem:v14+s23+$0x0] =	vst.idx.msk vm4, v10  }
0x86: {  	p1 =	sgt.s32 s3, $0x64;
	[tilespmem:v15+s23+$0x0] =	vst.idx.msk vm5, v10  }
0x87: {  	s3 =	simm.s32 @!p1 $0x64;
	[tilespmem:v16+s23+$0x0] =	vst.idx.msk vm6, v10  }
0x88: {  	[tilespmem:v17+s23+$0x0] =	vst.idx.msk vm1, v10;
	v17 =	vmov s3  }
.LBB2_36:
.Ltmp9:
0x89: {  	(pc) =	sbr.rel @!p0 .LBB2_37-.Ltmp9, $2  }
0x8a: {  	_ =	sdelay $0x2  }
0x8b: {  	s6 =	simm.s32 $0x64;
	p1 =	por $0x0, $0x0  }
.LBB2_5:
0x8c: {  	s1 =	sadd.s32 $0x64, s6;
	s3 =	sshll.u32 s6, $0x4  }
0x8d: {  	[dreg:$0x5] =	wrdreg s1;
	s1 =	sshll.u32 s6, $0x7;
	s7 =	sadd.s32 $0x90, s3  }
0x8e: {  	s3 =	sadd.s32 $0xFFFFFFB0, s7;
	s4 =	sadd.s32 $0x200, s1;
	s8 =	sadd.s32 $0xFFFFFFC0, s7  }
0x8f: {  	s10 =	sadd.s32 $0x280, s1;
	s16 =	sadd.s32 $0xFFFFFFD0, s7;
	s19 =	sadd.s32 $0xFFFFFF70, s7  }
0x90: {  	s12 =	sand.u32 $0x7FFFFC00, s1;
	s5 =	sadd.s32 $0xFFFFFFA0, s7;
	s19 =	sand.u32 $0x60, s19  }
0x91: {  	s11 =	sadd.s32 $0xFFFFFF90, s7;
	s25 =	sadd.s32 $0x100, s1;
	s12 =	sor.u32 s19, s12  }
0x92: {  	s25 =	sand.u32 $0x7FFFFC00, s25;
	s3 =	sand.u32 $0x60, s3;
	s4 =	sand.u32 $0x7FFFFC00, s4;
	v30 =	vld.idx.msk [tilespmem:v9+s12+$0x0 ss:$0x1], $0xffff  }
0x93: {  	s19 =	sand.u32 $0x60, s11;
	s11 =	sadd.s32 $0x180, s1;
	s3 =	sor.u32 s3, s4;
	v24 =	vld.idx.msk [tilespmem:v9+s12+$0x10 ss:$0x1], $0xffff  }
0x94: {  	s5 =	sand.u32 $0x70, s5;
	s19 =	sor.u32 s19, s25;
	s11 =	sand.u32 $0x7FFFFC00, s11;
	v15 =	vld.idx.msk [tilespmem:v9+s3+$0x0 ss:$0x1], $0xffff  }
0x95: {  	s17 =	sadd.s32 $0x300, s1;
	s20 =	sadd.s32 $0xFFFFFFE0, s7;
	v23 =	vld.idx.msk [tilespmem:v9+s19+$0x0 ss:$0x1], $0xffff;
	s5 =	sor.u32 s5, s11  }
0x96: {  	s21 =	sadd.s32 $0x380, s1;
	s25 =	sand.u32 $0x7FFFFC00, s10;
	s19 =	sand.u32 $0x70, s8;
	v14 =	vld.idx.msk [tilespmem:v9+s5+$0x0 ss:$0x1], $0xffff  }
0x97: {  	v26 =	vld.idx.msk [tilespmem:v9+s12+$0x400 ss:$0x1], $0xffff;
	s8 =	sand.u32 $0x7FFFFC00, s17;
	s4 =	sor.u32 s19, s25;
	s5 =	sand.u32 $0x60, s16  }
0x98: {  	v32 =	vadd.s32 v17, v8;
	s11 =	sand.u32 $0x70, s20;
	s16 =	sand.u32 $0x7FFFFC00, s21;
	v11 =	vld.idx.msk [tilespmem:v9+s4+$0x0 ss:$0x1], $0xffff;
	s10 =	sor.u32 s5, s8;
	vm1 =	vgt.f32 v30, v10  }
0x99: {  	s17 =	sor.u32 s11, s16;
	v22 =	vld.idx.msk [tilespmem:v9+s10+$0x0 ss:$0x1], $0xffff;
	vm3 =	vgt.f32 v24, v10;
	v12 =	vsel vm1, $0x1, v1;
	v13 =	vmpcnt.ones.xlane vm1  }
0x9a: {  	s19 =	rddreg [dreg:$0x5];
	s8 =	sadd.s32 $0xA, s6;
	v25 =	vld.idx.msk [tilespmem:v9+s17+$0x0 ss:$0x1], $0xffff;
	vm6 =	vgt.f32 v15, v10;
	v18 =	vmpcnt.ones.xlane vm3;
	vm2 =	vgt.f32 v23, v10;
	(xrf0) =	vadd.scan.msk.s32 $0xffff, v12  }
0x9b: {  	p2 =	slt.u32 s8, s19;
	v12 =	vmpcnt.ones.xlane vm2;
	vm8 =	vgt.f32 v14, v10;
	v19 =	vadd.s32 v17, v13  }
.Ltmp10:
0x9c: {  	vm5 =	vgt.f32 v26, v10;
	v13 =	vmpcnt.ones.xlane vm8;
	v21 =	vadd.s32 v19, v18;
	(pc) =	sbr.rel @!p2 .LBB2_6-.Ltmp10, $4  }
0x9d: {  	s20 =	sadd.s32 $0x480, s1;
	vm7 =	vgt.f32 v11, v10;
	v20 =	vadd.s32 v21, v12;
	v12 =	vmpcnt.ones.xlane vm6  }
0x9e: {  	s21 =	sand.u32 $0x70, s7;
	s4 =	sand.u32 $0x7FFFFC00, s20;
	v16 =	vsel vm3, $0x1, v1;
	v27 =	vadd.s32 v20, v13;
	v13 =	vmpcnt.ones.xlane vm7  }
0x9f: {  	s25 =	sor.u32 s21, s4;
	vm10 =	vgt.f32 v22, v10;
	vm4 =	vgt.f32 v25, v10;
	v29 =	vadd.s32 v27, v12  }
0xa0: {  	p0 =	por p1, p1;
	p1 =	por $0x0, $0x0;
	(xrf0) =	vadd.scan.msk.s32 $0xffff, v16;
	v42 =	vmpcnt.ones.xlane vm10;
	v41 =	vmpcnt.ones.xlane vm4;
	v12 =	vld.idx.msk [tilespmem:v9+s25+$0x0 ss:$0x1], $0xffff;
	v31 =	vadd.s32 v29, v13;
	v34, _, _ =	vpop (xrf0)  }
0xa1: {  	s6 =	sadd.s32 $0x500, s1;
	s7 =	sadd.s32 $0xA0, s7  }
0xa2: {  	s5 =	sadd.s32 $0xFFFFFFB0, s7;
	s10 =	sadd.s32 $0x200, s6  }
0xa3: {  	v13 =	vsel vm2, $0x1, v1;
	s11 =	sadd.s32 $0xFFFFFFC0, s7;
	s12 =	sadd.s32 $0x280, s6;
	s21 =	sadd.s32 $0xFFFFFF70, s7  }
0xa4: {  	v17 =	vsel vm8, $0x1, v1;
	v18 =	vsel vm6, $0x1, v1;
	v33 =	vsel vm7, $0x1, v1;
	s19 =	sand.u32 $0x7FFFFC00, s6;
	s20 =	sadd.s32 $0xFFFFFFA0, s7;
	s25 =	sadd.s32 $0xFFFFFF90, s7  }
0xa5: {  	v16 =	vadd.s32 v31, v42;
	(xrf0) =	vadd.scan.msk.s32 $0xffff, v13;
	v13 =	vmpcnt.ones.xlane vm5;
	s1 =	sand.u32 $0x60, s21;
	s21 =	sadd.s32 $0x100, s6;
	s20 =	sand.u32 $0x70, s20;
	vm9 =	vgt.f32 v12, v10  }
0xa6: {  	v27 =	vadd.s32 v27, v8;
	(xrf0) =	vadd.scan.msk.s32 $0xffff, v17;
	v17 =	vadd.s32 v16, v41;
	s5 =	sand.u32 $0x60, s5;
	s10 =	sand.u32 $0x7FFFFC00, s10;
	s1 =	sor.u32 s1, s19;
	v28 =	vmpcnt.ones.xlane vm9  }
0xa7: {  	v29 =	vadd.s32 v29, v8;
	(xrf0) =	vadd.scan.msk.s32 $0xffff, v18;
	v13 =	vadd.s32 v17, v13;
	v18 =	vsel vm10, $0x1, v1;
	s19 =	sand.u32 $0x60, s25;
	s21 =	sand.u32 $0x7FFFFC00, s21;
	s25 =	sadd.s32 $0x180, s6  }
0xa8: {  	v41 =	vadd.s32 v17, v8;
	s5 =	sor.u32 s5, s10;
	(xrf0) =	vadd.scan.msk.s32 $0xffff, v33;
	s19 =	sor.u32 s19, s21;
	s25 =	sand.u32 $0x7FFFFC00, s25;
	v62 =	vadd.s32 v13, v28;
	v28 =	vsel vm4, $0x1, v1  }
0xa9: {  	v17 =	vadd.s32 v19, v8;
	v19 =	vadd.s32 v34, v32;
	s21 =	sand.u32 $0x70, s11;
	v39 =	vld.idx.msk [tilespmem:v9+s5+$0x0 ss:$0x1], $0xffff;
	(xrf0) =	vadd.scan.msk.s32 $0xffff, v18;
	v35, _, _ =	vpop (xrf0);
	s20 =	sor.u32 s20, s25;
	s25 =	sand.u32 $0x7FFFFC00, s12  }
0xaa: {  	v21 =	vadd.s32 v21, v8;
	v32 =	vld.idx.msk [tilespmem:v9+s1+$0x10 ss:$0x1], $0xffff;
	v18 =	vsel vm5, $0x1, v1;
	v35 =	vadd.s32 v35, v17;
	s11 =	sor.u32 s21, s25;
	(xrf0) =	vadd.scan.msk.s32 $0xffff, v28  }
0xab: {  	v20 =	vadd.s32 v20, v8;
	vm13 =	vmmov vm8;
	vm14 =	vmmov vm6;
	v40 =	vld.idx.msk [tilespmem:v9+s11+$0x0 ss:$0x1], $0xffff;
	(xrf0) =	vadd.scan.msk.s32 $0xffff, v18;
	v28, _, _ =	vpop (xrf0)  }
0xac: {  	vm11 =	vmmov vm7;
	v31 =	vadd.s32 v31, v8;
	v16 =	vadd.s32 v16, v8;
	v18 =	vld.idx.msk [tilespmem:v9+s1+$0x0 ss:$0x1], $0xffff;
	v63, _, _ =	vpop (xrf0)  }
0xad: {  	s16 =	sadd.s32 $0xFFFFFFD0, s7;
	s17 =	sadd.s32 $0x300, s6;
	v37 =	vsel vm9, $0x1, v1;
	v36 =	vld.idx.msk [tilespmem:v9+s19+$0x0 ss:$0x1], $0xffff;
	v13 =	vadd.s32 v13, v8;
	v21 =	vadd.s32 v28, v21;
	v38, _, _ =	vpop (xrf0)  }
0xae: {  	s12 =	sand.u32 $0x60, s16;
	s16 =	sand.u32 $0x7FFFFC00, s17;
	vm9 =	vmmov vm9;
	v17 =	vadd.s32 v62, v8;
	[tilespmem:v19+s13+$0x0] =	vst.idx.msk vm1, v30;
	vm6 =	vgt.f32 v39, v10;
	v28, _, _ =	vpop (xrf0)  }
0xaf: {  	s17 =	sor.u32 s12, s16;
	[tilespmem:v35+s13+$0x0] =	vst.idx.msk vm3, v24;
	v34 =	vadd.s32 v63, v20;
	v43 =	vadd.s32 v38, v27;
	v38 =	vld.idx.msk [tilespmem:v9+s20+$0x0 ss:$0x1], $0xffff;
	v20, _, _ =	vpop (xrf0)  }
0xb0: {  	s3 =	sadd.s32 $0xFFFFFFE0, s7;
	s4 =	sadd.s32 $0x380, s6;
	v30 =	vld.idx.msk [tilespmem:v9+s17+$0x0 ss:$0x1], $0xffff;
	vm3 =	vgt.f32 v32, v10;
	v28 =	vadd.s32 v28, v29;
	v29 =	vadd.s32 v20, v31;
	v20, _, _ =	vpop (xrf0)  }
0xb1: {  	s3 =	sand.u32 $0x70, s3;
	s4 =	sand.u32 $0x7FFFFC00, s4;
	vm7 =	vgt.f32 v40, v10;
	(xrf0) =	vadd.scan.msk.s32 $0xffff, v37;
	vm1 =	vgt.f32 v18, v10;
	v20 =	vadd.s32 v20, v16;
	v16, _, _ =	vpop (xrf0)  }
0xb2: {  	s3 =	sor.u32 s3, s4;
	v19 =	vmpcnt.ones.xlane vm1;
	[tilespmem:v21+s13+$0x0] =	vst.idx.msk vm2, v23;
	v24 =	vadd.s32 v16, v41;
	v16 =	vsel vm1, $0x1, v1  }
0xb3: {  	s8 =	sadd.s32 $0xA, s8;
	s25 =	rddreg [dreg:$0x5];
	v35 =	vld.idx.msk [tilespmem:v9+s3+$0x0 ss:$0x1], $0xffff;
	v21 =	vsel vm3, $0x1, v1;
	v23 =	vmpcnt.ones.xlane vm3;
	vm2 =	vgt.f32 v36, v10;
	(xrf0) =	vadd.scan.msk.s32 $0xffff, v16  }
0xb4: {  	p2 =	slt.u32 s8, s25;
	v37 =	vld.idx.msk [tilespmem:v9+s1+$0x400 ss:$0x1], $0xffff;
	v19 =	vadd.s32 v62, v19;
	v27 =	vmpcnt.ones.xlane vm2;
	vm8 =	vgt.f32 v38, v10  }
.Ltmp11:
0xb5: {  	s19 =	sadd.s32 $0x480, s6;
	[tilespmem:v34+s13+$0x0] =	vst.idx.msk vm13, v14;
	(xrf0) =	vadd.scan.msk.s32 $0xffff, v21;
	v21 =	vadd.s32 v19, v23;
	v23 =	vmpcnt.ones.xlane vm8;
	(pc) =	sbr.rel @!p2 .LBB2_8-.Ltmp11, $4  }
0xb6: {  	s4 =	sand.u32 $0x7FFFFC00, s19;
	s20 =	sand.u32 $0x70, s7;
	vm12 =	vgt.f32 v30, v10;
	[tilespmem:v20+s13+$0x0] =	vst.idx.msk vm4, v25;
	v20 =	vadd.s32 v21, v27;
	v25 =	vmpcnt.ones.xlane vm6  }
0xb7: {  	s21 =	sor.u32 s20, s4;
	v42 =	vmpcnt.ones.xlane vm12;
	[tilespmem:v43+s13+$0x0] =	vst.idx.msk vm14, v15;
	v27 =	vadd.s32 v20, v23;
	v23 =	vmpcnt.ones.xlane vm7  }
0xb8: {  	v16 =	vld.idx.msk [tilespmem:v9+s21+$0x0 ss:$0x1], $0xffff;
	[tilespmem:v29+s13+$0x0] =	vst.idx.msk vm10, v22;
	v33, _, _ =	vpop (xrf0);
	vm4 =	vgt.f32 v35, v10;
	v29 =	vadd.s32 v27, v25  }
0xb9: {  	p1 =	por $0x1, $0x1;
	[tilespmem:v24+s13+$0x0] =	vst.idx.msk vm5, v26;
	v41 =	vmpcnt.ones.xlane vm4;
	vm5 =	vgt.f32 v37, v10;
	v31 =	vadd.s32 v29, v23;
	v34, _, _ =	vpop (xrf0)  }
.LBB2_9:
0xba: {  	v54 =	vmpcnt.ones.xlane vm5;
	[tilespmem:v28+s13+$0x0] =	vst.idx.msk vm11, v11;
	v11 =	vsel vm2, $0x1, v1;
	v26 =	vmovc v32;
	v22 =	vmovc v36;
	v28 =	vsel vm8, $0x1, v1  }
0xbb: {  	s1 =	rddreg [dreg:$0x5];
	s8 =	sadd.s32 $0xA, s8;
	v55 =	vsel vm6, $0x1, v1;
	v14 =	vmovc v38;
	v57 =	vsel vm7, $0x1, v1;
	v58 =	vsel vm12, $0x1, v1;
	v15 =	vmovc v39  }
0xbc: {  	s6 =	sadd.s32 $0x500, s6;
	s7 =	sadd.s32 $0xA0, s7;
	v59 =	vsel vm5, $0x1, v1;
	v27 =	vadd.s32 v27, v8;
	v29 =	vadd.s32 v29, v8;
	v24, _, _ =	vpop (xrf0);
	(xrf0) =	vadd.scan.msk.s32 $0xffff, v11;
	p2 =	slt.u32 s8, s1  }
0xbd: {  	v19 =	vadd.s32 v19, v8;
	v21 =	vadd.s32 v21, v8;
	v20 =	vadd.s32 v20, v8;
	s21 =	sadd.s32 $0xFFFFFFB0, s7;
	s20 =	sadd.s32 $0x200, s6;
	s12 =	sadd.s32 $0xFFFFFF70, s7;
	(xrf0) =	vadd.scan.msk.s32 $0xffff, v28  }
0xbe: {  	v34 =	vadd.s32 v34, v17;
	v33 =	vadd.s32 v33, v13;
	v63 =	vmovc v30;
	vm13 =	vmmov vm8;
	s5 =	sand.u32 $0x7FFFFC00, s6;
	s11 =	sadd.s32 $0xFFFFFFA0, s7;
	s1 =	sand.u32 $0x60, s12;
	(xrf0) =	vadd.scan.msk.s32 $0xffff, v55  }
0xbf: {  	v44 =	vmovc v35;
	vm14 =	vmmov vm6;
	v23 =	vadd.s32 v31, v42;
	s25 =	sadd.s32 $0xFFFFFF90, s7;
	v28 =	vsel vm4, $0x1, v1;
	s12 =	sadd.s32 $0x100, s6;
	s1 =	sor.u32 s1, s5;
	(xrf0) =	vadd.scan.msk.s32 $0xffff, v57  }
0xc0: {  	v31 =	vadd.s32 v31, v8;
	v25 =	vadd.s32 v23, v41;
	v23 =	vadd.s32 v23, v8;
	s5 =	sand.u32 $0x60, s25;
	s12 =	sand.u32 $0x7FFFFC00, s12;
	s25 =	sadd.s32 $0x180, s6;
	(xrf0) =	vadd.scan.msk.s32 $0xffff, v58  }
0xc1: {  	vm11 =	vmmov vm7;
	v19 =	vadd.s32 v24, v19;
	s11 =	sand.u32 $0x70, s11;
	v56 =	vadd.s32 v25, v54;
	v62 =	vld.idx.msk [tilespmem:v9+s1+$0x0 ss:$0x1], $0xffff;
	s5 =	sor.u32 s5, s12;
	s25 =	sand.u32 $0x7FFFFC00, s25;
	(xrf0) =	vadd.scan.msk.s32 $0xffff, v28  }
0xc2: {  	v11 =	vmov v40;
	v25 =	vadd.s32 v25, v8;
	vm10 =	vgt.f32 v16, v10;
	v32 =	vld.idx.msk [tilespmem:v9+s1+$0x10 ss:$0x1], $0xffff;
	s12 =	sand.u32 $0x60, s21;
	s21 =	sand.u32 $0x7FFFFC00, s20;
	s11 =	sor.u32 s11, s25;
	v28, _, _ =	vpop (xrf0);
	(xrf0) =	vadd.scan.msk.s32 $0xffff, v59  }
0xc3: {  	v61 =	vadd.s32 v56, v8;
	v43 =	vmpcnt.ones.xlane vm10;
	v60 =	vsel vm10, $0x1, v1;
	s25 =	sor.u32 s12, s21;
	[tilespmem:v33+s13+$0x0] =	vst.idx.msk vm9, v12;
	v38 =	vld.idx.msk [tilespmem:v9+s11+$0x0 ss:$0x1], $0xffff;
	v24, _, _ =	vpop (xrf0)  }
0xc4: {  	s4 =	sadd.s32 $0xFFFFFFC0, s7;
	s10 =	sadd.s32 $0x280, s6;
	v12 =	vmov v16;
	[tilespmem:v34+s13+$0x0] =	vst.idx.msk vm1, v18;
	v39 =	vld.idx.msk [tilespmem:v9+s25+$0x0 ss:$0x1], $0xffff;
	(xrf0) =	vadd.scan.msk.s32 $0xffff, v60;
	v24 =	vadd.s32 v24, v20;
	v20, _, _ =	vpop (xrf0)  }
0xc5: {  	s17 =	sadd.s32 $0xFFFFFFD0, s7;
	s3 =	sadd.s32 $0x300, s6;
	s19 =	sadd.s32 $0xFFFFFFE0, s7;
	v36 =	vld.idx.msk [tilespmem:v9+s5+$0x0 ss:$0x1], $0xffff;
	v42 =	vadd.s32 v56, v43;
	v21 =	vadd.s32 v28, v21;
	v45 =	vadd.s32 v20, v27;
	v20, _, _ =	vpop (xrf0)  }
0xc6: {  	s16 =	sadd.s32 $0x380, s6;
	s4 =	sand.u32 $0x70, s4;
	s10 =	sand.u32 $0x7FFFFC00, s10;
	vm9 =	vmmov vm10;
	[tilespmem:v19+s13+$0x0] =	vst.idx.msk vm3, v26;
	v17 =	vadd.s32 v42, v8;
	v28 =	vadd.s32 v20, v29;
	v20, _, _ =	vpop (xrf0)  }
0xc7: {  	s3 =	sand.u32 $0x7FFFFC00, s3;
	s4 =	sor.u32 s4, s10;
	s11 =	sand.u32 $0x60, s17;
	vm1 =	vgt.f32 v62, v10;
	vm3 =	vgt.f32 v32, v10;
	v29 =	vadd.s32 v20, v31;
	v20, _, _ =	vpop (xrf0)  }
0xc8: {  	v40 =	vld.idx.msk [tilespmem:v9+s4+$0x0 ss:$0x1], $0xffff;
	s12 =	sand.u32 $0x70, s19;
	s17 =	sand.u32 $0x7FFFFC00, s16;
	s3 =	sor.u32 s11, s3;
	v19 =	vmpcnt.ones.xlane vm1;
	vm8 =	vgt.f32 v38, v10;
	v20 =	vadd.s32 v20, v23;
	v16, _, _ =	vpop (xrf0)  }
0xc9: {  	s19 =	sor.u32 s12, s17;
	v30 =	vld.idx.msk [tilespmem:v9+s3+$0x0 ss:$0x1], $0xffff;
	v27 =	vmovc v37;
	vm6 =	vgt.f32 v39, v10;
	v23 =	vadd.s32 v16, v25;
	v16 =	vsel vm1, $0x1, v1  }
0xca: {  	v35 =	vld.idx.msk [tilespmem:v9+s19+$0x0 ss:$0x1], $0xffff;
	[tilespmem:v21+s13+$0x0] =	vst.idx.msk vm2, v22;
	v22 =	vmpcnt.ones.xlane vm3;
	vm2 =	vgt.f32 v36, v10;
	v33, _, _ =	vpop (xrf0);
	(xrf0) =	vadd.scan.msk.s32 $0xffff, v16  }
0xcb: {  	v37 =	vld.idx.msk [tilespmem:v9+s1+$0x400 ss:$0x1], $0xffff;
	v19 =	vadd.s32 v42, v19;
	v21 =	vsel vm3, $0x1, v1;
	v25 =	vmpcnt.ones.xlane vm2;
	[tilespmem:v24+s13+$0x0] =	vst.idx.msk vm13, v14  }
.Ltmp12:
0xcc: {  	s20 =	sadd.s32 $0x480, s6;
	v13 =	vmovc v61;
	(xrf0) =	vadd.scan.msk.s32 $0xffff, v21;
	v21 =	vadd.s32 v19, v22;
	v22 =	vmpcnt.ones.xlane vm8;
	[tilespmem:v29+s13+$0x0] =	vst.idx.msk vm12, v63;
	(pc) =	sbr.rel @p2 .LBB2_9-.Ltmp12, $4  }
0xcd: {  	s21 =	sand.u32 $0x70, s7;
	s4 =	sand.u32 $0x7FFFFC00, s20;
	vm7 =	vgt.f32 v40, v10;
	[tilespmem:v20+s13+$0x0] =	vst.idx.msk vm4, v44;
	v20 =	vadd.s32 v21, v25;
	v25 =	vmpcnt.ones.xlane vm6  }
0xce: {  	s25 =	sor.u32 s21, s4;
	vm12 =	vgt.f32 v30, v10;
	[tilespmem:v23+s13+$0x0] =	vst.idx.msk vm5, v27;
	v27 =	vadd.s32 v20, v22;
	v22 =	vmpcnt.ones.xlane vm7  }
0xcf: {  	v18 =	vmovc v62;
	v16 =	vld.idx.msk [tilespmem:v9+s25+$0x0 ss:$0x1], $0xffff;
	v42 =	vmpcnt.ones.xlane vm12;
	vm4 =	vgt.f32 v35, v10;
	v29 =	vadd.s32 v27, v25  }
0xd0: {  	[tilespmem:v45+s13+$0x0] =	vst.idx.msk vm14, v15;
	v41 =	vmpcnt.ones.xlane vm4;
	vm5 =	vgt.f32 v37, v10;
	v31 =	vadd.s32 v29, v22;
	v34, _, _ =	vpop (xrf0)  }
0xd1: {  	v43 =	vmov v11;
	v24 =	vmov v32  }
0xd2: {  	v23 =	vmovc v36;
	v14 =	vmovc v38;
	vm10 =	vmmov vm12;
	v15 =	vmov v39;
	v11 =	vmov v40  }
0xd3: {  	v32 =	vmovc v17;
	v22 =	vmovc v30;
	v25 =	vmov v35;
	v26 =	vmov v37;
	v30 =	vmov v18  }
.LBB2_11:
0xd4: {  	v17 =	vsel vm2, $0x1, v1  }
0xd5: {  	v18 =	vsel vm8, $0x1, v1;
	(xrf0) =	vadd.scan.msk.s32 $0xffff, v17  }
0xd6: {  	v17 =	vsel vm6, $0x1, v1;
	(xrf0) =	vadd.scan.msk.s32 $0xffff, v18  }
0xd7: {  	v35 =	vsel vm7, $0x1, v1;
	vm12 =	vgt.f32 v16, v10;
	(xrf0) =	vadd.scan.msk.s32 $0xffff, v17  }
0xd8: {  	v36 =	vsel vm10, $0x1, v1;
	v18 =	vadd.s32 v31, v42;
	v17 =	vmpcnt.ones.xlane vm5;
	(xrf0) =	vadd.scan.msk.s32 $0xffff, v35  }
0xd9: {  	v38 =	vsel vm4, $0x1, v1;
	v37 =	vmpcnt.ones.xlane vm12;
	v63 =	vadd.s32 v18, v41;
	(xrf0) =	vadd.scan.msk.s32 $0xffff, v36  }
0xda: {  	v48, _, _ =	vpop (xrf0);
	v40 =	vsel vm5, $0x1, v1;
	v39 =	vadd.s32 v63, v17;
	(xrf0) =	vadd.scan.msk.s32 $0xffff, v38  }
0xdb: {  	v49 =	vsel vm12, $0x1, v1;
	v17 =	vadd.s32 v39, v37;
	v50, _, _ =	vpop (xrf0);
	(xrf0) =	vadd.scan.msk.s32 $0xffff, v40  }
0xdc: {  	v52 =	vxor.u32 $0x80000000, v17;
	v51, _, _ =	vpop (xrf0);
	(xrf0) =	vadd.scan.msk.s32 $0xffff, v49  }
0xdd: {  	v53, _, _ =	vpop (xrf0);
	(xrf0) =	vmax.scan.msk.u32 $0xffff, v52  }
0xde: {  	v54, _, _ =	vpop (xrf0)  }
0xdf: {  	v55, _, _ =	vpop (xrf0)  }
0xe0: {  	v44, _, _ =	vpop (xrf0)  }
0xe1: {  	v45, _, _ =	vpop (xrf0)  }
0xe2: {  	v46, _, _ =	vpop (xrf0)  }
0xe3: {  	v47, _, _ =	vpop (xrf0)  }
0xe4: {  	(v2sf) =	vpush v47, $0xF;
	_ =	sdelay $0x5  }
0xe5: {  	v13 =	vadd.s32 @p1 v33, v13;
	v19 =	vadd.s32 v19, v8  }
0xe6: {  	v19 =	vadd.s32 v48, v19;
	_ =	sdelay $0x1  }
0xe7: {  	v32 =	vadd.s32 v34, v32;
	v21 =	vadd.s32 v21, v8  }
0xe8: {  	v59 =	vadd.s32 v20, v8;
	vm15 =	vmmov vm8;
	v21 =	vadd.s32 v50, v21  }
0xe9: {  	v27 =	vadd.s32 v27, v8;
	[tilespmem:v13+s13+$0x0] =	vst.idx.msk @p1 vm9, v12;
	v13 =	vadd.s32 v51, v59  }
0xea: {  	[tilespmem:v19+s13+$0x0] =	vst.idx.msk vm3, v24;
	v19 =	vadd.s32 v29, v8;
	v61 =	vadd.s32 v53, v27  }
0xeb: {  	[tilespmem:v28+s13+$0x0] =	vst.idx.msk @p1 vm11, v43;
	v57 =	vadd.s32 v31, v8;
	v19 =	vadd.s32 v54, v19  }
0xec: {  	v18 =	vadd.s32 v18, v8;
	[tilespmem:v32+s13+$0x0] =	vst.idx.msk vm1, v30;
	v60 =	vadd.s32 v55, v57  }
0xed: {  	v56 =	vadd.s32 v63, v8;
	v18 =	vadd.s32 v44, v18;
	[tilespmem:v21+s13+$0x0] =	vst.idx.msk vm2, v23;
	s6 =	spop (v2sf)  }
0xee: {  	v62 =	vadd.s32 v39, v8;
	v58 =	vadd.s32 v45, v56;
	[tilespmem:v13+s13+$0x0] =	vst.idx.msk vm15, v14;
	s1 =	sxor.u32 $0x80000000, s6  }
0xef: {  	v63 =	vadd.s32 v46, v62;
	[tilespmem:v61+s13+$0x0] =	vst.idx.msk vm6, v15;
	p1 =	slt.s32 s1, $0x801  }
.Ltmp13:
0xf0: {  	[tilespmem:v19+s13+$0x0] =	vst.idx.msk vm7, v11;
	(pc) =	sbr.rel @p1 .LBB2_36-.Ltmp13, $4  }
0xf1: {  	[tilespmem:v60+s13+$0x0] =	vst.idx.msk vm10, v22  }
0xf2: {  	[tilespmem:v18+s13+$0x0] =	vst.idx.msk vm4, v25  }
0xf3: {  	[tilespmem:v58+s13+$0x0] =	vst.idx.msk vm5, v26  }
0xf4: {  	vm1 =	vmmov vm6;
	vm3 =	vmmov vm7;
	vm2 =	vmmov vm12;
	[tilespmem:v63+s13+$0x0] =	vst.idx.msk vm12, v16  }
0xf5: {  	s3 =	sadd.s32 $0x8000003F, s6  }
0xf6: {  	s4 =	sand.u32 $0x3F, s3  }
0xf7: {  	s25 =	sshra.s32 s3, $0x1F;
	p2 =	slt.s32 s3, $0x1;
	p1 =	sne.s32 s4, $0x0  }
0xf8: {  	s4 =	sshrl.u32 s25, $0x1A;
	p1 =	por !p2, !p1  }
0xf9: {  	s3 =	sadd.s32 s4, s3;
	s4 =	simm.s32 $0x1;
	p1 =	por !p1, !p1  }
0xfa: {  	s3 =	sshra.s32 s3, $0x6;
	s4 =	simm.s32 @!p1 $0x0  }
0xfb: {  	s3 =	ssub.s32 s3, s4  }
0xfc: {  	p1 =	slt.s32 s3, $0x1  }
.Ltmp14:
0xfd: {  	_ = 	snop;
	(pc) =	sbr.rel @p1 .LBB2_13-.Ltmp14, $2  }
0xfe: {  	_ =	sdelay $0x2  }
0xff: {  	v11 =	vmov s1;
	s7 =	sshll.u32 s3, $0x2  }
0x100: {  	v13 =	vld [tilespmem:s0+$0x10];
	_ =	sdelay $0x3  }
0x101: {  	v14 =	vld [tilespmem:s0+$0xFFFFFFF0]  }
0x102: {  	v10 =	vld [tilespmem:s0+$0x0];
	p2 =	sgt.s32 s7, $0x4;
	v16 =	vxor.u32 $0x7FFFFFFF, v13;
	vm1 =	vlt.s32 v13, $0x0  }
.Ltmp15:
0x103: {  	v18 =	vsel vm1, v16, v13;
	v13 =	vld [tilespmem:s0+$0xFFFFFFE0];
	(pc) =	sbr.rel @!p2 .LBB2_16-.Ltmp15, $4  }
0x104: {  	s3 =	simm.s32 $0x30  }
0x105: {  	s8 =	simm.s32 $0x0;
	v17 =	vor.u32 s3, v0  }
0x106: {  	s1 =	simm.s32 $0x16020;
	s10 =	simm.s32 $0x10;
	s17 =	simm.s32 $0x20;
	v12 =	vor.u32 s8, v0;
	vm2 =	vlt.s32 v17, v11;
	v15 =	vxor.u32 $0x7FFFFFFF, v14  }
0x107: {  	s4 =	sadd.s32 $0x40, s0;
	s16 =	simm.s32 $0x16020;
	s3 =	simm.s32 $0x4;
	vm1 =	vlt.s32 v14, $0x0;
	v16 =	vxor.u32 $0x7FFFFFFF, v10;
	v17 =	vnsel vm2, $0x80000000, v18  }
.LBB2_15:
0x108: {  	v18 =	vld [tilespmem:s4+$0x10];
	s3 =	sadd.s32 $0x4, s3;
	v19 =	vxor.u32 $0x7FFFFFFF, v13;
	vm2 =	vlt.s32 v13, $0x0;
	vm3 =	vlt.s32 v10, $0x0;
	[tilespmem:s16+$0x10] =	vst v17  }
0x109: {  	v20 =	vor.u32 s17, v0;
	v17 =	vld [tilespmem:s4+$0xFFFFFFF0];
	p2 =	slt.s32 s3, s7;
	v19 =	vsel vm2, v19, v13;
	v13 =	vor.u32 s10, v0  }
0x10a: {  	v14 =	vsel vm1, v15, v14;
	v15 =	vsel vm3, v16, v10;
	vm1 =	vlt.s32 v13, v11;
	v10 =	vld [tilespmem:s4+$0x0]  }
.Ltmp16:
0x10b: {  	s8 =	sadd.s32 $0x40, s8;
	vm2 =	vlt.s32 v12, v11;
	v13 =	vld [tilespmem:s4+$0xFFFFFFE0];
	v14 =	vnsel vm1, $0x80000000, v14;
	vm1 =	vlt.s32 v20, v11;
	(pc) =	sbr.rel @p2 .LBB2_15-.Ltmp16, $4  }
0x10c: {  	v12 =	vor.u32 s8, v0;
	s10 =	sadd.s32 $0x10, s8;
	s17 =	sadd.s32 $0x20, s8;
	s5 =	sadd.s32 $0x30, s8;
	v16 =	vnsel vm2, $0x80000000, v19;
	[tilespmem:s16+$0xFFFFFFF0] =	vst v14;
	v21 =	vnsel vm1, $0x80000000, v15  }
0x10d: {  	v20 =	vor.u32 s5, v0;
	v19 =	vxor.u32 $0x7FFFFFFF, v18;
	vm1 =	vlt.s32 v18, $0x0;
	[tilespmem:s16+$0xFFFFFFE0] =	vst v16  }
0x10e: {  	vm2 =	vlt.s32 v20, v11;
	v15 =	vxor.u32 $0x7FFFFFFF, v17;
	v18 =	vsel vm1, v19, v18;
	[tilespmem:s16+$0x0] =	vst v21;
	v14 =	vmovc v17  }
0x10f: {  	s4 =	sadd.s32 $0x40, s4;
	s16 =	sadd.s32 $0x40, s16;
	vm1 =	vlt.s32 v14, $0x0;
	v16 =	vxor.u32 $0x7FFFFFFF, v10;
	v17 =	vnsel vm2, $0x80000000, v18  }
.LBB2_16:
0x110: {  	v18 =	vxor.u32 $0x7FFFFFFF, v13  }
0x111: {  	vm2 =	vlt.s32 v13, $0x0;
	v63 =	vor.u32 s10, v0;
	v14 =	vsel vm1, v15, v14  }
0x112: {  	v15 =	vor.u32 s17, v0;
	vm3 =	vlt.s32 v12, v11;
	vm1 =	vlt.s32 v63, v11  }
0x113: {  	[tilespmem:s16+$0x10] =	vst v17;
	v13 =	vsel vm2, v18, v13;
	vm2 =	vlt.s32 v10, $0x0;
	v12 =	vnsel vm1, $0x80000000, v14  }
0x114: {  	v10 =	vsel vm2, v16, v10;
	vm1 =	vlt.s32 v15, v11;
	v13 =	vnsel vm3, $0x80000000, v13;
	[tilespmem:s16+$0xFFFFFFF0] =	vst v12  }
0x115: {  	p3 =	sgt.s32 s7, $0x4;
	v10 =	vnsel vm1, $0x80000000, v10;
	[tilespmem:s16+$0xFFFFFFE0] =	vst v13  }
.Ltmp17:
0x116: {  	[tilespmem:s16+$0x0] =	vst v10;
	(pc) =	sbr.rel @!p3 .LBB2_17-.Ltmp17, $4  }
0x117: {  	v15 =	vld [tilespmem:s1+$0xFFFFFFE0]  }
0x118: {  	v13 =	vld [tilespmem:s1+$0xFFFFFFF0]  }
0x119: {  	v14 =	vld [tilespmem:s1+$0x0]  }
0x11a: {  	p2 =	por $0x0, $0x0;
	v10 =	vimm.s32 $0x0;
	v12 =	vld [tilespmem:s1+$0x10]  }
0x11b: {  	_ = 	snop  }
0x11c: {  	p3 =	sgt.s32 s7, $0x8;
	vm1 =	vgt.s32 v15, $0xFFFFFFFF  }
.Ltmp18:
0x11d: {  	s1 =	simm.s32 $0x16060;
	v16 =	vmpcnt.ones.xlane vm1;
	vm1 =	vgt.s32 v13, $0xFFFFFFFF;
	(pc) =	sbr.rel @!p3 .LBB2_24-.Ltmp18, $4  }
0x11e: {  	v15 =	vld [tilespmem:s1+$0xFFFFFFE0];
	v17 =	vmpcnt.ones.xlane vm1;
	vm1 =	vgt.s32 v14, $0xFFFFFFFF  }
0x11f: {  	v13 =	vld [tilespmem:s1+$0xFFFFFFF0];
	v16 =	vadd.s32 v10, v16;
	v18 =	vmpcnt.ones.xlane vm1  }
0x120: {  	v14 =	vld [tilespmem:s1+$0x0];
	vm1 =	vgt.s32 v12, $0xFFFFFFFF;
	v17 =	vadd.s32 v17, v16  }
0x121: {  	s3 =	simm.s32 $0x8;
	p2 =	por $0x1, $0x1;
	v12 =	vld [tilespmem:s1+$0x10];
	v16 =	vmpcnt.ones.xlane vm1;
	v17 =	vadd.s32 v18, v17  }
.LBB2_23:
0x122: {  	s3 =	sadd.s32 $0x4, s3  }
0x123: {  	vm1 =	vgt.s32 v15, $0xFFFFFFFF;
	s1 =	sadd.s32 $0x40, s1;
	v16 =	vadd.s32 v16, v17;
	p3 =	slt.s32 s3, s7  }
.Ltmp19:
0x124: {  	v15 =	vld [tilespmem:s1+$0xFFFFFFE0];
	v17 =	vmpcnt.ones.xlane vm1;
	vm1 =	vgt.s32 v13, $0xFFFFFFFF;
	(pc) =	sbr.rel @p3 .LBB2_23-.Ltmp19, $4  }
0x125: {  	v13 =	vld [tilespmem:s1+$0xFFFFFFF0];
	v18 =	vmpcnt.ones.xlane vm1;
	vm1 =	vgt.s32 v14, $0xFFFFFFFF  }
0x126: {  	v14 =	vld [tilespmem:s1+$0x0];
	v16 =	vadd.s32 v16, v17;
	v17 =	vmpcnt.ones.xlane vm1;
	vm1 =	vgt.s32 v12, $0xFFFFFFFF  }
0x127: {  	v12 =	vld [tilespmem:s1+$0x10];
	v18 =	vadd.s32 v18, v16;
	v16 =	vmpcnt.ones.xlane vm1  }
0x128: {  	v17 =	vadd.s32 v17, v18  }
.LBB2_24:
0x129: {  	_ = 	snop  }
0x12a: {  	vm1 =	vgt.s32 v15, $0xFFFFFFFF  }
0x12b: {  	v15 =	vadd.s32 @p2 v16, v17;
	v63 =	vmpcnt.ones.xlane vm1;
	vm1 =	vgt.s32 v13, $0xFFFFFFFF  }
0x12c: {  	v10 =	vpsel p2, v15, v10;
	v13 =	vmpcnt.ones.xlane vm1;
	vm1 =	vgt.s32 v14, $0xFFFFFFFF  }
0x12d: {  	v10 =	vadd.s32 v10, v63;
	v14 =	vmpcnt.ones.xlane vm1;
	vm1 =	vgt.s32 v12, $0xFFFFFFFF  }
0x12e: {  	v10 =	vadd.s32 v13, v10;
	v12 =	vmpcnt.ones.xlane vm1  }
0x12f: {  	v10 =	vadd.s32 v14, v10  }
0x130: {  	v10 =	vadd.s32 v12, v10  }
.Ltmp20:
0x131: {  	(pc) =	sbr.rel .LBB2_19-.Ltmp20, $2  }
0x132: {  	_ =	sdelay $0x2  }
0x133: {  	v10 =	vxor.u32 $0x80000000, v10  }
.LBB2_13:
0x134: {  	v10 =	vimm.s32 $0x80000000  }
.LBB2_19:
0x135: {  	(xrf0) =	vmax.scan.msk.u32 $0xffff, v10;
	_ =	sdelay $0x5  }
0x136: {  	v10, _, _ =	vpop (xrf0)  }
0x137: {  	(v2sf) =	vpush v10, $0xF;
	_ =	sdelay $0xc  }
.Ltmp21:
0x138: {  	_ = 	snop;
	(pc) =	sbr.rel .LBB2_20-.Ltmp21, $4  }
0x139: {  	_ = 	snop  }
0x13a: {  	s1 =	spop (v2sf)  }
0x13b: {  	s8 =	simm.s32 $0x0;
	p2 =	sgt.u32 s1, $0x80000063  }
0x13c: {  	s19 =	simm.s32 $0x0;
	s8 =	simm.s32 @!p2 $0x80000000  }
.LBB2_21:
0x13d: {  	v10 =	vimm.s32 $0x80000000  }
.LBB2_26:
0x13e: {  	(xrf0) =	vmax.scan.msk.u32 $0xffff, v10;
	_ =	sdelay $0x5  }
0x13f: {  	v10, _, _ =	vpop (xrf0)  }
0x140: {  	(v2sf) =	vpush v10, $0xF;
	_ =	sdelay $0xa  }
0x141: {  	s19 =	sadd.s32 $0x1, s19  }
0x142: {  	p3 =	seq.s32 s19, $0x10  }
.Ltmp22:
0x143: {  	_ = 	snop;
	(pc) =	sbr.rel @p3 .LBB2_27-.Ltmp22, $4  }
0x144: {  	_ = 	snop  }
0x145: {  	s3 =	spop (v2sf)  }
0x146: {  	p2 =	sgt.u32 s3, $0x80000063  }
0x147: {  	s8 =	smov.u32 @p2 s1  }
.LBB2_20:
.Ltmp23:
0x148: {  	(pc) =	sbr.rel @p1 .LBB2_21-.Ltmp23, $3  }
0x149: {  	_ =	sdelay $0x1  }
0x14a: {  	s1 =	sshrl.u32 s14, s19  }
0x14b: {  	s1 =	sor.u32 s1, s8  }
0x14c: {  	p3 =	sgt.s32 s7, $0x4  }
.Ltmp24:
0x14d: {  	s3 =	simm.s32 $0x16020;
	(pc) =	sbr.rel @!p3 .LBB2_30-.Ltmp24, $4  }
0x14e: {  	v16 =	vld [tilespmem:s3+$0xFFFFFFE0]  }
0x14f: {  	v14 =	vld [tilespmem:s3+$0xFFFFFFF0]  }
0x150: {  	v15 =	vld [tilespmem:s3+$0x0]  }
0x151: {  	v10 =	vmov s1;
	v12 =	vimm.s32 $0x0;
	p2 =	por $0x0, $0x0;
	v13 =	vld [tilespmem:s3+$0x10]  }
0x152: {  	_ = 	snop  }
0x153: {  	p3 =	sgt.s32 s7, $0x8;
	vm1 =	vge.s32 v16, v10  }
.Ltmp25:
0x154: {  	s3 =	simm.s32 $0x16060;
	v17 =	vmpcnt.ones.xlane vm1;
	vm1 =	vge.s32 v14, v10;
	(pc) =	sbr.rel @!p3 .LBB2_33-.Ltmp25, $4  }
0x155: {  	v16 =	vld [tilespmem:s3+$0xFFFFFFE0];
	v18 =	vmpcnt.ones.xlane vm1;
	vm1 =	vge.s32 v15, v10  }
0x156: {  	v14 =	vld [tilespmem:s3+$0xFFFFFFF0];
	v17 =	vadd.s32 v12, v17;
	v19 =	vmpcnt.ones.xlane vm1  }
0x157: {  	v15 =	vld [tilespmem:s3+$0x0];
	vm1 =	vge.s32 v13, v10;
	v18 =	vadd.s32 v18, v17  }
0x158: {  	s4 =	simm.s32 $0x8;
	p2 =	por $0x1, $0x1;
	v13 =	vld [tilespmem:s3+$0x10];
	v17 =	vmpcnt.ones.xlane vm1;
	v18 =	vadd.s32 v19, v18  }
.LBB2_32:
0x159: {  	s4 =	sadd.s32 $0x4, s4  }
0x15a: {  	vm1 =	vge.s32 v16, v10;
	s3 =	sadd.s32 $0x40, s3;
	v17 =	vadd.s32 v17, v18;
	p3 =	slt.s32 s4, s7  }
.Ltmp26:
0x15b: {  	v16 =	vld [tilespmem:s3+$0xFFFFFFE0];
	v18 =	vmpcnt.ones.xlane vm1;
	vm1 =	vge.s32 v14, v10;
	(pc) =	sbr.rel @p3 .LBB2_32-.Ltmp26, $4  }
0x15c: {  	v14 =	vld [tilespmem:s3+$0xFFFFFFF0];
	v19 =	vmpcnt.ones.xlane vm1;
	vm1 =	vge.s32 v15, v10  }
0x15d: {  	v15 =	vld [tilespmem:s3+$0x0];
	v17 =	vadd.s32 v17, v18;
	v18 =	vmpcnt.ones.xlane vm1;
	vm1 =	vge.s32 v13, v10  }
0x15e: {  	v13 =	vld [tilespmem:s3+$0x10];
	v19 =	vadd.s32 v19, v17;
	v17 =	vmpcnt.ones.xlane vm1  }
0x15f: {  	v18 =	vadd.s32 v18, v19  }
.LBB2_33:
0x160: {  	_ = 	snop  }
0x161: {  	vm1 =	vge.s32 v16, v10  }
0x162: {  	v16 =	vadd.s32 @p2 v17, v18;
	v62 =	vmpcnt.ones.xlane vm1;
	vm1 =	vge.s32 v14, v10  }
0x163: {  	v12 =	vpsel p2, v16, v12;
	v14 =	vmpcnt.ones.xlane vm1;
	vm1 =	vge.s32 v15, v10  }
0x164: {  	v12 =	vadd.s32 v12, v62;
	v15 =	vmpcnt.ones.xlane vm1;
	vm1 =	vge.s32 v13, v10  }
0x165: {  	v10 =	vadd.s32 v14, v12;
	v63 =	vmpcnt.ones.xlane vm1  }
0x166: {  	v10 =	vadd.s32 v15, v10  }
0x167: {  	v10 =	vadd.s32 v63, v10  }
.Ltmp27:
0x168: {  	(pc) =	sbr.rel .LBB2_26-.Ltmp27, $2  }
0x169: {  	_ =	sdelay $0x2  }
0x16a: {  	v10 =	vxor.u32 $0x80000000, v10  }
.LBB2_30:
.Ltmp28:
0x16b: {  	(pc) =	sbr.rel .LBB2_33-.Ltmp28, $2  }
0x16c: {  	_ =	sdelay $0x2  }
0x16d: {  	_ = 	snop  }
.LBB2_27:
0x16e: {  	s1 =	sadd.s32 $0x8000001F, s6  }
0x16f: {  	s3 =	sand.u32 $0x1F, s1  }
0x170: {  	s25 =	sshra.s32 s1, $0x1F;
	p2 =	slt.s32 s1, $0x1;
	p1 =	sne.s32 s3, $0x0  }
0x171: {  	s3 =	sshrl.u32 s25, $0x1B;
	p1 =	por !p2, !p1  }
0x172: {  	s1 =	sadd.s32 s3, s1;
	s3 =	simm.s32 $0x1;
	p1 =	por !p1, !p1  }
0x173: {  	s1 =	sshra.s32 s1, $0x5;
	s3 =	simm.s32 @!p1 $0x0  }
0x174: {  	s1 =	ssub.s32 s1, s3  }
0x175: {  	p1 =	slt.s32 s1, $0x1  }
.Ltmp29:
0x176: {  	_ = 	snop;
	(pc) =	sbr.rel @p1 .LBB2_28-.Ltmp29, $4  }
0x177: {  	_ = 	snop  }
0x178: {  	v10 =	vmov s8  }
0x179: {  	v12 =	vxor.u32 $0x7FFFFFFF, v10;
	vm1 =	vlt.s32 v10, $0x0  }
0x17a: {  	v10 =	vnsel vm1, s8, v12  }
0x17b: {  	s8 =	sshll.u32 s1, $0x1  }
0x17c: {  	p3 =	sgt.s32 s8, $0x2  }
.Ltmp30:
0x17d: {  	_ = 	snop;
	(pc) =	sbr.rel @!p3 .LBB2_43-.Ltmp30, $2  }
0x17e: {  	_ =	sdelay $0x2  }
0x17f: {  	v12 =	vimm.s32 $0x0;
	s6 =	simm.s32 $0x10;
	p1 =	por $0x0, $0x0;
	p2 =	por $0x0, $0x0  }
0x180: {  	v13 =	vld [tilespmem:s2+$0xFFFFFFF0]  }
0x181: {  	v14 =	vld [tilespmem:s2+$0x0];
	_ =	sdelay $0x1  }
0x182: {  	s1 =	simm.s32 $0x0;
	p3 =	sgt.s32 s8, $0x4  }
.Ltmp31:
0x183: {  	v15 =	vor.u32 s1, v0;
	(pc) =	sbr.rel @!p3 .LBB2_45-.Ltmp31, $4  }
0x184: {  	vm2 =	vlt.s32 v15, v11;
	v15 =	vor.u32 s6, v0;
	vm1 =	vgt.f32 v13, v10  }
0x185: {  	vm3 =	vlt.s32 v15, v11;
	vm2 =	vmand vm2, vm1;
	vm1 =	vgt.f32 v14, v10  }
0x186: {  	v15 =	vsel vm2, $0x1, v1;
	vm4 =	vmand vm3, vm1  }
0x187: {  	p1 =	por $0x1, $0x1;
	v17 =	vmpcnt.ones.xlane vm2;
	v22 =	vsel vm4, $0x1, v1;
	v18 =	vmpcnt.ones.xlane vm4;
	(xrf0) =	vadd.scan.msk.s32 $0xffff, v15  }
0x188: {  	s7 =	sadd.s32 $0x20, s2  }
0x189: {  	v24 =	vld [tilespmem:s7+$0xFFFFFFF0]  }
0x18a: {  	(xrf0) =	vadd.scan.msk.s32 $0xffff, v22;
	v21 =	vld [tilespmem:s7+$0x0];
	_ =	sdelay $0x1  }
0x18b: {  	vm3 =	vmmov vm4;
	s1 =	simm.s32 $0x20;
	p3 =	sgt.s32 s8, $0x6;
	v15 =	vadd.s32 v12, v17  }
.Ltmp32:
0x18c: {  	s19 =	simm.s32 $0x30;
	vm1 =	vmmov vm2;
	v17 =	vor.u32 s1, v0;
	v16 =	vadd.s32 v15, v18;
	(pc) =	sbr.rel @!p3 .LBB2_47-.Ltmp32, $4  }
0x18d: {  	vm4 =	vlt.s32 v17, v11;
	v17 =	vor.u32 s19, v0;
	vm2 =	vgt.f32 v24, v10  }
0x18e: {  	vm5 =	vlt.s32 v17, v11;
	v19, _, _ =	vpop (xrf0);
	vm2 =	vmand vm4, vm2;
	vm4 =	vgt.f32 v21, v10  }
0x18f: {  	v20, _, _ =	vpop (xrf0);
	v26 =	vadd.s32 v19, v12;
	v23 =	vsel vm2, $0x1, v1;
	vm4 =	vmand vm5, vm4  }
0x190: {  	p2 =	por $0x1, $0x1;
	s1 =	simm.s32 $0x6;
	v19 =	vmovc v16;
	v17 =	vmpcnt.ones.xlane vm2;
	v22 =	vsel vm4, $0x1, v1;
	v18 =	vmpcnt.ones.xlane vm4;
	(xrf0) =	vadd.scan.msk.s32 $0xffff, v23  }
.LBB2_48:
0x191: {  	(xrf0) =	vadd.scan.msk.s32 $0xffff, v22;
	v22 =	vadd.s32 $0xFFFFFFFF, v26;
	v20 =	vadd.s32 v20, v15  }
0x192: {  	s1 =	sadd.s32 $0x2, s1;
	s7 =	sadd.s32 $0x20, s7;
	v15 =	vadd.s32 v16, v17;
	vm5 =	vmmov vm3;
	vm3 =	vmmov vm4  }
0x193: {  	p3 =	slt.s32 s1, s8;
	v17 =	vld [tilespmem:s7+$0xFFFFFFF0];
	v16 =	vadd.s32 v15, v18;
	v18 =	vadd.s32 $0xFFFFFFFF, v20  }
0x194: {  	v23 =	vld [tilespmem:s7+$0x0]  }
0x195: {  	s19 =	sadd.s32 $0x20, s19  }
0x196: {  	s3 =	sadd.s32 $0xFFFFFFF0, s19  }
.Ltmp33:
0x197: {  	v26 =	vor.u32 s3, v0;
	v25, _, _ =	vpop (xrf0);
	[tilespmem:v22+s23+$0x0] =	vst.idx.msk vm1, v13;
	v13 =	vmov v24;
	vm1 =	vmmov vm2;
	(pc) =	sbr.rel @p3 .LBB2_48-.Ltmp33, $4  }
0x198: {  	vm4 =	vlt.s32 v26, v11;
	v22 =	vor.u32 s19, v0;
	vm2 =	vgt.f32 v17, v10;
	v20, _, _ =	vpop (xrf0);
	[tilespmem:v18+s23+$0x0] =	vst.idx.msk vm5, v14  }
0x199: {  	vm5 =	vlt.s32 v22, v11;
	v24 =	vmovc v17;
	v14 =	vmovc v21;
	vm2 =	vmand vm4, vm2;
	vm4 =	vgt.f32 v23, v10  }
0x19a: {  	v21 =	vmovc v23;
	v26 =	vsel vm2, $0x1, v1;
	v17 =	vmpcnt.ones.xlane vm2;
	vm4 =	vmand vm5, vm4  }
0x19b: {  	v22 =	vsel vm4, $0x1, v1;
	v18 =	vmpcnt.ones.xlane vm4;
	(xrf0) =	vadd.scan.msk.s32 $0xffff, v26;
	v26 =	vadd.s32 v25, v19;
	v19 =	vmovc v16  }
0x19c: {  	v23 =	vmovc v13;
	v25 =	vmov v14;
	v13 =	vmov v24;
	v14 =	vmov v21  }
.LBB2_50:
0x19d: {  	s1 =	sadd.s32 @p1 $0x20, s7;
	s3 =	smov.u32 s2  }
0x19e: {  	s3 =	smov.u32 @p1 s1  }
0x19f: {  	v21 =	vld [tilespmem:s3+$0xFFFFFFF0]  }
0x1a0: {  	s1 =	sadd.s32 @p1 $0x20, s19;
	v24 =	vld [tilespmem:s3+$0x0]  }
0x1a1: {  	s6 =	smov.u32 @p1 s1  }
0x1a2: {  	s1 =	sadd.s32 $0xFFFFFFF0, s6  }
0x1a3: {  	v27 =	vor.u32 s1, v0  }
0x1a4: {  	v55 =	vor.u32 s6, v0;
	vm6 =	vlt.s32 v27, v11;
	vm5 =	vgt.f32 v21, v10  }
0x1a5: {  	(xrf0) =	vadd.scan.msk.s32 @p1 $0xffff, v22;
	vm7 =	vlt.s32 v55, v11;
	vm15 =	vgt.f32 v24, v10;
	vm6 =	vmand vm6, vm5  }
0x1a6: {  	v15 =	vadd.s32 @p2 v20, v15;
	vm5 =	vmand vm7, vm15;
	v56 =	vsel vm6, $0x1, v1  }
0x1a7: {  	vm3 =	vmmov @p2 vm3;
	v11 =	vadd.s32 @p1 v16, v17;
	v57 =	vsel vm5, $0x1, v1;
	(xrf0) =	vadd.scan.msk.s32 $0xffff, v56  }
0x1a8: {  	vm4 =	vmmov @p1 vm4;
	vm2 =	vmmov @p1 vm2;
	v16 =	vadd.s32 @p1 v11, v18;
	v18, _, _ =	vpop @p1 (xrf0);
	(xrf0) =	vadd.scan.msk.s32 $0xffff, v57  }
0x1a9: {  	v15 =	vadd.s32 @p2 $0xFFFFFFFF, v15;
	vm4 =	vmmov @p1 vm4;
	vm2 =	vmmov @p1 vm2  }
0x1aa: {  	vm4 =	vmmov @p1 vm4;
	v17 =	vadd.s32 @p2 $0xFFFFFFFF, v26;
	v18 =	vadd.s32 @p1 v18, v19  }
0x1ab: {  	v11 =	vpsel p1, v11, v0;
	v19, _, _ =	vpop @p1 (xrf0);
	v12 =	vpsel p1, v16, v12;
	v16 =	vpsel p1, v18, v0  }
0x1ac: {  	v18 =	vpsel p1, v19, v0;
	v58 =	vmpcnt.ones.xlane vm6;
	v16 =	vadd.s32 @p1 $0xFFFFFFFF, v16  }
0x1ad: {  	v11 =	vadd.s32 @p1 v18, v11;
	vm7 =	vmmov vm5;
	vm6 =	vmmov vm6;
	v60, _, _ =	vpop (xrf0)  }
0x1ae: {  	v11 =	vadd.s32 @p1 $0xFFFFFFFF, v11;
	v59 =	vadd.s32 v12, v58;
	v12 =	vadd.s32 v60, v12;
	v61, _, _ =	vpop (xrf0)  }
0x1af: {  	vm7 =	vmmov vm7;
	v12 =	vadd.s32 $0xFFFFFFFF, v12;
	v18 =	vadd.s32 v61, v59  }
0x1b0: {  	[tilespmem:v15+s23+$0x0] =	vst.idx.msk @p2 vm3, v25;
	v62 =	vadd.s32 $0xFFFFFFFF, v18  }
0x1b1: {  	v13 =	vpsel p1, v13, v0;
	[tilespmem:v17+s23+$0x0] =	vst.idx.msk @p2 vm1, v23  }
0x1b2: {  	v14 =	vpsel p1, v14, v0;
	[tilespmem:v16+s23+$0x0] =	vst.idx.msk @p1 vm2, v13  }
0x1b3: {  	v63 =	vmpcnt.ones.xlane vm5;
	[tilespmem:v11+s23+$0x0] =	vst.idx.msk @p1 vm4, v14  }
0x1b4: {  	[tilespmem:v12+s23+$0x0] =	vst.idx.msk vm6, v21  }
0x1b5: {  	v11 =	vadd.s32 v59, v63;
	[tilespmem:v62+s23+$0x0] =	vst.idx.msk vm7, v24  }
.Ltmp34:
0x1b6: {  	(pc) =	sbr.rel .LBB2_35-.Ltmp34, $2  }
0x1b7: {  	_ =	sdelay $0x2  }
0x1b8: {  	v11 =	vxor.u32 $0x80000000, v11  }
.LBB2_6:
.Ltmp35:
0x1b9: {  	_ = 	snop;
	(pc) =	sbr.rel .LBB2_11-.Ltmp35, $2  }
0x1ba: {  	_ =	sdelay $0x2  }
0x1bb: {  	v16 =	vmov v12  }
.LBB2_8:
.Ltmp36:
0x1bc: {  	(pc) =	sbr.rel .LBB2_11-.Ltmp36, $4  }
0x1bd: {  	_ = 	snop  }
0x1be: {  	v43 =	vmov v11;
	v24 =	vmov v32  }
0x1bf: {  	v23 =	vmovc v36;
	v14 =	vmovc v38;
	vm10 =	vmmov vm12;
	v15 =	vmov v39;
	v11 =	vmov v40  }
0x1c0: {  	v32 =	vmovc v17;
	v22 =	vmovc v30;
	v25 =	vmov v35;
	v26 =	vmov v37;
	v30 =	vmov v18  }
.LBB2_17:
.Ltmp37:
0x1c1: {  	(pc) =	sbr.rel .LBB2_24-.Ltmp37, $2  }
0x1c2: {  	_ =	sdelay $0x2  }
0x1c3: {  	_ = 	snop  }
.LBB2_43:
.Ltmp38:
0x1c4: {  	(pc) =	sbr.rel .LBB2_50-.Ltmp38, $2  }
0x1c5: {  	_ =	sdelay $0x2  }
0x1c6: {  	v16 =	vimm.s32 $0x0;
	s7 =	smov.u32 s2;
	s19 =	simm.s32 $0x10  }
.LBB2_45:
.Ltmp39:
0x1c7: {  	(pc) =	sbr.rel .LBB2_50-.Ltmp39, $2  }
0x1c8: {  	_ =	sdelay $0x2  }
0x1c9: {  	v16 =	vimm.s32 $0x0;
	s7 =	smov.u32 s2;
	s19 =	simm.s32 $0x10;
	v19 =	vimm.s32 $0x0  }
.LBB2_47:
.Ltmp40:
0x1ca: {  	(pc) =	sbr.rel .LBB2_50-.Ltmp40, $2  }
0x1cb: {  	_ =	sdelay $0x2  }
0x1cc: {  	v23 =	vmovc v13;
	v25 =	vmovc v14;
	v13 =	vmov v24;
	v14 =	vmov v21;
	v19 =	vmov v16  }
.LBB2_38:
0x1cd: {  	s0 =	smul.u32 $0xC800, s29  }
.Ltmp41:
0x1ce: {  	_ =	swait.ge [sflag:s15], $0x6400;
	(pc) =	sbr.rel .LBB2_39-.Ltmp41, $4  }
0x1cf: {  	s2 =	simm.s32 $0xE020;
	s9 =	simm.s32 $0xE010;
	s0 =	sadd.s32 s0, s28  }
0x1d0: {  	[sflag:s15] =	ssyncset.done $0x0;
	s1 =	rddreg [dreg:$0x9];
	s0 =	sshrl.u32 s0, $0x3  }
0x1d1: {  	[sflag:s15] =	ssyncadd.s32 $0xFFFF9C00;
	s1 =	sadd.s32 s1, s0;
	s0 =	simm.s32 $0x0  }
0x1d2: {  	[tilespmem:s0], [sflag:$0x1] =	stream.linear.gather [hbm4b:s1+s0], $0x6400, $0x38;
	[tilespmem:$0x17500] =	vst v63  }
.LBB2_81:
0x1d3: {  	v8 =	vld [tilespmem:s23+$0x17400]  }
0x1d4: {  	s1 =	sor.u32 s22, s0  }
0x1d5: {  	s3 =	sand.u32 $0xF, s1  }
0x1d6: {  	v9 =	vmov s3  }
0x1d7: {  	vm1 =	veq.s32 v9, v0  }
0x1d8: {  	v8 =	vnsel vm1, $0x0, v8  }
0x1d9: {  	(xrf0) =	vadd.scan.msk.s32 $0xffff, v8;
	_ =	sdelay $0x5  }
0x1da: {  	v8, _, _ =	vpop (xrf0)  }
0x1db: {  	(v2sf) =	vpush v8, $0xF;
	_ =	sdelay $0xe  }
0x1dc: {  	s25 =	spop (v2sf)  }
0x1dd: {  	s3 =	ssub.s32 s25, s30  }
0x1de: {  	p1 =	sgt.s32 s3, $0x0  }
0x1df: {  	p0 =	slt.u32 s3, $0xC80;
	p2 =	slt.s32 s3, $0x1;
	s3 =	simm.s32 @!p1 $0x0  }
0x1e0: {  	s3 =	smin.u32 s3, $0xC7F  }
0x1e1: {  	s4 =	sand.u32 $0xF, s3  }
0x1e2: {  	p4 =	sne.s32 s4, $0x0  }
0x1e3: {  	p1 =	por !p2, !p4  }
0x1e4: {  	s4 =	simm.s32 $0xFFFFFFFF;
	p1 =	por !p1, !p1  }
0x1e5: {  	s4 =	simm.s32 @!p1 $0x0  }
0x1e6: {  	s4 =	sshll.u32 s4, $0x4  }
0x1e7: {  	s4 =	sadd.s32 s3, s4  }
0x1e8: {  	s5 =	sshll.u32 s4, $0x3  }
0x1e9: {  	s6 =	sshrl.u32 s18, $0x2;
	s5 =	sand.u32 $0xFFFFFC00, s5  }
0x1ea: {  	s7 =	sand.u32 $0x70, s4;
	s5 =	sadd.s32 s6, s5  }
0x1eb: {  	s5 =	sadd.s32 s7, s5  }
0x1ec: {  	v8 =	vld [tilespmem:s5+$0x6400]  }
0x1ed: {  	s4 =	sand.u32 $0xFFFFFFF0, s4  }
0x1ee: {  	s3 =	ssub.s32 s3, s4  }
0x1ef: {  	v62 =	vmov s3  }
0x1f0: {  	vm2 =	veq.s32 v62, v0  }
0x1f1: {  	v8 =	vnsel vm2, $0x0, v8  }
0x1f2: {  	(xrf2) =	vadd.scan.msk.f32 $0xffff, v8;
	_ =	sdelay $0x9  }
0x1f3: {  	v8, _, _ =	vpop (xrf2)  }
0x1f4: {  	(v2sf) =	vpush v8, $0xF;
	_ =	sdelay $0xd  }
0x1f5: {  	s3 =	simm.f32 $1.000000000e+00  }
0x1f6: {  	s0 =	sadd.s32 $0x1, s0;
	s3 =	simm.s32 @!p0 $0x0;
	s31 =	spop (v2sf)  }
0x1f7: {  	p0 =	sne.s32 s0, $0x8;
	s3 =	smul.f32 s3, s31  }
.Ltmp42:
0x1f8: {  	v8 =	vsel vm1, $0x3F800000, v2;
	(pc) =	sbr.rel @!p0 .LBB2_82-.Ltmp42, $4  }
0x1f9: {  	v8 =	vmul.f32 s3, v8  }
0x1fa: {  	p5 =	slt.u32 s1, $0x10;
	p6 =	sgt.u32 s1, $0xF  }
0x1fb: {  	v7 =	vsel vm0, v10, v7;
	v63 =	vpsel !p5, $0x0, v8;
	v8 =	vpsel !p6, $0x0, v8  }
0x1fc: {  	v6 =	vsel vm0, v17, v6;
	s2 =	sadd.s32 $0x1000, s2;
	s9 =	sadd.s32 $0x1000, s9;
	v5 =	vadd.f32 v63, v5;
	v4 =	vadd.f32 v8, v4  }
.LBB2_39:
0x1fd: {  	v8 =	vmov s0  }
0x1fe: {  	vm0 =	veq.s32 v8, v0  }
0x1ff: {  	v9 =	vxor.u32 $0x80000000, v6;
	v8 =	vnsel vm0, $0xFF800000, v7  }
0x200: {  	(xrf0) =	vmax.scan.msk.f32 $0xffff, v8;
	v8 =	vnsel vm0, $0x80000000, v9  }
0x201: {  	(xrf0) =	vmax.scan.msk.u32 $0xffff, v8;
	_ =	sdelay $0x4  }
0x202: {  	v8, _, _ =	vpop (xrf0)  }
0x203: {  	v9, _, _ =	vpop (xrf0)  }
0x204: {  	(v2sf) =	vpush v9, $0xF;
	_ =	sdelay $0xc  }
.Ltmp43:
0x205: {  	_ = 	snop;
	(pc) =	sbr.rel .LBB2_40-.Ltmp43, $4  }
0x206: {  	s3 =	sshll.u32 s0, $0xC  }
0x207: {  	v9 =	vmov s3;
	s1 =	spop (v2sf)  }
0x208: {  	s25 =	sshll.u32 s0, $0x7;
	s18 =	sshll.u32 s0, $0x9;
	v10 =	vbroadcast v8, $0xF;
	v9 =	vadd.s32 $0xFFFFFFFF, v9;
	s1 =	sxor.u32 $0x80000000, s1  }
0x209: {  	p1 =	por $0x1, $0x1;
	s6 =	simm.s32 $0x0;
	s31 =	sadd.s32 $0xE000, s3;
	v8 =	vbroadcast v9, $0x0;
	v9 =	vmov s25;
	v17 =	vmov s1  }
.LBB2_72:
0x20a: {  	v11 =	vimm.s32 $0x80000000  }
.LBB2_79:
0x20b: {  	(xrf0) =	vmax.scan.msk.u32 $0xffff, v11;
	_ =	sdelay $0x5  }
0x20c: {  	v11, _, _ =	vpop (xrf0)  }
0x20d: {  	(v2sf) =	vpush v11, $0xF;
	_ =	sdelay $0xe  }
0x20e: {  	s1 =	spop (v2sf)  }
0x20f: {  	s3 =	sxor.u32 $0x80000000, s1  }
0x210: {  	s4 =	sadd.s32 $0x80000010, s1;
	v11 =	vadd.s32 s3, v0  }
0x211: {  	s19 =	sadd.s32 $0x80000020, s1;
	v12 =	vadd.s32 s4, v0;
	vm1 =	vlt.s32 v11, $0x64  }
0x212: {  	s20 =	sadd.s32 $0x80000030, s1;
	v13 =	vadd.s32 s19, v0;
	vm2 =	vlt.s32 v12, $0x64  }
0x213: {  	s21 =	sadd.s32 $0x80000040, s1;
	v14 =	vadd.s32 s20, v0;
	vm3 =	vlt.s32 v13, $0x64  }
0x214: {  	s25 =	sadd.s32 $0x80000050, s1;
	v15 =	vadd.s32 s21, v0;
	vm4 =	vlt.s32 v14, $0x64  }
0x215: {  	s1 =	sadd.s32 $0x80000060, s1;
	v16 =	vadd.s32 s25, v0;
	vm5 =	vlt.s32 v15, $0x64  }
0x216: {  	v17 =	vadd.s32 s1, v0;
	vm6 =	vlt.s32 v16, $0x64  }
0x217: {  	[tilespmem:v11+s31+$0x0] =	vst.idx.msk vm1, v10;
	vm1 =	vlt.s32 v17, $0x64  }
0x218: {  	[tilespmem:v12+s31+$0x0] =	vst.idx.msk vm2, v10  }
0x219: {  	[tilespmem:v13+s31+$0x0] =	vst.idx.msk vm3, v10  }
0x21a: {  	[tilespmem:v14+s31+$0x0] =	vst.idx.msk vm4, v10  }
0x21b: {  	p1 =	sgt.s32 s3, $0x64;
	[tilespmem:v15+s31+$0x0] =	vst.idx.msk vm5, v10  }
0x21c: {  	s3 =	simm.s32 @!p1 $0x64;
	[tilespmem:v16+s31+$0x0] =	vst.idx.msk vm6, v10  }
0x21d: {  	[tilespmem:v17+s31+$0x0] =	vst.idx.msk vm1, v10;
	v17 =	vmov s3  }
.LBB2_80:
.Ltmp44:
0x21e: {  	(pc) =	sbr.rel @!p0 .LBB2_81-.Ltmp44, $2  }
0x21f: {  	_ =	sdelay $0x2  }
0x220: {  	s6 =	simm.s32 $0x64;
	p1 =	por $0x0, $0x0  }
.LBB2_40:
0x221: {  	s1 =	sadd.s32 $0x64, s6;
	s3 =	sshll.u32 s6, $0x4  }
0x222: {  	[dreg:$0x6] =	wrdreg s1;
	s1 =	sshll.u32 s6, $0x7;
	s7 =	sadd.s32 $0x90, s3  }
0x223: {  	s3 =	sadd.s32 $0xFFFFFFB0, s7;
	s4 =	sadd.s32 $0x200, s1;
	s5 =	sadd.s32 $0xFFFFFFC0, s7  }
0x224: {  	s8 =	sadd.s32 $0x280, s1;
	s10 =	sadd.s32 $0xFFFFFFD0, s7;
	s12 =	sadd.s32 $0xFFFFFF70, s7  }
0x225: {  	s19 =	sand.u32 $0x7FFFFC00, s1;
	s20 =	sadd.s32 $0xFFFFFFA0, s7;
	s12 =	sand.u32 $0x60, s12  }
0x226: {  	s25 =	sadd.s32 $0xFFFFFF90, s7;
	s21 =	sadd.s32 $0x100, s1;
	s12 =	sor.u32 s12, s19  }
0x227: {  	s21 =	sand.u32 $0x7FFFFC00, s21;
	s3 =	sand.u32 $0x60, s3;
	s4 =	sand.u32 $0x7FFFFC00, s4;
	v30 =	vld.idx.msk [tilespmem:v9+s12+$0x6400 ss:$0x1], $0xffff  }
0x228: {  	s19 =	sand.u32 $0x60, s25;
	s25 =	sadd.s32 $0x180, s1;
	s3 =	sor.u32 s3, s4;
	v24 =	vld.idx.msk [tilespmem:v9+s12+$0x6410 ss:$0x1], $0xffff  }
0x229: {  	s20 =	sand.u32 $0x70, s20;
	s19 =	sor.u32 s19, s21;
	s25 =	sand.u32 $0x7FFFFC00, s25;
	v15 =	vld.idx.msk [tilespmem:v9+s3+$0x6400 ss:$0x1], $0xffff  }
0x22a: {  	s11 =	sadd.s32 $0x300, s1;
	s16 =	sadd.s32 $0xFFFFFFE0, s7;
	v23 =	vld.idx.msk [tilespmem:v9+s19+$0x6400 ss:$0x1], $0xffff;
	s20 =	sor.u32 s20, s25  }
0x22b: {  	s17 =	sadd.s32 $0x380, s1;
	s21 =	sand.u32 $0x70, s5;
	s25 =	sand.u32 $0x7FFFFC00, s8;
	v14 =	vld.idx.msk [tilespmem:v9+s20+$0x6400 ss:$0x1], $0xffff  }
0x22c: {  	s5 =	sand.u32 $0x60, s10;
	v26 =	vld.idx.msk [tilespmem:v9+s12+$0x6800 ss:$0x1], $0xffff;
	s8 =	sand.u32 $0x7FFFFC00, s11;
	s4 =	sor.u32 s21, s25  }
0x22d: {  	v32 =	vadd.s32 v17, v8;
	s11 =	sand.u32 $0x70, s16;
	s16 =	sand.u32 $0x7FFFFC00, s17;
	s10 =	sor.u32 s5, s8;
	v11 =	vld.idx.msk [tilespmem:v9+s4+$0x6400 ss:$0x1], $0xffff;
	vm1 =	vgt.f32 v30, v10  }
0x22e: {  	s17 =	sor.u32 s11, s16;
	v22 =	vld.idx.msk [tilespmem:v9+s10+$0x6400 ss:$0x1], $0xffff;
	vm3 =	vgt.f32 v24, v10;
	v12 =	vsel vm1, $0x1, v1;
	v13 =	vmpcnt.ones.xlane vm1  }
0x22f: {  	s19 =	rddreg [dreg:$0x6];
	s8 =	sadd.s32 $0xA, s6;
	v25 =	vld.idx.msk [tilespmem:v9+s17+$0x6400 ss:$0x1], $0xffff;
	vm6 =	vgt.f32 v15, v10;
	v18 =	vmpcnt.ones.xlane vm3;
	vm2 =	vgt.f32 v23, v10;
	(xrf0) =	vadd.scan.msk.s32 $0xffff, v12  }
0x230: {  	p2 =	slt.u32 s8, s19;
	v12 =	vmpcnt.ones.xlane vm2;
	vm8 =	vgt.f32 v14, v10;
	v19 =	vadd.s32 v17, v13  }
.Ltmp45:
0x231: {  	vm5 =	vgt.f32 v26, v10;
	v13 =	vmpcnt.ones.xlane vm8;
	v21 =	vadd.s32 v19, v18;
	(pc) =	sbr.rel @!p2 .LBB2_41-.Ltmp45, $4  }
0x232: {  	s20 =	sadd.s32 $0x480, s1;
	vm7 =	vgt.f32 v11, v10;
	v20 =	vadd.s32 v21, v12;
	v12 =	vmpcnt.ones.xlane vm6  }
0x233: {  	s21 =	sand.u32 $0x70, s7;
	s4 =	sand.u32 $0x7FFFFC00, s20;
	v16 =	vsel vm3, $0x1, v1;
	v27 =	vadd.s32 v20, v13;
	v13 =	vmpcnt.ones.xlane vm7  }
0x234: {  	s25 =	sor.u32 s21, s4;
	vm10 =	vgt.f32 v22, v10;
	vm4 =	vgt.f32 v25, v10;
	v29 =	vadd.s32 v27, v12  }
0x235: {  	p0 =	por p1, p1;
	p1 =	por $0x0, $0x0;
	(xrf0) =	vadd.scan.msk.s32 $0xffff, v16;
	v42 =	vmpcnt.ones.xlane vm10;
	v41 =	vmpcnt.ones.xlane vm4;
	v12 =	vld.idx.msk [tilespmem:v9+s25+$0x6400 ss:$0x1], $0xffff;
	v31 =	vadd.s32 v29, v13;
	v34, _, _ =	vpop (xrf0)  }
0x236: {  	s6 =	sadd.s32 $0x500, s1;
	s7 =	sadd.s32 $0xA0, s7  }
0x237: {  	s5 =	sadd.s32 $0xFFFFFFB0, s7;
	s10 =	sadd.s32 $0x200, s6  }
0x238: {  	v13 =	vsel vm2, $0x1, v1;
	s11 =	sadd.s32 $0xFFFFFFC0, s7;
	s12 =	sadd.s32 $0x280, s6;
	s21 =	sadd.s32 $0xFFFFFF70, s7  }
0x239: {  	v17 =	vsel vm8, $0x1, v1;
	v18 =	vsel vm6, $0x1, v1;
	v33 =	vsel vm7, $0x1, v1;
	s19 =	sand.u32 $0x7FFFFC00, s6;
	s20 =	sadd.s32 $0xFFFFFFA0, s7;
	s25 =	sadd.s32 $0xFFFFFF90, s7  }
0x23a: {  	v16 =	vadd.s32 v31, v42;
	(xrf0) =	vadd.scan.msk.s32 $0xffff, v13;
	v13 =	vmpcnt.ones.xlane vm5;
	s1 =	sand.u32 $0x60, s21;
	s21 =	sadd.s32 $0x100, s6;
	s20 =	sand.u32 $0x70, s20;
	vm9 =	vgt.f32 v12, v10  }
0x23b: {  	v27 =	vadd.s32 v27, v8;
	(xrf0) =	vadd.scan.msk.s32 $0xffff, v17;
	v17 =	vadd.s32 v16, v41;
	s5 =	sand.u32 $0x60, s5;
	s10 =	sand.u32 $0x7FFFFC00, s10;
	s1 =	sor.u32 s1, s19;
	v28 =	vmpcnt.ones.xlane vm9  }
0x23c: {  	v29 =	vadd.s32 v29, v8;
	(xrf0) =	vadd.scan.msk.s32 $0xffff, v18;
	v13 =	vadd.s32 v17, v13;
	v18 =	vsel vm10, $0x1, v1;
	s19 =	sand.u32 $0x60, s25;
	s21 =	sand.u32 $0x7FFFFC00, s21;
	s25 =	sadd.s32 $0x180, s6  }
0x23d: {  	v41 =	vadd.s32 v17, v8;
	s5 =	sor.u32 s5, s10;
	(xrf0) =	vadd.scan.msk.s32 $0xffff, v33;
	s19 =	sor.u32 s19, s21;
	s25 =	sand.u32 $0x7FFFFC00, s25;
	v62 =	vadd.s32 v13, v28;
	v28 =	vsel vm4, $0x1, v1  }
0x23e: {  	v17 =	vadd.s32 v19, v8;
	v19 =	vadd.s32 v34, v32;
	s21 =	sand.u32 $0x70, s11;
	v39 =	vld.idx.msk [tilespmem:v9+s5+$0x6400 ss:$0x1], $0xffff;
	(xrf0) =	vadd.scan.msk.s32 $0xffff, v18;
	v35, _, _ =	vpop (xrf0);
	s20 =	sor.u32 s20, s25;
	s25 =	sand.u32 $0x7FFFFC00, s12  }
0x23f: {  	v21 =	vadd.s32 v21, v8;
	v32 =	vld.idx.msk [tilespmem:v9+s1+$0x6410 ss:$0x1], $0xffff;
	v18 =	vsel vm5, $0x1, v1;
	v35 =	vadd.s32 v35, v17;
	s11 =	sor.u32 s21, s25;
	(xrf0) =	vadd.scan.msk.s32 $0xffff, v28  }
0x240: {  	v20 =	vadd.s32 v20, v8;
	vm13 =	vmmov vm8;
	vm14 =	vmmov vm6;
	v40 =	vld.idx.msk [tilespmem:v9+s11+$0x6400 ss:$0x1], $0xffff;
	(xrf0) =	vadd.scan.msk.s32 $0xffff, v18;
	v28, _, _ =	vpop (xrf0)  }
0x241: {  	vm11 =	vmmov vm7;
	v31 =	vadd.s32 v31, v8;
	v16 =	vadd.s32 v16, v8;
	v18 =	vld.idx.msk [tilespmem:v9+s1+$0x6400 ss:$0x1], $0xffff;
	v63, _, _ =	vpop (xrf0)  }
0x242: {  	s16 =	sadd.s32 $0xFFFFFFD0, s7;
	s17 =	sadd.s32 $0x300, s6;
	v37 =	vsel vm9, $0x1, v1;
	v36 =	vld.idx.msk [tilespmem:v9+s19+$0x6400 ss:$0x1], $0xffff;
	v13 =	vadd.s32 v13, v8;
	v21 =	vadd.s32 v28, v21;
	v38, _, _ =	vpop (xrf0)  }
0x243: {  	s12 =	sand.u32 $0x60, s16;
	s16 =	sand.u32 $0x7FFFFC00, s17;
	vm9 =	vmmov vm9;
	v17 =	vadd.s32 v62, v8;
	[tilespmem:v19+s13+$0x0] =	vst.idx.msk vm1, v30;
	vm6 =	vgt.f32 v39, v10;
	v28, _, _ =	vpop (xrf0)  }
0x244: {  	s17 =	sor.u32 s12, s16;
	[tilespmem:v35+s13+$0x0] =	vst.idx.msk vm3, v24;
	v34 =	vadd.s32 v63, v20;
	v43 =	vadd.s32 v38, v27;
	v38 =	vld.idx.msk [tilespmem:v9+s20+$0x6400 ss:$0x1], $0xffff;
	v20, _, _ =	vpop (xrf0)  }
0x245: {  	s3 =	sadd.s32 $0xFFFFFFE0, s7;
	s4 =	sadd.s32 $0x380, s6;
	v30 =	vld.idx.msk [tilespmem:v9+s17+$0x6400 ss:$0x1], $0xffff;
	vm3 =	vgt.f32 v32, v10;
	v28 =	vadd.s32 v28, v29;
	v29 =	vadd.s32 v20, v31;
	v20, _, _ =	vpop (xrf0)  }
0x246: {  	s3 =	sand.u32 $0x70, s3;
	s4 =	sand.u32 $0x7FFFFC00, s4;
	vm7 =	vgt.f32 v40, v10;
	(xrf0) =	vadd.scan.msk.s32 $0xffff, v37;
	vm1 =	vgt.f32 v18, v10;
	v20 =	vadd.s32 v20, v16;
	v16, _, _ =	vpop (xrf0)  }
0x247: {  	s3 =	sor.u32 s3, s4;
	v19 =	vmpcnt.ones.xlane vm1;
	[tilespmem:v21+s13+$0x0] =	vst.idx.msk vm2, v23;
	v24 =	vadd.s32 v16, v41;
	v16 =	vsel vm1, $0x1, v1  }
0x248: {  	s8 =	sadd.s32 $0xA, s8;
	s25 =	rddreg [dreg:$0x6];
	v35 =	vld.idx.msk [tilespmem:v9+s3+$0x6400 ss:$0x1], $0xffff;
	v21 =	vsel vm3, $0x1, v1;
	v23 =	vmpcnt.ones.xlane vm3;
	vm2 =	vgt.f32 v36, v10;
	(xrf0) =	vadd.scan.msk.s32 $0xffff, v16  }
0x249: {  	p2 =	slt.u32 s8, s25;
	v37 =	vld.idx.msk [tilespmem:v9+s1+$0x6800 ss:$0x1], $0xffff;
	v19 =	vadd.s32 v62, v19;
	v27 =	vmpcnt.ones.xlane vm2;
	vm8 =	vgt.f32 v38, v10  }
.Ltmp46:
0x24a: {  	s19 =	sadd.s32 $0x480, s6;
	[tilespmem:v34+s13+$0x0] =	vst.idx.msk vm13, v14;
	(xrf0) =	vadd.scan.msk.s32 $0xffff, v21;
	v21 =	vadd.s32 v19, v23;
	v23 =	vmpcnt.ones.xlane vm8;
	(pc) =	sbr.rel @!p2 .LBB2_52-.Ltmp46, $4  }
0x24b: {  	s4 =	sand.u32 $0x7FFFFC00, s19;
	s20 =	sand.u32 $0x70, s7;
	vm12 =	vgt.f32 v30, v10;
	[tilespmem:v20+s13+$0x0] =	vst.idx.msk vm4, v25;
	v20 =	vadd.s32 v21, v27;
	v25 =	vmpcnt.ones.xlane vm6  }
0x24c: {  	s21 =	sor.u32 s20, s4;
	v42 =	vmpcnt.ones.xlane vm12;
	[tilespmem:v43+s13+$0x0] =	vst.idx.msk vm14, v15;
	v27 =	vadd.s32 v20, v23;
	v23 =	vmpcnt.ones.xlane vm7  }
0x24d: {  	v16 =	vld.idx.msk [tilespmem:v9+s21+$0x6400 ss:$0x1], $0xffff;
	[tilespmem:v29+s13+$0x0] =	vst.idx.msk vm10, v22;
	v33, _, _ =	vpop (xrf0);
	vm4 =	vgt.f32 v35, v10;
	v29 =	vadd.s32 v27, v25  }
0x24e: {  	p1 =	por $0x1, $0x1;
	[tilespmem:v24+s13+$0x0] =	vst.idx.msk vm5, v26;
	v41 =	vmpcnt.ones.xlane vm4;
	vm5 =	vgt.f32 v37, v10;
	v31 =	vadd.s32 v29, v23;
	v34, _, _ =	vpop (xrf0)  }
.LBB2_53:
0x24f: {  	v54 =	vmpcnt.ones.xlane vm5;
	[tilespmem:v28+s13+$0x0] =	vst.idx.msk vm11, v11;
	v11 =	vsel vm2, $0x1, v1;
	v26 =	vmovc v32;
	v22 =	vmovc v36;
	v28 =	vsel vm8, $0x1, v1  }
0x250: {  	v55 =	vsel vm6, $0x1, v1;
	v14 =	vmovc v38;
	v57 =	vsel vm7, $0x1, v1;
	v58 =	vsel vm12, $0x1, v1;
	v15 =	vmovc v39  }
0x251: {  	s1 =	rddreg [dreg:$0x6];
	s8 =	sadd.s32 $0xA, s8;
	v59 =	vsel vm5, $0x1, v1;
	v27 =	vadd.s32 v27, v8;
	v29 =	vadd.s32 v29, v8;
	v24, _, _ =	vpop (xrf0);
	(xrf0) =	vadd.scan.msk.s32 $0xffff, v11  }
0x252: {  	s6 =	sadd.s32 $0x500, s6;
	s7 =	sadd.s32 $0xA0, s7;
	v19 =	vadd.s32 v19, v8;
	v21 =	vadd.s32 v21, v8;
	v20 =	vadd.s32 v20, v8;
	p2 =	slt.u32 s8, s1;
	(xrf0) =	vadd.scan.msk.s32 $0xffff, v28  }
0x253: {  	v34 =	vadd.s32 v34, v17;
	v33 =	vadd.s32 v33, v13;
	v63 =	vmovc v30;
	vm13 =	vmmov vm8;
	s12 =	sadd.s32 $0xFFFFFF70, s7;
	s5 =	sand.u32 $0x7FFFFC00, s6;
	s11 =	sadd.s32 $0xFFFFFFA0, s7;
	(xrf0) =	vadd.scan.msk.s32 $0xffff, v55  }
0x254: {  	v44 =	vmovc v35;
	vm14 =	vmmov vm6;
	v23 =	vadd.s32 v31, v42;
	s25 =	sadd.s32 $0xFFFFFF90, s7;
	v28 =	vsel vm4, $0x1, v1;
	s1 =	sand.u32 $0x60, s12;
	s12 =	sadd.s32 $0x100, s6;
	(xrf0) =	vadd.scan.msk.s32 $0xffff, v57  }
0x255: {  	v31 =	vadd.s32 v31, v8;
	v25 =	vadd.s32 v23, v41;
	v23 =	vadd.s32 v23, v8;
	s1 =	sor.u32 s1, s5;
	s5 =	sand.u32 $0x60, s25;
	s25 =	sadd.s32 $0x180, s6;
	(xrf0) =	vadd.scan.msk.s32 $0xffff, v58  }
0x256: {  	vm11 =	vmmov vm7;
	v19 =	vadd.s32 v24, v19;
	s11 =	sand.u32 $0x70, s11;
	v56 =	vadd.s32 v25, v54;
	s12 =	sand.u32 $0x7FFFFC00, s12;
	v62 =	vld.idx.msk [tilespmem:v9+s1+$0x6400 ss:$0x1], $0xffff;
	s25 =	sand.u32 $0x7FFFFC00, s25;
	(xrf0) =	vadd.scan.msk.s32 $0xffff, v28  }
0x257: {  	s20 =	sadd.s32 $0xFFFFFFB0, s7;
	v11 =	vmov v40;
	v25 =	vadd.s32 v25, v8;
	vm10 =	vgt.f32 v16, v10;
	v32 =	vld.idx.msk [tilespmem:v9+s1+$0x6410 ss:$0x1], $0xffff;
	s5 =	sor.u32 s5, s12;
	s12 =	sor.u32 s11, s25;
	v28, _, _ =	vpop (xrf0);
	(xrf0) =	vadd.scan.msk.s32 $0xffff, v59  }
0x258: {  	s21 =	sadd.s32 $0x200, s6;
	s4 =	sadd.s32 $0xFFFFFFC0, s7;
	s10 =	sadd.s32 $0x280, s6;
	v61 =	vadd.s32 v56, v8;
	v43 =	vmpcnt.ones.xlane vm10;
	v60 =	vsel vm10, $0x1, v1;
	v38 =	vld.idx.msk [tilespmem:v9+s12+$0x6400 ss:$0x1], $0xffff;
	v24, _, _ =	vpop (xrf0)  }
0x259: {  	s3 =	sadd.s32 $0xFFFFFFD0, s7;
	s20 =	sand.u32 $0x60, s20;
	v36 =	vld.idx.msk [tilespmem:v9+s5+$0x6400 ss:$0x1], $0xffff;
	s25 =	sand.u32 $0x7FFFFC00, s21;
	[tilespmem:v33+s13+$0x0] =	vst.idx.msk vm9, v12;
	v12 =	vmov v16;
	(xrf0) =	vadd.scan.msk.s32 $0xffff, v60;
	v24 =	vadd.s32 v24, v20;
	v20, _, _ =	vpop (xrf0)  }
0x25a: {  	s17 =	sadd.s32 $0x300, s6;
	s16 =	sadd.s32 $0xFFFFFFE0, s7;
	vm9 =	vmmov vm10;
	[tilespmem:v34+s13+$0x0] =	vst.idx.msk vm1, v18;
	s11 =	sor.u32 s20, s25;
	v21 =	vadd.s32 v28, v21;
	v45 =	vadd.s32 v20, v27;
	v20, _, _ =	vpop (xrf0)  }
0x25b: {  	s19 =	sadd.s32 $0x380, s6;
	s4 =	sand.u32 $0x70, s4;
	s10 =	sand.u32 $0x7FFFFC00, s10;
	v42 =	vadd.s32 v56, v43;
	v39 =	vld.idx.msk [tilespmem:v9+s11+$0x6400 ss:$0x1], $0xffff;
	vm1 =	vgt.f32 v62, v10;
	v28 =	vadd.s32 v20, v29;
	v20, _, _ =	vpop (xrf0)  }
0x25c: {  	s3 =	sand.u32 $0x60, s3;
	s4 =	sor.u32 s4, s10;
	s12 =	sand.u32 $0x7FFFFC00, s17;
	[tilespmem:v19+s13+$0x0] =	vst.idx.msk vm3, v26;
	v17 =	vadd.s32 v42, v8;
	v19 =	vmpcnt.ones.xlane vm1;
	v29 =	vadd.s32 v20, v31;
	v20, _, _ =	vpop (xrf0)  }
0x25d: {  	s16 =	sand.u32 $0x70, s16;
	v40 =	vld.idx.msk [tilespmem:v9+s4+$0x6400 ss:$0x1], $0xffff;
	s17 =	sand.u32 $0x7FFFFC00, s19;
	s3 =	sor.u32 s3, s12;
	vm3 =	vgt.f32 v32, v10;
	vm8 =	vgt.f32 v38, v10;
	v20 =	vadd.s32 v20, v23;
	v16, _, _ =	vpop (xrf0)  }
0x25e: {  	s19 =	sor.u32 s16, s17;
	v30 =	vld.idx.msk [tilespmem:v9+s3+$0x6400 ss:$0x1], $0xffff;
	v27 =	vmovc v37;
	v19 =	vadd.s32 v42, v19;
	v23 =	vadd.s32 v16, v25;
	v16 =	vsel vm1, $0x1, v1  }
0x25f: {  	v35 =	vld.idx.msk [tilespmem:v9+s19+$0x6400 ss:$0x1], $0xffff;
	[tilespmem:v21+s13+$0x0] =	vst.idx.msk vm2, v22;
	v22 =	vmpcnt.ones.xlane vm3;
	vm2 =	vgt.f32 v36, v10;
	v33, _, _ =	vpop (xrf0);
	(xrf0) =	vadd.scan.msk.s32 $0xffff, v16  }
0x260: {  	v37 =	vld.idx.msk [tilespmem:v9+s1+$0x6800 ss:$0x1], $0xffff;
	vm6 =	vgt.f32 v39, v10;
	v21 =	vsel vm3, $0x1, v1;
	v25 =	vmpcnt.ones.xlane vm2;
	[tilespmem:v24+s13+$0x0] =	vst.idx.msk vm13, v14  }
.Ltmp47:
0x261: {  	v13 =	vmovc v61;
	s20 =	sadd.s32 $0x480, s6;
	(xrf0) =	vadd.scan.msk.s32 $0xffff, v21;
	v21 =	vadd.s32 v19, v22;
	v22 =	vmpcnt.ones.xlane vm8;
	[tilespmem:v29+s13+$0x0] =	vst.idx.msk vm12, v63;
	(pc) =	sbr.rel @p2 .LBB2_53-.Ltmp47, $4  }
0x262: {  	s21 =	sand.u32 $0x70, s7;
	s4 =	sand.u32 $0x7FFFFC00, s20;
	vm7 =	vgt.f32 v40, v10;
	[tilespmem:v20+s13+$0x0] =	vst.idx.msk vm4, v44;
	v20 =	vadd.s32 v21, v25;
	v25 =	vmpcnt.ones.xlane vm6  }
0x263: {  	s25 =	sor.u32 s21, s4;
	vm12 =	vgt.f32 v30, v10;
	[tilespmem:v23+s13+$0x0] =	vst.idx.msk vm5, v27;
	v27 =	vadd.s32 v20, v22;
	v22 =	vmpcnt.ones.xlane vm7  }
0x264: {  	v18 =	vmovc v62;
	v16 =	vld.idx.msk [tilespmem:v9+s25+$0x6400 ss:$0x1], $0xffff;
	v42 =	vmpcnt.ones.xlane vm12;
	vm4 =	vgt.f32 v35, v10;
	v29 =	vadd.s32 v27, v25  }
0x265: {  	[tilespmem:v45+s13+$0x0] =	vst.idx.msk vm14, v15;
	v41 =	vmpcnt.ones.xlane vm4;
	vm5 =	vgt.f32 v37, v10;
	v31 =	vadd.s32 v29, v22;
	v34, _, _ =	vpop (xrf0)  }
0x266: {  	v43 =	vmov v11;
	v24 =	vmov v32  }
0x267: {  	v23 =	vmovc v36;
	v14 =	vmovc v38;
	vm10 =	vmmov vm12;
	v15 =	vmov v39;
	v11 =	vmov v40  }
0x268: {  	v32 =	vmovc v17;
	v22 =	vmovc v30;
	v25 =	vmov v35;
	v26 =	vmov v37;
	v30 =	vmov v18  }
.LBB2_55:
0x269: {  	v17 =	vsel vm2, $0x1, v1  }
0x26a: {  	v18 =	vsel vm8, $0x1, v1;
	(xrf0) =	vadd.scan.msk.s32 $0xffff, v17  }
0x26b: {  	v17 =	vsel vm6, $0x1, v1;
	(xrf0) =	vadd.scan.msk.s32 $0xffff, v18  }
0x26c: {  	v35 =	vsel vm7, $0x1, v1;
	vm12 =	vgt.f32 v16, v10;
	(xrf0) =	vadd.scan.msk.s32 $0xffff, v17  }
0x26d: {  	v36 =	vsel vm10, $0x1, v1;
	v18 =	vadd.s32 v31, v42;
	v17 =	vmpcnt.ones.xlane vm5;
	(xrf0) =	vadd.scan.msk.s32 $0xffff, v35  }
0x26e: {  	v38 =	vsel vm4, $0x1, v1;
	v37 =	vmpcnt.ones.xlane vm12;
	v63 =	vadd.s32 v18, v41;
	(xrf0) =	vadd.scan.msk.s32 $0xffff, v36  }
0x26f: {  	v48, _, _ =	vpop (xrf0);
	v40 =	vsel vm5, $0x1, v1;
	v39 =	vadd.s32 v63, v17;
	(xrf0) =	vadd.scan.msk.s32 $0xffff, v38  }
0x270: {  	v49 =	vsel vm12, $0x1, v1;
	v17 =	vadd.s32 v39, v37;
	v50, _, _ =	vpop (xrf0);
	(xrf0) =	vadd.scan.msk.s32 $0xffff, v40  }
0x271: {  	v52 =	vxor.u32 $0x80000000, v17;
	v51, _, _ =	vpop (xrf0);
	(xrf0) =	vadd.scan.msk.s32 $0xffff, v49  }
0x272: {  	v53, _, _ =	vpop (xrf0);
	(xrf0) =	vmax.scan.msk.u32 $0xffff, v52  }
0x273: {  	v54, _, _ =	vpop (xrf0)  }
0x274: {  	v55, _, _ =	vpop (xrf0)  }
0x275: {  	v44, _, _ =	vpop (xrf0)  }
0x276: {  	v45, _, _ =	vpop (xrf0)  }
0x277: {  	v46, _, _ =	vpop (xrf0)  }
0x278: {  	v47, _, _ =	vpop (xrf0)  }
0x279: {  	(v2sf) =	vpush v47, $0xF;
	_ =	sdelay $0x5  }
0x27a: {  	v13 =	vadd.s32 @p1 v33, v13;
	v19 =	vadd.s32 v19, v8  }
0x27b: {  	v19 =	vadd.s32 v48, v19;
	_ =	sdelay $0x1  }
0x27c: {  	v32 =	vadd.s32 v34, v32;
	v21 =	vadd.s32 v21, v8  }
0x27d: {  	v59 =	vadd.s32 v20, v8;
	vm15 =	vmmov vm8;
	v21 =	vadd.s32 v50, v21  }
0x27e: {  	v27 =	vadd.s32 v27, v8;
	[tilespmem:v13+s13+$0x0] =	vst.idx.msk @p1 vm9, v12;
	v13 =	vadd.s32 v51, v59  }
0x27f: {  	[tilespmem:v19+s13+$0x0] =	vst.idx.msk vm3, v24;
	v19 =	vadd.s32 v29, v8;
	v61 =	vadd.s32 v53, v27  }
0x280: {  	[tilespmem:v28+s13+$0x0] =	vst.idx.msk @p1 vm11, v43;
	v57 =	vadd.s32 v31, v8;
	v19 =	vadd.s32 v54, v19  }
0x281: {  	v18 =	vadd.s32 v18, v8;
	[tilespmem:v32+s13+$0x0] =	vst.idx.msk vm1, v30;
	v60 =	vadd.s32 v55, v57  }
0x282: {  	v56 =	vadd.s32 v63, v8;
	v18 =	vadd.s32 v44, v18;
	[tilespmem:v21+s13+$0x0] =	vst.idx.msk vm2, v23;
	s6 =	spop (v2sf)  }
0x283: {  	v62 =	vadd.s32 v39, v8;
	v58 =	vadd.s32 v45, v56;
	[tilespmem:v13+s13+$0x0] =	vst.idx.msk vm15, v14;
	s1 =	sxor.u32 $0x80000000, s6  }
0x284: {  	v63 =	vadd.s32 v46, v62;
	[tilespmem:v61+s13+$0x0] =	vst.idx.msk vm6, v15;
	p1 =	slt.s32 s1, $0x801  }
.Ltmp48:
0x285: {  	[tilespmem:v19+s13+$0x0] =	vst.idx.msk vm7, v11;
	(pc) =	sbr.rel @p1 .LBB2_80-.Ltmp48, $4  }
0x286: {  	[tilespmem:v60+s13+$0x0] =	vst.idx.msk vm10, v22  }
0x287: {  	[tilespmem:v18+s13+$0x0] =	vst.idx.msk vm4, v25  }
0x288: {  	[tilespmem:v58+s13+$0x0] =	vst.idx.msk vm5, v26  }
0x289: {  	vm1 =	vmmov vm6;
	vm3 =	vmmov vm7;
	vm2 =	vmmov vm12;
	[tilespmem:v63+s13+$0x0] =	vst.idx.msk vm12, v16  }
0x28a: {  	s3 =	sadd.s32 $0x8000003F, s6  }
0x28b: {  	s4 =	sand.u32 $0x3F, s3  }
0x28c: {  	s25 =	sshra.s32 s3, $0x1F;
	p2 =	slt.s32 s3, $0x1;
	p1 =	sne.s32 s4, $0x0  }
0x28d: {  	s4 =	sshrl.u32 s25, $0x1A;
	p1 =	por !p2, !p1  }
0x28e: {  	s3 =	sadd.s32 s4, s3;
	s4 =	simm.s32 $0x1;
	p1 =	por !p1, !p1  }
0x28f: {  	s3 =	sshra.s32 s3, $0x6;
	s4 =	simm.s32 @!p1 $0x0  }
0x290: {  	s3 =	ssub.s32 s3, s4  }
0x291: {  	p1 =	slt.s32 s3, $0x1  }
.Ltmp49:
0x292: {  	_ = 	snop;
	(pc) =	sbr.rel @p1 .LBB2_57-.Ltmp49, $2  }
0x293: {  	_ =	sdelay $0x2  }
0x294: {  	v11 =	vmov s1;
	s7 =	sshll.u32 s3, $0x2  }
0x295: {  	v13 =	vld [tilespmem:s2+$0x10];
	_ =	sdelay $0x3  }
0x296: {  	v14 =	vld [tilespmem:s2+$0xFFFFFFF0]  }
0x297: {  	v10 =	vld [tilespmem:s2+$0x0];
	p2 =	sgt.s32 s7, $0x4;
	v16 =	vxor.u32 $0x7FFFFFFF, v13;
	vm1 =	vlt.s32 v13, $0x0  }
.Ltmp50:
0x298: {  	v18 =	vsel vm1, v16, v13;
	v13 =	vld [tilespmem:s2+$0xFFFFFFE0];
	(pc) =	sbr.rel @!p2 .LBB2_60-.Ltmp50, $4  }
0x299: {  	s3 =	simm.s32 $0x30  }
0x29a: {  	s8 =	simm.s32 $0x0;
	v17 =	vor.u32 s3, v0  }
0x29b: {  	s1 =	simm.s32 $0x16020;
	s10 =	simm.s32 $0x10;
	s17 =	simm.s32 $0x20;
	v12 =	vor.u32 s8, v0;
	vm2 =	vlt.s32 v17, v11;
	v15 =	vxor.u32 $0x7FFFFFFF, v14  }
0x29c: {  	s4 =	sadd.s32 $0x40, s2;
	s16 =	simm.s32 $0x16020;
	s3 =	simm.s32 $0x4;
	vm1 =	vlt.s32 v14, $0x0;
	v16 =	vxor.u32 $0x7FFFFFFF, v10;
	v17 =	vnsel vm2, $0x80000000, v18  }
.LBB2_59:
0x29d: {  	v18 =	vld [tilespmem:s4+$0x10];
	s3 =	sadd.s32 $0x4, s3;
	v19 =	vxor.u32 $0x7FFFFFFF, v13;
	vm2 =	vlt.s32 v13, $0x0;
	vm3 =	vlt.s32 v10, $0x0;
	[tilespmem:s16+$0x10] =	vst v17  }
0x29e: {  	v20 =	vor.u32 s17, v0;
	v17 =	vld [tilespmem:s4+$0xFFFFFFF0];
	p2 =	slt.s32 s3, s7;
	v19 =	vsel vm2, v19, v13;
	v13 =	vor.u32 s10, v0  }
0x29f: {  	v14 =	vsel vm1, v15, v14;
	v15 =	vsel vm3, v16, v10;
	vm1 =	vlt.s32 v13, v11;
	v10 =	vld [tilespmem:s4+$0x0]  }
.Ltmp51:
0x2a0: {  	s8 =	sadd.s32 $0x40, s8;
	vm2 =	vlt.s32 v12, v11;
	v13 =	vld [tilespmem:s4+$0xFFFFFFE0];
	v14 =	vnsel vm1, $0x80000000, v14;
	vm1 =	vlt.s32 v20, v11;
	(pc) =	sbr.rel @p2 .LBB2_59-.Ltmp51, $4  }
0x2a1: {  	v12 =	vor.u32 s8, v0;
	s10 =	sadd.s32 $0x10, s8;
	s17 =	sadd.s32 $0x20, s8;
	s5 =	sadd.s32 $0x30, s8;
	v16 =	vnsel vm2, $0x80000000, v19;
	[tilespmem:s16+$0xFFFFFFF0] =	vst v14;
	v21 =	vnsel vm1, $0x80000000, v15  }
0x2a2: {  	v20 =	vor.u32 s5, v0;
	v19 =	vxor.u32 $0x7FFFFFFF, v18;
	vm1 =	vlt.s32 v18, $0x0;
	[tilespmem:s16+$0xFFFFFFE0] =	vst v16  }
0x2a3: {  	vm2 =	vlt.s32 v20, v11;
	v15 =	vxor.u32 $0x7FFFFFFF, v17;
	v18 =	vsel vm1, v19, v18;
	[tilespmem:s16+$0x0] =	vst v21;
	v14 =	vmovc v17  }
0x2a4: {  	s4 =	sadd.s32 $0x40, s4;
	s16 =	sadd.s32 $0x40, s16;
	vm1 =	vlt.s32 v14, $0x0;
	v16 =	vxor.u32 $0x7FFFFFFF, v10;
	v17 =	vnsel vm2, $0x80000000, v18  }
.LBB2_60:
0x2a5: {  	v18 =	vxor.u32 $0x7FFFFFFF, v13  }
0x2a6: {  	vm2 =	vlt.s32 v13, $0x0;
	v63 =	vor.u32 s10, v0;
	v14 =	vsel vm1, v15, v14  }
0x2a7: {  	v15 =	vor.u32 s17, v0;
	vm3 =	vlt.s32 v12, v11;
	vm1 =	vlt.s32 v63, v11  }
0x2a8: {  	[tilespmem:s16+$0x10] =	vst v17;
	v13 =	vsel vm2, v18, v13;
	vm2 =	vlt.s32 v10, $0x0;
	v12 =	vnsel vm1, $0x80000000, v14  }
0x2a9: {  	v10 =	vsel vm2, v16, v10;
	vm1 =	vlt.s32 v15, v11;
	v13 =	vnsel vm3, $0x80000000, v13;
	[tilespmem:s16+$0xFFFFFFF0] =	vst v12  }
0x2aa: {  	p3 =	sgt.s32 s7, $0x4;
	v10 =	vnsel vm1, $0x80000000, v10;
	[tilespmem:s16+$0xFFFFFFE0] =	vst v13  }
.Ltmp52:
0x2ab: {  	[tilespmem:s16+$0x0] =	vst v10;
	(pc) =	sbr.rel @!p3 .LBB2_61-.Ltmp52, $4  }
0x2ac: {  	v15 =	vld [tilespmem:s1+$0xFFFFFFE0]  }
0x2ad: {  	v13 =	vld [tilespmem:s1+$0xFFFFFFF0]  }
0x2ae: {  	v14 =	vld [tilespmem:s1+$0x0]  }
0x2af: {  	p2 =	por $0x0, $0x0;
	v10 =	vimm.s32 $0x0;
	v12 =	vld [tilespmem:s1+$0x10]  }
0x2b0: {  	_ = 	snop  }
0x2b1: {  	p3 =	sgt.s32 s7, $0x8;
	vm1 =	vgt.s32 v15, $0xFFFFFFFF  }
.Ltmp53:
0x2b2: {  	s1 =	simm.s32 $0x16060;
	v16 =	vmpcnt.ones.xlane vm1;
	vm1 =	vgt.s32 v13, $0xFFFFFFFF;
	(pc) =	sbr.rel @!p3 .LBB2_68-.Ltmp53, $4  }
0x2b3: {  	v15 =	vld [tilespmem:s1+$0xFFFFFFE0];
	v17 =	vmpcnt.ones.xlane vm1;
	vm1 =	vgt.s32 v14, $0xFFFFFFFF  }
0x2b4: {  	v13 =	vld [tilespmem:s1+$0xFFFFFFF0];
	v16 =	vadd.s32 v10, v16;
	v18 =	vmpcnt.ones.xlane vm1  }
0x2b5: {  	v14 =	vld [tilespmem:s1+$0x0];
	vm1 =	vgt.s32 v12, $0xFFFFFFFF;
	v17 =	vadd.s32 v17, v16  }
0x2b6: {  	s3 =	simm.s32 $0x8;
	p2 =	por $0x1, $0x1;
	v12 =	vld [tilespmem:s1+$0x10];
	v16 =	vmpcnt.ones.xlane vm1;
	v17 =	vadd.s32 v18, v17  }
.LBB2_67:
0x2b7: {  	s3 =	sadd.s32 $0x4, s3  }
0x2b8: {  	vm1 =	vgt.s32 v15, $0xFFFFFFFF;
	s1 =	sadd.s32 $0x40, s1;
	v16 =	vadd.s32 v16, v17;
	p3 =	slt.s32 s3, s7  }
.Ltmp54:
0x2b9: {  	v15 =	vld [tilespmem:s1+$0xFFFFFFE0];
	v17 =	vmpcnt.ones.xlane vm1;
	vm1 =	vgt.s32 v13, $0xFFFFFFFF;
	(pc) =	sbr.rel @p3 .LBB2_67-.Ltmp54, $4  }
0x2ba: {  	v13 =	vld [tilespmem:s1+$0xFFFFFFF0];
	v18 =	vmpcnt.ones.xlane vm1;
	vm1 =	vgt.s32 v14, $0xFFFFFFFF  }
0x2bb: {  	v14 =	vld [tilespmem:s1+$0x0];
	v16 =	vadd.s32 v16, v17;
	v17 =	vmpcnt.ones.xlane vm1;
	vm1 =	vgt.s32 v12, $0xFFFFFFFF  }
0x2bc: {  	v12 =	vld [tilespmem:s1+$0x10];
	v18 =	vadd.s32 v18, v16;
	v16 =	vmpcnt.ones.xlane vm1  }
0x2bd: {  	v17 =	vadd.s32 v17, v18  }
.LBB2_68:
0x2be: {  	_ = 	snop  }
0x2bf: {  	vm1 =	vgt.s32 v15, $0xFFFFFFFF  }
0x2c0: {  	v15 =	vadd.s32 @p2 v16, v17;
	v63 =	vmpcnt.ones.xlane vm1;
	vm1 =	vgt.s32 v13, $0xFFFFFFFF  }
0x2c1: {  	v10 =	vpsel p2, v15, v10;
	v13 =	vmpcnt.ones.xlane vm1;
	vm1 =	vgt.s32 v14, $0xFFFFFFFF  }
0x2c2: {  	v10 =	vadd.s32 v10, v63;
	v14 =	vmpcnt.ones.xlane vm1;
	vm1 =	vgt.s32 v12, $0xFFFFFFFF  }
0x2c3: {  	v10 =	vadd.s32 v13, v10;
	v12 =	vmpcnt.ones.xlane vm1  }
0x2c4: {  	v10 =	vadd.s32 v14, v10  }
0x2c5: {  	v10 =	vadd.s32 v12, v10  }
.Ltmp55:
0x2c6: {  	(pc) =	sbr.rel .LBB2_63-.Ltmp55, $2  }
0x2c7: {  	_ =	sdelay $0x2  }
0x2c8: {  	v10 =	vxor.u32 $0x80000000, v10  }
.LBB2_57:
0x2c9: {  	v10 =	vimm.s32 $0x80000000  }
.LBB2_63:
0x2ca: {  	(xrf0) =	vmax.scan.msk.u32 $0xffff, v10;
	_ =	sdelay $0x5  }
0x2cb: {  	v10, _, _ =	vpop (xrf0)  }
0x2cc: {  	(v2sf) =	vpush v10, $0xF;
	_ =	sdelay $0xc  }
.Ltmp56:
0x2cd: {  	_ = 	snop;
	(pc) =	sbr.rel .LBB2_64-.Ltmp56, $4  }
0x2ce: {  	_ = 	snop  }
0x2cf: {  	s1 =	spop (v2sf)  }
0x2d0: {  	s8 =	simm.s32 $0x0;
	p2 =	sgt.u32 s1, $0x80000063  }
0x2d1: {  	s19 =	simm.s32 $0x0;
	s8 =	simm.s32 @!p2 $0x80000000  }
.LBB2_65:
0x2d2: {  	v10 =	vimm.s32 $0x80000000  }
.LBB2_70:
0x2d3: {  	(xrf0) =	vmax.scan.msk.u32 $0xffff, v10;
	_ =	sdelay $0x5  }
0x2d4: {  	v10, _, _ =	vpop (xrf0)  }
0x2d5: {  	(v2sf) =	vpush v10, $0xF;
	_ =	sdelay $0xa  }
0x2d6: {  	s19 =	sadd.s32 $0x1, s19  }
0x2d7: {  	p3 =	seq.s32 s19, $0x10  }
.Ltmp57:
0x2d8: {  	_ = 	snop;
	(pc) =	sbr.rel @p3 .LBB2_71-.Ltmp57, $4  }
0x2d9: {  	_ = 	snop  }
0x2da: {  	s3 =	spop (v2sf)  }
0x2db: {  	p2 =	sgt.u32 s3, $0x80000063  }
0x2dc: {  	s8 =	smov.u32 @p2 s1  }
.LBB2_64:
.Ltmp58:
0x2dd: {  	(pc) =	sbr.rel @p1 .LBB2_65-.Ltmp58, $3  }
0x2de: {  	_ =	sdelay $0x1  }
0x2df: {  	s1 =	sshrl.u32 s14, s19  }
0x2e0: {  	s1 =	sor.u32 s1, s8  }
0x2e1: {  	p3 =	sgt.s32 s7, $0x4  }
.Ltmp59:
0x2e2: {  	s3 =	simm.s32 $0x16020;
	(pc) =	sbr.rel @!p3 .LBB2_74-.Ltmp59, $4  }
0x2e3: {  	v16 =	vld [tilespmem:s3+$0xFFFFFFE0]  }
0x2e4: {  	v14 =	vld [tilespmem:s3+$0xFFFFFFF0]  }
0x2e5: {  	v15 =	vld [tilespmem:s3+$0x0]  }
0x2e6: {  	v10 =	vmov s1;
	v12 =	vimm.s32 $0x0;
	p2 =	por $0x0, $0x0;
	v13 =	vld [tilespmem:s3+$0x10]  }
0x2e7: {  	_ = 	snop  }
0x2e8: {  	p3 =	sgt.s32 s7, $0x8;
	vm1 =	vge.s32 v16, v10  }
.Ltmp60:
0x2e9: {  	s3 =	simm.s32 $0x16060;
	v17 =	vmpcnt.ones.xlane vm1;
	vm1 =	vge.s32 v14, v10;
	(pc) =	sbr.rel @!p3 .LBB2_77-.Ltmp60, $4  }
0x2ea: {  	v16 =	vld [tilespmem:s3+$0xFFFFFFE0];
	v18 =	vmpcnt.ones.xlane vm1;
	vm1 =	vge.s32 v15, v10  }
0x2eb: {  	v14 =	vld [tilespmem:s3+$0xFFFFFFF0];
	v17 =	vadd.s32 v12, v17;
	v19 =	vmpcnt.ones.xlane vm1  }
0x2ec: {  	v15 =	vld [tilespmem:s3+$0x0];
	vm1 =	vge.s32 v13, v10;
	v18 =	vadd.s32 v18, v17  }
0x2ed: {  	s4 =	simm.s32 $0x8;
	p2 =	por $0x1, $0x1;
	v13 =	vld [tilespmem:s3+$0x10];
	v17 =	vmpcnt.ones.xlane vm1;
	v18 =	vadd.s32 v19, v18  }
.LBB2_76:
0x2ee: {  	s4 =	sadd.s32 $0x4, s4  }
0x2ef: {  	vm1 =	vge.s32 v16, v10;
	s3 =	sadd.s32 $0x40, s3;
	v17 =	vadd.s32 v17, v18;
	p3 =	slt.s32 s4, s7  }
.Ltmp61:
0x2f0: {  	v16 =	vld [tilespmem:s3+$0xFFFFFFE0];
	v18 =	vmpcnt.ones.xlane vm1;
	vm1 =	vge.s32 v14, v10;
	(pc) =	sbr.rel @p3 .LBB2_76-.Ltmp61, $4  }
0x2f1: {  	v14 =	vld [tilespmem:s3+$0xFFFFFFF0];
	v19 =	vmpcnt.ones.xlane vm1;
	vm1 =	vge.s32 v15, v10  }
0x2f2: {  	v15 =	vld [tilespmem:s3+$0x0];
	v17 =	vadd.s32 v17, v18;
	v18 =	vmpcnt.ones.xlane vm1;
	vm1 =	vge.s32 v13, v10  }
0x2f3: {  	v13 =	vld [tilespmem:s3+$0x10];
	v19 =	vadd.s32 v19, v17;
	v17 =	vmpcnt.ones.xlane vm1  }
0x2f4: {  	v18 =	vadd.s32 v18, v19  }
.LBB2_77:
0x2f5: {  	_ = 	snop  }
0x2f6: {  	vm1 =	vge.s32 v16, v10  }
0x2f7: {  	v16 =	vadd.s32 @p2 v17, v18;
	v62 =	vmpcnt.ones.xlane vm1;
	vm1 =	vge.s32 v14, v10  }
0x2f8: {  	v12 =	vpsel p2, v16, v12;
	v14 =	vmpcnt.ones.xlane vm1;
	vm1 =	vge.s32 v15, v10  }
0x2f9: {  	v12 =	vadd.s32 v12, v62;
	v15 =	vmpcnt.ones.xlane vm1;
	vm1 =	vge.s32 v13, v10  }
0x2fa: {  	v10 =	vadd.s32 v14, v12;
	v63 =	vmpcnt.ones.xlane vm1  }
0x2fb: {  	v10 =	vadd.s32 v15, v10  }
0x2fc: {  	v10 =	vadd.s32 v63, v10  }
.Ltmp62:
0x2fd: {  	(pc) =	sbr.rel .LBB2_70-.Ltmp62, $2  }
0x2fe: {  	_ =	sdelay $0x2  }
0x2ff: {  	v10 =	vxor.u32 $0x80000000, v10  }
.LBB2_74:
.Ltmp63:
0x300: {  	(pc) =	sbr.rel .LBB2_77-.Ltmp63, $2  }
0x301: {  	_ =	sdelay $0x2  }
0x302: {  	_ = 	snop  }
.LBB2_71:
0x303: {  	s1 =	sadd.s32 $0x8000001F, s6  }
0x304: {  	s3 =	sand.u32 $0x1F, s1  }
0x305: {  	s25 =	sshra.s32 s1, $0x1F;
	p2 =	slt.s32 s1, $0x1;
	p1 =	sne.s32 s3, $0x0  }
0x306: {  	s3 =	sshrl.u32 s25, $0x1B;
	p1 =	por !p2, !p1  }
0x307: {  	s1 =	sadd.s32 s3, s1;
	s3 =	simm.s32 $0x1;
	p1 =	por !p1, !p1  }
0x308: {  	s1 =	sshra.s32 s1, $0x5;
	s3 =	simm.s32 @!p1 $0x0  }
0x309: {  	s1 =	ssub.s32 s1, s3  }
0x30a: {  	p1 =	slt.s32 s1, $0x1  }
.Ltmp64:
0x30b: {  	_ = 	snop;
	(pc) =	sbr.rel @p1 .LBB2_72-.Ltmp64, $4  }
0x30c: {  	_ = 	snop  }
0x30d: {  	v10 =	vmov s8  }
0x30e: {  	v12 =	vxor.u32 $0x7FFFFFFF, v10;
	vm1 =	vlt.s32 v10, $0x0  }
0x30f: {  	v10 =	vnsel vm1, s8, v12  }
0x310: {  	s8 =	sshll.u32 s1, $0x1  }
0x311: {  	p3 =	sgt.s32 s8, $0x2  }
.Ltmp65:
0x312: {  	_ = 	snop;
	(pc) =	sbr.rel @!p3 .LBB2_88-.Ltmp65, $2  }
0x313: {  	_ =	sdelay $0x2  }
0x314: {  	v12 =	vimm.s32 $0x0;
	s6 =	simm.s32 $0x10;
	p1 =	por $0x0, $0x0;
	p2 =	por $0x0, $0x0  }
0x315: {  	v13 =	vld [tilespmem:s9+$0xFFFFFFF0]  }
0x316: {  	v14 =	vld [tilespmem:s9+$0x0];
	_ =	sdelay $0x1  }
0x317: {  	s1 =	simm.s32 $0x0;
	p3 =	sgt.s32 s8, $0x4  }
.Ltmp66:
0x318: {  	v15 =	vor.u32 s1, v0;
	(pc) =	sbr.rel @!p3 .LBB2_90-.Ltmp66, $4  }
0x319: {  	vm2 =	vlt.s32 v15, v11;
	v15 =	vor.u32 s6, v0;
	vm1 =	vgt.f32 v13, v10  }
0x31a: {  	vm3 =	vlt.s32 v15, v11;
	vm2 =	vmand vm2, vm1;
	vm1 =	vgt.f32 v14, v10  }
0x31b: {  	v15 =	vsel vm2, $0x1, v1;
	vm4 =	vmand vm3, vm1  }
0x31c: {  	p1 =	por $0x1, $0x1;
	v17 =	vmpcnt.ones.xlane vm2;
	v22 =	vsel vm4, $0x1, v1;
	v18 =	vmpcnt.ones.xlane vm4;
	(xrf0) =	vadd.scan.msk.s32 $0xffff, v15  }
0x31d: {  	s7 =	sadd.s32 $0x20, s9  }
0x31e: {  	v24 =	vld [tilespmem:s7+$0xFFFFFFF0]  }
0x31f: {  	(xrf0) =	vadd.scan.msk.s32 $0xffff, v22;
	v21 =	vld [tilespmem:s7+$0x0];
	_ =	sdelay $0x1  }
0x320: {  	vm3 =	vmmov vm4;
	s1 =	simm.s32 $0x20;
	p3 =	sgt.s32 s8, $0x6;
	v15 =	vadd.s32 v12, v17  }
.Ltmp67:
0x321: {  	s19 =	simm.s32 $0x30;
	vm1 =	vmmov vm2;
	v17 =	vor.u32 s1, v0;
	v16 =	vadd.s32 v15, v18;
	(pc) =	sbr.rel @!p3 .LBB2_92-.Ltmp67, $4  }
0x322: {  	vm4 =	vlt.s32 v17, v11;
	v17 =	vor.u32 s19, v0;
	vm2 =	vgt.f32 v24, v10  }
0x323: {  	vm5 =	vlt.s32 v17, v11;
	v19, _, _ =	vpop (xrf0);
	vm2 =	vmand vm4, vm2;
	vm4 =	vgt.f32 v21, v10  }
0x324: {  	v20, _, _ =	vpop (xrf0);
	v26 =	vadd.s32 v19, v12;
	v23 =	vsel vm2, $0x1, v1;
	vm4 =	vmand vm5, vm4  }
0x325: {  	p2 =	por $0x1, $0x1;
	s1 =	simm.s32 $0x6;
	v19 =	vmovc v16;
	v17 =	vmpcnt.ones.xlane vm2;
	v22 =	vsel vm4, $0x1, v1;
	v18 =	vmpcnt.ones.xlane vm4;
	(xrf0) =	vadd.scan.msk.s32 $0xffff, v23  }
.LBB2_93:
0x326: {  	(xrf0) =	vadd.scan.msk.s32 $0xffff, v22;
	v22 =	vadd.s32 $0xFFFFFFFF, v26;
	v20 =	vadd.s32 v20, v15  }
0x327: {  	s1 =	sadd.s32 $0x2, s1;
	s7 =	sadd.s32 $0x20, s7;
	v15 =	vadd.s32 v16, v17;
	vm5 =	vmmov vm3;
	vm3 =	vmmov vm4  }
0x328: {  	p3 =	slt.s32 s1, s8;
	v17 =	vld [tilespmem:s7+$0xFFFFFFF0];
	v16 =	vadd.s32 v15, v18;
	v18 =	vadd.s32 $0xFFFFFFFF, v20  }
0x329: {  	v23 =	vld [tilespmem:s7+$0x0]  }
0x32a: {  	s19 =	sadd.s32 $0x20, s19  }
0x32b: {  	s3 =	sadd.s32 $0xFFFFFFF0, s19  }
.Ltmp68:
0x32c: {  	v26 =	vor.u32 s3, v0;
	v25, _, _ =	vpop (xrf0);
	[tilespmem:v22+s31+$0x0] =	vst.idx.msk vm1, v13;
	v13 =	vmov v24;
	vm1 =	vmmov vm2;
	(pc) =	sbr.rel @p3 .LBB2_93-.Ltmp68, $4  }
0x32d: {  	vm4 =	vlt.s32 v26, v11;
	v22 =	vor.u32 s19, v0;
	vm2 =	vgt.f32 v17, v10;
	v20, _, _ =	vpop (xrf0);
	[tilespmem:v18+s31+$0x0] =	vst.idx.msk vm5, v14  }
0x32e: {  	vm5 =	vlt.s32 v22, v11;
	v24 =	vmovc v17;
	v14 =	vmovc v21;
	vm2 =	vmand vm4, vm2;
	vm4 =	vgt.f32 v23, v10  }
0x32f: {  	v21 =	vmovc v23;
	v26 =	vsel vm2, $0x1, v1;
	v17 =	vmpcnt.ones.xlane vm2;
	vm4 =	vmand vm5, vm4  }
0x330: {  	v22 =	vsel vm4, $0x1, v1;
	v18 =	vmpcnt.ones.xlane vm4;
	(xrf0) =	vadd.scan.msk.s32 $0xffff, v26;
	v26 =	vadd.s32 v25, v19;
	v19 =	vmovc v16  }
0x331: {  	v23 =	vmovc v13;
	v25 =	vmov v14;
	v13 =	vmov v24;
	v14 =	vmov v21  }
.LBB2_95:
0x332: {  	s1 =	sadd.s32 @p1 $0x20, s7;
	s3 =	smov.u32 s9  }
0x333: {  	s3 =	smov.u32 @p1 s1  }
0x334: {  	v21 =	vld [tilespmem:s3+$0xFFFFFFF0]  }
0x335: {  	s1 =	sadd.s32 @p1 $0x20, s19;
	v24 =	vld [tilespmem:s3+$0x0]  }
0x336: {  	s6 =	smov.u32 @p1 s1  }
0x337: {  	s1 =	sadd.s32 $0xFFFFFFF0, s6  }
0x338: {  	v27 =	vor.u32 s1, v0  }
0x339: {  	v55 =	vor.u32 s6, v0;
	vm6 =	vlt.s32 v27, v11;
	vm5 =	vgt.f32 v21, v10  }
0x33a: {  	(xrf0) =	vadd.scan.msk.s32 @p1 $0xffff, v22;
	vm7 =	vlt.s32 v55, v11;
	vm15 =	vgt.f32 v24, v10;
	vm6 =	vmand vm6, vm5  }
0x33b: {  	v15 =	vadd.s32 @p2 v20, v15;
	vm5 =	vmand vm7, vm15;
	v56 =	vsel vm6, $0x1, v1  }
0x33c: {  	vm3 =	vmmov @p2 vm3;
	v11 =	vadd.s32 @p1 v16, v17;
	v57 =	vsel vm5, $0x1, v1;
	(xrf0) =	vadd.scan.msk.s32 $0xffff, v56  }
0x33d: {  	vm4 =	vmmov @p1 vm4;
	vm2 =	vmmov @p1 vm2;
	v16 =	vadd.s32 @p1 v11, v18;
	v18, _, _ =	vpop @p1 (xrf0);
	(xrf0) =	vadd.scan.msk.s32 $0xffff, v57  }
0x33e: {  	v15 =	vadd.s32 @p2 $0xFFFFFFFF, v15;
	vm4 =	vmmov @p1 vm4;
	vm2 =	vmmov @p1 vm2  }
0x33f: {  	vm4 =	vmmov @p1 vm4;
	v17 =	vadd.s32 @p2 $0xFFFFFFFF, v26;
	v18 =	vadd.s32 @p1 v18, v19  }
0x340: {  	v11 =	vpsel p1, v11, v0;
	v19, _, _ =	vpop @p1 (xrf0);
	v12 =	vpsel p1, v16, v12;
	v16 =	vpsel p1, v18, v0  }
0x341: {  	v18 =	vpsel p1, v19, v0;
	v58 =	vmpcnt.ones.xlane vm6;
	v16 =	vadd.s32 @p1 $0xFFFFFFFF, v16  }
0x342: {  	v11 =	vadd.s32 @p1 v18, v11;
	vm7 =	vmmov vm5;
	vm6 =	vmmov vm6;
	v60, _, _ =	vpop (xrf0)  }
0x343: {  	v11 =	vadd.s32 @p1 $0xFFFFFFFF, v11;
	v59 =	vadd.s32 v12, v58;
	v12 =	vadd.s32 v60, v12;
	v61, _, _ =	vpop (xrf0)  }
0x344: {  	vm7 =	vmmov vm7;
	v12 =	vadd.s32 $0xFFFFFFFF, v12;
	v18 =	vadd.s32 v61, v59  }
0x345: {  	[tilespmem:v15+s31+$0x0] =	vst.idx.msk @p2 vm3, v25;
	v62 =	vadd.s32 $0xFFFFFFFF, v18  }
0x346: {  	v13 =	vpsel p1, v13, v0;
	[tilespmem:v17+s31+$0x0] =	vst.idx.msk @p2 vm1, v23  }
0x347: {  	v14 =	vpsel p1, v14, v0;
	[tilespmem:v16+s31+$0x0] =	vst.idx.msk @p1 vm2, v13  }
0x348: {  	v63 =	vmpcnt.ones.xlane vm5;
	[tilespmem:v11+s31+$0x0] =	vst.idx.msk @p1 vm4, v14  }
0x349: {  	[tilespmem:v12+s31+$0x0] =	vst.idx.msk vm6, v21  }
0x34a: {  	v11 =	vadd.s32 v59, v63;
	[tilespmem:v62+s31+$0x0] =	vst.idx.msk vm7, v24  }
.Ltmp69:
0x34b: {  	(pc) =	sbr.rel .LBB2_79-.Ltmp69, $2  }
0x34c: {  	_ =	sdelay $0x2  }
0x34d: {  	v11 =	vxor.u32 $0x80000000, v11  }
.LBB2_41:
.Ltmp70:
0x34e: {  	_ = 	snop;
	(pc) =	sbr.rel .LBB2_55-.Ltmp70, $2  }
0x34f: {  	_ =	sdelay $0x2  }
0x350: {  	v16 =	vmov v12  }
.LBB2_52:
.Ltmp71:
0x351: {  	(pc) =	sbr.rel .LBB2_55-.Ltmp71, $4  }
0x352: {  	_ = 	snop  }
0x353: {  	v43 =	vmov v11;
	v24 =	vmov v32  }
0x354: {  	v23 =	vmovc v36;
	v14 =	vmovc v38;
	vm10 =	vmmov vm12;
	v15 =	vmov v39;
	v11 =	vmov v40  }
0x355: {  	v32 =	vmovc v17;
	v22 =	vmovc v30;
	v25 =	vmov v35;
	v26 =	vmov v37;
	v30 =	vmov v18  }
.LBB2_61:
.Ltmp72:
0x356: {  	(pc) =	sbr.rel .LBB2_68-.Ltmp72, $2  }
0x357: {  	_ =	sdelay $0x2  }
0x358: {  	_ = 	snop  }
.LBB2_88:
.Ltmp73:
0x359: {  	(pc) =	sbr.rel .LBB2_95-.Ltmp73, $2  }
0x35a: {  	_ =	sdelay $0x2  }
0x35b: {  	v16 =	vimm.s32 $0x0;
	s7 =	smov.u32 s9;
	s19 =	simm.s32 $0x10  }
.LBB2_90:
.Ltmp74:
0x35c: {  	(pc) =	sbr.rel .LBB2_95-.Ltmp74, $2  }
0x35d: {  	_ =	sdelay $0x2  }
0x35e: {  	v16 =	vimm.s32 $0x0;
	s7 =	smov.u32 s9;
	s19 =	simm.s32 $0x10;
	v19 =	vimm.s32 $0x0  }
.LBB2_92:
.Ltmp75:
0x35f: {  	(pc) =	sbr.rel .LBB2_95-.Ltmp75, $2  }
0x360: {  	_ =	sdelay $0x2  }
0x361: {  	v23 =	vmovc v13;
	v25 =	vmovc v14;
	v13 =	vmov v24;
	v14 =	vmov v21;
	v19 =	vmov v16  }
.LBB2_83:
0x362: {  	s0 =	simm.s32 $0x1  }
.Ltmp76:
0x363: {  	_ =	swait.ge [sflag:s0], $0x6400;
	(pc) =	sbr.rel .LBB2_84-.Ltmp76, $4  }
0x364: {  	s1 =	sadd.s32 $0x18380, s24;
	[sflag:s0] =	ssyncset.done $0x0  }
0x365: {  	s2 =	simm.s32 $0xC800;
	[sflag:s0] =	ssyncadd.s32 $0xFFFF9C00;
	s0 =	simm.s32 $0x0  }
0x366: {  	[tilespmem:s2], [sflag:$0x2] =	stream.linear.gather [hbm4b:s1+s0], $0x1800, $0x38;
	[tilespmem:$0x17500] =	vst v63  }
0x367: {  	s9 =	simm.s32 $0xE010;
	s2 =	simm.s32 $0xE020  }
.LBB2_126:
0x368: {  	v8 =	vld [tilespmem:s23+$0x17400]  }
0x369: {  	s1 =	sor.u32 s22, s0  }
0x36a: {  	s3 =	sand.u32 $0xF, s1  }
0x36b: {  	v9 =	vmov s3  }
0x36c: {  	vm1 =	veq.s32 v9, v0  }
0x36d: {  	v8 =	vnsel vm1, $0x0, v8  }
0x36e: {  	(xrf0) =	vadd.scan.msk.s32 $0xffff, v8;
	_ =	sdelay $0x5  }
0x36f: {  	v8, _, _ =	vpop (xrf0)  }
0x370: {  	(v2sf) =	vpush v8, $0xF;
	_ =	sdelay $0xe  }
0x371: {  	s30 =	spop (v2sf)  }
0x372: {  	s3 =	sadd.s32 $0xFFFE8900, s30  }
0x373: {  	p1 =	sgt.s32 s3, $0x0  }
0x374: {  	p0 =	slt.u32 s3, $0xC80;
	p2 =	slt.s32 s3, $0x1;
	s3 =	simm.s32 @!p1 $0x0  }
0x375: {  	s3 =	smin.u32 s3, $0xC7F  }
0x376: {  	s4 =	sand.u32 $0xF, s3  }
0x377: {  	p4 =	sne.s32 s4, $0x0  }
0x378: {  	p1 =	por !p2, !p4  }
0x379: {  	s4 =	simm.s32 $0xFFFFFFFF;
	p1 =	por !p1, !p1  }
0x37a: {  	s4 =	simm.s32 @!p1 $0x0  }
0x37b: {  	s4 =	sshll.u32 s4, $0x4  }
0x37c: {  	s4 =	sadd.s32 s3, s4  }
0x37d: {  	s5 =	sshll.u32 s4, $0x3  }
0x37e: {  	s6 =	sshrl.u32 s18, $0x2;
	s5 =	sand.u32 $0xFFFFFC00, s5  }
0x37f: {  	s7 =	sand.u32 $0x70, s4;
	s5 =	sadd.s32 s6, s5  }
0x380: {  	s5 =	sadd.s32 s7, s5  }
0x381: {  	v8 =	vld [tilespmem:s5+$0x0]  }
0x382: {  	s4 =	sand.u32 $0xFFFFFFF0, s4  }
0x383: {  	s3 =	ssub.s32 s3, s4  }
0x384: {  	v62 =	vmov s3  }
0x385: {  	vm2 =	veq.s32 v62, v0  }
0x386: {  	v8 =	vnsel vm2, $0x0, v8  }
0x387: {  	(xrf2) =	vadd.scan.msk.f32 $0xffff, v8;
	_ =	sdelay $0x9  }
0x388: {  	v8, _, _ =	vpop (xrf2)  }
0x389: {  	(v2sf) =	vpush v8, $0xF;
	_ =	sdelay $0xd  }
0x38a: {  	s3 =	simm.f32 $1.000000000e+00  }
0x38b: {  	s0 =	sadd.s32 $0x1, s0;
	s3 =	simm.s32 @!p0 $0x0;
	s31 =	spop (v2sf)  }
0x38c: {  	p0 =	sne.s32 s0, $0x8;
	s3 =	smul.f32 s3, s31  }
.Ltmp77:
0x38d: {  	v8 =	vsel vm1, $0x3F800000, v2;
	(pc) =	sbr.rel @!p0 .LBB2_127-.Ltmp77, $4  }
0x38e: {  	v8 =	vmul.f32 s3, v8  }
0x38f: {  	p5 =	slt.u32 s1, $0x10;
	p6 =	sgt.u32 s1, $0xF  }
0x390: {  	v7 =	vsel vm0, v10, v7;
	v63 =	vpsel !p5, $0x0, v8;
	v8 =	vpsel !p6, $0x0, v8  }
0x391: {  	v6 =	vsel vm0, v17, v6;
	s2 =	sadd.s32 $0x1000, s2;
	s9 =	sadd.s32 $0x1000, s9;
	v5 =	vadd.f32 v63, v5;
	v4 =	vadd.f32 v8, v4  }
.LBB2_84:
0x392: {  	v8 =	vmov s0  }
0x393: {  	vm0 =	veq.s32 v8, v0  }
0x394: {  	v9 =	vxor.u32 $0x80000000, v6;
	v8 =	vnsel vm0, $0xFF800000, v7  }
0x395: {  	(xrf0) =	vmax.scan.msk.f32 $0xffff, v8;
	v8 =	vnsel vm0, $0x80000000, v9  }
0x396: {  	(xrf0) =	vmax.scan.msk.u32 $0xffff, v8;
	_ =	sdelay $0x4  }
0x397: {  	v8, _, _ =	vpop (xrf0)  }
0x398: {  	v9, _, _ =	vpop (xrf0)  }
0x399: {  	(v2sf) =	vpush v9, $0xF;
	_ =	sdelay $0xc  }
.Ltmp78:
0x39a: {  	_ = 	snop;
	(pc) =	sbr.rel .LBB2_85-.Ltmp78, $4  }
0x39b: {  	s3 =	sshll.u32 s0, $0xC  }
0x39c: {  	v9 =	vmov s3;
	s1 =	spop (v2sf)  }
0x39d: {  	s31 =	sshll.u32 s0, $0x7;
	s18 =	sshll.u32 s0, $0x9;
	v10 =	vbroadcast v8, $0xF;
	v9 =	vadd.s32 $0xFFFFFFFF, v9;
	s1 =	sxor.u32 $0x80000000, s1  }
0x39e: {  	p1 =	por $0x1, $0x1;
	s6 =	simm.s32 $0x0;
	s24 =	sadd.s32 $0xE000, s3;
	v8 =	vbroadcast v9, $0x0;
	v9 =	vmov s31;
	v17 =	vmov s1  }
.LBB2_117:
0x39f: {  	v11 =	vimm.s32 $0x80000000  }
.LBB2_124:
0x3a0: {  	(xrf0) =	vmax.scan.msk.u32 $0xffff, v11;
	_ =	sdelay $0x5  }
0x3a1: {  	v11, _, _ =	vpop (xrf0)  }
0x3a2: {  	(v2sf) =	vpush v11, $0xF;
	_ =	sdelay $0xe  }
0x3a3: {  	s1 =	spop (v2sf)  }
0x3a4: {  	s3 =	sxor.u32 $0x80000000, s1  }
0x3a5: {  	s4 =	sadd.s32 $0x80000010, s1;
	v11 =	vadd.s32 s3, v0  }
0x3a6: {  	s28 =	sadd.s32 $0x80000020, s1;
	v12 =	vadd.s32 s4, v0;
	vm1 =	vlt.s32 v11, $0x64  }
0x3a7: {  	s29 =	sadd.s32 $0x80000030, s1;
	v13 =	vadd.s32 s28, v0;
	vm2 =	vlt.s32 v12, $0x64  }
0x3a8: {  	s30 =	sadd.s32 $0x80000040, s1;
	v14 =	vadd.s32 s29, v0;
	vm3 =	vlt.s32 v13, $0x64  }
0x3a9: {  	s31 =	sadd.s32 $0x80000050, s1;
	v15 =	vadd.s32 s30, v0;
	vm4 =	vlt.s32 v14, $0x64  }
0x3aa: {  	s1 =	sadd.s32 $0x80000060, s1;
	v16 =	vadd.s32 s31, v0;
	vm5 =	vlt.s32 v15, $0x64  }
0x3ab: {  	v17 =	vadd.s32 s1, v0;
	vm6 =	vlt.s32 v16, $0x64  }
0x3ac: {  	[tilespmem:v11+s24+$0x0] =	vst.idx.msk vm1, v10;
	vm1 =	vlt.s32 v17, $0x64  }
0x3ad: {  	[tilespmem:v12+s24+$0x0] =	vst.idx.msk vm2, v10  }
0x3ae: {  	[tilespmem:v13+s24+$0x0] =	vst.idx.msk vm3, v10  }
0x3af: {  	[tilespmem:v14+s24+$0x0] =	vst.idx.msk vm4, v10  }
0x3b0: {  	p1 =	sgt.s32 s3, $0x64;
	[tilespmem:v15+s24+$0x0] =	vst.idx.msk vm5, v10  }
0x3b1: {  	s3 =	simm.s32 @!p1 $0x64;
	[tilespmem:v16+s24+$0x0] =	vst.idx.msk vm6, v10  }
0x3b2: {  	[tilespmem:v17+s24+$0x0] =	vst.idx.msk vm1, v10;
	v17 =	vmov s3  }
.LBB2_125:
.Ltmp79:
0x3b3: {  	(pc) =	sbr.rel @!p0 .LBB2_126-.Ltmp79, $2  }
0x3b4: {  	_ =	sdelay $0x2  }
0x3b5: {  	s6 =	simm.s32 $0x64;
	p1 =	por $0x0, $0x0  }
.LBB2_85:
0x3b6: {  	s1 =	sadd.s32 $0x64, s6;
	s3 =	sshll.u32 s6, $0x4  }
0x3b7: {  	[dreg:$0x7] =	wrdreg s1;
	s1 =	sshll.u32 s6, $0x7;
	s7 =	sadd.s32 $0x90, s3  }
0x3b8: {  	s3 =	sadd.s32 $0xFFFFFFB0, s7;
	s4 =	sadd.s32 $0x200, s1;
	s5 =	sadd.s32 $0xFFFFFFC0, s7  }
0x3b9: {  	s8 =	sadd.s32 $0x280, s1;
	s10 =	sadd.s32 $0xFFFFFFD0, s7;
	s12 =	sadd.s32 $0xFFFFFF70, s7  }
0x3ba: {  	s19 =	sand.u32 $0x7FFFFC00, s1;
	s20 =	sadd.s32 $0xFFFFFFA0, s7;
	s12 =	sand.u32 $0x60, s12  }
0x3bb: {  	s26 =	sadd.s32 $0xFFFFFF90, s7;
	s25 =	sadd.s32 $0x180, s1;
	s12 =	sor.u32 s12, s19  }
0x3bc: {  	s21 =	sadd.s32 $0x100, s1;
	s20 =	sand.u32 $0x70, s20;
	s28 =	sand.u32 $0x7FFFFC00, s25;
	v30 =	vld.idx.msk [tilespmem:v9+s12+$0x0 ss:$0x1], $0xffff  }
0x3bd: {  	s21 =	sand.u32 $0x7FFFFC00, s21;
	s19 =	sand.u32 $0x60, s26;
	s29 =	sor.u32 s20, s28;
	v24 =	vld.idx.msk [tilespmem:v9+s12+$0x10 ss:$0x1], $0xffff  }
0x3be: {  	s3 =	sand.u32 $0x60, s3;
	s4 =	sand.u32 $0x7FFFFC00, s4;
	s19 =	sor.u32 s19, s21;
	v14 =	vld.idx.msk [tilespmem:v9+s29+$0x0 ss:$0x1], $0xffff  }
0x3bf: {  	s30 =	sand.u32 $0x70, s5;
	s31 =	sand.u32 $0x7FFFFC00, s8;
	s3 =	sor.u32 s3, s4;
	v23 =	vld.idx.msk [tilespmem:v9+s19+$0x0 ss:$0x1], $0xffff  }
0x3c0: {  	s16 =	sadd.s32 $0xFFFFFFE0, s7;
	s17 =	sadd.s32 $0x380, s1;
	s8 =	sor.u32 s30, s31;
	v15 =	vld.idx.msk [tilespmem:v9+s3+$0x0 ss:$0x1], $0xffff  }
0x3c1: {  	s11 =	sadd.s32 $0x300, s1;
	s25 =	sand.u32 $0x7FFFFC00, s17;
	v11 =	vld.idx.msk [tilespmem:v9+s8+$0x0 ss:$0x1], $0xffff;
	s21 =	sand.u32 $0x70, s16  }
0x3c2: {  	v32 =	vadd.s32 v17, v8;
	s10 =	sand.u32 $0x60, s10;
	v26 =	vld.idx.msk [tilespmem:v9+s12+$0x400 ss:$0x1], $0xffff;
	s19 =	sand.u32 $0x7FFFFC00, s11;
	s26 =	sor.u32 s21, s25;
	vm1 =	vgt.f32 v30, v10  }
0x3c3: {  	s20 =	sor.u32 s10, s19;
	v25 =	vld.idx.msk [tilespmem:v9+s26+$0x0 ss:$0x1], $0xffff;
	vm3 =	vgt.f32 v24, v10;
	v12 =	vsel vm1, $0x1, v1;
	v13 =	vmpcnt.ones.xlane vm1  }
0x3c4: {  	s28 =	rddreg [dreg:$0x7];
	s8 =	sadd.s32 $0xA, s6;
	v22 =	vld.idx.msk [tilespmem:v9+s20+$0x0 ss:$0x1], $0xffff;
	vm8 =	vgt.f32 v14, v10;
	v18 =	vmpcnt.ones.xlane vm3;
	vm2 =	vgt.f32 v23, v10;
	(xrf0) =	vadd.scan.msk.s32 $0xffff, v12  }
0x3c5: {  	p2 =	slt.u32 s8, s28;
	vm6 =	vgt.f32 v15, v10;
	v12 =	vmpcnt.ones.xlane vm2;
	v19 =	vadd.s32 v17, v13  }
.Ltmp80:
0x3c6: {  	vm7 =	vgt.f32 v11, v10;
	v13 =	vmpcnt.ones.xlane vm8;
	v21 =	vadd.s32 v19, v18;
	(pc) =	sbr.rel @!p2 .LBB2_86-.Ltmp80, $4  }
0x3c7: {  	s29 =	sadd.s32 $0x480, s1;
	vm5 =	vgt.f32 v26, v10;
	v20 =	vadd.s32 v21, v12;
	v12 =	vmpcnt.ones.xlane vm6  }
0x3c8: {  	s30 =	sand.u32 $0x70, s7;
	s4 =	sand.u32 $0x7FFFFC00, s29;
	v16 =	vsel vm3, $0x1, v1;
	v27 =	vadd.s32 v20, v13;
	v13 =	vmpcnt.ones.xlane vm7  }
0x3c9: {  	s31 =	sor.u32 s30, s4;
	vm4 =	vgt.f32 v25, v10;
	vm10 =	vgt.f32 v22, v10;
	v29 =	vadd.s32 v27, v12  }
0x3ca: {  	p0 =	por p1, p1;
	p1 =	por $0x0, $0x0;
	(xrf0) =	vadd.scan.msk.s32 $0xffff, v16;
	v41 =	vmpcnt.ones.xlane vm4;
	v42 =	vmpcnt.ones.xlane vm10;
	v12 =	vld.idx.msk [tilespmem:v9+s31+$0x0 ss:$0x1], $0xffff;
	v31 =	vadd.s32 v29, v13;
	v34, _, _ =	vpop (xrf0)  }
0x3cb: {  	s7 =	sadd.s32 $0xA0, s7  }
0x3cc: {  	s6 =	sadd.s32 $0x500, s1;
	s5 =	sadd.s32 $0xFFFFFFB0, s7  }
0x3cd: {  	v13 =	vsel vm2, $0x1, v1;
	s10 =	sadd.s32 $0x200, s6;
	s11 =	sadd.s32 $0xFFFFFFC0, s7;
	s12 =	sadd.s32 $0x280, s6  }
0x3ce: {  	v17 =	vsel vm8, $0x1, v1;
	v18 =	vsel vm6, $0x1, v1;
	v33 =	vsel vm7, $0x1, v1;
	s28 =	sadd.s32 $0xFFFFFF70, s7;
	s19 =	sand.u32 $0x7FFFFC00, s6;
	s20 =	sadd.s32 $0xFFFFFFA0, s7  }
0x3cf: {  	v16 =	vadd.s32 v31, v42;
	(xrf0) =	vadd.scan.msk.s32 $0xffff, v13;
	v13 =	vmpcnt.ones.xlane vm5;
	s29 =	sadd.s32 $0xFFFFFF90, s7;
	s21 =	sadd.s32 $0x100, s6;
	s1 =	sand.u32 $0x60, s28;
	vm9 =	vgt.f32 v12, v10  }
0x3d0: {  	v27 =	vadd.s32 v27, v8;
	(xrf0) =	vadd.scan.msk.s32 $0xffff, v17;
	v17 =	vadd.s32 v16, v41;
	s21 =	sand.u32 $0x7FFFFC00, s21;
	s5 =	sand.u32 $0x60, s5;
	s10 =	sand.u32 $0x7FFFFC00, s10;
	v28 =	vmpcnt.ones.xlane vm9  }
0x3d1: {  	v29 =	vadd.s32 v29, v8;
	(xrf0) =	vadd.scan.msk.s32 $0xffff, v18;
	v13 =	vadd.s32 v17, v13;
	v18 =	vsel vm10, $0x1, v1;
	s1 =	sor.u32 s1, s19;
	s19 =	sand.u32 $0x60, s29;
	s5 =	sor.u32 s5, s10  }
0x3d2: {  	s25 =	sadd.s32 $0x180, s6;
	s20 =	sand.u32 $0x70, s20;
	v41 =	vadd.s32 v17, v8;
	(xrf0) =	vadd.scan.msk.s32 $0xffff, v33;
	s19 =	sor.u32 s19, s21;
	v39 =	vld.idx.msk [tilespmem:v9+s5+$0x0 ss:$0x1], $0xffff;
	v62 =	vadd.s32 v13, v28;
	v28 =	vsel vm4, $0x1, v1  }
0x3d3: {  	s30 =	sand.u32 $0x7FFFFC00, s25;
	s11 =	sand.u32 $0x70, s11;
	v17 =	vadd.s32 v19, v8;
	v19 =	vadd.s32 v34, v32;
	(xrf0) =	vadd.scan.msk.s32 $0xffff, v18;
	v35, _, _ =	vpop (xrf0);
	v36 =	vld.idx.msk [tilespmem:v9+s19+$0x0 ss:$0x1], $0xffff;
	s19 =	sand.u32 $0x7FFFFC00, s12  }
0x3d4: {  	v21 =	vadd.s32 v21, v8;
	s31 =	sor.u32 s20, s30;
	v32 =	vld.idx.msk [tilespmem:v9+s1+$0x10 ss:$0x1], $0xffff;
	v18 =	vsel vm5, $0x1, v1;
	v35 =	vadd.s32 v35, v17;
	s20 =	sor.u32 s11, s19;
	(xrf0) =	vadd.scan.msk.s32 $0xffff, v28  }
0x3d5: {  	v20 =	vadd.s32 v20, v8;
	vm13 =	vmmov vm8;
	vm14 =	vmmov vm6;
	v40 =	vld.idx.msk [tilespmem:v9+s20+$0x0 ss:$0x1], $0xffff;
	(xrf0) =	vadd.scan.msk.s32 $0xffff, v18;
	v28, _, _ =	vpop (xrf0)  }
0x3d6: {  	vm11 =	vmmov vm7;
	v31 =	vadd.s32 v31, v8;
	v16 =	vadd.s32 v16, v8;
	v18 =	vld.idx.msk [tilespmem:v9+s1+$0x0 ss:$0x1], $0xffff;
	v63, _, _ =	vpop (xrf0)  }
0x3d7: {  	s16 =	sadd.s32 $0xFFFFFFD0, s7;
	s17 =	sadd.s32 $0x300, s6;
	v37 =	vsel vm9, $0x1, v1;
	v13 =	vadd.s32 v13, v8;
	v21 =	vadd.s32 v28, v21;
	v38, _, _ =	vpop (xrf0)  }
0x3d8: {  	s25 =	sand.u32 $0x7FFFFC00, s17;
	s21 =	sand.u32 $0x60, s16;
	vm9 =	vmmov vm9;
	v17 =	vadd.s32 v62, v8;
	[tilespmem:v19+s13+$0x0] =	vst.idx.msk vm1, v30;
	vm6 =	vgt.f32 v39, v10;
	v28, _, _ =	vpop (xrf0)  }
0x3d9: {  	s26 =	sor.u32 s21, s25;
	[tilespmem:v35+s13+$0x0] =	vst.idx.msk vm3, v24;
	v34 =	vadd.s32 v63, v20;
	v43 =	vadd.s32 v38, v27;
	v38 =	vld.idx.msk [tilespmem:v9+s31+$0x0 ss:$0x1], $0xffff;
	v20, _, _ =	vpop (xrf0)  }
0x3da: {  	s3 =	sadd.s32 $0xFFFFFFE0, s7;
	s4 =	sadd.s32 $0x380, s6;
	v30 =	vld.idx.msk [tilespmem:v9+s26+$0x0 ss:$0x1], $0xffff;
	vm3 =	vgt.f32 v32, v10;
	v28 =	vadd.s32 v28, v29;
	v29 =	vadd.s32 v20, v31;
	v20, _, _ =	vpop (xrf0)  }
0x3db: {  	s3 =	sand.u32 $0x70, s3;
	s4 =	sand.u32 $0x7FFFFC00, s4;
	vm7 =	vgt.f32 v40, v10;
	(xrf0) =	vadd.scan.msk.s32 $0xffff, v37;
	vm1 =	vgt.f32 v18, v10;
	v20 =	vadd.s32 v20, v16;
	v16, _, _ =	vpop (xrf0)  }
0x3dc: {  	s3 =	sor.u32 s3, s4;
	v19 =	vmpcnt.ones.xlane vm1;
	[tilespmem:v21+s13+$0x0] =	vst.idx.msk vm2, v23;
	v24 =	vadd.s32 v16, v41;
	v16 =	vsel vm1, $0x1, v1  }
0x3dd: {  	s8 =	sadd.s32 $0xA, s8;
	v35 =	vld.idx.msk [tilespmem:v9+s3+$0x0 ss:$0x1], $0xffff;
	s31 =	rddreg [dreg:$0x7];
	v21 =	vsel vm3, $0x1, v1;
	v23 =	vmpcnt.ones.xlane vm3;
	vm2 =	vgt.f32 v36, v10;
	(xrf0) =	vadd.scan.msk.s32 $0xffff, v16  }
0x3de: {  	v37 =	vld.idx.msk [tilespmem:v9+s1+$0x400 ss:$0x1], $0xffff;
	p2 =	slt.u32 s8, s31;
	v19 =	vadd.s32 v62, v19;
	v27 =	vmpcnt.ones.xlane vm2;
	vm8 =	vgt.f32 v38, v10  }
.Ltmp81:
0x3df: {  	s28 =	sadd.s32 $0x480, s6;
	[tilespmem:v34+s13+$0x0] =	vst.idx.msk vm13, v14;
	(xrf0) =	vadd.scan.msk.s32 $0xffff, v21;
	v21 =	vadd.s32 v19, v23;
	v23 =	vmpcnt.ones.xlane vm8;
	(pc) =	sbr.rel @!p2 .LBB2_97-.Ltmp81, $4  }
0x3e0: {  	s29 =	sand.u32 $0x70, s7;
	s4 =	sand.u32 $0x7FFFFC00, s28;
	vm12 =	vgt.f32 v30, v10;
	[tilespmem:v20+s13+$0x0] =	vst.idx.msk vm4, v25;
	v20 =	vadd.s32 v21, v27;
	v25 =	vmpcnt.ones.xlane vm6  }
0x3e1: {  	s30 =	sor.u32 s29, s4;
	v42 =	vmpcnt.ones.xlane vm12;
	[tilespmem:v43+s13+$0x0] =	vst.idx.msk vm14, v15;
	v27 =	vadd.s32 v20, v23;
	v23 =	vmpcnt.ones.xlane vm7  }
0x3e2: {  	v16 =	vld.idx.msk [tilespmem:v9+s30+$0x0 ss:$0x1], $0xffff;
	[tilespmem:v29+s13+$0x0] =	vst.idx.msk vm10, v22;
	v33, _, _ =	vpop (xrf0);
	vm4 =	vgt.f32 v35, v10;
	v29 =	vadd.s32 v27, v25  }
0x3e3: {  	p1 =	por $0x1, $0x1;
	[tilespmem:v24+s13+$0x0] =	vst.idx.msk vm5, v26;
	v41 =	vmpcnt.ones.xlane vm4;
	vm5 =	vgt.f32 v37, v10;
	v31 =	vadd.s32 v29, v23;
	v34, _, _ =	vpop (xrf0)  }
.LBB2_98:
0x3e4: {  	v54 =	vmpcnt.ones.xlane vm5;
	[tilespmem:v28+s13+$0x0] =	vst.idx.msk vm11, v11;
	v11 =	vsel vm2, $0x1, v1;
	v26 =	vmovc v32;
	v22 =	vmovc v36;
	v28 =	vsel vm8, $0x1, v1  }
0x3e5: {  	v55 =	vsel vm6, $0x1, v1;
	v14 =	vmovc v38;
	v57 =	vsel vm7, $0x1, v1;
	v58 =	vsel vm12, $0x1, v1;
	v15 =	vmovc v39  }
0x3e6: {  	s1 =	rddreg [dreg:$0x7];
	s8 =	sadd.s32 $0xA, s8;
	v59 =	vsel vm5, $0x1, v1;
	v27 =	vadd.s32 v27, v8;
	v29 =	vadd.s32 v29, v8;
	v24, _, _ =	vpop (xrf0);
	(xrf0) =	vadd.scan.msk.s32 $0xffff, v11  }
0x3e7: {  	s6 =	sadd.s32 $0x500, s6;
	s7 =	sadd.s32 $0xA0, s7;
	v19 =	vadd.s32 v19, v8;
	v21 =	vadd.s32 v21, v8;
	v20 =	vadd.s32 v20, v8;
	p2 =	slt.u32 s8, s1;
	(xrf0) =	vadd.scan.msk.s32 $0xffff, v28  }
0x3e8: {  	v34 =	vadd.s32 v34, v17;
	v33 =	vadd.s32 v33, v13;
	v63 =	vmovc v30;
	vm13 =	vmmov vm8;
	s20 =	sadd.s32 $0xFFFFFFB0, s7;
	s21 =	sadd.s32 $0x200, s6;
	s25 =	sadd.s32 $0xFFFFFF70, s7;
	(xrf0) =	vadd.scan.msk.s32 $0xffff, v55  }
0x3e9: {  	v44 =	vmovc v35;
	vm14 =	vmmov vm6;
	v23 =	vadd.s32 v31, v42;
	s5 =	sand.u32 $0x7FFFFC00, s6;
	s11 =	sadd.s32 $0xFFFFFFA0, s7;
	v28 =	vsel vm4, $0x1, v1;
	s1 =	sand.u32 $0x60, s25;
	(xrf0) =	vadd.scan.msk.s32 $0xffff, v57  }
0x3ea: {  	v31 =	vadd.s32 v31, v8;
	s26 =	sadd.s32 $0xFFFFFF90, s7;
	s12 =	sadd.s32 $0x100, s6;
	v25 =	vadd.s32 v23, v41;
	v23 =	vadd.s32 v23, v8;
	s1 =	sor.u32 s1, s5;
	(xrf0) =	vadd.scan.msk.s32 $0xffff, v58  }
0x3eb: {  	vm11 =	vmmov vm7;
	s25 =	sadd.s32 $0x180, s6;
	v19 =	vadd.s32 v24, v19;
	s30 =	sand.u32 $0x60, s20;
	s31 =	sand.u32 $0x7FFFFC00, s21;
	v56 =	vadd.s32 v25, v54;
	v62 =	vld.idx.msk [tilespmem:v9+s1+$0x0 ss:$0x1], $0xffff;
	(xrf0) =	vadd.scan.msk.s32 $0xffff, v28  }
0x3ec: {  	s11 =	sand.u32 $0x70, s11;
	v11 =	vmov v40;
	v25 =	vadd.s32 v25, v8;
	s28 =	sand.u32 $0x7FFFFC00, s25;
	s20 =	sor.u32 s30, s31;
	vm10 =	vgt.f32 v16, v10;
	v32 =	vld.idx.msk [tilespmem:v9+s1+$0x10 ss:$0x1], $0xffff;
	v28, _, _ =	vpop (xrf0);
	(xrf0) =	vadd.scan.msk.s32 $0xffff, v59  }
0x3ed: {  	s12 =	sand.u32 $0x7FFFFC00, s12;
	s5 =	sand.u32 $0x60, s26;
	v61 =	vadd.s32 v56, v8;
	s29 =	sor.u32 s11, s28;
	v39 =	vld.idx.msk [tilespmem:v9+s20+$0x0 ss:$0x1], $0xffff;
	v43 =	vmpcnt.ones.xlane vm10;
	v60 =	vsel vm10, $0x1, v1;
	[tilespmem:v33+s13+$0x0] =	vst.idx.msk vm9, v12;
	v24, _, _ =	vpop (xrf0)  }
0x3ee: {  	s4 =	sadd.s32 $0xFFFFFFC0, s7;
	s10 =	sadd.s32 $0x280, s6;
	s5 =	sor.u32 s5, s12;
	v38 =	vld.idx.msk [tilespmem:v9+s29+$0x0 ss:$0x1], $0xffff;
	v12 =	vmov v16;
	[tilespmem:v34+s13+$0x0] =	vst.idx.msk vm1, v18;
	(xrf0) =	vadd.scan.msk.s32 $0xffff, v60;
	v24 =	vadd.s32 v24, v20;
	v20, _, _ =	vpop (xrf0)  }
0x3ef: {  	s3 =	sadd.s32 $0xFFFFFFD0, s7;
	s17 =	sadd.s32 $0x300, s6;
	s16 =	sadd.s32 $0xFFFFFFE0, s7;
	v36 =	vld.idx.msk [tilespmem:v9+s5+$0x0 ss:$0x1], $0xffff;
	v42 =	vadd.s32 v56, v43;
	v21 =	vadd.s32 v28, v21;
	v45 =	vadd.s32 v20, v27;
	v20, _, _ =	vpop (xrf0)  }
0x3f0: {  	s19 =	sadd.s32 $0x380, s6;
	s4 =	sand.u32 $0x70, s4;
	s10 =	sand.u32 $0x7FFFFC00, s10;
	vm9 =	vmmov vm10;
	[tilespmem:v19+s13+$0x0] =	vst.idx.msk vm3, v26;
	v17 =	vadd.s32 v42, v8;
	v28 =	vadd.s32 v20, v29;
	v20, _, _ =	vpop (xrf0)  }
0x3f1: {  	s3 =	sand.u32 $0x60, s3;
	s21 =	sand.u32 $0x7FFFFC00, s17;
	s4 =	sor.u32 s4, s10;
	vm1 =	vgt.f32 v62, v10;
	vm3 =	vgt.f32 v32, v10;
	v29 =	vadd.s32 v20, v31;
	v20, _, _ =	vpop (xrf0)  }
0x3f2: {  	s3 =	sor.u32 s3, s21;
	s25 =	sand.u32 $0x70, s16;
	s26 =	sand.u32 $0x7FFFFC00, s19;
	v40 =	vld.idx.msk [tilespmem:v9+s4+$0x0 ss:$0x1], $0xffff;
	vm6 =	vgt.f32 v39, v10;
	v19 =	vmpcnt.ones.xlane vm1;
	v20 =	vadd.s32 v20, v23;
	v16, _, _ =	vpop (xrf0)  }
0x3f3: {  	v30 =	vld.idx.msk [tilespmem:v9+s3+$0x0 ss:$0x1], $0xffff;
	s28 =	sor.u32 s25, s26;
	v27 =	vmovc v37;
	vm8 =	vgt.f32 v38, v10;
	v23 =	vadd.s32 v16, v25;
	v16 =	vsel vm1, $0x1, v1  }
0x3f4: {  	v35 =	vld.idx.msk [tilespmem:v9+s28+$0x0 ss:$0x1], $0xffff;
	[tilespmem:v21+s13+$0x0] =	vst.idx.msk vm2, v22;
	v22 =	vmpcnt.ones.xlane vm3;
	vm2 =	vgt.f32 v36, v10;
	v33, _, _ =	vpop (xrf0);
	(xrf0) =	vadd.scan.msk.s32 $0xffff, v16  }
0x3f5: {  	v37 =	vld.idx.msk [tilespmem:v9+s1+$0x400 ss:$0x1], $0xffff;
	v19 =	vadd.s32 v42, v19;
	v21 =	vsel vm3, $0x1, v1;
	v25 =	vmpcnt.ones.xlane vm2;
	[tilespmem:v24+s13+$0x0] =	vst.idx.msk vm13, v14  }
.Ltmp82:
0x3f6: {  	v13 =	vmovc v61;
	s29 =	sadd.s32 $0x480, s6;
	(xrf0) =	vadd.scan.msk.s32 $0xffff, v21;
	v21 =	vadd.s32 v19, v22;
	v22 =	vmpcnt.ones.xlane vm8;
	[tilespmem:v29+s13+$0x0] =	vst.idx.msk vm12, v63;
	(pc) =	sbr.rel @p2 .LBB2_98-.Ltmp82, $4  }
0x3f7: {  	s30 =	sand.u32 $0x70, s7;
	s4 =	sand.u32 $0x7FFFFC00, s29;
	vm7 =	vgt.f32 v40, v10;
	[tilespmem:v20+s13+$0x0] =	vst.idx.msk vm4, v44;
	v20 =	vadd.s32 v21, v25;
	v25 =	vmpcnt.ones.xlane vm6  }
0x3f8: {  	s31 =	sor.u32 s30, s4;
	vm12 =	vgt.f32 v30, v10;
	[tilespmem:v23+s13+$0x0] =	vst.idx.msk vm5, v27;
	v27 =	vadd.s32 v20, v22;
	v22 =	vmpcnt.ones.xlane vm7  }
0x3f9: {  	v18 =	vmovc v62;
	v16 =	vld.idx.msk [tilespmem:v9+s31+$0x0 ss:$0x1], $0xffff;
	v42 =	vmpcnt.ones.xlane vm12;
	vm4 =	vgt.f32 v35, v10;
	v29 =	vadd.s32 v27, v25  }
0x3fa: {  	[tilespmem:v45+s13+$0x0] =	vst.idx.msk vm14, v15;
	v41 =	vmpcnt.ones.xlane vm4;
	vm5 =	vgt.f32 v37, v10;
	v31 =	vadd.s32 v29, v22;
	v34, _, _ =	vpop (xrf0)  }
0x3fb: {  	v43 =	vmov v11;
	v24 =	vmov v32  }
0x3fc: {  	v23 =	vmovc v36;
	v14 =	vmovc v38;
	vm10 =	vmmov vm12;
	v15 =	vmov v39;
	v11 =	vmov v40  }
0x3fd: {  	v32 =	vmovc v17;
	v22 =	vmovc v30;
	v25 =	vmov v35;
	v26 =	vmov v37;
	v30 =	vmov v18  }
.LBB2_100:
0x3fe: {  	v17 =	vsel vm2, $0x1, v1  }
0x3ff: {  	v18 =	vsel vm8, $0x1, v1;
	(xrf0) =	vadd.scan.msk.s32 $0xffff, v17  }
0x400: {  	v17 =	vsel vm6, $0x1, v1;
	(xrf0) =	vadd.scan.msk.s32 $0xffff, v18  }
0x401: {  	v35 =	vsel vm7, $0x1, v1;
	vm12 =	vgt.f32 v16, v10;
	(xrf0) =	vadd.scan.msk.s32 $0xffff, v17  }
0x402: {  	v36 =	vsel vm10, $0x1, v1;
	v18 =	vadd.s32 v31, v42;
	v17 =	vmpcnt.ones.xlane vm5;
	(xrf0) =	vadd.scan.msk.s32 $0xffff, v35  }
0x403: {  	v38 =	vsel vm4, $0x1, v1;
	v37 =	vmpcnt.ones.xlane vm12;
	v63 =	vadd.s32 v18, v41;
	(xrf0) =	vadd.scan.msk.s32 $0xffff, v36  }
0x404: {  	v48, _, _ =	vpop (xrf0);
	v40 =	vsel vm5, $0x1, v1;
	v39 =	vadd.s32 v63, v17;
	(xrf0) =	vadd.scan.msk.s32 $0xffff, v38  }
0x405: {  	v49 =	vsel vm12, $0x1, v1;
	v17 =	vadd.s32 v39, v37;
	v50, _, _ =	vpop (xrf0);
	(xrf0) =	vadd.scan.msk.s32 $0xffff, v40  }
0x406: {  	v52 =	vxor.u32 $0x80000000, v17;
	v51, _, _ =	vpop (xrf0);
	(xrf0) =	vadd.scan.msk.s32 $0xffff, v49  }
0x407: {  	v53, _, _ =	vpop (xrf0);
	(xrf0) =	vmax.scan.msk.u32 $0xffff, v52  }
0x408: {  	v54, _, _ =	vpop (xrf0)  }
0x409: {  	v55, _, _ =	vpop (xrf0)  }
0x40a: {  	v44, _, _ =	vpop (xrf0)  }
0x40b: {  	v45, _, _ =	vpop (xrf0)  }
0x40c: {  	v46, _, _ =	vpop (xrf0)  }
0x40d: {  	v47, _, _ =	vpop (xrf0)  }
0x40e: {  	(v2sf) =	vpush v47, $0xF;
	_ =	sdelay $0x5  }
0x40f: {  	v13 =	vadd.s32 @p1 v33, v13;
	v19 =	vadd.s32 v19, v8  }
0x410: {  	v19 =	vadd.s32 v48, v19;
	_ =	sdelay $0x1  }
0x411: {  	v32 =	vadd.s32 v34, v32;
	v21 =	vadd.s32 v21, v8  }
0x412: {  	v59 =	vadd.s32 v20, v8;
	vm15 =	vmmov vm8;
	v21 =	vadd.s32 v50, v21  }
0x413: {  	v27 =	vadd.s32 v27, v8;
	[tilespmem:v13+s13+$0x0] =	vst.idx.msk @p1 vm9, v12;
	v13 =	vadd.s32 v51, v59  }
0x414: {  	[tilespmem:v19+s13+$0x0] =	vst.idx.msk vm3, v24;
	v19 =	vadd.s32 v29, v8;
	v61 =	vadd.s32 v53, v27  }
0x415: {  	[tilespmem:v28+s13+$0x0] =	vst.idx.msk @p1 vm11, v43;
	v57 =	vadd.s32 v31, v8;
	v19 =	vadd.s32 v54, v19  }
0x416: {  	v18 =	vadd.s32 v18, v8;
	[tilespmem:v32+s13+$0x0] =	vst.idx.msk vm1, v30;
	v60 =	vadd.s32 v55, v57  }
0x417: {  	v56 =	vadd.s32 v63, v8;
	v18 =	vadd.s32 v44, v18;
	[tilespmem:v21+s13+$0x0] =	vst.idx.msk vm2, v23;
	s6 =	spop (v2sf)  }
0x418: {  	v62 =	vadd.s32 v39, v8;
	v58 =	vadd.s32 v45, v56;
	[tilespmem:v13+s13+$0x0] =	vst.idx.msk vm15, v14;
	s1 =	sxor.u32 $0x80000000, s6  }
0x419: {  	v63 =	vadd.s32 v46, v62;
	[tilespmem:v61+s13+$0x0] =	vst.idx.msk vm6, v15;
	p1 =	slt.s32 s1, $0x801  }
.Ltmp83:
0x41a: {  	[tilespmem:v19+s13+$0x0] =	vst.idx.msk vm7, v11;
	(pc) =	sbr.rel @p1 .LBB2_125-.Ltmp83, $4  }
0x41b: {  	[tilespmem:v60+s13+$0x0] =	vst.idx.msk vm10, v22  }
0x41c: {  	[tilespmem:v18+s13+$0x0] =	vst.idx.msk vm4, v25  }
0x41d: {  	[tilespmem:v58+s13+$0x0] =	vst.idx.msk vm5, v26  }
0x41e: {  	vm1 =	vmmov vm6;
	vm3 =	vmmov vm7;
	vm2 =	vmmov vm12;
	[tilespmem:v63+s13+$0x0] =	vst.idx.msk vm12, v16  }
0x41f: {  	s3 =	sadd.s32 $0x8000003F, s6  }
0x420: {  	s4 =	sand.u32 $0x3F, s3  }
0x421: {  	s31 =	sshra.s32 s3, $0x1F;
	p2 =	slt.s32 s3, $0x1;
	p1 =	sne.s32 s4, $0x0  }
0x422: {  	s4 =	sshrl.u32 s31, $0x1A;
	p1 =	por !p2, !p1  }
0x423: {  	s3 =	sadd.s32 s4, s3;
	s4 =	simm.s32 $0x1;
	p1 =	por !p1, !p1  }
0x424: {  	s3 =	sshra.s32 s3, $0x6;
	s4 =	simm.s32 @!p1 $0x0  }
0x425: {  	s3 =	ssub.s32 s3, s4  }
0x426: {  	p1 =	slt.s32 s3, $0x1  }
.Ltmp84:
0x427: {  	_ = 	snop;
	(pc) =	sbr.rel @p1 .LBB2_102-.Ltmp84, $2  }
0x428: {  	_ =	sdelay $0x2  }
0x429: {  	v11 =	vmov s1;
	s7 =	sshll.u32 s3, $0x2  }
0x42a: {  	v13 =	vld [tilespmem:s2+$0x10];
	_ =	sdelay $0x3  }
0x42b: {  	v14 =	vld [tilespmem:s2+$0xFFFFFFF0]  }
0x42c: {  	v10 =	vld [tilespmem:s2+$0x0];
	p2 =	sgt.s32 s7, $0x4;
	v16 =	vxor.u32 $0x7FFFFFFF, v13;
	vm1 =	vlt.s32 v13, $0x0  }
.Ltmp85:
0x42d: {  	v18 =	vsel vm1, v16, v13;
	v13 =	vld [tilespmem:s2+$0xFFFFFFE0];
	(pc) =	sbr.rel @!p2 .LBB2_105-.Ltmp85, $4  }
0x42e: {  	s3 =	simm.s32 $0x30  }
0x42f: {  	s8 =	simm.s32 $0x0;
	v17 =	vor.u32 s3, v0  }
0x430: {  	s1 =	simm.s32 $0x16020;
	s10 =	simm.s32 $0x10;
	s17 =	simm.s32 $0x20;
	v12 =	vor.u32 s8, v0;
	vm2 =	vlt.s32 v17, v11;
	v15 =	vxor.u32 $0x7FFFFFFF, v14  }
0x431: {  	s4 =	sadd.s32 $0x40, s2;
	s16 =	simm.s32 $0x16020;
	s3 =	simm.s32 $0x4;
	vm1 =	vlt.s32 v14, $0x0;
	v16 =	vxor.u32 $0x7FFFFFFF, v10;
	v17 =	vnsel vm2, $0x80000000, v18  }
.LBB2_104:
0x432: {  	v18 =	vld [tilespmem:s4+$0x10];
	s3 =	sadd.s32 $0x4, s3;
	v19 =	vxor.u32 $0x7FFFFFFF, v13;
	vm2 =	vlt.s32 v13, $0x0;
	vm3 =	vlt.s32 v10, $0x0;
	[tilespmem:s16+$0x10] =	vst v17  }
0x433: {  	v20 =	vor.u32 s17, v0;
	v17 =	vld [tilespmem:s4+$0xFFFFFFF0];
	p2 =	slt.s32 s3, s7;
	v19 =	vsel vm2, v19, v13;
	v13 =	vor.u32 s10, v0  }
0x434: {  	v14 =	vsel vm1, v15, v14;
	v15 =	vsel vm3, v16, v10;
	vm1 =	vlt.s32 v13, v11;
	v10 =	vld [tilespmem:s4+$0x0]  }
.Ltmp86:
0x435: {  	s8 =	sadd.s32 $0x40, s8;
	vm2 =	vlt.s32 v12, v11;
	v13 =	vld [tilespmem:s4+$0xFFFFFFE0];
	v14 =	vnsel vm1, $0x80000000, v14;
	vm1 =	vlt.s32 v20, v11;
	(pc) =	sbr.rel @p2 .LBB2_104-.Ltmp86, $4  }
0x436: {  	v12 =	vor.u32 s8, v0;
	s10 =	sadd.s32 $0x10, s8;
	s17 =	sadd.s32 $0x20, s8;
	s5 =	sadd.s32 $0x30, s8;
	v16 =	vnsel vm2, $0x80000000, v19;
	[tilespmem:s16+$0xFFFFFFF0] =	vst v14;
	v21 =	vnsel vm1, $0x80000000, v15  }
0x437: {  	v20 =	vor.u32 s5, v0;
	v19 =	vxor.u32 $0x7FFFFFFF, v18;
	vm1 =	vlt.s32 v18, $0x0;
	[tilespmem:s16+$0xFFFFFFE0] =	vst v16  }
0x438: {  	vm2 =	vlt.s32 v20, v11;
	v15 =	vxor.u32 $0x7FFFFFFF, v17;
	v18 =	vsel vm1, v19, v18;
	[tilespmem:s16+$0x0] =	vst v21;
	v14 =	vmovc v17  }
0x439: {  	s4 =	sadd.s32 $0x40, s4;
	s16 =	sadd.s32 $0x40, s16;
	vm1 =	vlt.s32 v14, $0x0;
	v16 =	vxor.u32 $0x7FFFFFFF, v10;
	v17 =	vnsel vm2, $0x80000000, v18  }
.LBB2_105:
0x43a: {  	v18 =	vxor.u32 $0x7FFFFFFF, v13  }
0x43b: {  	vm2 =	vlt.s32 v13, $0x0;
	v63 =	vor.u32 s10, v0;
	v14 =	vsel vm1, v15, v14  }
0x43c: {  	v15 =	vor.u32 s17, v0;
	vm3 =	vlt.s32 v12, v11;
	vm1 =	vlt.s32 v63, v11  }
0x43d: {  	[tilespmem:s16+$0x10] =	vst v17;
	v13 =	vsel vm2, v18, v13;
	vm2 =	vlt.s32 v10, $0x0;
	v12 =	vnsel vm1, $0x80000000, v14  }
0x43e: {  	v10 =	vsel vm2, v16, v10;
	vm1 =	vlt.s32 v15, v11;
	v13 =	vnsel vm3, $0x80000000, v13;
	[tilespmem:s16+$0xFFFFFFF0] =	vst v12  }
0x43f: {  	p3 =	sgt.s32 s7, $0x4;
	v10 =	vnsel vm1, $0x80000000, v10;
	[tilespmem:s16+$0xFFFFFFE0] =	vst v13  }
.Ltmp87:
0x440: {  	[tilespmem:s16+$0x0] =	vst v10;
	(pc) =	sbr.rel @!p3 .LBB2_106-.Ltmp87, $4  }
0x441: {  	v15 =	vld [tilespmem:s1+$0xFFFFFFE0]  }
0x442: {  	v13 =	vld [tilespmem:s1+$0xFFFFFFF0]  }
0x443: {  	v14 =	vld [tilespmem:s1+$0x0]  }
0x444: {  	p2 =	por $0x0, $0x0;
	v10 =	vimm.s32 $0x0;
	v12 =	vld [tilespmem:s1+$0x10]  }
0x445: {  	_ = 	snop  }
0x446: {  	p3 =	sgt.s32 s7, $0x8;
	vm1 =	vgt.s32 v15, $0xFFFFFFFF  }
.Ltmp88:
0x447: {  	s1 =	simm.s32 $0x16060;
	v16 =	vmpcnt.ones.xlane vm1;
	vm1 =	vgt.s32 v13, $0xFFFFFFFF;
	(pc) =	sbr.rel @!p3 .LBB2_113-.Ltmp88, $4  }
0x448: {  	v15 =	vld [tilespmem:s1+$0xFFFFFFE0];
	v17 =	vmpcnt.ones.xlane vm1;
	vm1 =	vgt.s32 v14, $0xFFFFFFFF  }
0x449: {  	v13 =	vld [tilespmem:s1+$0xFFFFFFF0];
	v16 =	vadd.s32 v10, v16;
	v18 =	vmpcnt.ones.xlane vm1  }
0x44a: {  	v14 =	vld [tilespmem:s1+$0x0];
	vm1 =	vgt.s32 v12, $0xFFFFFFFF;
	v17 =	vadd.s32 v17, v16  }
0x44b: {  	s3 =	simm.s32 $0x8;
	p2 =	por $0x1, $0x1;
	v12 =	vld [tilespmem:s1+$0x10];
	v16 =	vmpcnt.ones.xlane vm1;
	v17 =	vadd.s32 v18, v17  }
.LBB2_112:
0x44c: {  	s3 =	sadd.s32 $0x4, s3  }
0x44d: {  	vm1 =	vgt.s32 v15, $0xFFFFFFFF;
	s1 =	sadd.s32 $0x40, s1;
	v16 =	vadd.s32 v16, v17;
	p3 =	slt.s32 s3, s7  }
.Ltmp89:
0x44e: {  	v15 =	vld [tilespmem:s1+$0xFFFFFFE0];
	v17 =	vmpcnt.ones.xlane vm1;
	vm1 =	vgt.s32 v13, $0xFFFFFFFF;
	(pc) =	sbr.rel @p3 .LBB2_112-.Ltmp89, $4  }
0x44f: {  	v13 =	vld [tilespmem:s1+$0xFFFFFFF0];
	v18 =	vmpcnt.ones.xlane vm1;
	vm1 =	vgt.s32 v14, $0xFFFFFFFF  }
0x450: {  	v14 =	vld [tilespmem:s1+$0x0];
	v16 =	vadd.s32 v16, v17;
	v17 =	vmpcnt.ones.xlane vm1;
	vm1 =	vgt.s32 v12, $0xFFFFFFFF  }
0x451: {  	v12 =	vld [tilespmem:s1+$0x10];
	v18 =	vadd.s32 v18, v16;
	v16 =	vmpcnt.ones.xlane vm1  }
0x452: {  	v17 =	vadd.s32 v17, v18  }
.LBB2_113:
0x453: {  	_ = 	snop  }
0x454: {  	vm1 =	vgt.s32 v15, $0xFFFFFFFF  }
0x455: {  	v15 =	vadd.s32 @p2 v16, v17;
	v63 =	vmpcnt.ones.xlane vm1;
	vm1 =	vgt.s32 v13, $0xFFFFFFFF  }
0x456: {  	v10 =	vpsel p2, v15, v10;
	v13 =	vmpcnt.ones.xlane vm1;
	vm1 =	vgt.s32 v14, $0xFFFFFFFF  }
0x457: {  	v10 =	vadd.s32 v10, v63;
	v14 =	vmpcnt.ones.xlane vm1;
	vm1 =	vgt.s32 v12, $0xFFFFFFFF  }
0x458: {  	v10 =	vadd.s32 v13, v10;
	v12 =	vmpcnt.ones.xlane vm1  }
0x459: {  	v10 =	vadd.s32 v14, v10  }
0x45a: {  	v10 =	vadd.s32 v12, v10  }
.Ltmp90:
0x45b: {  	(pc) =	sbr.rel .LBB2_108-.Ltmp90, $2  }
0x45c: {  	_ =	sdelay $0x2  }
0x45d: {  	v10 =	vxor.u32 $0x80000000, v10  }
.LBB2_102:
0x45e: {  	v10 =	vimm.s32 $0x80000000  }
.LBB2_108:
0x45f: {  	(xrf0) =	vmax.scan.msk.u32 $0xffff, v10;
	_ =	sdelay $0x5  }
0x460: {  	v10, _, _ =	vpop (xrf0)  }
0x461: {  	(v2sf) =	vpush v10, $0xF;
	_ =	sdelay $0xc  }
.Ltmp91:
0x462: {  	_ = 	snop;
	(pc) =	sbr.rel .LBB2_109-.Ltmp91, $4  }
0x463: {  	_ = 	snop  }
0x464: {  	s1 =	spop (v2sf)  }
0x465: {  	s8 =	simm.s32 $0x0;
	p2 =	sgt.u32 s1, $0x80000063  }
0x466: {  	s19 =	simm.s32 $0x0;
	s8 =	simm.s32 @!p2 $0x80000000  }
.LBB2_110:
0x467: {  	v10 =	vimm.s32 $0x80000000  }
.LBB2_115:
0x468: {  	(xrf0) =	vmax.scan.msk.u32 $0xffff, v10;
	_ =	sdelay $0x5  }
0x469: {  	v10, _, _ =	vpop (xrf0)  }
0x46a: {  	(v2sf) =	vpush v10, $0xF;
	_ =	sdelay $0xa  }
0x46b: {  	s19 =	sadd.s32 $0x1, s19  }
0x46c: {  	p3 =	seq.s32 s19, $0x10  }
.Ltmp92:
0x46d: {  	_ = 	snop;
	(pc) =	sbr.rel @p3 .LBB2_116-.Ltmp92, $4  }
0x46e: {  	_ = 	snop  }
0x46f: {  	s3 =	spop (v2sf)  }
0x470: {  	p2 =	sgt.u32 s3, $0x80000063  }
0x471: {  	s8 =	smov.u32 @p2 s1  }
.LBB2_109:
.Ltmp93:
0x472: {  	(pc) =	sbr.rel @p1 .LBB2_110-.Ltmp93, $3  }
0x473: {  	_ =	sdelay $0x1  }
0x474: {  	s1 =	sshrl.u32 s14, s19  }
0x475: {  	s1 =	sor.u32 s1, s8  }
0x476: {  	p3 =	sgt.s32 s7, $0x4  }
.Ltmp94:
0x477: {  	s3 =	simm.s32 $0x16020;
	(pc) =	sbr.rel @!p3 .LBB2_119-.Ltmp94, $4  }
0x478: {  	v16 =	vld [tilespmem:s3+$0xFFFFFFE0]  }
0x479: {  	v14 =	vld [tilespmem:s3+$0xFFFFFFF0]  }
0x47a: {  	v15 =	vld [tilespmem:s3+$0x0]  }
0x47b: {  	v10 =	vmov s1;
	v12 =	vimm.s32 $0x0;
	p2 =	por $0x0, $0x0;
	v13 =	vld [tilespmem:s3+$0x10]  }
0x47c: {  	_ = 	snop  }
0x47d: {  	p3 =	sgt.s32 s7, $0x8;
	vm1 =	vge.s32 v16, v10  }
.Ltmp95:
0x47e: {  	s3 =	simm.s32 $0x16060;
	v17 =	vmpcnt.ones.xlane vm1;
	vm1 =	vge.s32 v14, v10;
	(pc) =	sbr.rel @!p3 .LBB2_122-.Ltmp95, $4  }
0x47f: {  	v16 =	vld [tilespmem:s3+$0xFFFFFFE0];
	v18 =	vmpcnt.ones.xlane vm1;
	vm1 =	vge.s32 v15, v10  }
0x480: {  	v14 =	vld [tilespmem:s3+$0xFFFFFFF0];
	v17 =	vadd.s32 v12, v17;
	v19 =	vmpcnt.ones.xlane vm1  }
0x481: {  	v15 =	vld [tilespmem:s3+$0x0];
	vm1 =	vge.s32 v13, v10;
	v18 =	vadd.s32 v18, v17  }
0x482: {  	s4 =	simm.s32 $0x8;
	p2 =	por $0x1, $0x1;
	v13 =	vld [tilespmem:s3+$0x10];
	v17 =	vmpcnt.ones.xlane vm1;
	v18 =	vadd.s32 v19, v18  }
.LBB2_121:
0x483: {  	s4 =	sadd.s32 $0x4, s4  }
0x484: {  	vm1 =	vge.s32 v16, v10;
	s3 =	sadd.s32 $0x40, s3;
	v17 =	vadd.s32 v17, v18;
	p3 =	slt.s32 s4, s7  }
.Ltmp96:
0x485: {  	v16 =	vld [tilespmem:s3+$0xFFFFFFE0];
	v18 =	vmpcnt.ones.xlane vm1;
	vm1 =	vge.s32 v14, v10;
	(pc) =	sbr.rel @p3 .LBB2_121-.Ltmp96, $4  }
0x486: {  	v14 =	vld [tilespmem:s3+$0xFFFFFFF0];
	v19 =	vmpcnt.ones.xlane vm1;
	vm1 =	vge.s32 v15, v10  }
0x487: {  	v15 =	vld [tilespmem:s3+$0x0];
	v17 =	vadd.s32 v17, v18;
	v18 =	vmpcnt.ones.xlane vm1;
	vm1 =	vge.s32 v13, v10  }
0x488: {  	v13 =	vld [tilespmem:s3+$0x10];
	v19 =	vadd.s32 v19, v17;
	v17 =	vmpcnt.ones.xlane vm1  }
0x489: {  	v18 =	vadd.s32 v18, v19  }
.LBB2_122:
0x48a: {  	_ = 	snop  }
0x48b: {  	vm1 =	vge.s32 v16, v10  }
0x48c: {  	v16 =	vadd.s32 @p2 v17, v18;
	v62 =	vmpcnt.ones.xlane vm1;
	vm1 =	vge.s32 v14, v10  }
0x48d: {  	v12 =	vpsel p2, v16, v12;
	v14 =	vmpcnt.ones.xlane vm1;
	vm1 =	vge.s32 v15, v10  }
0x48e: {  	v12 =	vadd.s32 v12, v62;
	v15 =	vmpcnt.ones.xlane vm1;
	vm1 =	vge.s32 v13, v10  }
0x48f: {  	v10 =	vadd.s32 v14, v12;
	v63 =	vmpcnt.ones.xlane vm1  }
0x490: {  	v10 =	vadd.s32 v15, v10  }
0x491: {  	v10 =	vadd.s32 v63, v10  }
.Ltmp97:
0x492: {  	(pc) =	sbr.rel .LBB2_115-.Ltmp97, $2  }
0x493: {  	_ =	sdelay $0x2  }
0x494: {  	v10 =	vxor.u32 $0x80000000, v10  }
.LBB2_119:
.Ltmp98:
0x495: {  	(pc) =	sbr.rel .LBB2_122-.Ltmp98, $2  }
0x496: {  	_ =	sdelay $0x2  }
0x497: {  	_ = 	snop  }
.LBB2_116:
0x498: {  	s1 =	sadd.s32 $0x8000001F, s6  }
0x499: {  	s3 =	sand.u32 $0x1F, s1  }
0x49a: {  	s31 =	sshra.s32 s1, $0x1F;
	p2 =	slt.s32 s1, $0x1;
	p1 =	sne.s32 s3, $0x0  }
0x49b: {  	s3 =	sshrl.u32 s31, $0x1B;
	p1 =	por !p2, !p1  }
0x49c: {  	s1 =	sadd.s32 s3, s1;
	s3 =	simm.s32 $0x1;
	p1 =	por !p1, !p1  }
0x49d: {  	s1 =	sshra.s32 s1, $0x5;
	s3 =	simm.s32 @!p1 $0x0  }
0x49e: {  	s1 =	ssub.s32 s1, s3  }
0x49f: {  	p1 =	slt.s32 s1, $0x1  }
.Ltmp99:
0x4a0: {  	_ = 	snop;
	(pc) =	sbr.rel @p1 .LBB2_117-.Ltmp99, $4  }
0x4a1: {  	_ = 	snop  }
0x4a2: {  	v10 =	vmov s8  }
0x4a3: {  	v12 =	vxor.u32 $0x7FFFFFFF, v10;
	vm1 =	vlt.s32 v10, $0x0  }
0x4a4: {  	v10 =	vnsel vm1, s8, v12  }
0x4a5: {  	s8 =	sshll.u32 s1, $0x1  }
0x4a6: {  	p3 =	sgt.s32 s8, $0x2  }
.Ltmp100:
0x4a7: {  	_ = 	snop;
	(pc) =	sbr.rel @!p3 .LBB2_134-.Ltmp100, $2  }
0x4a8: {  	_ =	sdelay $0x2  }
0x4a9: {  	v12 =	vimm.s32 $0x0;
	s6 =	simm.s32 $0x10;
	p1 =	por $0x0, $0x0;
	p2 =	por $0x0, $0x0  }
0x4aa: {  	v13 =	vld [tilespmem:s9+$0xFFFFFFF0]  }
0x4ab: {  	v14 =	vld [tilespmem:s9+$0x0];
	_ =	sdelay $0x1  }
0x4ac: {  	s1 =	simm.s32 $0x0;
	p3 =	sgt.s32 s8, $0x4  }
.Ltmp101:
0x4ad: {  	v15 =	vor.u32 s1, v0;
	(pc) =	sbr.rel @!p3 .LBB2_136-.Ltmp101, $4  }
0x4ae: {  	vm2 =	vlt.s32 v15, v11;
	v15 =	vor.u32 s6, v0;
	vm1 =	vgt.f32 v13, v10  }
0x4af: {  	vm3 =	vlt.s32 v15, v11;
	vm2 =	vmand vm2, vm1;
	vm1 =	vgt.f32 v14, v10  }
0x4b0: {  	v15 =	vsel vm2, $0x1, v1;
	vm4 =	vmand vm3, vm1  }
0x4b1: {  	p1 =	por $0x1, $0x1;
	v17 =	vmpcnt.ones.xlane vm2;
	v22 =	vsel vm4, $0x1, v1;
	v18 =	vmpcnt.ones.xlane vm4;
	(xrf0) =	vadd.scan.msk.s32 $0xffff, v15  }
0x4b2: {  	s7 =	sadd.s32 $0x20, s9  }
0x4b3: {  	v24 =	vld [tilespmem:s7+$0xFFFFFFF0]  }
0x4b4: {  	(xrf0) =	vadd.scan.msk.s32 $0xffff, v22;
	v21 =	vld [tilespmem:s7+$0x0];
	_ =	sdelay $0x1  }
0x4b5: {  	vm3 =	vmmov vm4;
	s1 =	simm.s32 $0x20;
	p3 =	sgt.s32 s8, $0x6;
	v15 =	vadd.s32 v12, v17  }
.Ltmp102:
0x4b6: {  	s19 =	simm.s32 $0x30;
	vm1 =	vmmov vm2;
	v17 =	vor.u32 s1, v0;
	v16 =	vadd.s32 v15, v18;
	(pc) =	sbr.rel @!p3 .LBB2_138-.Ltmp102, $4  }
0x4b7: {  	vm4 =	vlt.s32 v17, v11;
	v17 =	vor.u32 s19, v0;
	vm2 =	vgt.f32 v24, v10  }
0x4b8: {  	vm5 =	vlt.s32 v17, v11;
	v19, _, _ =	vpop (xrf0);
	vm2 =	vmand vm4, vm2;
	vm4 =	vgt.f32 v21, v10  }
0x4b9: {  	v20, _, _ =	vpop (xrf0);
	v26 =	vadd.s32 v19, v12;
	v23 =	vsel vm2, $0x1, v1;
	vm4 =	vmand vm5, vm4  }
0x4ba: {  	p2 =	por $0x1, $0x1;
	s1 =	simm.s32 $0x6;
	v19 =	vmovc v16;
	v17 =	vmpcnt.ones.xlane vm2;
	v22 =	vsel vm4, $0x1, v1;
	v18 =	vmpcnt.ones.xlane vm4;
	(xrf0) =	vadd.scan.msk.s32 $0xffff, v23  }
.LBB2_139:
0x4bb: {  	(xrf0) =	vadd.scan.msk.s32 $0xffff, v22;
	v22 =	vadd.s32 $0xFFFFFFFF, v26;
	v20 =	vadd.s32 v20, v15  }
0x4bc: {  	s1 =	sadd.s32 $0x2, s1;
	s7 =	sadd.s32 $0x20, s7;
	v15 =	vadd.s32 v16, v17;
	vm5 =	vmmov vm3;
	vm3 =	vmmov vm4  }
0x4bd: {  	p3 =	slt.s32 s1, s8;
	v17 =	vld [tilespmem:s7+$0xFFFFFFF0];
	v16 =	vadd.s32 v15, v18;
	v18 =	vadd.s32 $0xFFFFFFFF, v20  }
0x4be: {  	v23 =	vld [tilespmem:s7+$0x0]  }
0x4bf: {  	s19 =	sadd.s32 $0x20, s19  }
0x4c0: {  	s3 =	sadd.s32 $0xFFFFFFF0, s19  }
.Ltmp103:
0x4c1: {  	v26 =	vor.u32 s3, v0;
	v25, _, _ =	vpop (xrf0);
	[tilespmem:v22+s24+$0x0] =	vst.idx.msk vm1, v13;
	v13 =	vmov v24;
	vm1 =	vmmov vm2;
	(pc) =	sbr.rel @p3 .LBB2_139-.Ltmp103, $4  }
0x4c2: {  	vm4 =	vlt.s32 v26, v11;
	v22 =	vor.u32 s19, v0;
	vm2 =	vgt.f32 v17, v10;
	v20, _, _ =	vpop (xrf0);
	[tilespmem:v18+s24+$0x0] =	vst.idx.msk vm5, v14  }
0x4c3: {  	vm5 =	vlt.s32 v22, v11;
	v24 =	vmovc v17;
	v14 =	vmovc v21;
	vm2 =	vmand vm4, vm2;
	vm4 =	vgt.f32 v23, v10  }
0x4c4: {  	v21 =	vmovc v23;
	v26 =	vsel vm2, $0x1, v1;
	v17 =	vmpcnt.ones.xlane vm2;
	vm4 =	vmand vm5, vm4  }
0x4c5: {  	v22 =	vsel vm4, $0x1, v1;
	v18 =	vmpcnt.ones.xlane vm4;
	(xrf0) =	vadd.scan.msk.s32 $0xffff, v26;
	v26 =	vadd.s32 v25, v19;
	v19 =	vmovc v16  }
0x4c6: {  	v23 =	vmovc v13;
	v25 =	vmov v14;
	v13 =	vmov v24;
	v14 =	vmov v21  }
.LBB2_141:
0x4c7: {  	s1 =	sadd.s32 @p1 $0x20, s7;
	s3 =	smov.u32 s9  }
0x4c8: {  	s3 =	smov.u32 @p1 s1  }
0x4c9: {  	v21 =	vld [tilespmem:s3+$0xFFFFFFF0]  }
0x4ca: {  	s1 =	sadd.s32 @p1 $0x20, s19;
	v24 =	vld [tilespmem:s3+$0x0]  }
0x4cb: {  	s6 =	smov.u32 @p1 s1  }
0x4cc: {  	s1 =	sadd.s32 $0xFFFFFFF0, s6  }
0x4cd: {  	v27 =	vor.u32 s1, v0  }
0x4ce: {  	v55 =	vor.u32 s6, v0;
	vm6 =	vlt.s32 v27, v11;
	vm5 =	vgt.f32 v21, v10  }
0x4cf: {  	(xrf0) =	vadd.scan.msk.s32 @p1 $0xffff, v22;
	vm7 =	vlt.s32 v55, v11;
	vm15 =	vgt.f32 v24, v10;
	vm6 =	vmand vm6, vm5  }
0x4d0: {  	v15 =	vadd.s32 @p2 v20, v15;
	vm5 =	vmand vm7, vm15;
	v56 =	vsel vm6, $0x1, v1  }
0x4d1: {  	vm3 =	vmmov @p2 vm3;
	v11 =	vadd.s32 @p1 v16, v17;
	v57 =	vsel vm5, $0x1, v1;
	(xrf0) =	vadd.scan.msk.s32 $0xffff, v56  }
0x4d2: {  	vm4 =	vmmov @p1 vm4;
	vm2 =	vmmov @p1 vm2;
	v16 =	vadd.s32 @p1 v11, v18;
	v18, _, _ =	vpop @p1 (xrf0);
	(xrf0) =	vadd.scan.msk.s32 $0xffff, v57  }
0x4d3: {  	v15 =	vadd.s32 @p2 $0xFFFFFFFF, v15;
	vm4 =	vmmov @p1 vm4;
	vm2 =	vmmov @p1 vm2  }
0x4d4: {  	vm4 =	vmmov @p1 vm4;
	v17 =	vadd.s32 @p2 $0xFFFFFFFF, v26;
	v18 =	vadd.s32 @p1 v18, v19  }
0x4d5: {  	v11 =	vpsel p1, v11, v0;
	v19, _, _ =	vpop @p1 (xrf0);
	v12 =	vpsel p1, v16, v12;
	v16 =	vpsel p1, v18, v0  }
0x4d6: {  	v18 =	vpsel p1, v19, v0;
	v58 =	vmpcnt.ones.xlane vm6;
	v16 =	vadd.s32 @p1 $0xFFFFFFFF, v16  }
0x4d7: {  	v11 =	vadd.s32 @p1 v18, v11;
	vm7 =	vmmov vm5;
	vm6 =	vmmov vm6;
	v60, _, _ =	vpop (xrf0)  }
0x4d8: {  	v11 =	vadd.s32 @p1 $0xFFFFFFFF, v11;
	v59 =	vadd.s32 v12, v58;
	v12 =	vadd.s32 v60, v12;
	v61, _, _ =	vpop (xrf0)  }
0x4d9: {  	vm7 =	vmmov vm7;
	v12 =	vadd.s32 $0xFFFFFFFF, v12;
	v18 =	vadd.s32 v61, v59  }
0x4da: {  	[tilespmem:v15+s24+$0x0] =	vst.idx.msk @p2 vm3, v25;
	v62 =	vadd.s32 $0xFFFFFFFF, v18  }
0x4db: {  	v13 =	vpsel p1, v13, v0;
	[tilespmem:v17+s24+$0x0] =	vst.idx.msk @p2 vm1, v23  }
0x4dc: {  	v14 =	vpsel p1, v14, v0;
	[tilespmem:v16+s24+$0x0] =	vst.idx.msk @p1 vm2, v13  }
0x4dd: {  	v63 =	vmpcnt.ones.xlane vm5;
	[tilespmem:v11+s24+$0x0] =	vst.idx.msk @p1 vm4, v14  }
0x4de: {  	[tilespmem:v12+s24+$0x0] =	vst.idx.msk vm6, v21  }
0x4df: {  	v11 =	vadd.s32 v59, v63;
	[tilespmem:v62+s24+$0x0] =	vst.idx.msk vm7, v24  }
.Ltmp104:
0x4e0: {  	(pc) =	sbr.rel .LBB2_124-.Ltmp104, $2  }
0x4e1: {  	_ =	sdelay $0x2  }
0x4e2: {  	v11 =	vxor.u32 $0x80000000, v11  }
.LBB2_86:
.Ltmp105:
0x4e3: {  	_ = 	snop;
	(pc) =	sbr.rel .LBB2_100-.Ltmp105, $2  }
0x4e4: {  	_ =	sdelay $0x2  }
0x4e5: {  	v16 =	vmov v12  }
.LBB2_97:
.Ltmp106:
0x4e6: {  	(pc) =	sbr.rel .LBB2_100-.Ltmp106, $4  }
0x4e7: {  	_ = 	snop  }
0x4e8: {  	v43 =	vmov v11;
	v24 =	vmov v32  }
0x4e9: {  	v23 =	vmovc v36;
	v14 =	vmovc v38;
	vm10 =	vmmov vm12;
	v15 =	vmov v39;
	v11 =	vmov v40  }
0x4ea: {  	v32 =	vmovc v17;
	v22 =	vmovc v30;
	v25 =	vmov v35;
	v26 =	vmov v37;
	v30 =	vmov v18  }
.LBB2_106:
.Ltmp107:
0x4eb: {  	(pc) =	sbr.rel .LBB2_113-.Ltmp107, $2  }
0x4ec: {  	_ =	sdelay $0x2  }
0x4ed: {  	_ = 	snop  }
.LBB2_134:
.Ltmp108:
0x4ee: {  	(pc) =	sbr.rel .LBB2_141-.Ltmp108, $2  }
0x4ef: {  	_ =	sdelay $0x2  }
0x4f0: {  	v16 =	vimm.s32 $0x0;
	s7 =	smov.u32 s9;
	s19 =	simm.s32 $0x10  }
.LBB2_136:
.Ltmp109:
0x4f1: {  	(pc) =	sbr.rel .LBB2_141-.Ltmp109, $2  }
0x4f2: {  	_ =	sdelay $0x2  }
0x4f3: {  	v16 =	vimm.s32 $0x0;
	s7 =	smov.u32 s9;
	s19 =	simm.s32 $0x10;
	v19 =	vimm.s32 $0x0  }
.LBB2_138:
.Ltmp110:
0x4f4: {  	(pc) =	sbr.rel .LBB2_141-.Ltmp110, $2  }
0x4f5: {  	_ =	sdelay $0x2  }
0x4f6: {  	v23 =	vmovc v13;
	v25 =	vmovc v14;
	v13 =	vmov v24;
	v14 =	vmov v21;
	v19 =	vmov v16  }
.LBB2_127:
.Ltmp111:
0x4f7: {  	(pc) =	sbr.rel .LBB2_128-.Ltmp111, $4  }
0x4f8: {  	_ = 	snop  }
0x4f9: {  	_ =	swait.ge [sflag:s15], $0x1800  }
0x4fa: {  	s0 =	simm.s32 $0x0;
	s2 =	simm.s32 $0xC840;
	[sflag:s15] =	ssyncset.done $0x0  }
0x4fb: {  	s9 =	simm.s32 $0xE020;
	s18 =	simm.s32 $0xE010;
	[sflag:s15] =	ssyncadd.s32 $0xFFFFE800  }
.LBB2_156:
0x4fc: {  	v9 =	vimm.s32 $0x80000000  }
.LBB2_163:
0x4fd: {  	(xrf0) =	vmax.scan.msk.u32 $0xffff, v9;
	_ =	sdelay $0x5  }
0x4fe: {  	v9, _, _ =	vpop (xrf0)  }
0x4ff: {  	(v2sf) =	vpush v9, $0xF;
	_ =	sdelay $0xe  }
0x500: {  	s1 =	spop (v2sf)  }
0x501: {  	s3 =	sxor.u32 $0x80000000, s1  }
0x502: {  	s4 =	sadd.s32 $0x80000010, s1;
	v9 =	vadd.s32 s3, v0  }
0x503: {  	s28 =	sadd.s32 $0x80000020, s1;
	v10 =	vadd.s32 s4, v0;
	vm1 =	vlt.s32 v9, $0x64  }
0x504: {  	s29 =	sadd.s32 $0x80000030, s1;
	v11 =	vadd.s32 s28, v0;
	vm2 =	vlt.s32 v10, $0x64  }
0x505: {  	s30 =	sadd.s32 $0x80000040, s1;
	v12 =	vadd.s32 s29, v0;
	vm3 =	vlt.s32 v11, $0x64  }
0x506: {  	s31 =	sadd.s32 $0x80000050, s1;
	v13 =	vadd.s32 s30, v0;
	vm4 =	vlt.s32 v12, $0x64  }
0x507: {  	s1 =	sadd.s32 $0x80000060, s1;
	v14 =	vadd.s32 s31, v0;
	vm5 =	vlt.s32 v13, $0x64  }
0x508: {  	v15 =	vadd.s32 s1, v0;
	vm6 =	vlt.s32 v14, $0x64  }
0x509: {  	[tilespmem:v9+s24+$0xE000] =	vst.idx.msk vm1, v8;
	vm1 =	vlt.s32 v15, $0x64  }
0x50a: {  	[tilespmem:v10+s24+$0xE000] =	vst.idx.msk vm2, v8  }
0x50b: {  	[tilespmem:v11+s24+$0xE000] =	vst.idx.msk vm3, v8  }
0x50c: {  	[tilespmem:v12+s24+$0xE000] =	vst.idx.msk vm4, v8  }
0x50d: {  	p0 =	sgt.s32 s3, $0x64;
	[tilespmem:v13+s24+$0xE000] =	vst.idx.msk vm5, v8  }
0x50e: {  	s3 =	simm.s32 @!p0 $0x64;
	[tilespmem:v14+s24+$0xE000] =	vst.idx.msk vm6, v8  }
0x50f: {  	v30 =	vmov s3;
	[tilespmem:v15+s24+$0xE000] =	vst.idx.msk vm1, v8  }
.LBB2_164:
0x510: {  	v9 =	vld [tilespmem:s23+$0x17400]  }
0x511: {  	s1 =	sor.u32 s22, s0  }
0x512: {  	s3 =	sand.u32 $0xF, s1  }
0x513: {  	v10 =	vmov s3  }
0x514: {  	vm1 =	veq.s32 v10, v0  }
0x515: {  	v9 =	vnsel vm1, $0x0, v9  }
0x516: {  	(xrf0) =	vadd.scan.msk.s32 $0xffff, v9;
	_ =	sdelay $0x5  }
0x517: {  	v9, _, _ =	vpop (xrf0)  }
0x518: {  	(v2sf) =	vpush v9, $0xF;
	_ =	sdelay $0xe  }
0x519: {  	s30 =	spop (v2sf)  }
0x51a: {  	s3 =	sadd.s32 $0xFFFE7C80, s30  }
0x51b: {  	p1 =	sgt.s32 s3, $0x0  }
0x51c: {  	p0 =	slt.u32 s3, $0x300;
	p2 =	slt.s32 s3, $0x1;
	s3 =	simm.s32 @!p1 $0x0  }
0x51d: {  	s3 =	smin.u32 s3, $0x2FF  }
0x51e: {  	s4 =	sand.u32 $0xF, s3  }
0x51f: {  	p4 =	sne.s32 s4, $0x0  }
0x520: {  	p1 =	por !p2, !p4  }
0x521: {  	s4 =	simm.s32 $0xFFFFFFFF;
	p1 =	por !p1, !p1  }
0x522: {  	s4 =	simm.s32 @!p1 $0x0  }
0x523: {  	s4 =	sshll.u32 s4, $0x4  }
0x524: {  	s4 =	sadd.s32 s3, s4  }
0x525: {  	s5 =	sshll.u32 s4, $0x3  }
0x526: {  	s6 =	sshrl.u32 s25, $0x2;
	s5 =	sand.u32 $0xFFFFFC00, s5  }
0x527: {  	s7 =	sand.u32 $0x70, s4;
	s5 =	sadd.s32 s6, s5  }
0x528: {  	s5 =	sadd.s32 s7, s5  }
0x529: {  	v60 =	vld [tilespmem:s5+$0xC800]  }
0x52a: {  	s4 =	sand.u32 $0xFFFFFFF0, s4  }
0x52b: {  	s3 =	ssub.s32 s3, s4  }
0x52c: {  	v61 =	vmov s3  }
0x52d: {  	vm2 =	veq.s32 v61, v0  }
0x52e: {  	v9 =	vnsel vm2, $0x0, v60  }
0x52f: {  	(xrf2) =	vadd.scan.msk.f32 $0xffff, v9;
	_ =	sdelay $0x9  }
0x530: {  	v9, _, _ =	vpop (xrf2)  }
0x531: {  	(v2sf) =	vpush v9, $0xF;
	_ =	sdelay $0xd  }
0x532: {  	s3 =	simm.f32 $1.000000000e+00  }
0x533: {  	s3 =	simm.s32 @!p0 $0x0;
	s31 =	spop (v2sf)  }
0x534: {  	s0 =	sadd.s32 $0x1, s0;
	s3 =	smul.f32 s3, s31  }
0x535: {  	v62 =	vsel vm1, $0x3F800000, v2;
	p0 =	seq.s32 s0, $0x8  }
.Ltmp112:
0x536: {  	v9 =	vmul.f32 s3, v62;
	(pc) =	sbr.rel @p0 .LBB2_165-.Ltmp112, $4  }
0x537: {  	p5 =	slt.u32 s1, $0x10  }
0x538: {  	p6 =	sgt.u32 s1, $0xF;
	v63 =	vpsel !p5, $0x0, v9  }
0x539: {  	v9 =	vpsel !p6, $0x0, v9;
	v5 =	vadd.f32 v63, v5  }
0x53a: {  	v7 =	vsel vm0, v8, v7;
	v6 =	vsel vm0, v30, v6;
	s2 =	sadd.s32 $0x80, s2;
	s9 =	sadd.s32 $0x1000, s9;
	s18 =	sadd.s32 $0x1000, s18;
	v4 =	vadd.f32 v9, v4  }
.LBB2_128:
0x53b: {  	v8 =	vmov s0  }
0x53c: {  	vm0 =	veq.s32 v8, v0  }
0x53d: {  	v9 =	vxor.u32 $0x80000000, v6;
	v8 =	vnsel vm0, $0xFF800000, v7  }
0x53e: {  	(xrf0) =	vmax.scan.msk.f32 $0xffff, v8;
	v8 =	vnsel vm0, $0x80000000, v9  }
0x53f: {  	(xrf0) =	vmax.scan.msk.u32 $0xffff, v8;
	_ =	sdelay $0x4  }
0x540: {  	v8, _, _ =	vpop (xrf0)  }
0x541: {  	v9, _, _ =	vpop (xrf0)  }
0x542: {  	(v2sf) =	vpush v9, $0xF;
	_ =	sdelay $0x5  }
0x543: {  	v12 =	vld [tilespmem:s2+$0xFFFFFFD0]  }
0x544: {  	v18 =	vld [tilespmem:s2+$0xFFFFFFE0]  }
0x545: {  	v11 =	vld [tilespmem:s2+$0x30]  }
0x546: {  	v33 =	vld [tilespmem:s2+$0xFFFFFFF0]  }
0x547: {  	s24 =	sshll.u32 s0, $0xC;
	v14 =	vld [tilespmem:s2+$0xFFFFFFC0]  }
0x548: {  	v13 =	vld [tilespmem:s2+$0x0];
	v10 =	vmov s24;
	v8 =	vbroadcast v8, $0xF  }
0x549: {  	v10 =	vadd.s32 $0xFFFFFFFF, v10  }
0x54a: {  	v19 =	vld [tilespmem:s2+$0x20];
	v10 =	vbroadcast v10, $0x0;
	vm1 =	vgt.f32 v12, v8;
	vm8 =	vgt.f32 v18, v8  }
0x54b: {  	vm6 =	vgt.f32 v11, v8;
	vm9 =	vgt.f32 v33, v8;
	v16 =	vsel vm1, $0x1, v1  }
0x54c: {  	v17 =	vsel vm8, $0x1, v1;
	vm3 =	vmmov vm1;
	vm1 =	vgt.f32 v14, v8;
	(xrf0) =	vadd.scan.msk.s32 $0xffff, v16;
	s1 =	spop (v2sf)  }
0x54d: {  	v9 =	vld [tilespmem:s2+$0x10];
	vm2 =	vgt.f32 v13, v8;
	v22 =	vmpcnt.ones.xlane vm1;
	(xrf0) =	vadd.scan.msk.s32 $0xffff, v17;
	v17 =	vsel vm9, $0x1, v1;
	s1 =	sxor.u32 $0x80000000, s1  }
0x54e: {  	v21 =	vsel vm1, $0x1, v1;
	v24 =	vmpcnt.ones.xlane vm3;
	(xrf0) =	vadd.scan.msk.s32 $0xffff, v17;
	v15 =	vmov s1  }
0x54f: {  	vm4 =	vgt.f32 v19, v8;
	v23 =	vmpcnt.ones.xlane vm6;
	(xrf0) =	vadd.scan.msk.s32 $0xffff, v21;
	v21 =	vadd.s32 v15, v22  }
0x550: {  	v25 =	vmpcnt.ones.xlane vm9;
	v17 =	vsel vm2, $0x1, v1;
	v24 =	vadd.s32 v21, v24  }
0x551: {  	(xrf0) =	vadd.scan.msk.s32 $0xffff, v17;
	v20 =	vadd.s32 v15, v10;
	v15 =	vmpcnt.ones.xlane vm8;
	v22 =	vsel vm4, $0x1, v1  }
0x552: {  	v16 =	vsel vm6, $0x1, v1;
	vm5 =	vgt.f32 v9, v8;
	v26, _, _ =	vpop (xrf0);
	(xrf0) =	vadd.scan.msk.s32 $0xffff, v22;
	v27 =	vadd.s32 v24, v10  }
0x553: {  	v17 =	vmpcnt.ones.xlane vm2;
	v22 =	vmpcnt.ones.xlane vm5;
	v15 =	vadd.s32 v24, v15;
	v24, _, _ =	vpop (xrf0)  }
0x554: {  	s31 =	sadd.s32 $0x400, s2;
	(xrf0) =	vadd.scan.msk.s32 $0xffff, v16;
	v16 =	vadd.s32 v15, v25;
	v32 =	vadd.s32 v24, v27;
	v24 =	vadd.s32 v15, v10  }
0x555: {  	v15 =	vld [tilespmem:s31+$0x30];
	v25 =	vadd.s32 v16, v10;
	v16 =	vadd.s32 v16, v17;
	v17 =	vmpcnt.ones.xlane vm4;
	v27, _, _ =	vpop (xrf0)  }
0x556: {  	v28 =	vadd.s32 v21, v10;
	v21 =	vadd.s32 v16, v10;
	v29 =	vadd.s32 v16, v22;
	v31, _, _ =	vpop (xrf0);
	v16 =	vld [tilespmem:s31+$0x10]  }
0x557: {  	v34 =	vsel vm5, $0x1, v1;
	v22 =	vld [tilespmem:s31+$0xFFFFFFD0];
	v37 =	vadd.s32 v27, v24;
	v35 =	vadd.s32 v29, v17;
	v36, _, _ =	vpop (xrf0)  }
0x558: {  	vm7 =	vmmov vm5;
	v28 =	vadd.s32 v26, v28;
	v17 =	vld [tilespmem:s31+$0xFFFFFFE0];
	v30 =	vadd.s32 v35, v23;
	v23, _, _ =	vpop (xrf0);
	(xrf0) =	vadd.scan.msk.s32 $0xffff, v34  }
0x559: {  	v27 =	vld [tilespmem:s31+$0xFFFFFFF0];
	v38 =	vadd.s32 v29, v10;
	v24 =	vadd.s32 v31, v20;
	v20 =	vadd.s32 v35, v10  }
0x55a: {  	v29 =	vadd.s32 v36, v25;
	v31 =	vadd.s32 v23, v38;
	v23 =	vld [tilespmem:s31+$0xFFFFFFC0];
	v26, _, _ =	vpop (xrf0);
	[tilespmem:v32+s13+$0x0] =	vst.idx.msk vm8, v18;
	vm8 =	vmmov vm6  }
0x55b: {  	vm6 =	vgt.f32 v15, v8;
	v25 =	vadd.s32 v26, v20;
	v26 =	vld [tilespmem:s31+$0x0];
	vm5 =	vgt.f32 v16, v8  }
0x55c: {  	s25 =	sshll.u32 s0, $0x9;
	s6 =	simm.s32 $0x8;
	s7 =	sadd.s32 $0x400, s31;
	v18 =	vld [tilespmem:s31+$0x20];
	v20 =	vadd.s32 v30, v10;
	vm11 =	vgt.f32 v22, v8;
	v32 =	vsel vm6, $0x1, v1;
	[tilespmem:v37+s13+$0x0] =	vst.idx.msk vm9, v33  }
.LBB2_129:
0x55d: {  	v36 =	vsel vm11, $0x1, v1;
	vm10 =	vgt.f32 v17, v8  }
0x55e: {  	v33 =	vld [tilespmem:s7+$0x30];
	s6 =	sadd.s32 $0x8, s6;
	v35 =	vmpcnt.ones.xlane vm6;
	[tilespmem:v28+s13+$0x0] =	vst.idx.msk vm3, v12;
	v28, _, _ =	vpop (xrf0);
	v12 =	vmov v22;
	vm3 =	vmmov vm11  }
0x55f: {  	p0 =	slt.u32 s6, $0x28;
	v22 =	vsel vm10, $0x1, v1;
	vm9 =	vgt.f32 v27, v8;
	(xrf0) =	vadd.scan.msk.s32 $0xffff, v36;
	[tilespmem:v31+s13+$0x0] =	vst.idx.msk vm4, v19;
	v34 =	vmovc v27  }
0x560: {  	v19 =	vsel vm9, $0x1, v1;
	(xrf0) =	vadd.scan.msk.s32 $0xffff, v22;
	[tilespmem:v29+s13+$0x0] =	vst.idx.msk vm2, v13;
	vm2 =	vgt.f32 v26, v8;
	v13 =	vmovc v26  }
0x561: {  	v21 =	vadd.s32 v28, v21;
	v22 =	vsel vm2, $0x1, v1;
	[tilespmem:v24+s13+$0x0] =	vst.idx.msk vm1, v14;
	vm1 =	vgt.f32 v23, v8  }
0x562: {  	v27 =	vmpcnt.ones.xlane vm2;
	v14 =	vmovc v23;
	v24 =	vsel vm1, $0x1, v1;
	v26 =	vmpcnt.ones.xlane vm1;
	(xrf0) =	vadd.scan.msk.s32 $0xffff, v19  }
0x563: {  	v19 =	vmpcnt.ones.xlane vm3;
	vm4 =	vgt.f32 v18, v8;
	(xrf0) =	vadd.scan.msk.s32 $0xffff, v24;
	[tilespmem:v25+s13+$0x0] =	vst.idx.msk vm8, v11;
	v11 =	vmovc v15  }
0x564: {  	v29 =	vmpcnt.ones.xlane vm10;
	v25 =	vsel vm4, $0x1, v1;
	v15 =	vmovc v33;
	v23 =	vadd.s32 v30, v26;
	(xrf0) =	vadd.scan.msk.s32 $0xffff, v22  }
0x565: {  	v22 =	vmpcnt.ones.xlane vm9;
	v26 =	vmpcnt.ones.xlane vm5;
	v19 =	vadd.s32 v23, v19;
	v28, _, _ =	vpop (xrf0);
	(xrf0) =	vadd.scan.msk.s32 $0xffff, v25  }
0x566: {  	v25 =	vadd.s32 v19, v10;
	v19 =	vadd.s32 v19, v29;
	v24, _, _ =	vpop (xrf0);
	(xrf0) =	vadd.scan.msk.s32 $0xffff, v32;
	[tilespmem:v21+s13+$0x0] =	vst.idx.msk vm7, v9  }
0x567: {  	v9 =	vmovc v16;
	v25 =	vadd.s32 v24, v25;
	v24 =	vadd.s32 v19, v10;
	v19 =	vadd.s32 v19, v22  }
0x568: {  	v29 =	vadd.s32 v19, v10;
	v16 =	vadd.s32 v19, v27;
	v19 =	vmpcnt.ones.xlane vm4;
	v27, _, _ =	vpop (xrf0)  }
0x569: {  	v37 =	vadd.s32 v23, v10;
	v21 =	vadd.s32 v16, v10;
	v22 =	vadd.s32 v16, v26;
	v26, _, _ =	vpop (xrf0)  }
0x56a: {  	v31 =	vsel vm5, $0x1, v1;
	v16 =	vld [tilespmem:s7+$0x10];
	v32 =	vadd.s32 v22, v10;
	v38 =	vadd.s32 v22, v19;
	v33, _, _ =	vpop (xrf0)  }
0x56b: {  	v28 =	vadd.s32 v28, v37;
	v36 =	vadd.s32 v27, v24;
	v22 =	vld [tilespmem:s7+$0xFFFFFFD0];
	v30 =	vadd.s32 v38, v35;
	(xrf0) =	vadd.scan.msk.s32 $0xffff, v31;
	v23, _, _ =	vpop (xrf0)  }
.Ltmp113:
0x56c: {  	v24 =	vadd.s32 v26, v20;
	v20 =	vadd.s32 v38, v10;
	[tilespmem:v25+s13+$0x0] =	vst.idx.msk vm10, v17;
	v17 =	vld [tilespmem:s7+$0xFFFFFFE0];
	v25, _, _ =	vpop (xrf0);
	v19 =	vmov v18;
	(pc) =	sbr.rel @p0 .LBB2_129-.Ltmp113, $4  }
0x56d: {  	v29 =	vadd.s32 v33, v29;
	v31 =	vadd.s32 v23, v32;
	v27 =	vld [tilespmem:s7+$0xFFFFFFF0];
	v25 =	vadd.s32 v25, v20  }
0x56e: {  	vm8 =	vmmov vm6;
	vm7 =	vmmov vm5;
	v26 =	vld [tilespmem:s7+$0x0]  }
0x56f: {  	vm6 =	vgt.f32 v15, v8;
	v23 =	vld [tilespmem:s7+$0xFFFFFFC0];
	vm5 =	vgt.f32 v16, v8  }
0x570: {  	v32 =	vsel vm6, $0x1, v1;
	v20 =	vadd.s32 v30, v10;
	vm11 =	vgt.f32 v22, v8;
	v18 =	vld [tilespmem:s7+$0x20];
	s7 =	sadd.s32 $0x400, s7;
	[tilespmem:v36+s13+$0x0] =	vst.idx.msk vm9, v34  }
0x571: {  	_ =	sdelay $0x2  }
0x572: {  	v33 =	vsel vm11, $0x1, v1;
	vm9 =	vgt.f32 v23, v8  }
0x573: {  	vm12 =	vgt.f32 v17, v8;
	vm10 =	vmmov vm11;
	v34 =	vmpcnt.ones.xlane vm9  }
0x574: {  	v35 =	vsel vm12, $0x1, v1;
	vm11 =	vgt.f32 v27, v8;
	v36 =	vmpcnt.ones.xlane vm10  }
0x575: {  	v37 =	vsel vm11, $0x1, v1;
	v34 =	vadd.s32 v30, v34;
	v30 =	vmpcnt.ones.xlane vm12  }
0x576: {  	(xrf0) =	vadd.scan.msk.s32 $0xffff, v33;
	vm13 =	vgt.f32 v26, v8;
	v58 =	vmpcnt.ones.xlane vm11;
	v57 =	vadd.s32 v34, v36  }
0x577: {  	(xrf0) =	vadd.scan.msk.s32 $0xffff, v35;
	v38 =	vmpcnt.ones.xlane vm13;
	v59 =	vsel vm9, $0x1, v1;
	v39 =	vadd.s32 v57, v30  }
0x578: {  	(xrf0) =	vadd.scan.msk.s32 $0xffff, v37;
	vm14 =	vgt.f32 v18, v8;
	v30 =	vmpcnt.ones.xlane vm5;
	v36 =	vadd.s32 v39, v58  }
0x579: {  	v60 =	vsel vm13, $0x1, v1;
	(xrf0) =	vadd.scan.msk.s32 $0xffff, v59;
	v61 =	vmpcnt.ones.xlane vm14;
	v35 =	vadd.s32 v36, v38  }
0x57a: {  	v40 =	vmpcnt.ones.xlane vm6;
	v41 =	vsel vm14, $0x1, v1;
	(xrf0) =	vadd.scan.msk.s32 $0xffff, v60;
	v62 =	vadd.s32 v35, v30  }
0x57b: {  	v42, _, _ =	vpop (xrf0);
	(xrf0) =	vadd.scan.msk.s32 $0xffff, v41;
	v38 =	vadd.s32 v62, v61  }
0x57c: {  	v51 =	vsel vm5, $0x1, v1;
	v63, _, _ =	vpop (xrf0);
	(xrf0) =	vadd.scan.msk.s32 $0xffff, v32;
	v30 =	vadd.s32 v38, v40  }
0x57d: {  	v52, _, _ =	vpop (xrf0);
	(xrf0) =	vadd.scan.msk.s32 $0xffff, v51;
	v53 =	vxor.u32 $0x80000000, v30  }
0x57e: {  	v43, _, _ =	vpop (xrf0);
	(xrf0) =	vmax.scan.msk.u32 $0xffff, v53  }
0x57f: {  	v54, _, _ =	vpop (xrf0)  }
0x580: {  	v44, _, _ =	vpop (xrf0)  }
0x581: {  	v45, _, _ =	vpop (xrf0)  }
0x582: {  	v46, _, _ =	vpop (xrf0)  }
0x583: {  	v47, _, _ =	vpop (xrf0)  }
0x584: {  	v48, _, _ =	vpop (xrf0)  }
0x585: {  	(v2sf) =	vpush v48, $0xF;
	_ =	sdelay $0x7  }
0x586: {  	v55 =	vadd.s32 v42, v21  }
0x587: {  	[tilespmem:v28+s13+$0x0] =	vst.idx.msk vm3, v12;
	v56 =	vadd.s32 v57, v10  }
0x588: {  	[tilespmem:v31+s13+$0x0] =	vst.idx.msk vm4, v19;
	v57 =	vadd.s32 v52, v56;
	v58 =	vadd.s32 v39, v10  }
0x589: {  	[tilespmem:v29+s13+$0x0] =	vst.idx.msk vm2, v13;
	v60 =	vadd.s32 v34, v10;
	v59 =	vadd.s32 v43, v58  }
0x58a: {  	[tilespmem:v25+s13+$0x0] =	vst.idx.msk vm8, v11;
	v11 =	vadd.s32 v36, v10;
	v61 =	vadd.s32 v63, v60  }
0x58b: {  	[tilespmem:v55+s13+$0x0] =	vst.idx.msk vm7, v9;
	v9 =	vadd.s32 v44, v11  }
0x58c: {  	[tilespmem:v24+s13+$0x0] =	vst.idx.msk vm1, v14;
	v62 =	vadd.s32 v62, v10;
	v11 =	vadd.s32 v54, v20  }
0x58d: {  	v63 =	vadd.s32 v38, v10;
	v21 =	vadd.s32 v45, v62;
	[tilespmem:v57+s13+$0x0] =	vst.idx.msk vm12, v17;
	s6 =	spop (v2sf)  }
0x58e: {  	v10 =	vadd.s32 v35, v10;
	v12 =	vadd.s32 v46, v63;
	[tilespmem:v59+s13+$0x0] =	vst.idx.msk vm11, v27;
	s1 =	sxor.u32 $0x80000000, s6  }
0x58f: {  	v10 =	vadd.s32 v47, v10;
	[tilespmem:v61+s13+$0x0] =	vst.idx.msk vm10, v22;
	p0 =	slt.s32 s1, $0x801  }
.Ltmp114:
0x590: {  	[tilespmem:v9+s13+$0x0] =	vst.idx.msk vm13, v26;
	(pc) =	sbr.rel @p0 .LBB2_164-.Ltmp114, $4  }
0x591: {  	[tilespmem:v11+s13+$0x0] =	vst.idx.msk vm9, v23  }
0x592: {  	[tilespmem:v21+s13+$0x0] =	vst.idx.msk vm14, v18  }
0x593: {  	[tilespmem:v12+s13+$0x0] =	vst.idx.msk vm6, v15  }
0x594: {  	vm1 =	vmmov vm6;
	vm2 =	vmmov vm5;
	[tilespmem:v10+s13+$0x0] =	vst.idx.msk vm5, v16  }
0x595: {  	s3 =	sadd.s32 $0x8000003F, s6  }
0x596: {  	s4 =	sand.u32 $0x3F, s3  }
0x597: {  	s31 =	sshra.s32 s3, $0x1F;
	p1 =	slt.s32 s3, $0x1;
	p0 =	sne.s32 s4, $0x0  }
0x598: {  	s4 =	sshrl.u32 s31, $0x1A;
	p0 =	por !p1, !p0  }
0x599: {  	s3 =	sadd.s32 s4, s3;
	s4 =	simm.s32 $0x1;
	p0 =	por !p0, !p0  }
0x59a: {  	s3 =	sshra.s32 s3, $0x6;
	s4 =	simm.s32 @!p0 $0x0  }
0x59b: {  	s3 =	ssub.s32 s3, s4  }
0x59c: {  	p0 =	slt.s32 s3, $0x1  }
.Ltmp115:
0x59d: {  	_ = 	snop;
	(pc) =	sbr.rel @p0 .LBB2_132-.Ltmp115, $2  }
0x59e: {  	_ =	sdelay $0x2  }
0x59f: {  	v9 =	vmov s1;
	s7 =	sshll.u32 s3, $0x2  }
0x5a0: {  	v11 =	vld [tilespmem:s9+$0x10];
	_ =	sdelay $0x3  }
0x5a1: {  	v12 =	vld [tilespmem:s9+$0xFFFFFFF0]  }
0x5a2: {  	v8 =	vld [tilespmem:s9+$0x0];
	p1 =	sgt.s32 s7, $0x4;
	v14 =	vxor.u32 $0x7FFFFFFF, v11;
	vm1 =	vlt.s32 v11, $0x0  }
.Ltmp116:
0x5a3: {  	v16 =	vsel vm1, v14, v11;
	v11 =	vld [tilespmem:s9+$0xFFFFFFE0];
	(pc) =	sbr.rel @!p1 .LBB2_144-.Ltmp116, $4  }
0x5a4: {  	s3 =	simm.s32 $0x30  }
0x5a5: {  	s8 =	simm.s32 $0x0;
	v15 =	vor.u32 s3, v0  }
0x5a6: {  	s1 =	simm.s32 $0x16020;
	s10 =	simm.s32 $0x10;
	s17 =	simm.s32 $0x20;
	v10 =	vor.u32 s8, v0;
	vm2 =	vlt.s32 v15, v9;
	v13 =	vxor.u32 $0x7FFFFFFF, v12  }
0x5a7: {  	s4 =	sadd.s32 $0x40, s9;
	s16 =	simm.s32 $0x16020;
	s3 =	simm.s32 $0x4;
	vm1 =	vlt.s32 v12, $0x0;
	v14 =	vxor.u32 $0x7FFFFFFF, v8;
	v15 =	vnsel vm2, $0x80000000, v16  }
.LBB2_143:
0x5a8: {  	v16 =	vld [tilespmem:s4+$0x10];
	s3 =	sadd.s32 $0x4, s3;
	v17 =	vxor.u32 $0x7FFFFFFF, v11;
	vm2 =	vlt.s32 v11, $0x0;
	vm3 =	vlt.s32 v8, $0x0;
	[tilespmem:s16+$0x10] =	vst v15  }
0x5a9: {  	v18 =	vor.u32 s17, v0;
	v15 =	vld [tilespmem:s4+$0xFFFFFFF0];
	p1 =	slt.s32 s3, s7;
	v17 =	vsel vm2, v17, v11;
	v11 =	vor.u32 s10, v0  }
0x5aa: {  	v12 =	vsel vm1, v13, v12;
	v13 =	vsel vm3, v14, v8;
	vm1 =	vlt.s32 v11, v9;
	v8 =	vld [tilespmem:s4+$0x0]  }
.Ltmp117:
0x5ab: {  	s8 =	sadd.s32 $0x40, s8;
	vm2 =	vlt.s32 v10, v9;
	v11 =	vld [tilespmem:s4+$0xFFFFFFE0];
	v12 =	vnsel vm1, $0x80000000, v12;
	vm1 =	vlt.s32 v18, v9;
	(pc) =	sbr.rel @p1 .LBB2_143-.Ltmp117, $4  }
0x5ac: {  	v10 =	vor.u32 s8, v0;
	s10 =	sadd.s32 $0x10, s8;
	s17 =	sadd.s32 $0x20, s8;
	s5 =	sadd.s32 $0x30, s8;
	v14 =	vnsel vm2, $0x80000000, v17;
	[tilespmem:s16+$0xFFFFFFF0] =	vst v12;
	v19 =	vnsel vm1, $0x80000000, v13  }
0x5ad: {  	v18 =	vor.u32 s5, v0;
	v17 =	vxor.u32 $0x7FFFFFFF, v16;
	vm1 =	vlt.s32 v16, $0x0;
	[tilespmem:s16+$0xFFFFFFE0] =	vst v14  }
0x5ae: {  	vm2 =	vlt.s32 v18, v9;
	v13 =	vxor.u32 $0x7FFFFFFF, v15;
	v16 =	vsel vm1, v17, v16;
	[tilespmem:s16+$0x0] =	vst v19;
	v12 =	vmovc v15  }
0x5af: {  	s4 =	sadd.s32 $0x40, s4;
	s16 =	sadd.s32 $0x40, s16;
	vm1 =	vlt.s32 v12, $0x0;
	v14 =	vxor.u32 $0x7FFFFFFF, v8;
	v15 =	vnsel vm2, $0x80000000, v16  }
.LBB2_144:
0x5b0: {  	v16 =	vxor.u32 $0x7FFFFFFF, v11  }
0x5b1: {  	vm2 =	vlt.s32 v11, $0x0;
	v63 =	vor.u32 s10, v0;
	v12 =	vsel vm1, v13, v12  }
0x5b2: {  	v13 =	vor.u32 s17, v0;
	vm3 =	vlt.s32 v10, v9;
	vm1 =	vlt.s32 v63, v9  }
0x5b3: {  	[tilespmem:s16+$0x10] =	vst v15;
	v11 =	vsel vm2, v16, v11;
	vm2 =	vlt.s32 v8, $0x0;
	v10 =	vnsel vm1, $0x80000000, v12  }
0x5b4: {  	v8 =	vsel vm2, v14, v8;
	vm1 =	vlt.s32 v13, v9;
	v11 =	vnsel vm3, $0x80000000, v11;
	[tilespmem:s16+$0xFFFFFFF0] =	vst v10  }
0x5b5: {  	p2 =	sgt.s32 s7, $0x4;
	v8 =	vnsel vm1, $0x80000000, v8;
	[tilespmem:s16+$0xFFFFFFE0] =	vst v11  }
.Ltmp118:
0x5b6: {  	[tilespmem:s16+$0x0] =	vst v8;
	(pc) =	sbr.rel @!p2 .LBB2_145-.Ltmp118, $4  }
0x5b7: {  	v13 =	vld [tilespmem:s1+$0xFFFFFFE0]  }
0x5b8: {  	v11 =	vld [tilespmem:s1+$0xFFFFFFF0]  }
0x5b9: {  	v12 =	vld [tilespmem:s1+$0x0]  }
0x5ba: {  	p1 =	por $0x0, $0x0;
	v8 =	vimm.s32 $0x0;
	v10 =	vld [tilespmem:s1+$0x10]  }
0x5bb: {  	_ = 	snop  }
0x5bc: {  	p2 =	sgt.s32 s7, $0x8;
	vm1 =	vgt.s32 v13, $0xFFFFFFFF  }
.Ltmp119:
0x5bd: {  	s1 =	simm.s32 $0x16060;
	v14 =	vmpcnt.ones.xlane vm1;
	vm1 =	vgt.s32 v11, $0xFFFFFFFF;
	(pc) =	sbr.rel @!p2 .LBB2_152-.Ltmp119, $4  }
0x5be: {  	v13 =	vld [tilespmem:s1+$0xFFFFFFE0];
	v15 =	vmpcnt.ones.xlane vm1;
	vm1 =	vgt.s32 v12, $0xFFFFFFFF  }
0x5bf: {  	v11 =	vld [tilespmem:s1+$0xFFFFFFF0];
	v14 =	vadd.s32 v8, v14;
	v16 =	vmpcnt.ones.xlane vm1  }
0x5c0: {  	v12 =	vld [tilespmem:s1+$0x0];
	vm1 =	vgt.s32 v10, $0xFFFFFFFF;
	v15 =	vadd.s32 v15, v14  }
0x5c1: {  	s3 =	simm.s32 $0x8;
	p1 =	por $0x1, $0x1;
	v10 =	vld [tilespmem:s1+$0x10];
	v14 =	vmpcnt.ones.xlane vm1;
	v15 =	vadd.s32 v16, v15  }
.LBB2_151:
0x5c2: {  	s3 =	sadd.s32 $0x4, s3  }
0x5c3: {  	vm1 =	vgt.s32 v13, $0xFFFFFFFF;
	s1 =	sadd.s32 $0x40, s1;
	v14 =	vadd.s32 v14, v15;
	p2 =	slt.s32 s3, s7  }
.Ltmp120:
0x5c4: {  	v13 =	vld [tilespmem:s1+$0xFFFFFFE0];
	v15 =	vmpcnt.ones.xlane vm1;
	vm1 =	vgt.s32 v11, $0xFFFFFFFF;
	(pc) =	sbr.rel @p2 .LBB2_151-.Ltmp120, $4  }
0x5c5: {  	v11 =	vld [tilespmem:s1+$0xFFFFFFF0];
	v16 =	vmpcnt.ones.xlane vm1;
	vm1 =	vgt.s32 v12, $0xFFFFFFFF  }
0x5c6: {  	v12 =	vld [tilespmem:s1+$0x0];
	v14 =	vadd.s32 v14, v15;
	v15 =	vmpcnt.ones.xlane vm1;
	vm1 =	vgt.s32 v10, $0xFFFFFFFF  }
0x5c7: {  	v10 =	vld [tilespmem:s1+$0x10];
	v16 =	vadd.s32 v16, v14;
	v14 =	vmpcnt.ones.xlane vm1  }
0x5c8: {  	v15 =	vadd.s32 v15, v16  }
.LBB2_152:
0x5c9: {  	_ = 	snop  }
0x5ca: {  	vm1 =	vgt.s32 v13, $0xFFFFFFFF  }
0x5cb: {  	v13 =	vadd.s32 @p1 v14, v15;
	v63 =	vmpcnt.ones.xlane vm1;
	vm1 =	vgt.s32 v11, $0xFFFFFFFF  }
0x5cc: {  	v8 =	vpsel p1, v13, v8;
	v11 =	vmpcnt.ones.xlane vm1;
	vm1 =	vgt.s32 v12, $0xFFFFFFFF  }
0x5cd: {  	v8 =	vadd.s32 v8, v63;
	v12 =	vmpcnt.ones.xlane vm1;
	vm1 =	vgt.s32 v10, $0xFFFFFFFF  }
0x5ce: {  	v8 =	vadd.s32 v11, v8;
	v10 =	vmpcnt.ones.xlane vm1  }
0x5cf: {  	v8 =	vadd.s32 v12, v8  }
0x5d0: {  	v8 =	vadd.s32 v10, v8  }
.Ltmp121:
0x5d1: {  	(pc) =	sbr.rel .LBB2_147-.Ltmp121, $2  }
0x5d2: {  	_ =	sdelay $0x2  }
0x5d3: {  	v8 =	vxor.u32 $0x80000000, v8  }
.LBB2_132:
0x5d4: {  	v8 =	vimm.s32 $0x80000000  }
.LBB2_147:
0x5d5: {  	(xrf0) =	vmax.scan.msk.u32 $0xffff, v8;
	_ =	sdelay $0x5  }
0x5d6: {  	v8, _, _ =	vpop (xrf0)  }
0x5d7: {  	(v2sf) =	vpush v8, $0xF;
	_ =	sdelay $0xc  }
.Ltmp122:
0x5d8: {  	_ = 	snop;
	(pc) =	sbr.rel .LBB2_148-.Ltmp122, $4  }
0x5d9: {  	_ = 	snop  }
0x5da: {  	s1 =	spop (v2sf)  }
0x5db: {  	s8 =	simm.s32 $0x0;
	p1 =	sgt.u32 s1, $0x80000063  }
0x5dc: {  	s19 =	simm.s32 $0x0;
	s8 =	simm.s32 @!p1 $0x80000000  }
.LBB2_149:
0x5dd: {  	v8 =	vimm.s32 $0x80000000  }
.LBB2_154:
0x5de: {  	(xrf0) =	vmax.scan.msk.u32 $0xffff, v8;
	_ =	sdelay $0x5  }
0x5df: {  	v8, _, _ =	vpop (xrf0)  }
0x5e0: {  	(v2sf) =	vpush v8, $0xF;
	_ =	sdelay $0xa  }
0x5e1: {  	s19 =	sadd.s32 $0x1, s19  }
0x5e2: {  	p2 =	seq.s32 s19, $0x10  }
.Ltmp123:
0x5e3: {  	_ = 	snop;
	(pc) =	sbr.rel @p2 .LBB2_155-.Ltmp123, $4  }
0x5e4: {  	_ = 	snop  }
0x5e5: {  	s3 =	spop (v2sf)  }
0x5e6: {  	p1 =	sgt.u32 s3, $0x80000063  }
0x5e7: {  	s8 =	smov.u32 @p1 s1  }
.LBB2_148:
.Ltmp124:
0x5e8: {  	(pc) =	sbr.rel @p0 .LBB2_149-.Ltmp124, $3  }
0x5e9: {  	_ =	sdelay $0x1  }
0x5ea: {  	s1 =	sshrl.u32 s14, s19  }
0x5eb: {  	s1 =	sor.u32 s1, s8  }
0x5ec: {  	p2 =	sgt.s32 s7, $0x4  }
.Ltmp125:
0x5ed: {  	s3 =	simm.s32 $0x16020;
	(pc) =	sbr.rel @!p2 .LBB2_158-.Ltmp125, $4  }
0x5ee: {  	v14 =	vld [tilespmem:s3+$0xFFFFFFE0]  }
0x5ef: {  	v12 =	vld [tilespmem:s3+$0xFFFFFFF0]  }
0x5f0: {  	v13 =	vld [tilespmem:s3+$0x0]  }
0x5f1: {  	v8 =	vmov s1;
	v10 =	vimm.s32 $0x0;
	p1 =	por $0x0, $0x0;
	v11 =	vld [tilespmem:s3+$0x10]  }
0x5f2: {  	_ = 	snop  }
0x5f3: {  	p2 =	sgt.s32 s7, $0x8;
	vm1 =	vge.s32 v14, v8  }
.Ltmp126:
0x5f4: {  	s3 =	simm.s32 $0x16060;
	v15 =	vmpcnt.ones.xlane vm1;
	vm1 =	vge.s32 v12, v8;
	(pc) =	sbr.rel @!p2 .LBB2_161-.Ltmp126, $4  }
0x5f5: {  	v14 =	vld [tilespmem:s3+$0xFFFFFFE0];
	v16 =	vmpcnt.ones.xlane vm1;
	vm1 =	vge.s32 v13, v8  }
0x5f6: {  	v12 =	vld [tilespmem:s3+$0xFFFFFFF0];
	v15 =	vadd.s32 v10, v15;
	v17 =	vmpcnt.ones.xlane vm1  }
0x5f7: {  	v13 =	vld [tilespmem:s3+$0x0];
	vm1 =	vge.s32 v11, v8;
	v16 =	vadd.s32 v16, v15  }
0x5f8: {  	s4 =	simm.s32 $0x8;
	p1 =	por $0x1, $0x1;
	v11 =	vld [tilespmem:s3+$0x10];
	v15 =	vmpcnt.ones.xlane vm1;
	v16 =	vadd.s32 v17, v16  }
.LBB2_160:
0x5f9: {  	s4 =	sadd.s32 $0x4, s4  }
0x5fa: {  	vm1 =	vge.s32 v14, v8;
	s3 =	sadd.s32 $0x40, s3;
	v15 =	vadd.s32 v15, v16;
	p2 =	slt.s32 s4, s7  }
.Ltmp127:
0x5fb: {  	v14 =	vld [tilespmem:s3+$0xFFFFFFE0];
	v16 =	vmpcnt.ones.xlane vm1;
	vm1 =	vge.s32 v12, v8;
	(pc) =	sbr.rel @p2 .LBB2_160-.Ltmp127, $4  }
0x5fc: {  	v12 =	vld [tilespmem:s3+$0xFFFFFFF0];
	v17 =	vmpcnt.ones.xlane vm1;
	vm1 =	vge.s32 v13, v8  }
0x5fd: {  	v13 =	vld [tilespmem:s3+$0x0];
	v15 =	vadd.s32 v15, v16;
	v16 =	vmpcnt.ones.xlane vm1;
	vm1 =	vge.s32 v11, v8  }
0x5fe: {  	v11 =	vld [tilespmem:s3+$0x10];
	v17 =	vadd.s32 v17, v15;
	v15 =	vmpcnt.ones.xlane vm1  }
0x5ff: {  	v16 =	vadd.s32 v16, v17  }
.LBB2_161:
0x600: {  	_ = 	snop  }
0x601: {  	vm1 =	vge.s32 v14, v8  }
0x602: {  	v14 =	vadd.s32 @p1 v15, v16;
	v63 =	vmpcnt.ones.xlane vm1;
	vm1 =	vge.s32 v12, v8  }
0x603: {  	v10 =	vpsel p1, v14, v10;
	v12 =	vmpcnt.ones.xlane vm1;
	vm1 =	vge.s32 v13, v8  }
0x604: {  	v10 =	vadd.s32 v10, v63;
	v13 =	vmpcnt.ones.xlane vm1;
	vm1 =	vge.s32 v11, v8  }
0x605: {  	v8 =	vadd.s32 v12, v10;
	v10 =	vmpcnt.ones.xlane vm1  }
0x606: {  	v8 =	vadd.s32 v13, v8  }
0x607: {  	v8 =	vadd.s32 v10, v8  }
.Ltmp128:
0x608: {  	(pc) =	sbr.rel .LBB2_154-.Ltmp128, $2  }
0x609: {  	_ =	sdelay $0x2  }
0x60a: {  	v8 =	vxor.u32 $0x80000000, v8  }
.LBB2_158:
.Ltmp129:
0x60b: {  	(pc) =	sbr.rel .LBB2_161-.Ltmp129, $2  }
0x60c: {  	_ =	sdelay $0x2  }
0x60d: {  	_ = 	snop  }
.LBB2_155:
0x60e: {  	s1 =	sadd.s32 $0x8000001F, s6  }
0x60f: {  	s3 =	sand.u32 $0x1F, s1  }
0x610: {  	s31 =	sshra.s32 s1, $0x1F;
	p1 =	slt.s32 s1, $0x1;
	p0 =	sne.s32 s3, $0x0  }
0x611: {  	s3 =	sshrl.u32 s31, $0x1B;
	p0 =	por !p1, !p0  }
0x612: {  	s1 =	sadd.s32 s3, s1;
	s3 =	simm.s32 $0x1;
	p0 =	por !p0, !p0  }
0x613: {  	s1 =	sshra.s32 s1, $0x5;
	s3 =	simm.s32 @!p0 $0x0  }
0x614: {  	s1 =	ssub.s32 s1, s3  }
0x615: {  	p0 =	slt.s32 s1, $0x1  }
.Ltmp130:
0x616: {  	_ = 	snop;
	(pc) =	sbr.rel @p0 .LBB2_156-.Ltmp130, $4  }
0x617: {  	_ = 	snop  }
0x618: {  	v8 =	vmov s8  }
0x619: {  	v10 =	vxor.u32 $0x7FFFFFFF, v8;
	vm1 =	vlt.s32 v8, $0x0  }
0x61a: {  	v8 =	vnsel vm1, s8, v10  }
0x61b: {  	s26 =	sshll.u32 s1, $0x1  }
0x61c: {  	p2 =	sgt.s32 s26, $0x2  }
.Ltmp131:
0x61d: {  	_ = 	snop;
	(pc) =	sbr.rel @!p2 .LBB2_169-.Ltmp131, $3  }
0x61e: {  	_ =	sdelay $0x1  }
0x61f: {  	s6 =	sadd.s32 $0xE000, s24  }
0x620: {  	v10 =	vimm.s32 $0x0;
	s7 =	simm.s32 $0x10;
	p0 =	por $0x0, $0x0;
	p1 =	por $0x0, $0x0  }
0x621: {  	v11 =	vld [tilespmem:s18+$0xFFFFFFF0]  }
0x622: {  	v12 =	vld [tilespmem:s18+$0x0];
	_ =	sdelay $0x1  }
0x623: {  	s1 =	simm.s32 $0x0;
	p2 =	sgt.s32 s26, $0x4  }
.Ltmp132:
0x624: {  	v13 =	vor.u32 s1, v0;
	(pc) =	sbr.rel @!p2 .LBB2_171-.Ltmp132, $4  }
0x625: {  	vm2 =	vlt.s32 v13, v9;
	v13 =	vor.u32 s7, v0;
	vm1 =	vgt.f32 v11, v8  }
0x626: {  	vm3 =	vlt.s32 v13, v9;
	vm2 =	vmand vm2, vm1;
	vm1 =	vgt.f32 v12, v8  }
0x627: {  	v13 =	vsel vm2, $0x1, v1;
	vm4 =	vmand vm3, vm1  }
0x628: {  	p0 =	por $0x1, $0x1;
	v15 =	vmpcnt.ones.xlane vm2;
	v20 =	vsel vm4, $0x1, v1;
	v16 =	vmpcnt.ones.xlane vm4;
	(xrf0) =	vadd.scan.msk.s32 $0xffff, v13  }
0x629: {  	s8 =	sadd.s32 $0x20, s18  }
0x62a: {  	v22 =	vld [tilespmem:s8+$0xFFFFFFF0]  }
0x62b: {  	(xrf0) =	vadd.scan.msk.s32 $0xffff, v20;
	v19 =	vld [tilespmem:s8+$0x0];
	_ =	sdelay $0x1  }
0x62c: {  	vm3 =	vmmov vm4;
	s1 =	simm.s32 $0x20;
	p2 =	sgt.s32 s26, $0x6;
	v13 =	vadd.s32 v10, v15  }
.Ltmp133:
0x62d: {  	s19 =	simm.s32 $0x30;
	vm1 =	vmmov vm2;
	v15 =	vor.u32 s1, v0;
	v14 =	vadd.s32 v13, v16;
	(pc) =	sbr.rel @!p2 .LBB2_173-.Ltmp133, $4  }
0x62e: {  	vm4 =	vlt.s32 v15, v9;
	v15 =	vor.u32 s19, v0;
	vm2 =	vgt.f32 v22, v8  }
0x62f: {  	vm5 =	vlt.s32 v15, v9;
	v17, _, _ =	vpop (xrf0);
	vm2 =	vmand vm4, vm2;
	vm4 =	vgt.f32 v19, v8  }
0x630: {  	v18, _, _ =	vpop (xrf0);
	v24 =	vadd.s32 v17, v10;
	v21 =	vsel vm2, $0x1, v1;
	vm4 =	vmand vm5, vm4  }
0x631: {  	p1 =	por $0x1, $0x1;
	s1 =	simm.s32 $0x6;
	v17 =	vmovc v14;
	v15 =	vmpcnt.ones.xlane vm2;
	v20 =	vsel vm4, $0x1, v1;
	v16 =	vmpcnt.ones.xlane vm4;
	(xrf0) =	vadd.scan.msk.s32 $0xffff, v21  }
.LBB2_174:
0x632: {  	(xrf0) =	vadd.scan.msk.s32 $0xffff, v20;
	v20 =	vadd.s32 $0xFFFFFFFF, v24;
	v18 =	vadd.s32 v18, v13  }
0x633: {  	s1 =	sadd.s32 $0x2, s1;
	s8 =	sadd.s32 $0x20, s8;
	v13 =	vadd.s32 v14, v15;
	vm5 =	vmmov vm3;
	vm3 =	vmmov vm4  }
0x634: {  	p2 =	slt.s32 s1, s26;
	v15 =	vld [tilespmem:s8+$0xFFFFFFF0];
	v14 =	vadd.s32 v13, v16;
	v16 =	vadd.s32 $0xFFFFFFFF, v18  }
0x635: {  	v21 =	vld [tilespmem:s8+$0x0]  }
0x636: {  	s19 =	sadd.s32 $0x20, s19  }
0x637: {  	s3 =	sadd.s32 $0xFFFFFFF0, s19  }
.Ltmp134:
0x638: {  	v24 =	vor.u32 s3, v0;
	v23, _, _ =	vpop (xrf0);
	[tilespmem:v20+s6+$0x0] =	vst.idx.msk vm1, v11;
	v11 =	vmov v22;
	vm1 =	vmmov vm2;
	(pc) =	sbr.rel @p2 .LBB2_174-.Ltmp134, $4  }
0x639: {  	vm4 =	vlt.s32 v24, v9;
	v20 =	vor.u32 s19, v0;
	vm2 =	vgt.f32 v15, v8;
	v18, _, _ =	vpop (xrf0);
	[tilespmem:v16+s6+$0x0] =	vst.idx.msk vm5, v12  }
0x63a: {  	vm5 =	vlt.s32 v20, v9;
	v22 =	vmovc v15;
	v12 =	vmovc v19;
	vm2 =	vmand vm4, vm2;
	vm4 =	vgt.f32 v21, v8  }
0x63b: {  	v19 =	vmovc v21;
	v24 =	vsel vm2, $0x1, v1;
	v15 =	vmpcnt.ones.xlane vm2;
	vm4 =	vmand vm5, vm4  }
0x63c: {  	v20 =	vsel vm4, $0x1, v1;
	v16 =	vmpcnt.ones.xlane vm4;
	(xrf0) =	vadd.scan.msk.s32 $0xffff, v24;
	v24 =	vadd.s32 v23, v17;
	v17 =	vmovc v14  }
0x63d: {  	v21 =	vmovc v11;
	v23 =	vmov v12;
	v11 =	vmov v22;
	v12 =	vmov v19  }
.LBB2_176:
0x63e: {  	s1 =	sadd.s32 @p0 $0x20, s8;
	s3 =	smov.u32 s18  }
0x63f: {  	s3 =	smov.u32 @p0 s1  }
0x640: {  	v19 =	vld [tilespmem:s3+$0xFFFFFFF0]  }
0x641: {  	s1 =	sadd.s32 @p0 $0x20, s19;
	v22 =	vld [tilespmem:s3+$0x0]  }
0x642: {  	s7 =	smov.u32 @p0 s1  }
0x643: {  	s1 =	sadd.s32 $0xFFFFFFF0, s7  }
0x644: {  	v25 =	vor.u32 s1, v0  }
0x645: {  	v56 =	vor.u32 s7, v0;
	vm6 =	vlt.s32 v25, v9;
	vm5 =	vgt.f32 v19, v8  }
0x646: {  	(xrf0) =	vadd.scan.msk.s32 @p0 $0xffff, v20;
	vm7 =	vlt.s32 v56, v9;
	vm15 =	vgt.f32 v22, v8;
	vm6 =	vmand vm6, vm5  }
0x647: {  	v13 =	vadd.s32 @p1 v18, v13;
	vm5 =	vmand vm7, vm15;
	v57 =	vsel vm6, $0x1, v1  }
0x648: {  	vm3 =	vmmov @p1 vm3;
	v9 =	vadd.s32 @p0 v14, v15;
	v58 =	vsel vm5, $0x1, v1;
	(xrf0) =	vadd.scan.msk.s32 $0xffff, v57  }
0x649: {  	vm4 =	vmmov @p0 vm4;
	vm2 =	vmmov @p0 vm2;
	v14 =	vadd.s32 @p0 v9, v16;
	v16, _, _ =	vpop @p0 (xrf0);
	(xrf0) =	vadd.scan.msk.s32 $0xffff, v58  }
0x64a: {  	v13 =	vadd.s32 @p1 $0xFFFFFFFF, v13;
	vm4 =	vmmov @p0 vm4;
	vm2 =	vmmov @p0 vm2  }
0x64b: {  	vm4 =	vmmov @p0 vm4;
	v15 =	vadd.s32 @p1 $0xFFFFFFFF, v24;
	v16 =	vadd.s32 @p0 v16, v17  }
0x64c: {  	v9 =	vpsel p0, v9, v0;
	v17, _, _ =	vpop @p0 (xrf0);
	v10 =	vpsel p0, v14, v10;
	v14 =	vpsel p0, v16, v0  }
0x64d: {  	v16 =	vpsel p0, v17, v0;
	v59 =	vmpcnt.ones.xlane vm6;
	v14 =	vadd.s32 @p0 $0xFFFFFFFF, v14  }
0x64e: {  	v9 =	vadd.s32 @p0 v16, v9;
	vm7 =	vmmov vm5;
	vm6 =	vmmov vm6;
	v61, _, _ =	vpop (xrf0)  }
0x64f: {  	v9 =	vadd.s32 @p0 $0xFFFFFFFF, v9;
	v60 =	vadd.s32 v10, v59;
	v10 =	vadd.s32 v61, v10;
	v62, _, _ =	vpop (xrf0)  }
0x650: {  	vm7 =	vmmov vm7;
	v10 =	vadd.s32 $0xFFFFFFFF, v10;
	v16 =	vadd.s32 v62, v60  }
0x651: {  	[tilespmem:v13+s6+$0x0] =	vst.idx.msk @p1 vm3, v23;
	v63 =	vadd.s32 $0xFFFFFFFF, v16  }
0x652: {  	v11 =	vpsel p0, v11, v0;
	[tilespmem:v15+s6+$0x0] =	vst.idx.msk @p1 vm1, v21  }
0x653: {  	v12 =	vpsel p0, v12, v0;
	[tilespmem:v14+s6+$0x0] =	vst.idx.msk @p0 vm2, v11  }
0x654: {  	v11 =	vmpcnt.ones.xlane vm5;
	[tilespmem:v9+s6+$0x0] =	vst.idx.msk @p0 vm4, v12  }
0x655: {  	[tilespmem:v10+s6+$0x0] =	vst.idx.msk vm6, v19  }
0x656: {  	v9 =	vadd.s32 v60, v11;
	[tilespmem:v63+s6+$0x0] =	vst.idx.msk vm7, v22  }
.Ltmp135:
0x657: {  	(pc) =	sbr.rel .LBB2_163-.Ltmp135, $2  }
0x658: {  	_ =	sdelay $0x2  }
0x659: {  	v9 =	vxor.u32 $0x80000000, v9  }
.LBB2_145:
.Ltmp136:
0x65a: {  	(pc) =	sbr.rel .LBB2_152-.Ltmp136, $2  }
0x65b: {  	_ =	sdelay $0x2  }
0x65c: {  	_ = 	snop  }
.LBB2_169:
.Ltmp137:
0x65d: {  	(pc) =	sbr.rel .LBB2_176-.Ltmp137, $2  }
0x65e: {  	_ =	sdelay $0x2  }
0x65f: {  	v14 =	vimm.s32 $0x0;
	s8 =	smov.u32 s18;
	s19 =	simm.s32 $0x10  }
.LBB2_171:
.Ltmp138:
0x660: {  	(pc) =	sbr.rel .LBB2_176-.Ltmp138, $2  }
0x661: {  	_ =	sdelay $0x2  }
0x662: {  	v14 =	vimm.s32 $0x0;
	s8 =	smov.u32 s18;
	s19 =	simm.s32 $0x10;
	v17 =	vimm.s32 $0x0  }
.LBB2_173:
.Ltmp139:
0x663: {  	(pc) =	sbr.rel .LBB2_176-.Ltmp139, $2  }
0x664: {  	_ =	sdelay $0x2  }
0x665: {  	v21 =	vmovc v11;
	v23 =	vmovc v12;
	v11 =	vmov v22;
	v12 =	vmov v19;
	v17 =	vmov v14  }
.LBB2_165:
.Ltmp140:
0x666: {  	(pc) =	sbr.rel .LBB2_166-.Ltmp140, $2  }
0x667: {  	_ =	sdelay $0x2  }
0x668: {  	v6 =	vxor.u32 $0x80000000, v6;
	s0 =	simm.s32 $0x0;
	s2 =	simm.s32 $0xE020;
	s9 =	simm.s32 $0xE010  }
.LBB2_192:
0x669: {  	v13 =	vimm.s32 $0x0;
	s8 =	smov.u32 s9;
	s19 =	simm.s32 $0x10  }
.LBB2_204:
0x66a: {  	s1 =	sadd.s32 @p0 $0x20, s8;
	s3 =	smov.u32 s9  }
0x66b: {  	s3 =	smov.u32 @p0 s1  }
0x66c: {  	v18 =	vld [tilespmem:s3+$0xFFFFFFF0]  }
0x66d: {  	s1 =	sadd.s32 @p0 $0x20, s19;
	v21 =	vld [tilespmem:s3+$0x0]  }
0x66e: {  	s7 =	smov.u32 @p0 s1  }
0x66f: {  	s1 =	sadd.s32 $0xFFFFFFF0, s7  }
0x670: {  	v24 =	vor.u32 s1, v0  }
0x671: {  	v56 =	vor.u32 s7, v0;
	vm5 =	vlt.s32 v24, v7;
	vm4 =	vgt.f32 v18, v8  }
0x672: {  	(xrf0) =	vadd.scan.msk.s32 @p0 $0xffff, v19;
	vm6 =	vlt.s32 v56, v7;
	vm15 =	vgt.f32 v21, v8;
	vm4 =	vmand vm5, vm4  }
0x673: {  	v12 =	vadd.s32 @p1 v17, v12;
	vm5 =	vmand vm6, vm15;
	v8 =	vsel vm4, $0x1, v1  }
0x674: {  	vm2 =	vmmov @p1 vm2;
	v7 =	vadd.s32 @p0 v13, v14;
	v57 =	vsel vm5, $0x1, v1;
	(xrf0) =	vadd.scan.msk.s32 $0xffff, v8  }
0x675: {  	vm3 =	vmmov @p0 vm3;
	vm1 =	vmmov @p0 vm1;
	v8 =	vadd.s32 @p0 v7, v15;
	v15, _, _ =	vpop @p0 (xrf0);
	(xrf0) =	vadd.scan.msk.s32 $0xffff, v57  }
0x676: {  	v12 =	vadd.s32 @p1 $0xFFFFFFFF, v12;
	vm3 =	vmmov @p0 vm3;
	vm1 =	vmmov @p0 vm1  }
0x677: {  	vm3 =	vmmov @p0 vm3;
	v13 =	vadd.s32 @p1 $0xFFFFFFFF, v23;
	v58 =	vmpcnt.ones.xlane vm4  }
0x678: {  	vm5 =	vmmov vm5;
	v7 =	vpsel p0, v7, v0;
	v14 =	vadd.s32 @p0 v15, v16;
	v15, _, _ =	vpop @p0 (xrf0)  }
0x679: {  	v8 =	vpsel p0, v8, v9;
	v9 =	vpsel p0, v14, v0;
	v14 =	vpsel p0, v15, v0  }
0x67a: {  	vm4 =	vmmov vm4;
	v9 =	vadd.s32 @p0 $0xFFFFFFFF, v9;
	v7 =	vadd.s32 @p0 v14, v7;
	v60, _, _ =	vpop (xrf0)  }
0x67b: {  	v59 =	vadd.s32 v8, v58;
	v7 =	vadd.s32 @p0 $0xFFFFFFFF, v7;
	v61, _, _ =	vpop (xrf0);
	v8 =	vadd.s32 v60, v8  }
0x67c: {  	vm5 =	vmmov vm5;
	v8 =	vadd.s32 $0xFFFFFFFF, v8;
	v62 =	vadd.s32 v61, v59  }
0x67d: {  	[tilespmem:v12+s6+$0x0] =	vst.idx.msk @p1 vm2, v22;
	v63 =	vadd.s32 $0xFFFFFFFF, v62  }
0x67e: {  	v10 =	vpsel p0, v10, v0;
	[tilespmem:v13+s6+$0x0] =	vst.idx.msk @p1 vm0, v20  }
0x67f: {  	v11 =	vpsel p0, v11, v0;
	[tilespmem:v9+s6+$0x0] =	vst.idx.msk @p0 vm1, v10  }
0x680: {  	[tilespmem:v7+s6+$0x0] =	vst.idx.msk @p0 vm3, v11  }
0x681: {  	[tilespmem:v8+s6+$0x0] =	vst.idx.msk vm4, v18  }
0x682: {  	[tilespmem:v63+s6+$0x0] =	vst.idx.msk vm5, v21  }
.LBB2_205:
0x683: {  	s0 =	sadd.s32 $0x1, s0  }
0x684: {  	p0 =	seq.s32 s0, $0x8  }
.Ltmp141:
0x685: {  	_ = 	snop;
	(pc) =	sbr.rel @p0 .LBB2_206-.Ltmp141, $2  }
0x686: {  	_ =	sdelay $0x2  }
0x687: {  	s2 =	sadd.s32 $0x1000, s2;
	s9 =	sadd.s32 $0x1000, s9  }
.LBB2_166:
0x688: {  	v7 =	vmov s0  }
0x689: {  	vm0 =	veq.s32 v7, v0  }
0x68a: {  	v7 =	vnsel vm0, $0x80000000, v6  }
0x68b: {  	(xrf0) =	vmax.scan.msk.u32 $0xffff, v7;
	_ =	sdelay $0x5  }
0x68c: {  	v7, _, _ =	vpop (xrf0)  }
0x68d: {  	(v2sf) =	vpush v7, $0xF;
	_ =	sdelay $0xe  }
0x68e: {  	s6 =	spop (v2sf)  }
0x68f: {  	s1 =	sadd.s32 $0x8000003F, s6  }
0x690: {  	s3 =	sand.u32 $0x3F, s1  }
0x691: {  	s4 =	sshra.s32 s1, $0x1F;
	p0 =	slt.s32 s1, $0x1;
	p1 =	sne.s32 s3, $0x0  }
0x692: {  	s30 =	sshrl.u32 s4, $0x1A;
	p0 =	por !p0, !p1  }
0x693: {  	s3 =	simm.s32 $0x1;
	s1 =	sadd.s32 s30, s1;
	p0 =	por !p0, !p0  }
0x694: {  	s1 =	sshra.s32 s1, $0x6;
	s3 =	simm.s32 @!p0 $0x0  }
0x695: {  	s1 =	ssub.s32 s1, s3  }
0x696: {  	p0 =	slt.s32 s1, $0x1  }
.Ltmp142:
0x697: {  	_ = 	snop;
	(pc) =	sbr.rel @p0 .LBB2_167-.Ltmp142, $3  }
0x698: {  	_ =	sdelay $0x1  }
0x699: {  	s31 =	sxor.u32 $0x80000000, s6  }
0x69a: {  	v7 =	vmov s31;
	s7 =	sshll.u32 s1, $0x2  }
0x69b: {  	v10 =	vld [tilespmem:s2+$0x10];
	_ =	sdelay $0x3  }
0x69c: {  	v11 =	vld [tilespmem:s2+$0xFFFFFFF0]  }
0x69d: {  	v8 =	vld [tilespmem:s2+$0x0];
	p1 =	sgt.s32 s7, $0x4;
	v13 =	vxor.u32 $0x7FFFFFFF, v10;
	vm0 =	vlt.s32 v10, $0x0  }
.Ltmp143:
0x69e: {  	v15 =	vsel vm0, v13, v10;
	v10 =	vld [tilespmem:s2+$0xFFFFFFE0];
	(pc) =	sbr.rel @!p1 .LBB2_179-.Ltmp143, $4  }
0x69f: {  	s3 =	simm.s32 $0x30  }
0x6a0: {  	s8 =	simm.s32 $0x0;
	v14 =	vor.u32 s3, v0  }
0x6a1: {  	s1 =	simm.s32 $0x16020;
	s10 =	simm.s32 $0x10;
	s17 =	simm.s32 $0x20;
	v9 =	vor.u32 s8, v0;
	vm1 =	vlt.s32 v14, v7;
	v12 =	vxor.u32 $0x7FFFFFFF, v11  }
0x6a2: {  	s4 =	sadd.s32 $0x40, s2;
	s16 =	simm.s32 $0x16020;
	s3 =	simm.s32 $0x4;
	vm0 =	vlt.s32 v11, $0x0;
	v13 =	vxor.u32 $0x7FFFFFFF, v8;
	v14 =	vnsel vm1, $0x80000000, v15  }
.LBB2_178:
0x6a3: {  	v15 =	vld [tilespmem:s4+$0x10];
	s3 =	sadd.s32 $0x4, s3;
	v16 =	vxor.u32 $0x7FFFFFFF, v10;
	vm1 =	vlt.s32 v10, $0x0;
	vm2 =	vlt.s32 v8, $0x0;
	[tilespmem:s16+$0x10] =	vst v14  }
0x6a4: {  	v17 =	vor.u32 s17, v0;
	v14 =	vld [tilespmem:s4+$0xFFFFFFF0];
	p1 =	slt.s32 s3, s7;
	v16 =	vsel vm1, v16, v10;
	v10 =	vor.u32 s10, v0  }
0x6a5: {  	v11 =	vsel vm0, v12, v11;
	v12 =	vsel vm2, v13, v8;
	vm0 =	vlt.s32 v10, v7;
	v8 =	vld [tilespmem:s4+$0x0]  }
.Ltmp144:
0x6a6: {  	s8 =	sadd.s32 $0x40, s8;
	vm1 =	vlt.s32 v9, v7;
	v10 =	vld [tilespmem:s4+$0xFFFFFFE0];
	v11 =	vnsel vm0, $0x80000000, v11;
	vm0 =	vlt.s32 v17, v7;
	(pc) =	sbr.rel @p1 .LBB2_178-.Ltmp144, $4  }
0x6a7: {  	v9 =	vor.u32 s8, v0;
	s10 =	sadd.s32 $0x10, s8;
	s17 =	sadd.s32 $0x20, s8;
	s5 =	sadd.s32 $0x30, s8;
	v13 =	vnsel vm1, $0x80000000, v16;
	[tilespmem:s16+$0xFFFFFFF0] =	vst v11;
	v18 =	vnsel vm0, $0x80000000, v12  }
0x6a8: {  	v17 =	vor.u32 s5, v0;
	v16 =	vxor.u32 $0x7FFFFFFF, v15;
	vm0 =	vlt.s32 v15, $0x0;
	[tilespmem:s16+$0xFFFFFFE0] =	vst v13  }
0x6a9: {  	vm1 =	vlt.s32 v17, v7;
	v12 =	vxor.u32 $0x7FFFFFFF, v14;
	v15 =	vsel vm0, v16, v15;
	[tilespmem:s16+$0x0] =	vst v18;
	v11 =	vmovc v14  }
0x6aa: {  	s4 =	sadd.s32 $0x40, s4;
	s16 =	sadd.s32 $0x40, s16;
	vm0 =	vlt.s32 v11, $0x0;
	v13 =	vxor.u32 $0x7FFFFFFF, v8;
	v14 =	vnsel vm1, $0x80000000, v15  }
.LBB2_179:
0x6ab: {  	v15 =	vxor.u32 $0x7FFFFFFF, v10;
	vm1 =	vlt.s32 v10, $0x0  }
0x6ac: {  	vm13 =	vlt.s32 v8, $0x0;
	v11 =	vsel vm0, v12, v11;
	v12 =	vor.u32 s17, v0  }
0x6ad: {  	vm2 =	vlt.s32 v9, v7;
	v10 =	vsel vm1, v15, v10;
	v15 =	vor.u32 s10, v0  }
0x6ae: {  	[tilespmem:s16+$0x10] =	vst v14;
	v8 =	vsel vm13, v13, v8;
	vm15 =	vlt.s32 v12, v7;
	v10 =	vnsel vm2, $0x80000000, v10  }
0x6af: {  	vm14 =	vlt.s32 v15, v7;
	v8 =	vnsel vm15, $0x80000000, v8;
	[tilespmem:s16+$0xFFFFFFE0] =	vst v10  }
0x6b0: {  	p2 =	sgt.s32 s7, $0x4;
	v9 =	vnsel vm14, $0x80000000, v11;
	[tilespmem:s16+$0x0] =	vst v8  }
.Ltmp145:
0x6b1: {  	[tilespmem:s16+$0xFFFFFFF0] =	vst v9;
	(pc) =	sbr.rel @!p2 .LBB2_180-.Ltmp145, $4  }
0x6b2: {  	v12 =	vld [tilespmem:s1+$0xFFFFFFE0]  }
0x6b3: {  	v10 =	vld [tilespmem:s1+$0xFFFFFFF0]  }
0x6b4: {  	v11 =	vld [tilespmem:s1+$0x0]  }
0x6b5: {  	p1 =	por $0x0, $0x0;
	v8 =	vimm.s32 $0x0;
	v9 =	vld [tilespmem:s1+$0x10]  }
0x6b6: {  	_ = 	snop  }
0x6b7: {  	p2 =	sgt.s32 s7, $0x8;
	vm0 =	vgt.s32 v12, $0xFFFFFFFF  }
.Ltmp146:
0x6b8: {  	s1 =	simm.s32 $0x16060;
	v13 =	vmpcnt.ones.xlane vm0;
	vm13 =	vgt.s32 v10, $0xFFFFFFFF;
	(pc) =	sbr.rel @!p2 .LBB2_187-.Ltmp146, $4  }
0x6b9: {  	v12 =	vld [tilespmem:s1+$0xFFFFFFE0];
	v14 =	vmpcnt.ones.xlane vm13;
	vm14 =	vgt.s32 v11, $0xFFFFFFFF  }
0x6ba: {  	v10 =	vld [tilespmem:s1+$0xFFFFFFF0];
	v13 =	vadd.s32 v8, v13;
	v15 =	vmpcnt.ones.xlane vm14  }
0x6bb: {  	v11 =	vld [tilespmem:s1+$0x0];
	vm15 =	vgt.s32 v9, $0xFFFFFFFF;
	v14 =	vadd.s32 v14, v13  }
0x6bc: {  	s3 =	simm.s32 $0x8;
	p1 =	por $0x1, $0x1;
	v9 =	vld [tilespmem:s1+$0x10];
	v13 =	vmpcnt.ones.xlane vm15;
	v14 =	vadd.s32 v15, v14  }
.LBB2_186:
0x6bd: {  	s3 =	sadd.s32 $0x4, s3  }
0x6be: {  	vm0 =	vgt.s32 v12, $0xFFFFFFFF;
	s1 =	sadd.s32 $0x40, s1;
	v13 =	vadd.s32 v13, v14;
	p2 =	slt.s32 s3, s7  }
.Ltmp147:
0x6bf: {  	v12 =	vld [tilespmem:s1+$0xFFFFFFE0];
	v14 =	vmpcnt.ones.xlane vm0;
	vm0 =	vgt.s32 v10, $0xFFFFFFFF;
	(pc) =	sbr.rel @p2 .LBB2_186-.Ltmp147, $4  }
0x6c0: {  	v10 =	vld [tilespmem:s1+$0xFFFFFFF0];
	v15 =	vmpcnt.ones.xlane vm0;
	vm0 =	vgt.s32 v11, $0xFFFFFFFF  }
0x6c1: {  	v11 =	vld [tilespmem:s1+$0x0];
	v13 =	vadd.s32 v13, v14;
	v14 =	vmpcnt.ones.xlane vm0;
	vm0 =	vgt.s32 v9, $0xFFFFFFFF  }
0x6c2: {  	v9 =	vld [tilespmem:s1+$0x10];
	v15 =	vadd.s32 v15, v13;
	v13 =	vmpcnt.ones.xlane vm0  }
0x6c3: {  	v14 =	vadd.s32 v14, v15  }
.LBB2_187:
0x6c4: {  	_ = 	snop  }
0x6c5: {  	vm0 =	vgt.s32 v12, $0xFFFFFFFF  }
0x6c6: {  	v12 =	vadd.s32 @p1 v13, v14;
	v63 =	vmpcnt.ones.xlane vm0;
	vm13 =	vgt.s32 v10, $0xFFFFFFFF  }
0x6c7: {  	v8 =	vpsel p1, v12, v8;
	v10 =	vmpcnt.ones.xlane vm13;
	vm14 =	vgt.s32 v11, $0xFFFFFFFF  }
0x6c8: {  	v8 =	vadd.s32 v8, v63;
	v11 =	vmpcnt.ones.xlane vm14;
	vm15 =	vgt.s32 v9, $0xFFFFFFFF  }
0x6c9: {  	v8 =	vadd.s32 v10, v8;
	v9 =	vmpcnt.ones.xlane vm15  }
0x6ca: {  	v8 =	vadd.s32 v11, v8  }
0x6cb: {  	v8 =	vadd.s32 v9, v8  }
.Ltmp148:
0x6cc: {  	(pc) =	sbr.rel .LBB2_182-.Ltmp148, $2  }
0x6cd: {  	_ =	sdelay $0x2  }
0x6ce: {  	v8 =	vxor.u32 $0x80000000, v8  }
.LBB2_167:
0x6cf: {  	v8 =	vimm.s32 $0x80000000  }
.LBB2_182:
0x6d0: {  	(xrf0) =	vmax.scan.msk.u32 $0xffff, v8;
	_ =	sdelay $0x5  }
0x6d1: {  	v8, _, _ =	vpop (xrf0)  }
0x6d2: {  	(v2sf) =	vpush v8, $0xF;
	_ =	sdelay $0xc  }
.Ltmp149:
0x6d3: {  	_ = 	snop;
	(pc) =	sbr.rel .LBB2_183-.Ltmp149, $4  }
0x6d4: {  	_ = 	snop  }
0x6d5: {  	s1 =	spop (v2sf)  }
0x6d6: {  	s8 =	simm.s32 $0x0;
	p1 =	sgt.u32 s1, $0x80000063  }
0x6d7: {  	s18 =	simm.s32 $0x0;
	s8 =	simm.s32 @!p1 $0x80000000  }
.LBB2_184:
0x6d8: {  	v8 =	vimm.s32 $0x80000000  }
.LBB2_189:
0x6d9: {  	(xrf0) =	vmax.scan.msk.u32 $0xffff, v8;
	_ =	sdelay $0x5  }
0x6da: {  	v8, _, _ =	vpop (xrf0)  }
0x6db: {  	(v2sf) =	vpush v8, $0xF;
	_ =	sdelay $0xa  }
0x6dc: {  	s18 =	sadd.s32 $0x1, s18  }
0x6dd: {  	p2 =	seq.s32 s18, $0x1F  }
.Ltmp150:
0x6de: {  	_ = 	snop;
	(pc) =	sbr.rel @p2 .LBB2_190-.Ltmp150, $4  }
0x6df: {  	_ = 	snop  }
0x6e0: {  	s3 =	spop (v2sf)  }
0x6e1: {  	p1 =	sgt.u32 s3, $0x80000063  }
0x6e2: {  	s8 =	smov.u32 @p1 s1  }
.LBB2_183:
.Ltmp151:
0x6e3: {  	(pc) =	sbr.rel @p0 .LBB2_184-.Ltmp151, $3  }
0x6e4: {  	_ =	sdelay $0x1  }
0x6e5: {  	s1 =	sshrl.u32 s14, s18  }
0x6e6: {  	s1 =	sor.u32 s1, s8  }
0x6e7: {  	p2 =	sgt.s32 s7, $0x4  }
.Ltmp152:
0x6e8: {  	s3 =	simm.s32 $0x16020;
	(pc) =	sbr.rel @!p2 .LBB2_194-.Ltmp152, $4  }
0x6e9: {  	v13 =	vld [tilespmem:s3+$0xFFFFFFE0]  }
0x6ea: {  	v11 =	vld [tilespmem:s3+$0xFFFFFFF0]  }
0x6eb: {  	v12 =	vld [tilespmem:s3+$0x0]  }
0x6ec: {  	v8 =	vmov s1;
	v9 =	vimm.s32 $0x0;
	p1 =	por $0x0, $0x0;
	v10 =	vld [tilespmem:s3+$0x10]  }
0x6ed: {  	_ = 	snop  }
0x6ee: {  	p2 =	sgt.s32 s7, $0x8;
	vm0 =	vge.s32 v13, v8  }
.Ltmp153:
0x6ef: {  	s3 =	simm.s32 $0x16060;
	v14 =	vmpcnt.ones.xlane vm0;
	vm13 =	vge.s32 v11, v8;
	(pc) =	sbr.rel @!p2 .LBB2_197-.Ltmp153, $4  }
0x6f0: {  	v13 =	vld [tilespmem:s3+$0xFFFFFFE0];
	v15 =	vmpcnt.ones.xlane vm13;
	vm14 =	vge.s32 v12, v8  }
0x6f1: {  	v11 =	vld [tilespmem:s3+$0xFFFFFFF0];
	v14 =	vadd.s32 v9, v14;
	v16 =	vmpcnt.ones.xlane vm14  }
0x6f2: {  	v12 =	vld [tilespmem:s3+$0x0];
	vm15 =	vge.s32 v10, v8;
	v15 =	vadd.s32 v15, v14  }
0x6f3: {  	s4 =	simm.s32 $0x8;
	p1 =	por $0x1, $0x1;
	v10 =	vld [tilespmem:s3+$0x10];
	v14 =	vmpcnt.ones.xlane vm15;
	v15 =	vadd.s32 v16, v15  }
.LBB2_196:
0x6f4: {  	s4 =	sadd.s32 $0x4, s4  }
0x6f5: {  	vm0 =	vge.s32 v13, v8;
	s3 =	sadd.s32 $0x40, s3;
	v14 =	vadd.s32 v14, v15;
	p2 =	slt.s32 s4, s7  }
.Ltmp154:
0x6f6: {  	v13 =	vld [tilespmem:s3+$0xFFFFFFE0];
	v15 =	vmpcnt.ones.xlane vm0;
	vm0 =	vge.s32 v11, v8;
	(pc) =	sbr.rel @p2 .LBB2_196-.Ltmp154, $4  }
0x6f7: {  	v11 =	vld [tilespmem:s3+$0xFFFFFFF0];
	v16 =	vmpcnt.ones.xlane vm0;
	vm0 =	vge.s32 v12, v8  }
0x6f8: {  	v12 =	vld [tilespmem:s3+$0x0];
	v14 =	vadd.s32 v14, v15;
	v15 =	vmpcnt.ones.xlane vm0;
	vm0 =	vge.s32 v10, v8  }
0x6f9: {  	v10 =	vld [tilespmem:s3+$0x10];
	v16 =	vadd.s32 v16, v14;
	v14 =	vmpcnt.ones.xlane vm0  }
0x6fa: {  	v15 =	vadd.s32 v15, v16  }
.LBB2_197:
0x6fb: {  	_ = 	snop  }
0x6fc: {  	vm0 =	vge.s32 v13, v8  }
0x6fd: {  	v13 =	vadd.s32 @p1 v14, v15;
	v63 =	vmpcnt.ones.xlane vm0;
	vm13 =	vge.s32 v11, v8  }
0x6fe: {  	v9 =	vpsel p1, v13, v9;
	v11 =	vmpcnt.ones.xlane vm13;
	vm14 =	vge.s32 v12, v8  }
0x6ff: {  	v9 =	vadd.s32 v9, v63;
	v12 =	vmpcnt.ones.xlane vm14;
	vm15 =	vge.s32 v10, v8  }
0x700: {  	v8 =	vadd.s32 v11, v9;
	v9 =	vmpcnt.ones.xlane vm15  }
0x701: {  	v8 =	vadd.s32 v12, v8  }
0x702: {  	v8 =	vadd.s32 v9, v8  }
.Ltmp155:
0x703: {  	(pc) =	sbr.rel .LBB2_189-.Ltmp155, $2  }
0x704: {  	_ =	sdelay $0x2  }
0x705: {  	v8 =	vxor.u32 $0x80000000, v8  }
.LBB2_194:
.Ltmp156:
0x706: {  	(pc) =	sbr.rel .LBB2_197-.Ltmp156, $2  }
0x707: {  	_ =	sdelay $0x2  }
0x708: {  	_ = 	snop  }
.LBB2_190:
0x709: {  	s3 =	sadd.s32 $0x8000001F, s6  }
0x70a: {  	s1 =	sshll.u32 s0, $0x7;
	s4 =	sand.u32 $0x1F, s3  }
0x70b: {  	s31 =	sshra.s32 s3, $0x1F;
	p1 =	slt.s32 s3, $0x1;
	p0 =	sne.s32 s4, $0x0  }
0x70c: {  	v8 =	vmov s8;
	s1 =	sand.u32 $0x3FFFFF80, s1;
	s4 =	sshrl.u32 s31, $0x1B;
	p0 =	por !p1, !p0  }
0x70d: {  	v9 =	vxor.u32 $0x7FFFFFFF, v8;
	vm0 =	vlt.s32 v8, $0x0;
	s3 =	sadd.s32 s4, s3;
	s4 =	simm.s32 $0x1;
	p0 =	por !p0, !p0  }
0x70e: {  	v8 =	vnsel vm0, s8, v9;
	[tilespmem:s1+$0x17070] =	vst v3;
	s3 =	sshra.s32 s3, $0x5;
	s4 =	simm.s32 @!p0 $0x0  }
0x70f: {  	[tilespmem:s1+$0x17000] =	vst v8;
	s3 =	ssub.s32 s3, s4  }
0x710: {  	[tilespmem:s1+$0x17010] =	vst v8;
	p0 =	slt.s32 s3, $0x1  }
.Ltmp157:
0x711: {  	[tilespmem:s1+$0x17020] =	vst v8;
	(pc) =	sbr.rel @p0 .LBB2_205-.Ltmp157, $4  }
0x712: {  	[tilespmem:s1+$0x17030] =	vst v8  }
0x713: {  	vm15 =	vmmov $0xf;
	[tilespmem:s1+$0x17040] =	vst v8  }
0x714: {  	[tilespmem:s1+$0x17050] =	vst v8;
	v9 =	vnsel vm15, $0xFF800000, v8  }
0x715: {  	[tilespmem:s1+$0x17060] =	vst v9  }
0x716: {  	s18 =	sshll.u32 s3, $0x1  }
0x717: {  	p2 =	sgt.s32 s18, $0x2  }
.Ltmp158:
0x718: {  	_ = 	snop;
	(pc) =	sbr.rel @!p2 .LBB2_192-.Ltmp158, $3  }
0x719: {  	_ =	sdelay $0x1  }
0x71a: {  	s6 =	sadd.s32 $0x17000, s1  }
0x71b: {  	v9 =	vimm.s32 $0x0;
	s7 =	simm.s32 $0x10;
	p0 =	por $0x0, $0x0;
	p1 =	por $0x0, $0x0  }
0x71c: {  	v10 =	vld [tilespmem:s9+$0xFFFFFFF0]  }
0x71d: {  	v11 =	vld [tilespmem:s9+$0x0];
	_ =	sdelay $0x1  }
0x71e: {  	s1 =	simm.s32 $0x0;
	p2 =	sgt.s32 s18, $0x4  }
.Ltmp159:
0x71f: {  	v12 =	vor.u32 s1, v0;
	(pc) =	sbr.rel @!p2 .LBB2_199-.Ltmp159, $4  }
0x720: {  	vm1 =	vlt.s32 v12, v7;
	v12 =	vor.u32 s7, v0;
	vm0 =	vgt.f32 v10, v8  }
0x721: {  	vm2 =	vlt.s32 v12, v7;
	vm1 =	vmand vm1, vm0;
	vm0 =	vgt.f32 v11, v8  }
0x722: {  	v12 =	vsel vm1, $0x1, v1;
	vm3 =	vmand vm2, vm0  }
0x723: {  	p0 =	por $0x1, $0x1;
	v14 =	vmpcnt.ones.xlane vm1;
	v19 =	vsel vm3, $0x1, v1;
	v15 =	vmpcnt.ones.xlane vm3;
	(xrf0) =	vadd.scan.msk.s32 $0xffff, v12  }
0x724: {  	s8 =	sadd.s32 $0x20, s9  }
0x725: {  	v21 =	vld [tilespmem:s8+$0xFFFFFFF0]  }
0x726: {  	(xrf0) =	vadd.scan.msk.s32 $0xffff, v19;
	v18 =	vld [tilespmem:s8+$0x0];
	_ =	sdelay $0x1  }
0x727: {  	vm2 =	vmmov vm3;
	s1 =	simm.s32 $0x20;
	p2 =	sgt.s32 s18, $0x6;
	v12 =	vadd.s32 v9, v14  }
.Ltmp160:
0x728: {  	s19 =	simm.s32 $0x30;
	vm0 =	vmmov vm1;
	v14 =	vor.u32 s1, v0;
	v13 =	vadd.s32 v12, v15;
	(pc) =	sbr.rel @!p2 .LBB2_201-.Ltmp160, $4  }
0x729: {  	vm3 =	vlt.s32 v14, v7;
	v14 =	vor.u32 s19, v0;
	vm1 =	vgt.f32 v21, v8  }
0x72a: {  	vm4 =	vlt.s32 v14, v7;
	v16, _, _ =	vpop (xrf0);
	vm1 =	vmand vm3, vm1;
	vm3 =	vgt.f32 v18, v8  }
0x72b: {  	v17, _, _ =	vpop (xrf0);
	v23 =	vadd.s32 v16, v9;
	v20 =	vsel vm1, $0x1, v1;
	vm3 =	vmand vm4, vm3  }
0x72c: {  	p1 =	por $0x1, $0x1;
	s1 =	simm.s32 $0x6;
	v16 =	vmovc v13;
	v14 =	vmpcnt.ones.xlane vm1;
	v19 =	vsel vm3, $0x1, v1;
	v15 =	vmpcnt.ones.xlane vm3;
	(xrf0) =	vadd.scan.msk.s32 $0xffff, v20  }
.LBB2_202:
0x72d: {  	(xrf0) =	vadd.scan.msk.s32 $0xffff, v19;
	v19 =	vadd.s32 $0xFFFFFFFF, v23;
	v17 =	vadd.s32 v17, v12  }
0x72e: {  	s1 =	sadd.s32 $0x2, s1;
	s8 =	sadd.s32 $0x20, s8;
	v12 =	vadd.s32 v13, v14;
	vm4 =	vmmov vm2;
	vm2 =	vmmov vm3  }
0x72f: {  	p2 =	slt.s32 s1, s18;
	v14 =	vld [tilespmem:s8+$0xFFFFFFF0];
	v13 =	vadd.s32 v12, v15;
	v15 =	vadd.s32 $0xFFFFFFFF, v17  }
0x730: {  	v20 =	vld [tilespmem:s8+$0x0]  }
0x731: {  	s19 =	sadd.s32 $0x20, s19  }
0x732: {  	s3 =	sadd.s32 $0xFFFFFFF0, s19  }
.Ltmp161:
0x733: {  	v23 =	vor.u32 s3, v0;
	v22, _, _ =	vpop (xrf0);
	[tilespmem:v19+s6+$0x0] =	vst.idx.msk vm0, v10;
	v10 =	vmov v21;
	vm0 =	vmmov vm1;
	(pc) =	sbr.rel @p2 .LBB2_202-.Ltmp161, $4  }
0x734: {  	vm3 =	vlt.s32 v23, v7;
	v19 =	vor.u32 s19, v0;
	vm1 =	vgt.f32 v14, v8;
	v17, _, _ =	vpop (xrf0);
	[tilespmem:v15+s6+$0x0] =	vst.idx.msk vm4, v11  }
0x735: {  	vm4 =	vlt.s32 v19, v7;
	v21 =	vmovc v14;
	v11 =	vmovc v18;
	vm1 =	vmand vm3, vm1;
	vm3 =	vgt.f32 v20, v8  }
0x736: {  	v18 =	vmovc v20;
	v23 =	vsel vm1, $0x1, v1;
	v14 =	vmpcnt.ones.xlane vm1;
	vm3 =	vmand vm4, vm3  }
0x737: {  	v19 =	vsel vm3, $0x1, v1;
	v15 =	vmpcnt.ones.xlane vm3;
	(xrf0) =	vadd.scan.msk.s32 $0xffff, v23;
	v23 =	vadd.s32 v22, v16;
	v16 =	vmovc v13  }
.Ltmp162:
0x738: {  	(pc) =	sbr.rel .LBB2_204-.Ltmp162, $2  }
0x739: {  	_ =	sdelay $0x2  }
0x73a: {  	v20 =	vmovc v10;
	v22 =	vmov v11;
	v10 =	vmov v21;
	v11 =	vmov v18  }
.LBB2_180:
.Ltmp163:
0x73b: {  	(pc) =	sbr.rel .LBB2_187-.Ltmp163, $2  }
0x73c: {  	_ =	sdelay $0x2  }
0x73d: {  	_ = 	snop  }
.LBB2_199:
.Ltmp164:
0x73e: {  	(pc) =	sbr.rel .LBB2_204-.Ltmp164, $2  }
0x73f: {  	_ =	sdelay $0x2  }
0x740: {  	v13 =	vimm.s32 $0x0;
	s8 =	smov.u32 s9;
	s19 =	simm.s32 $0x10;
	v16 =	vimm.s32 $0x0  }
.LBB2_201:
.Ltmp165:
0x741: {  	(pc) =	sbr.rel .LBB2_204-.Ltmp165, $2  }
0x742: {  	_ =	sdelay $0x2  }
0x743: {  	v20 =	vmovc v10;
	v22 =	vmovc v11;
	v10 =	vmov v21;
	v11 =	vmov v18;
	v16 =	vmov v13  }
.LBB2_208:
0x744: {  	_ =	sfence.sel $0x180000  }
0x745: {  	[bflag:$0x0] =	sbarrier.arrive $0xFFFF  }
0x746: {  	_ =	strace $0x90000047  }
0x747: {  	s0 =	stileid.u32;
	[bflag:$0x2] =	sbarrier.arrive $0xFFFF  }
0x748: {  	p0 =	sne.s32 s0, $0x0;
	s0 =	rddreg [dreg:$0x4]  }
0x749: {  	s0 =	sadd.s32 @!p0 $0x100000, s0  }
0x74a: {  	[sflag:s0] =	ssyncadd.tile.s32 @!p0 $0x1;
	_ =	shalt  }
.Lfunc_end2:
_tile_overlayer_lowered:
.L_overlay_start_2:
0x74b: {  	(tag) =	ssettag $0x2  }
0x74c: {  	s0 =	rddreg [dreg:$0x0];
	s2 =	stileid.u32  }
0x74d: {  	s1 =	rddreg [dreg:$0x1];
	p0 =	sne.s32 s2, $0x0  }
0x74e: {  	s3 =	rddreg [dreg:$0x2];
	[bflag:$0x3] =	sbarrier.arrive $0xFFFF;
	s2 =	simm.s32 @!p0 $0x1C03  }
0x74f: {  	[timem:s3], [sflag:s2] =	dma.local @!p0 [hbm:s0], s1  }
0x750: {  	s0 =	simm.s32 @!p0 $0x3  }
0x751: {  	_ =	swait.ge @!p0 [sflag:s0], s1  }
0x752: {  	s1 =	ssub.s32 @!p0 $0x0, s1;
	[sflag:s0] =	ssyncset.done @!p0 $0x0  }
0x753: {  	[sflag:s0] =	ssyncadd.s32 @!p0 s1  }
0x754: {  	[bflag:$0x3] =	sbarrier.arrive $0xFFFF  }
0x755: {  	_ =	shalt  }

</sc_bundles>
